<compile_context>
chip_gen: v7x
topology: tpu7x:2x2x1
jax: 0.10.2.dev20260603
libtpu: 0.0.44.dev20260713+nightly
codegen_flags: <defaults>
</compile_context>

<pallas_src>
import functools

import jax
import jax.numpy as jnp
from jax import lax
from jax.experimental import pallas as pl
from jax.experimental.pallas import tpu as pltpu
from jax.experimental.pallas import tpu_sc as plsc

_B, _D, _E, _K = 2048, 768, 8, 2
_SBLK = 256
_S = 6144
_M = _S // _SBLK
_NW = 32
_TPW = _B // _NW
_HTOK = _TPW // 2
_NV = _D // 16


def _router_kernel(x_ref, wrt_ref, rb_ref,
                   d1_ref, d2_ref, w1_ref, w2_ref, bexp_ref, loss_ref):
    x = x_ref[...]

    logits = jnp.dot(x, wrt_ref[...],
                     preferred_element_type=jnp.float32) + rb_ref[...]
    m = jnp.max(logits, axis=-1, keepdims=True)
    ex = jnp.exp(logits - m)
    probs = ex / jnp.sum(ex, axis=-1, keepdims=True)

    eidx = jax.lax.broadcasted_iota(jnp.int32, probs.shape, 1)
    a1 = jnp.argmax(probs, axis=-1)[:, None]
    oh1 = (eidx == a1).astype(jnp.float32)
    w1 = jnp.max(probs, axis=-1, keepdims=True)
    probs2 = jnp.where(oh1 > 0, -jnp.inf, probs)
    a2 = jnp.argmax(probs2, axis=-1)[:, None]
    oh2 = (eidx == a2).astype(jnp.float32)
    w2 = jnp.max(probs2, axis=-1, keepdims=True)

    denom = w1 + w2
    w1_ref[...] = w1 / denom
    w2_ref[...] = w2 / denom
    mask = oh1 + oh2

    r_iota = jax.lax.broadcasted_iota(jnp.int32, (_SBLK, _SBLK), 0)
    c_iota = jax.lax.broadcasted_iota(jnp.int32, (_SBLK, _SBLK), 1)
    tri = (c_iota < r_iota).astype(jnp.float32)
    nchunks = _B // _SBLK
    ranks = []
    off = jnp.zeros((1, _E), jnp.float32)
    for c in range(nchunks):
        mc = mask[c * _SBLK:(c + 1) * _SBLK, :]
        local = jnp.dot(tri, mc, preferred_element_type=jnp.float32)
        ranks.append(local + off)
        off = off + jnp.sum(mc, axis=0, keepdims=True)
    rank = jnp.concatenate(ranks, axis=0)
    counts_row = off

    nblk_row = jnp.floor((counts_row + (_SBLK - 1)) * (1.0 / _SBLK))
    e_r = jax.lax.broadcasted_iota(jnp.int32, (_E, _E), 0)
    e_c = jax.lax.broadcasted_iota(jnp.int32, (_E, _E), 1)
    u_excl = (e_r < e_c).astype(jnp.float32)
    starts = float(_SBLK) * jnp.dot(nblk_row, u_excl,
                                    preferred_element_type=jnp.float32)

    slot = rank + starts
    d1 = jnp.sum(oh1 * slot, axis=-1, keepdims=True)
    d2 = jnp.sum(oh2 * slot, axis=-1, keepdims=True)
    d1_ref[...] = d1.astype(jnp.int32)
    d2_ref[...] = d2.astype(jnp.int32)

    ones_col = jnp.ones((_B, 1), jnp.float32)
    counts_col = jax.lax.dot_general(
        mask, ones_col, dimension_numbers=(((0,), (0,)), ((), ())),
        preferred_element_type=jnp.float32)
    nblk_col = jnp.floor((counts_col + (_SBLK - 1)) * (1.0 / _SBLK))
    l_incl = (e_c <= e_r).astype(jnp.float32)
    incl_col = jnp.dot(l_incl, nblk_col,
                       preferred_element_type=jnp.float32)
    miov = jax.lax.broadcasted_iota(jnp.int32, (1, _M), 1).astype(jnp.float32)
    bexp = jnp.sum((miov >= incl_col).astype(jnp.float32), axis=0,
                   keepdims=True)
    bexp_ref[...] = jnp.minimum(bexp, float(_E - 1)).astype(jnp.int32)

    psum = jnp.sum(probs, axis=0, keepdims=True)
    loss_ref[...] = jnp.sum(psum * counts_row, keepdims=True) / (_B * _B)


def _gmm_kernel(s_ref, xs_ref, we_ref, be_ref, ys_ref):
    del s_ref
    y = jax.lax.dot_general(
        xs_ref[...], we_ref[0],
        dimension_numbers=(((1,), (1,)), ((), ())),
        preferred_element_type=jnp.float32)
    ys_ref[...] = y + be_ref[0]


def _dispatch_body(x_hbm, d1_hbm, d2_hbm, xs_hbm, d1_v, d2_v, rows_v,
                   sem_ld, sem_st):
    wid = lax.axis_index("s") * 2 + lax.axis_index("c")
    base = wid * _TPW
    c1 = pltpu.async_copy(d1_hbm.at[pl.ds(base, _TPW)], d1_v, sem_ld)
    c2 = pltpu.async_copy(d2_hbm.at[pl.ds(base, _TPW)], d2_v, sem_ld)
    c3 = pltpu.async_copy(x_hbm.at[pl.ds(base, _TPW)], rows_v, sem_ld)
    c1.wait()
    c2.wait()
    c3.wait()
    s1 = pltpu.async_copy(rows_v, xs_hbm.at[d1_v], sem_st)
    s2 = pltpu.async_copy(rows_v, xs_hbm.at[d2_v], sem_st)
    s1.wait()
    s2.wait()


def _combine_body(ys_hbm, d1_hbm, d2_hbm, w1_hbm, w2_hbm, out_hbm,
                  d1a, d2a, d1b, d2b, w1a, w2a, w1b, w2b,
                  r1a, r2a, r1b, r2b, sem_i, sem_a, sem_b, sem_o):
    wid = lax.axis_index("s") * 2 + lax.axis_index("c")
    t0 = wid * _TPW

    ic = [
        pltpu.async_copy(d1_hbm.at[pl.ds(t0, _HTOK)], d1a, sem_i),
        pltpu.async_copy(d2_hbm.at[pl.ds(t0, _HTOK)], d2a, sem_i),
        pltpu.async_copy(d1_hbm.at[pl.ds(t0 + _HTOK, _HTOK)], d1b, sem_i),
        pltpu.async_copy(d2_hbm.at[pl.ds(t0 + _HTOK, _HTOK)], d2b, sem_i),
        pltpu.async_copy(w1_hbm.at[pl.ds(t0, _HTOK)],
                         w1a.at[pl.ds(0, _HTOK)], sem_i),
        pltpu.async_copy(w2_hbm.at[pl.ds(t0, _HTOK)],
                         w2a.at[pl.ds(0, _HTOK)], sem_i),
        pltpu.async_copy(w1_hbm.at[pl.ds(t0 + _HTOK, _HTOK)],
                         w1b.at[pl.ds(0, _HTOK)], sem_i),
        pltpu.async_copy(w2_hbm.at[pl.ds(t0 + _HTOK, _HTOK)],
                         w2b.at[pl.ds(0, _HTOK)], sem_i),
    ]
    for c in ic:
        c.wait()

    g1 = pltpu.async_copy(ys_hbm.at[d1a], r1a, sem_a)
    g2 = pltpu.async_copy(ys_hbm.at[d2a], r2a, sem_a)
    g3 = pltpu.async_copy(ys_hbm.at[d1b], r1b, sem_b)
    g4 = pltpu.async_copy(ys_hbm.at[d2b], r2b, sem_b)

    def mk_body(r1, r2, w1r, w2r):
        def body(t, carry):
            w1s = w1r[pl.ds(t, 16)][0]
            w2s = w2r[pl.ds(t, 16)][0]
            for vi in range(_NV):
                sl = pl.ds(vi * 16, 16)
                r1[t, sl] = w1s * r1[t, sl] + w2s * r2[t, sl]
            return carry
        return body

    g1.wait()
    g2.wait()
    lax.fori_loop(0, _HTOK, mk_body(r1a, r2a, w1a, w2a), 0)
    s1 = pltpu.async_copy(r1a, out_hbm.at[pl.ds(t0, _HTOK)], sem_o)

    g3.wait()
    g4.wait()
    lax.fori_loop(0, _HTOK, mk_body(r1b, r2b, w1b, w2b), 0)
    s2 = pltpu.async_copy(r1b, out_hbm.at[pl.ds(t0 + _HTOK, _HTOK)], sem_o)
    s1.wait()
    s2.wait()


def kernel(x, context_vector, Wr, br, We, be, context_weight):
    rb = (br + context_weight * context_vector).reshape(1, _E)
    wrt = Wr.T

    d1, d2, w1, w2, bexp, loss = pl.pallas_call(
        _router_kernel,
        out_shape=[
            jax.ShapeDtypeStruct((_B, 1), jnp.int32),
            jax.ShapeDtypeStruct((_B, 1), jnp.int32),
            jax.ShapeDtypeStruct((_B, 1), jnp.float32),
            jax.ShapeDtypeStruct((_B, 1), jnp.float32),
            jax.ShapeDtypeStruct((1, _M), jnp.int32),
            jax.ShapeDtypeStruct((1, 1), jnp.float32),
        ],
    )(x, wrt, rb)

    d1v = d1.reshape(_B)
    d2v = d2.reshape(_B)
    w1v = w1.reshape(_B)
    w2v = w2.reshape(_B)
    bexpv = bexp.reshape(_M)

    mesh = plsc.VectorSubcoreMesh(core_axis_name="c", subcore_axis_name="s")

    dispatch = functools.partial(
        pl.kernel, mesh=mesh,
        out_type=jax.ShapeDtypeStruct((_S, _D), jnp.float32),
        scratch_types=[
            pltpu.VMEM((_TPW,), jnp.int32),
            pltpu.VMEM((_TPW,), jnp.int32),
            pltpu.VMEM((_TPW, _D), jnp.float32),
            pltpu.SemaphoreType.DMA,
            pltpu.SemaphoreType.DMA,
        ],
    )(_dispatch_body)
    xs = dispatch(x, d1v, d2v)

    ys = pl.pallas_call(
        _gmm_kernel,
        grid_spec=pltpu.PrefetchScalarGridSpec(
            num_scalar_prefetch=1,
            grid=(_M,),
            in_specs=[
                pl.BlockSpec((_SBLK, _D), lambda i, s: (i, 0)),
                pl.BlockSpec((1, _D, _D), lambda i, s: (s[i], 0, 0)),
                pl.BlockSpec((1, 1, _D), lambda i, s: (s[i], 0, 0)),
            ],
            out_specs=pl.BlockSpec((_SBLK, _D), lambda i, s: (i, 0)),
        ),
        out_shape=jax.ShapeDtypeStruct((_S, _D), jnp.float32),
    )(bexpv, xs, We, be.reshape(_E, 1, _D))

    combine = functools.partial(
        pl.kernel, mesh=mesh,
        out_type=jax.ShapeDtypeStruct((_B, _D), jnp.float32),
        scratch_types=[
            pltpu.VMEM((_HTOK,), jnp.int32),
            pltpu.VMEM((_HTOK,), jnp.int32),
            pltpu.VMEM((_HTOK,), jnp.int32),
            pltpu.VMEM((_HTOK,), jnp.int32),
            pltpu.VMEM((_HTOK + 16,), jnp.float32),
            pltpu.VMEM((_HTOK + 16,), jnp.float32),
            pltpu.VMEM((_HTOK + 16,), jnp.float32),
            pltpu.VMEM((_HTOK + 16,), jnp.float32),
            pltpu.VMEM((_HTOK, _D), jnp.float32),
            pltpu.VMEM((_HTOK, _D), jnp.float32),
            pltpu.VMEM((_HTOK, _D), jnp.float32),
            pltpu.VMEM((_HTOK, _D), jnp.float32),
            pltpu.SemaphoreType.DMA,
            pltpu.SemaphoreType.DMA,
            pltpu.SemaphoreType.DMA,
            pltpu.SemaphoreType.DMA,
        ],
    )(_combine_body)
    out = combine(ys, d1v, d2v, w1v, w2v)

    return out, loss[0, 0]

# --- scband reference (transcript-rebuilt; emitter-appended) ---
"""Pipeline reference for scband-mixture-of-experts-88742614270301 (READ-ONLY COPY).

The authoritative reference and input builder live on the scoring server;
editing this copy changes nothing except your own understanding.
"""

import jax, jax.numpy as jnp
import numpy as np

B, D, E, K = 2048, 768, 8, 2

def setup_inputs(seed: int = 0) -> dict:
    key = jax.random.key(seed)
    ks = jax.random.split(key, 6)
    x = jax.random.normal(ks[0], (B, D), dtype=jnp.float32)
    context_vector = jax.random.uniform(ks[1], (E,), dtype=jnp.float32)
    Wr = jax.random.normal(ks[2], (E, D), dtype=jnp.float32) * 0.02
    br = jnp.zeros((E,), dtype=jnp.float32)
    We = jax.random.normal(ks[3], (E, D, D), dtype=jnp.float32) * 0.02
    be = jnp.zeros((E, D), dtype=jnp.float32)
    context_weight = jax.random.uniform(ks[4], (1,), dtype=jnp.float32)
    return {"x": x, "context_vector": context_vector, "Wr": Wr, "br": br,
            "We": We, "be": be, "context_weight": context_weight}

def reference(x, context_vector, Wr, br, We, be, context_weight):
    n_experts = Wr.shape[0]
    top_k = K
    # router + conceptual context bias
    gate_logits = x @ Wr.T + br + context_weight * context_vector
    weights = jax.nn.softmax(gate_logits, axis=-1)
    top_k_weights, top_k_indices = jax.lax.top_k(weights, top_k)
    top_k_weights = top_k_weights / jnp.sum(top_k_weights, axis=-1, keepdims=True)
    # per-token expert application (torch Linear: y = x @ W.T + b)
    all_out = jnp.einsum('bd,eod->beo', x, We) + be[None, :, :]
    expert_outputs = jnp.zeros_like(x)
    for i in range(top_k):
        idx = top_k_indices[:, i]
        w = top_k_weights[:, i][:, None]
        out_i = jnp.take_along_axis(all_out, idx[:, None, None], axis=1)[:, 0, :]
        expert_outputs = expert_outputs + w * out_i
    # conceptual load-balancing loss
    avg_router_prob = jnp.mean(weights, axis=0)
    expert_assignment_mask = jnp.sum(jax.nn.one_hot(top_k_indices, n_experts, dtype=jnp.float32), axis=1)
    fraction_of_tokens_routed = jnp.mean(expert_assignment_mask, axis=0)
    load_loss = jnp.sum(avg_router_prob * fraction_of_tokens_routed)
    return expert_outputs, load_loss

if __name__ == "__main__":
    import jax
    _d = setup_inputs()
    print(jax.jit(kernel)(*tuple(_d.values())))

</pallas_src>

<mosaic_0001>
#map = affine_map<(d0, d1) -> (0, 0)>
#map1 = affine_map<(d0, d1) -> (0)>
module attributes {stable_mosaic.version = 14 : i64} {
  func.func @_dispatch_body(%arg0: i32, %arg1: i32, %arg2: memref<2048x768xf32, #tpu.memory_space<hbm>>, %arg3: memref<2048xi32, #tpu.memory_space<hbm>>, %arg4: memref<2048xi32, #tpu.memory_space<hbm>>, %arg5: memref<6144x768xf32, #tpu.memory_space<hbm>>, %arg6: memref<64xi32, #tpu.memory_space<vmem>>, %arg7: memref<64xi32, #tpu.memory_space<vmem>>, %arg8: memref<64x768xf32, #tpu.memory_space<vmem>>, %arg9: memref<!tpu.dma_semaphore, #tpu.memory_space<semaphore_mem>>, %arg10: memref<!tpu.dma_semaphore, #tpu.memory_space<semaphore_mem>>) attributes {dimension_semantics = [#tpu.dimension_semantics<core_parallel>, #tpu.dimension_semantics<subcore_parallel>], iteration_bounds = array<i64: 2, 16>, scalar_prefetch = 0 : i64, scratch_operands = 5 : i64, tpu.core_type = #tpu.core_type<sc_vector_subcore>, window_params = [{transform_indices = #map}, {transform_indices = #map1}, {transform_indices = #map1}, {transform_indices = #map}]} {
    %mul3A = arith.constant 2 : i32
    %mul3A_0 = arith.muli %arg1, %mul3A : i32
    %add3A = arith.addi %mul3A_0, %arg0 : i32
    %mul3A_1 = arith.constant 64 : i32
    %mul3A_2 = arith.muli %add3A, %mul3A_1 : i32
    %dma_start3A = tpu.memref_slice %arg3[%mul3A_2] : memref<2048xi32, #tpu.memory_space<hbm>> -> memref<64xi32, #tpu.memory_space<hbm>>
    %dma_start3A_3 = tpu.memref_slice %arg3[%mul3A_2] : memref<2048xi32, #tpu.memory_space<hbm>> -> memref<64xi32, #tpu.memory_space<hbm>>
    tpu.enqueue_dma source(%dma_start3A_3 : memref<64xi32, #tpu.memory_space<hbm>>) target(%arg6 : memref<64xi32, #tpu.memory_space<vmem>>) target_semaphore(%arg9 : memref<!tpu.dma_semaphore, #tpu.memory_space<semaphore_mem>>)
    %dma_start3A_4 = tpu.memref_slice %arg4[%mul3A_2] : memref<2048xi32, #tpu.memory_space<hbm>> -> memref<64xi32, #tpu.memory_space<hbm>>
    %dma_start3A_5 = tpu.memref_slice %arg4[%mul3A_2] : memref<2048xi32, #tpu.memory_space<hbm>> -> memref<64xi32, #tpu.memory_space<hbm>>
    tpu.enqueue_dma source(%dma_start3A_5 : memref<64xi32, #tpu.memory_space<hbm>>) target(%arg7 : memref<64xi32, #tpu.memory_space<vmem>>) target_semaphore(%arg9 : memref<!tpu.dma_semaphore, #tpu.memory_space<semaphore_mem>>)
    %dma_start3A_6 = arith.constant 0 : i32
    %dma_start3A_7 = tpu.memref_slice %arg2[%mul3A_2, %dma_start3A_6] : memref<2048x768xf32, #tpu.memory_space<hbm>> -> memref<64x768xf32, #tpu.memory_space<hbm>>
    %dma_start3A_8 = arith.constant 0 : i32
    %dma_start3A_9 = tpu.memref_slice %arg2[%mul3A_2, %dma_start3A_8] : memref<2048x768xf32, #tpu.memory_space<hbm>> -> memref<64x768xf32, #tpu.memory_space<hbm>>
    tpu.enqueue_dma source(%dma_start3A_9 : memref<64x768xf32, #tpu.memory_space<hbm>>) target(%arg8 : memref<64x768xf32, #tpu.memory_space<vmem>>) target_semaphore(%arg9 : memref<!tpu.dma_semaphore, #tpu.memory_space<semaphore_mem>>)
    %dma_wait3A = tpu.memref_slice %arg3[%mul3A_2] : memref<2048xi32, #tpu.memory_space<hbm>> -> memref<64xi32, #tpu.memory_space<hbm>>
    %dma_wait3A_10 = tpu.memref_slice %arg3[%mul3A_2] : memref<2048xi32, #tpu.memory_space<hbm>> -> memref<64xi32, #tpu.memory_space<hbm>>
    tpu.wait_dma2 semaphore(%arg9 : memref<!tpu.dma_semaphore, #tpu.memory_space<semaphore_mem>>) src(%dma_wait3A_10 : memref<64xi32, #tpu.memory_space<hbm>>) dst(%arg6 : memref<64xi32, #tpu.memory_space<vmem>>)
    %dma_wait3A_11 = tpu.memref_slice %arg4[%mul3A_2] : memref<2048xi32, #tpu.memory_space<hbm>> -> memref<64xi32, #tpu.memory_space<hbm>>
    %dma_wait3A_12 = tpu.memref_slice %arg4[%mul3A_2] : memref<2048xi32, #tpu.memory_space<hbm>> -> memref<64xi32, #tpu.memory_space<hbm>>
    tpu.wait_dma2 semaphore(%arg9 : memref<!tpu.dma_semaphore, #tpu.memory_space<semaphore_mem>>) src(%dma_wait3A_12 : memref<64xi32, #tpu.memory_space<hbm>>) dst(%arg7 : memref<64xi32, #tpu.memory_space<vmem>>)
    %dma_wait3A_13 = arith.constant 0 : i32
    %dma_wait3A_14 = tpu.memref_slice %arg2[%mul3A_2, %dma_wait3A_13] : memref<2048x768xf32, #tpu.memory_space<hbm>> -> memref<64x768xf32, #tpu.memory_space<hbm>>
    %dma_wait3A_15 = arith.constant 0 : i32
    %dma_wait3A_16 = tpu.memref_slice %arg2[%mul3A_2, %dma_wait3A_15] : memref<2048x768xf32, #tpu.memory_space<hbm>> -> memref<64x768xf32, #tpu.memory_space<hbm>>
    tpu.wait_dma2 semaphore(%arg9 : memref<!tpu.dma_semaphore, #tpu.memory_space<semaphore_mem>>) src(%dma_wait3A_16 : memref<64x768xf32, #tpu.memory_space<hbm>>) dst(%arg8 : memref<64x768xf32, #tpu.memory_space<vmem>>)
    %dma_start3A_17 = arith.constant 0 : i32
    %dma_start3A_18 = arith.constant 0 : i32
    %dma_start3A_19 = tpu.memref_slice %arg5[%dma_start3A_17, %dma_start3A_18] : memref<6144x768xf32, #tpu.memory_space<hbm>> -> memref<6144x768xf32, #tpu.memory_space<hbm>>
    tpu.enqueue_indirect_dma source(%arg8 : memref<64x768xf32, #tpu.memory_space<vmem>>) target(%dma_start3A_19 : memref<6144x768xf32, #tpu.memory_space<hbm>>) offsets(%arg6 : memref<64xi32, #tpu.memory_space<vmem>>) semaphore(%arg10 : memref<!tpu.dma_semaphore, #tpu.memory_space<semaphore_mem>>)
    %dma_start3A_20 = arith.constant 0 : i32
    %dma_start3A_21 = arith.constant 0 : i32
    %dma_start3A_22 = tpu.memref_slice %arg5[%dma_start3A_20, %dma_start3A_21] : memref<6144x768xf32, #tpu.memory_space<hbm>> -> memref<6144x768xf32, #tpu.memory_space<hbm>>
    tpu.enqueue_indirect_dma source(%arg8 : memref<64x768xf32, #tpu.memory_space<vmem>>) target(%dma_start3A_22 : memref<6144x768xf32, #tpu.memory_space<hbm>>) offsets(%arg7 : memref<64xi32, #tpu.memory_space<vmem>>) semaphore(%arg10 : memref<!tpu.dma_semaphore, #tpu.memory_space<semaphore_mem>>)
    %dma_wait3A_23 = arith.constant 0 : i32
    %dma_wait3A_24 = arith.constant 0 : i32
    %dma_wait3A_25 = tpu.memref_slice %arg5[%dma_wait3A_23, %dma_wait3A_24] : memref<6144x768xf32, #tpu.memory_space<hbm>> -> memref<6144x768xf32, #tpu.memory_space<hbm>>
    tpu.wait_indirect_dma semaphore(%arg10 : memref<!tpu.dma_semaphore, #tpu.memory_space<semaphore_mem>>) src(%arg8 : memref<64x768xf32, #tpu.memory_space<vmem>>) dst(%dma_wait3A_25 : memref<6144x768xf32, #tpu.memory_space<hbm>>)
    %dma_wait3A_26 = arith.constant 0 : i32
    %dma_wait3A_27 = arith.constant 0 : i32
    %dma_wait3A_28 = tpu.memref_slice %arg5[%dma_wait3A_26, %dma_wait3A_27] : memref<6144x768xf32, #tpu.memory_space<hbm>> -> memref<6144x768xf32, #tpu.memory_space<hbm>>
    tpu.wait_indirect_dma semaphore(%arg10 : memref<!tpu.dma_semaphore, #tpu.memory_space<semaphore_mem>>) src(%arg8 : memref<64x768xf32, #tpu.memory_space<vmem>>) dst(%dma_wait3A_28 : memref<6144x768xf32, #tpu.memory_space<hbm>>)
    return
  }
}

#map = affine_map<(d0, d1) -> (0, 0)>
#map1 = affine_map<(d0, d1) -> (0)>
module attributes {stable_mosaic.version = 14 : i64} {
  func.func @_combine_body(%arg0: i32, %arg1: i32, %arg2: memref<6144x768xf32, #tpu.memory_space<hbm>>, %arg3: memref<2048xi32, #tpu.memory_space<hbm>>, %arg4: memref<2048xi32, #tpu.memory_space<hbm>>, %arg5: memref<2048xf32, #tpu.memory_space<hbm>>, %arg6: memref<2048xf32, #tpu.memory_space<hbm>>, %arg7: memref<2048x768xf32, #tpu.memory_space<hbm>>, %arg8: memref<32xi32, #tpu.memory_space<vmem>>, %arg9: memref<32xi32, #tpu.memory_space<vmem>>, %arg10: memref<32xi32, #tpu.memory_space<vmem>>, %arg11: memref<32xi32, #tpu.memory_space<vmem>>, %arg12: memref<48xf32, #tpu.memory_space<vmem>>, %arg13: memref<48xf32, #tpu.memory_space<vmem>>, %arg14: memref<48xf32, #tpu.memory_space<vmem>>, %arg15: memref<48xf32, #tpu.memory_space<vmem>>, %arg16: memref<32x768xf32, #tpu.memory_space<vmem>>, %arg17: memref<32x768xf32, #tpu.memory_space<vmem>>, %arg18: memref<32x768xf32, #tpu.memory_space<vmem>>, %arg19: memref<32x768xf32, #tpu.memory_space<vmem>>, %arg20: memref<!tpu.dma_semaphore, #tpu.memory_space<semaphore_mem>>, %arg21: memref<!tpu.dma_semaphore, #tpu.memory_space<semaphore_mem>>, %arg22: memref<!tpu.dma_semaphore, #tpu.memory_space<semaphore_mem>>, %arg23: memref<!tpu.dma_semaphore, #tpu.memory_space<semaphore_mem>>) attributes {dimension_semantics = [#tpu.dimension_semantics<core_parallel>, #tpu.dimension_semantics<subcore_parallel>], iteration_bounds = array<i64: 2, 16>, scalar_prefetch = 0 : i64, scratch_operands = 16 : i64, tpu.core_type = #tpu.core_type<sc_vector_subcore>, window_params = [{transform_indices = #map}, {transform_indices = #map1}, {transform_indices = #map1}, {transform_indices = #map1}, {transform_indices = #map1}, {transform_indices = #map}]} {
    %mul3A = arith.constant 2 : i32
    %mul3A_0 = arith.muli %arg1, %mul3A : i32
    %add3A = arith.addi %mul3A_0, %arg0 : i32
    %mul3A_1 = arith.constant 64 : i32
    %mul3A_2 = arith.muli %add3A, %mul3A_1 : i32
    %dma_start3A = tpu.memref_slice %arg3[%mul3A_2] : memref<2048xi32, #tpu.memory_space<hbm>> -> memref<32xi32, #tpu.memory_space<hbm>>
    %dma_start3A_3 = tpu.memref_slice %arg3[%mul3A_2] : memref<2048xi32, #tpu.memory_space<hbm>> -> memref<32xi32, #tpu.memory_space<hbm>>
    tpu.enqueue_dma source(%dma_start3A_3 : memref<32xi32, #tpu.memory_space<hbm>>) target(%arg8 : memref<32xi32, #tpu.memory_space<vmem>>) target_semaphore(%arg20 : memref<!tpu.dma_semaphore, #tpu.memory_space<semaphore_mem>>)
    %dma_start3A_4 = tpu.memref_slice %arg4[%mul3A_2] : memref<2048xi32, #tpu.memory_space<hbm>> -> memref<32xi32, #tpu.memory_space<hbm>>
    %dma_start3A_5 = tpu.memref_slice %arg4[%mul3A_2] : memref<2048xi32, #tpu.memory_space<hbm>> -> memref<32xi32, #tpu.memory_space<hbm>>
    tpu.enqueue_dma source(%dma_start3A_5 : memref<32xi32, #tpu.memory_space<hbm>>) target(%arg9 : memref<32xi32, #tpu.memory_space<vmem>>) target_semaphore(%arg20 : memref<!tpu.dma_semaphore, #tpu.memory_space<semaphore_mem>>)
    %add3A_6 = arith.constant 32 : i32
    %add3A_7 = arith.addi %mul3A_2, %add3A_6 : i32
    %dma_start3A_8 = tpu.memref_slice %arg3[%add3A_7] : memref<2048xi32, #tpu.memory_space<hbm>> -> memref<32xi32, #tpu.memory_space<hbm>>
    %dma_start3A_9 = tpu.memref_slice %arg3[%add3A_7] : memref<2048xi32, #tpu.memory_space<hbm>> -> memref<32xi32, #tpu.memory_space<hbm>>
    tpu.enqueue_dma source(%dma_start3A_9 : memref<32xi32, #tpu.memory_space<hbm>>) target(%arg10 : memref<32xi32, #tpu.memory_space<vmem>>) target_semaphore(%arg20 : memref<!tpu.dma_semaphore, #tpu.memory_space<semaphore_mem>>)
    %add3A_10 = arith.constant 32 : i32
    %add3A_11 = arith.addi %mul3A_2, %add3A_10 : i32
    %dma_start3A_12 = tpu.memref_slice %arg4[%add3A_11] : memref<2048xi32, #tpu.memory_space<hbm>> -> memref<32xi32, #tpu.memory_space<hbm>>
    %dma_start3A_13 = tpu.memref_slice %arg4[%add3A_11] : memref<2048xi32, #tpu.memory_space<hbm>> -> memref<32xi32, #tpu.memory_space<hbm>>
    tpu.enqueue_dma source(%dma_start3A_13 : memref<32xi32, #tpu.memory_space<hbm>>) target(%arg11 : memref<32xi32, #tpu.memory_space<vmem>>) target_semaphore(%arg20 : memref<!tpu.dma_semaphore, #tpu.memory_space<semaphore_mem>>)
    %dma_start3A_14 = arith.constant 0 : i32
    %dma_start3A_15 = tpu.memref_slice %arg12[%dma_start3A_14] : memref<48xf32, #tpu.memory_space<vmem>> -> memref<32xf32, #tpu.memory_space<vmem>>
    %dma_start3A_16 = tpu.memref_slice %arg5[%mul3A_2] : memref<2048xf32, #tpu.memory_space<hbm>> -> memref<32xf32, #tpu.memory_space<hbm>>
    %dma_start3A_17 = arith.constant 0 : i32
    %dma_start3A_18 = tpu.memref_slice %arg12[%dma_start3A_17] : memref<48xf32, #tpu.memory_space<vmem>> -> memref<32xf32, #tpu.memory_space<vmem>>
    %dma_start3A_19 = tpu.memref_slice %arg5[%mul3A_2] : memref<2048xf32, #tpu.memory_space<hbm>> -> memref<32xf32, #tpu.memory_space<hbm>>
    tpu.enqueue_dma source(%dma_start3A_19 : memref<32xf32, #tpu.memory_space<hbm>>) target(%dma_start3A_18 : memref<32xf32, #tpu.memory_space<vmem>>) target_semaphore(%arg20 : memref<!tpu.dma_semaphore, #tpu.memory_space<semaphore_mem>>)
    %dma_start3A_20 = arith.constant 0 : i32
    %dma_start3A_21 = tpu.memref_slice %arg13[%dma_start3A_20] : memref<48xf32, #tpu.memory_space<vmem>> -> memref<32xf32, #tpu.memory_space<vmem>>
    %dma_start3A_22 = tpu.memref_slice %arg6[%mul3A_2] : memref<2048xf32, #tpu.memory_space<hbm>> -> memref<32xf32, #tpu.memory_space<hbm>>
    %dma_start3A_23 = arith.constant 0 : i32
    %dma_start3A_24 = tpu.memref_slice %arg13[%dma_start3A_23] : memref<48xf32, #tpu.memory_space<vmem>> -> memref<32xf32, #tpu.memory_space<vmem>>
    %dma_start3A_25 = tpu.memref_slice %arg6[%mul3A_2] : memref<2048xf32, #tpu.memory_space<hbm>> -> memref<32xf32, #tpu.memory_space<hbm>>
    tpu.enqueue_dma source(%dma_start3A_25 : memref<32xf32, #tpu.memory_space<hbm>>) target(%dma_start3A_24 : memref<32xf32, #tpu.memory_space<vmem>>) target_semaphore(%arg20 : memref<!tpu.dma_semaphore, #tpu.memory_space<semaphore_mem>>)
    %add3A_26 = arith.constant 32 : i32
    %add3A_27 = arith.addi %mul3A_2, %add3A_26 : i32
    %dma_start3A_28 = arith.constant 0 : i32
    %dma_start3A_29 = tpu.memref_slice %arg14[%dma_start3A_28] : memref<48xf32, #tpu.memory_space<vmem>> -> memref<32xf32, #tpu.memory_space<vmem>>
    %dma_start3A_30 = tpu.memref_slice %arg5[%add3A_27] : memref<2048xf32, #tpu.memory_space<hbm>> -> memref<32xf32, #tpu.memory_space<hbm>>
    %dma_start3A_31 = arith.constant 0 : i32
    %dma_start3A_32 = tpu.memref_slice %arg14[%dma_start3A_31] : memref<48xf32, #tpu.memory_space<vmem>> -> memref<32xf32, #tpu.memory_space<vmem>>
    %dma_start3A_33 = tpu.memref_slice %arg5[%add3A_27] : memref<2048xf32, #tpu.memory_space<hbm>> -> memref<32xf32, #tpu.memory_space<hbm>>
    tpu.enqueue_dma source(%dma_start3A_33 : memref<32xf32, #tpu.memory_space<hbm>>) target(%dma_start3A_32 : memref<32xf32, #tpu.memory_space<vmem>>) target_semaphore(%arg20 : memref<!tpu.dma_semaphore, #tpu.memory_space<semaphore_mem>>)
    %add3A_34 = arith.constant 32 : i32
    %add3A_35 = arith.addi %mul3A_2, %add3A_34 : i32
    %dma_start3A_36 = arith.constant 0 : i32
    %dma_start3A_37 = tpu.memref_slice %arg15[%dma_start3A_36] : memref<48xf32, #tpu.memory_space<vmem>> -> memref<32xf32, #tpu.memory_space<vmem>>
    %dma_start3A_38 = tpu.memref_slice %arg6[%add3A_35] : memref<2048xf32, #tpu.memory_space<hbm>> -> memref<32xf32, #tpu.memory_space<hbm>>
    %dma_start3A_39 = arith.constant 0 : i32
    %dma_start3A_40 = tpu.memref_slice %arg15[%dma_start3A_39] : memref<48xf32, #tpu.memory_space<vmem>> -> memref<32xf32, #tpu.memory_space<vmem>>
    %dma_start3A_41 = tpu.memref_slice %arg6[%add3A_35] : memref<2048xf32, #tpu.memory_space<hbm>> -> memref<32xf32, #tpu.memory_space<hbm>>
    tpu.enqueue_dma source(%dma_start3A_41 : memref<32xf32, #tpu.memory_space<hbm>>) target(%dma_start3A_40 : memref<32xf32, #tpu.memory_space<vmem>>) target_semaphore(%arg20 : memref<!tpu.dma_semaphore, #tpu.memory_space<semaphore_mem>>)
    %dma_wait3A = tpu.memref_slice %arg3[%mul3A_2] : memref<2048xi32, #tpu.memory_space<hbm>> -> memref<32xi32, #tpu.memory_space<hbm>>
    %dma_wait3A_42 = tpu.memref_slice %arg3[%mul3A_2] : memref<2048xi32, #tpu.memory_space<hbm>> -> memref<32xi32, #tpu.memory_space<hbm>>
    tpu.wait_dma2 semaphore(%arg20 : memref<!tpu.dma_semaphore, #tpu.memory_space<semaphore_mem>>) src(%dma_wait3A_42 : memref<32xi32, #tpu.memory_space<hbm>>) dst(%arg8 : memref<32xi32, #tpu.memory_space<vmem>>)
    %dma_wait3A_43 = tpu.memref_slice %arg4[%mul3A_2] : memref<2048xi32, #tpu.memory_space<hbm>> -> memref<32xi32, #tpu.memory_space<hbm>>
    %dma_wait3A_44 = tpu.memref_slice %arg4[%mul3A_2] : memref<2048xi32, #tpu.memory_space<hbm>> -> memref<32xi32, #tpu.memory_space<hbm>>
    tpu.wait_dma2 semaphore(%arg20 : memref<!tpu.dma_semaphore, #tpu.memory_space<semaphore_mem>>) src(%dma_wait3A_44 : memref<32xi32, #tpu.memory_space<hbm>>) dst(%arg9 : memref<32xi32, #tpu.memory_space<vmem>>)
    %dma_wait3A_45 = tpu.memref_slice %arg3[%add3A_7] : memref<2048xi32, #tpu.memory_space<hbm>> -> memref<32xi32, #tpu.memory_space<hbm>>
    %dma_wait3A_46 = tpu.memref_slice %arg3[%add3A_7] : memref<2048xi32, #tpu.memory_space<hbm>> -> memref<32xi32, #tpu.memory_space<hbm>>
    tpu.wait_dma2 semaphore(%arg20 : memref<!tpu.dma_semaphore, #tpu.memory_space<semaphore_mem>>) src(%dma_wait3A_46 : memref<32xi32, #tpu.memory_space<hbm>>) dst(%arg10 : memref<32xi32, #tpu.memory_space<vmem>>)
    %dma_wait3A_47 = tpu.memref_slice %arg4[%add3A_11] : memref<2048xi32, #tpu.memory_space<hbm>> -> memref<32xi32, #tpu.memory_space<hbm>>
    %dma_wait3A_48 = tpu.memref_slice %arg4[%add3A_11] : memref<2048xi32, #tpu.memory_space<hbm>> -> memref<32xi32, #tpu.memory_space<hbm>>
    tpu.wait_dma2 semaphore(%arg20 : memref<!tpu.dma_semaphore, #tpu.memory_space<semaphore_mem>>) src(%dma_wait3A_48 : memref<32xi32, #tpu.memory_space<hbm>>) dst(%arg11 : memref<32xi32, #tpu.memory_space<vmem>>)
    %dma_wait3A_49 = arith.constant 0 : i32
    %dma_wait3A_50 = tpu.memref_slice %arg12[%dma_wait3A_49] : memref<48xf32, #tpu.memory_space<vmem>> -> memref<32xf32, #tpu.memory_space<vmem>>
    %dma_wait3A_51 = tpu.memref_slice %arg5[%mul3A_2] : memref<2048xf32, #tpu.memory_space<hbm>> -> memref<32xf32, #tpu.memory_space<hbm>>
    %dma_wait3A_52 = arith.constant 0 : i32
    %dma_wait3A_53 = tpu.memref_slice %arg12[%dma_wait3A_52] : memref<48xf32, #tpu.memory_space<vmem>> -> memref<32xf32, #tpu.memory_space<vmem>>
    %dma_wait3A_54 = tpu.memref_slice %arg5[%mul3A_2] : memref<2048xf32, #tpu.memory_space<hbm>> -> memref<32xf32, #tpu.memory_space<hbm>>
    tpu.wait_dma2 semaphore(%arg20 : memref<!tpu.dma_semaphore, #tpu.memory_space<semaphore_mem>>) src(%dma_wait3A_54 : memref<32xf32, #tpu.memory_space<hbm>>) dst(%dma_wait3A_53 : memref<32xf32, #tpu.memory_space<vmem>>)
    %dma_wait3A_55 = arith.constant 0 : i32
    %dma_wait3A_56 = tpu.memref_slice %arg13[%dma_wait3A_55] : memref<48xf32, #tpu.memory_space<vmem>> -> memref<32xf32, #tpu.memory_space<vmem>>
    %dma_wait3A_57 = tpu.memref_slice %arg6[%mul3A_2] : memref<2048xf32, #tpu.memory_space<hbm>> -> memref<32xf32, #tpu.memory_space<hbm>>
    %dma_wait3A_58 = arith.constant 0 : i32
    %dma_wait3A_59 = tpu.memref_slice %arg13[%dma_wait3A_58] : memref<48xf32, #tpu.memory_space<vmem>> -> memref<32xf32, #tpu.memory_space<vmem>>
    %dma_wait3A_60 = tpu.memref_slice %arg6[%mul3A_2] : memref<2048xf32, #tpu.memory_space<hbm>> -> memref<32xf32, #tpu.memory_space<hbm>>
    tpu.wait_dma2 semaphore(%arg20 : memref<!tpu.dma_semaphore, #tpu.memory_space<semaphore_mem>>) src(%dma_wait3A_60 : memref<32xf32, #tpu.memory_space<hbm>>) dst(%dma_wait3A_59 : memref<32xf32, #tpu.memory_space<vmem>>)
    %dma_wait3A_61 = arith.constant 0 : i32
    %dma_wait3A_62 = tpu.memref_slice %arg14[%dma_wait3A_61] : memref<48xf32, #tpu.memory_space<vmem>> -> memref<32xf32, #tpu.memory_space<vmem>>
    %dma_wait3A_63 = tpu.memref_slice %arg5[%add3A_27] : memref<2048xf32, #tpu.memory_space<hbm>> -> memref<32xf32, #tpu.memory_space<hbm>>
    %dma_wait3A_64 = arith.constant 0 : i32
    %dma_wait3A_65 = tpu.memref_slice %arg14[%dma_wait3A_64] : memref<48xf32, #tpu.memory_space<vmem>> -> memref<32xf32, #tpu.memory_space<vmem>>
    %dma_wait3A_66 = tpu.memref_slice %arg5[%add3A_27] : memref<2048xf32, #tpu.memory_space<hbm>> -> memref<32xf32, #tpu.memory_space<hbm>>
    tpu.wait_dma2 semaphore(%arg20 : memref<!tpu.dma_semaphore, #tpu.memory_space<semaphore_mem>>) src(%dma_wait3A_66 : memref<32xf32, #tpu.memory_space<hbm>>) dst(%dma_wait3A_65 : memref<32xf32, #tpu.memory_space<vmem>>)
    %dma_wait3A_67 = arith.constant 0 : i32
    %dma_wait3A_68 = tpu.memref_slice %arg15[%dma_wait3A_67] : memref<48xf32, #tpu.memory_space<vmem>> -> memref<32xf32, #tpu.memory_space<vmem>>
    %dma_wait3A_69 = tpu.memref_slice %arg6[%add3A_35] : memref<2048xf32, #tpu.memory_space<hbm>> -> memref<32xf32, #tpu.memory_space<hbm>>
    %dma_wait3A_70 = arith.constant 0 : i32
    %dma_wait3A_71 = tpu.memref_slice %arg15[%dma_wait3A_70] : memref<48xf32, #tpu.memory_space<vmem>> -> memref<32xf32, #tpu.memory_space<vmem>>
    %dma_wait3A_72 = tpu.memref_slice %arg6[%add3A_35] : memref<2048xf32, #tpu.memory_space<hbm>> -> memref<32xf32, #tpu.memory_space<hbm>>
    tpu.wait_dma2 semaphore(%arg20 : memref<!tpu.dma_semaphore, #tpu.memory_space<semaphore_mem>>) src(%dma_wait3A_72 : memref<32xf32, #tpu.memory_space<hbm>>) dst(%dma_wait3A_71 : memref<32xf32, #tpu.memory_space<vmem>>)
    %dma_start3A_73 = arith.constant 0 : i32
    %dma_start3A_74 = arith.constant 0 : i32
    %dma_start3A_75 = tpu.memref_slice %arg2[%dma_start3A_73, %dma_start3A_74] : memref<6144x768xf32, #tpu.memory_space<hbm>> -> memref<6144x768xf32, #tpu.memory_space<hbm>>
    tpu.enqueue_indirect_dma source(%dma_start3A_75 : memref<6144x768xf32, #tpu.memory_space<hbm>>) target(%arg16 : memref<32x768xf32, #tpu.memory_space<vmem>>) offsets(%arg8 : memref<32xi32, #tpu.memory_space<vmem>>) semaphore(%arg21 : memref<!tpu.dma_semaphore, #tpu.memory_space<semaphore_mem>>)
    %dma_start3A_76 = arith.constant 0 : i32
    %dma_start3A_77 = arith.constant 0 : i32
    %dma_start3A_78 = tpu.memref_slice %arg2[%dma_start3A_76, %dma_start3A_77] : memref<6144x768xf32, #tpu.memory_space<hbm>> -> memref<6144x768xf32, #tpu.memory_space<hbm>>
    tpu.enqueue_indirect_dma source(%dma_start3A_78 : memref<6144x768xf32, #tpu.memory_space<hbm>>) target(%arg17 : memref<32x768xf32, #tpu.memory_space<vmem>>) offsets(%arg9 : memref<32xi32, #tpu.memory_space<vmem>>) semaphore(%arg21 : memref<!tpu.dma_semaphore, #tpu.memory_space<semaphore_mem>>)
    %dma_start3A_79 = arith.constant 0 : i32
    %dma_start3A_80 = arith.constant 0 : i32
    %dma_start3A_81 = tpu.memref_slice %arg2[%dma_start3A_79, %dma_start3A_80] : memref<6144x768xf32, #tpu.memory_space<hbm>> -> memref<6144x768xf32, #tpu.memory_space<hbm>>
    tpu.enqueue_indirect_dma source(%dma_start3A_81 : memref<6144x768xf32, #tpu.memory_space<hbm>>) target(%arg18 : memref<32x768xf32, #tpu.memory_space<vmem>>) offsets(%arg10 : memref<32xi32, #tpu.memory_space<vmem>>) semaphore(%arg22 : memref<!tpu.dma_semaphore, #tpu.memory_space<semaphore_mem>>)
    %dma_start3A_82 = arith.constant 0 : i32
    %dma_start3A_83 = arith.constant 0 : i32
    %dma_start3A_84 = tpu.memref_slice %arg2[%dma_start3A_82, %dma_start3A_83] : memref<6144x768xf32, #tpu.memory_space<hbm>> -> memref<6144x768xf32, #tpu.memory_space<hbm>>
    tpu.enqueue_indirect_dma source(%dma_start3A_84 : memref<6144x768xf32, #tpu.memory_space<hbm>>) target(%arg19 : memref<32x768xf32, #tpu.memory_space<vmem>>) offsets(%arg11 : memref<32xi32, #tpu.memory_space<vmem>>) semaphore(%arg22 : memref<!tpu.dma_semaphore, #tpu.memory_space<semaphore_mem>>)
    %dma_wait3A_85 = arith.constant 0 : i32
    %dma_wait3A_86 = arith.constant 0 : i32
    %dma_wait3A_87 = tpu.memref_slice %arg2[%dma_wait3A_85, %dma_wait3A_86] : memref<6144x768xf32, #tpu.memory_space<hbm>> -> memref<6144x768xf32, #tpu.memory_space<hbm>>
    tpu.wait_indirect_dma semaphore(%arg21 : memref<!tpu.dma_semaphore, #tpu.memory_space<semaphore_mem>>) src(%dma_wait3A_87 : memref<6144x768xf32, #tpu.memory_space<hbm>>) dst(%arg16 : memref<32x768xf32, #tpu.memory_space<vmem>>)
    %dma_wait3A_88 = arith.constant 0 : i32
    %dma_wait3A_89 = arith.constant 0 : i32
    %dma_wait3A_90 = tpu.memref_slice %arg2[%dma_wait3A_88, %dma_wait3A_89] : memref<6144x768xf32, #tpu.memory_space<hbm>> -> memref<6144x768xf32, #tpu.memory_space<hbm>>
    tpu.wait_indirect_dma semaphore(%arg21 : memref<!tpu.dma_semaphore, #tpu.memory_space<semaphore_mem>>) src(%dma_wait3A_90 : memref<6144x768xf32, #tpu.memory_space<hbm>>) dst(%arg17 : memref<32x768xf32, #tpu.memory_space<vmem>>)
    %scan3A = arith.constant 0 : i32
    %scan3A_91 = arith.constant 0 : i32
    %scan3A_92 = arith.constant 32 : i32
    %scan3A_93 = arith.addi %scan3A_91, %scan3A_92 : i32
    %scan3A_94 = arith.constant 1 : i32
    scf.for %scan3A_126 = %scan3A_91 to %scan3A_93 step %scan3A_94  : i32 {
      %get3A = arith.index_cast %scan3A_126 : i32 to index
      %get3A_127 = tpu.vector_load %arg12[%get3A] {strides = array<i32>} : memref<48xf32, #tpu.memory_space<vmem>>, vector<16xf32>,
      %get3A_128 = vector.shape_cast %get3A_127 : vector<16xf32> to vector<16xf32>
      %slice3A = vector.extract_strided_slice %get3A_128 {offsets = [0], sizes = [1], strides = [1]} : vector<16xf32> to vector<1xf32>
      %squeeze3A = vector.extract %slice3A[0] : f32 from vector<1xf32>
      %get3A_129 = arith.index_cast %scan3A_126 : i32 to index
      %get3A_130 = tpu.vector_load %arg13[%get3A_129] {strides = array<i32>} : memref<48xf32, #tpu.memory_space<vmem>>, vector<16xf32>,
      %get3A_131 = vector.shape_cast %get3A_130 : vector<16xf32> to vector<16xf32>
      %slice3A_132 = vector.extract_strided_slice %get3A_131 {offsets = [0], sizes = [1], strides = [1]} : vector<16xf32> to vector<1xf32>
      %squeeze3A_133 = vector.extract %slice3A_132[0] : f32 from vector<1xf32>
      %get3A_134 = arith.index_cast %scan3A_126 : i32 to index
      %get3A_135 = arith.constant 0 : index
      %get3A_136 = tpu.vector_load %arg16[%get3A_134, %get3A_135] {strides = array<i32>} : memref<32x768xf32, #tpu.memory_space<vmem>>, vector<1x16xf32>,
      %get3A_137 = vector.shape_cast %get3A_136 : vector<1x16xf32> to vector<16xf32>
      %mul3A_138 = vector.broadcast %squeeze3A : f32 to vector<16xf32>
      %mul3A_139 = arith.mulf %mul3A_138, %get3A_137 : vector<16xf32>
      %get3A_140 = arith.index_cast %scan3A_126 : i32 to index
      %get3A_141 = arith.constant 0 : index
      %get3A_142 = tpu.vector_load %arg17[%get3A_140, %get3A_141] {strides = array<i32>} : memref<32x768xf32, #tpu.memory_space<vmem>>, vector<1x16xf32>,
      %get3A_143 = vector.shape_cast %get3A_142 : vector<1x16xf32> to vector<16xf32>
      %mul3A_144 = vector.broadcast %squeeze3A_133 : f32 to vector<16xf32>
      %mul3A_145 = arith.mulf %mul3A_144, %get3A_143 : vector<16xf32>
      %add3A_146 = arith.addf %mul3A_139, %mul3A_145 : vector<16xf32>
      %swap3A = arith.index_cast %scan3A_126 : i32 to index
      %swap3A_147 = arith.constant 0 : index
      %swap3A_148 = tpu.vector_load %arg16[%swap3A, %swap3A_147] {strides = array<i32>} : memref<32x768xf32, #tpu.memory_space<vmem>>, vector<1x16xf32>,
      %swap3A_149 = vector.shape_cast %swap3A_148 : vector<1x16xf32> to vector<16xf32>
      %swap3A_150 = vector.shape_cast %add3A_146 : vector<16xf32> to vector<1x16xf32>
      tpu.vector_store %arg16[%swap3A, %swap3A_147], %swap3A_150 {strides = array<i32>} : memref<32x768xf32, #tpu.memory_space<vmem>>, vector<1x16xf32>,
      %get3A_151 = arith.index_cast %scan3A_126 : i32 to index
      %get3A_152 = arith.constant 16 : index
      %get3A_153 = tpu.vector_load %arg16[%get3A_151, %get3A_152] {strides = array<i32>} : memref<32x768xf32, #tpu.memory_space<vmem>>, vector<1x16xf32>,
      %get3A_154 = vector.shape_cast %get3A_153 : vector<1x16xf32> to vector<16xf32>
      %mul3A_155 = vector.broadcast %squeeze3A : f32 to vector<16xf32>
      %mul3A_156 = arith.mulf %mul3A_155, %get3A_154 : vector<16xf32>
      %get3A_157 = arith.index_cast %scan3A_126 : i32 to index
      %get3A_158 = arith.constant 16 : index
      %get3A_159 = tpu.vector_load %arg17[%get3A_157, %get3A_158] {strides = array<i32>} : memref<32x768xf32, #tpu.memory_space<vmem>>, vector<1x16xf32>,
      %get3A_160 = vector.shape_cast %get3A_159 : vector<1x16xf32> to vector<16xf32>
      %mul3A_161 = vector.broadcast %squeeze3A_133 : f32 to vector<16xf32>
      %mul3A_162 = arith.mulf %mul3A_161, %get3A_160 : vector<16xf32>
      %add3A_163 = arith.addf %mul3A_156, %mul3A_162 : vector<16xf32>
      %swap3A_164 = arith.index_cast %scan3A_126 : i32 to index
      %swap3A_165 = arith.constant 16 : index
      %swap3A_166 = tpu.vector_load %arg16[%swap3A_164, %swap3A_165] {strides = array<i32>} : memref<32x768xf32, #tpu.memory_space<vmem>>, vector<1x16xf32>,
      %swap3A_167 = vector.shape_cast %swap3A_166 : vector<1x16xf32> to vector<16xf32>
      %swap3A_168 = vector.shape_cast %add3A_163 : vector<16xf32> to vector<1x16xf32>
      tpu.vector_store %arg16[%swap3A_164, %swap3A_165], %swap3A_168 {strides = array<i32>} : memref<32x768xf32, #tpu.memory_space<vmem>>, vector<1x16xf32>,
      %get3A_169 = arith.index_cast %scan3A_126 : i32 to index
      %get3A_170 = arith.constant 32 : index
      %get3A_171 = tpu.vector_load %arg16[%get3A_169, %get3A_170] {strides = array<i32>} : memref<32x768xf32, #tpu.memory_space<vmem>>, vector<1x16xf32>,
      %get3A_172 = vector.shape_cast %get3A_171 : vector<1x16xf32> to vector<16xf32>
      %mul3A_173 = vector.broadcast %squeeze3A : f32 to vector<16xf32>
      %mul3A_174 = arith.mulf %mul3A_173, %get3A_172 : vector<16xf32>
      %get3A_175 = arith.index_cast %scan3A_126 : i32 to index
      %get3A_176 = arith.constant 32 : index
      %get3A_177 = tpu.vector_load %arg17[%get3A_175, %get3A_176] {strides = array<i32>} : memref<32x768xf32, #tpu.memory_space<vmem>>, vector<1x16xf32>,
      %get3A_178 = vector.shape_cast %get3A_177 : vector<1x16xf32> to vector<16xf32>
      %mul3A_179 = vector.broadcast %squeeze3A_133 : f32 to vector<16xf32>
      %mul3A_180 = arith.mulf %mul3A_179, %get3A_178 : vector<16xf32>
      %add3A_181 = arith.addf %mul3A_174, %mul3A_180 : vector<16xf32>
      %swap3A_182 = arith.index_cast %scan3A_126 : i32 to index
      %swap3A_183 = arith.constant 32 : index
      %swap3A_184 = tpu.vector_load %arg16[%swap3A_182, %swap3A_183] {strides = array<i32>} : memref<32x768xf32, #tpu.memory_space<vmem>>, vector<1x16xf32>,
      %swap3A_185 = vector.shape_cast %swap3A_184 : vector<1x16xf32> to vector<16xf32>
      %swap3A_186 = vector.shape_cast %add3A_181 : vector<16xf32> to vector<1x16xf32>
      tpu.vector_store %arg16[%swap3A_182, %swap3A_183], %swap3A_186 {strides = array<i32>} : memref<32x768xf32, #tpu.memory_space<vmem>>, vector<1x16xf32>,
      %get3A_187 = arith.index_cast %scan3A_126 : i32 to index
      %get3A_188 = arith.constant 48 : index
      %get3A_189 = tpu.vector_load %arg16[%get3A_187, %get3A_188] {strides = array<i32>} : memref<32x768xf32, #tpu.memory_space<vmem>>, vector<1x16xf32>,
      %get3A_190 = vector.shape_cast %get3A_189 : vector<1x16xf32> to vector<16xf32>
      %mul3A_191 = vector.broadcast %squeeze3A : f32 to vector<16xf32>
      %mul3A_192 = arith.mulf %mul3A_191, %get3A_190 : vector<16xf32>
      %get3A_193 = arith.index_cast %scan3A_126 : i32 to index
      %get3A_194 = arith.constant 48 : index
      %get3A_195 = tpu.vector_load %arg17[%get3A_193, %get3A_194] {strides = array<i32>} : memref<32x768xf32, #tpu.memory_space<vmem>>, vector<1x16xf32>,
      %get3A_196 = vector.shape_cast %get3A_195 : vector<1x16xf32> to vector<16xf32>
      %mul3A_197 = vector.broadcast %squeeze3A_133 : f32 to vector<16xf32>
      %mul3A_198 = arith.mulf %mul3A_197, %get3A_196 : vector<16xf32>
      %add3A_199 = arith.addf %mul3A_192, %mul3A_198 : vector<16xf32>
      %swap3A_200 = arith.index_cast %scan3A_126 : i32 to index
      %swap3A_201 = arith.constant 48 : index
      %swap3A_202 = tpu.vector_load %arg16[%swap3A_200, %swap3A_201] {strides = array<i32>} : memref<32x768xf32, #tpu.memory_space<vmem>>, vector<1x16xf32>,
      %swap3A_203 = vector.shape_cast %swap3A_202 : vector<1x16xf32> to vector<16xf32>
      %swap3A_204 = vector.shape_cast %add3A_199 : vector<16xf32> to vector<1x16xf32>
      tpu.vector_store %arg16[%swap3A_200, %swap3A_201], %swap3A_204 {strides = array<i32>} : memref<32x768xf32, #tpu.memory_space<vmem>>, vector<1x16xf32>,
      %get3A_205 = arith.index_cast %scan3A_126 : i32 to index
      %get3A_206 = arith.constant 64 : index
      %get3A_207 = tpu.vector_load %arg16[%get3A_205, %get3A_206] {strides = array<i32>} : memref<32x768xf32, #tpu.memory_space<vmem>>, vector<1x16xf32>,
      %get3A_208 = vector.shape_cast %get3A_207 : vector<1x16xf32> to vector<16xf32>
      %mul3A_209 = vector.broadcast %squeeze3A : f32 to vector<16xf32>
      %mul3A_210 = arith.mulf %mul3A_209, %get3A_208 : vector<16xf32>
      %get3A_211 = arith.index_cast %scan3A_126 : i32 to index
      %get3A_212 = arith.constant 64 : index
      %get3A_213 = tpu.vector_load %arg17[%get3A_211, %get3A_212] {strides = array<i32>} : memref<32x768xf32, #tpu.memory_space<vmem>>, vector<1x16xf32>,
      %get3A_214 = vector.shape_cast %get3A_213 : vector<1x16xf32> to vector<16xf32>
      %mul3A_215 = vector.broadcast %squeeze3A_133 : f32 to vector<16xf32>
      %mul3A_216 = arith.mulf %mul3A_215, %get3A_214 : vector<16xf32>
      %add3A_217 = arith.addf %mul3A_210, %mul3A_216 : vector<16xf32>
      %swap3A_218 = arith.index_cast %scan3A_126 : i32 to index
      %swap3A_219 = arith.constant 64 : index
      %swap3A_220 = tpu.vector_load %arg16[%swap3A_218, %swap3A_219] {strides = array<i32>} : memref<32x768xf32, #tpu.memory_space<vmem>>, vector<1x16xf32>,
      %swap3A_221 = vector.shape_cast %swap3A_220 : vector<1x16xf32> to vector<16xf32>
      %swap3A_222 = vector.shape_cast %add3A_217 : vector<16xf32> to vector<1x16xf32>
      tpu.vector_store %arg16[%swap3A_218, %swap3A_219], %swap3A_222 {strides = array<i32>} : memref<32x768xf32, #tpu.memory_space<vmem>>, vector<1x16xf32>,
      %get3A_223 = arith.index_cast %scan3A_126 : i32 to index
      %get3A_224 = arith.constant 80 : index
      %get3A_225 = tpu.vector_load %arg16[%get3A_223, %get3A_224] {strides = array<i32>} : memref<32x768xf32, #tpu.memory_space<vmem>>, vector<1x16xf32>,
      %get3A_226 = vector.shape_cast %get3A_225 : vector<1x16xf32> to vector<16xf32>
      %mul3A_227 = vector.broadcast %squeeze3A : f32 to vector<16xf32>
      %mul3A_228 = arith.mulf %mul3A_227, %get3A_226 : vector<16xf32>
      %get3A_229 = arith.index_cast %scan3A_126 : i32 to index
      %get3A_230 = arith.constant 80 : index
      %get3A_231 = tpu.vector_load %arg17[%get3A_229, %get3A_230] {strides = array<i32>} : memref<32x768xf32, #tpu.memory_space<vmem>>, vector<1x16xf32>,
      %get3A_232 = vector.shape_cast %get3A_231 : vector<1x16xf32> to vector<16xf32>
      %mul3A_233 = vector.broadcast %squeeze3A_133 : f32 to vector<16xf32>
      %mul3A_234 = arith.mulf %mul3A_233, %get3A_232 : vector<16xf32>
      %add3A_235 = arith.addf %mul3A_228, %mul3A_234 : vector<16xf32>
      %swap3A_236 = arith.index_cast %scan3A_126 : i32 to index
      %swap3A_237 = arith.constant 80 : index
      %swap3A_238 = tpu.vector_load %arg16[%swap3A_236, %swap3A_237] {strides = array<i32>} : memref<32x768xf32, #tpu.memory_space<vmem>>, vector<1x16xf32>,
      %swap3A_239 = vector.shape_cast %swap3A_238 : vector<1x16xf32> to vector<16xf32>
      %swap3A_240 = vector.shape_cast %add3A_235 : vector<16xf32> to vector<1x16xf32>
      tpu.vector_store %arg16[%swap3A_236, %swap3A_237], %swap3A_240 {strides = array<i32>} : memref<32x768xf32, #tpu.memory_space<vmem>>, vector<1x16xf32>,
      %get3A_241 = arith.index_cast %scan3A_126 : i32 to index
      %get3A_242 = arith.constant 96 : index
      %get3A_243 = tpu.vector_load %arg16[%get3A_241, %get3A_242] {strides = array<i32>} : memref<32x768xf32, #tpu.memory_space<vmem>>, vector<1x16xf32>,
      %get3A_244 = vector.shape_cast %get3A_243 : vector<1x16xf32> to vector<16xf32>
      %mul3A_245 = vector.broadcast %squeeze3A : f32 to vector<16xf32>
      %mul3A_246 = arith.mulf %mul3A_245, %get3A_244 : vector<16xf32>
      %get3A_247 = arith.index_cast %scan3A_126 : i32 to index
      %get3A_248 = arith.constant 96 : index
      %get3A_249 = tpu.vector_load %arg17[%get3A_247, %get3A_248] {strides = array<i32>} : memref<32x768xf32, #tpu.memory_space<vmem>>, vector<1x16xf32>,
      %get3A_250 = vector.shape_cast %get3A_249 : vector<1x16xf32> to vector<16xf32>
      %mul3A_251 = vector.broadcast %squeeze3A_133 : f32 to vector<16xf32>
      %mul3A_252 = arith.mulf %mul3A_251, %get3A_250 : vector<16xf32>
      %add3A_253 = arith.addf %mul3A_246, %mul3A_252 : vector<16xf32>
      %swap3A_254 = arith.index_cast %scan3A_126 : i32 to index
      %swap3A_255 = arith.constant 96 : index
      %swap3A_256 = tpu.vector_load %arg16[%swap3A_254, %swap3A_255] {strides = array<i32>} : memref<32x768xf32, #tpu.memory_space<vmem>>, vector<1x16xf32>,
      %swap3A_257 = vector.shape_cast %swap3A_256 : vector<1x16xf32> to vector<16xf32>
      %swap3A_258 = vector.shape_cast %add3A_253 : vector<16xf32> to vector<1x16xf32>
      tpu.vector_store %arg16[%swap3A_254, %swap3A_255], %swap3A_258 {strides = array<i32>} : memref<32x768xf32, #tpu.memory_space<vmem>>, vector<1x16xf32>,
      %get3A_259 = arith.index_cast %scan3A_126 : i32 to index
      %get3A_260 = arith.constant 112 : index
      %get3A_261 = tpu.vector_load %arg16[%get3A_259, %get3A_260] {strides = array<i32>} : memref<32x768xf32, #tpu.memory_space<vmem>>, vector<1x16xf32>,
      %get3A_262 = vector.shape_cast %get3A_261 : vector<1x16xf32> to vector<16xf32>
      %mul3A_263 = vector.broadcast %squeeze3A : f32 to vector<16xf32>
      %mul3A_264 = arith.mulf %mul3A_263, %get3A_262 : vector<16xf32>
      %get3A_265 = arith.index_cast %scan3A_126 : i32 to index
      %get3A_266 = arith.constant 112 : index
      %get3A_267 = tpu.vector_load %arg17[%get3A_265, %get3A_266] {strides = array<i32>} : memref<32x768xf32, #tpu.memory_space<vmem>>, vector<1x16xf32>,
      %get3A_268 = vector.shape_cast %get3A_267 : vector<1x16xf32> to vector<16xf32>
      %mul3A_269 = vector.broadcast %squeeze3A_133 : f32 to vector<16xf32>
      %mul3A_270 = arith.mulf %mul3A_269, %get3A_268 : vector<16xf32>
      %add3A_271 = arith.addf %mul3A_264, %mul3A_270 : vector<16xf32>
      %swap3A_272 = arith.index_cast %scan3A_126 : i32 to index
      %swap3A_273 = arith.constant 112 : index
      %swap3A_274 = tpu.vector_load %arg16[%swap3A_272, %swap3A_273] {strides = array<i32>} : memref<32x768xf32, #tpu.memory_space<vmem>>, vector<1x16xf32>,
      %swap3A_275 = vector.shape_cast %swap3A_274 : vector<1x16xf32> to vector<16xf32>
      %swap3A_276 = vector.shape_cast %add3A_271 : vector<16xf32> to vector<1x16xf32>
      tpu.vector_store %arg16[%swap3A_272, %swap3A_273], %swap3A_276 {strides = array<i32>} : memref<32x768xf32, #tpu.memory_space<vmem>>, vector<1x16xf32>,
      %get3A_277 = arith.index_cast %scan3A_126 : i32 to index
      %get3A_278 = arith.constant 128 : index
      %get3A_279 = tpu.vector_load %arg16[%get3A_277, %get3A_278] {strides = array<i32>} : memref<32x768xf32, #tpu.memory_space<vmem>>, vector<1x16xf32>,
      %get3A_280 = vector.shape_cast %get3A_279 : vector<1x16xf32> to vector<16xf32>
      %mul3A_281 = vector.broadcast %squeeze3A : f32 to vector<16xf32>
      %mul3A_282 = arith.mulf %mul3A_281, %get3A_280 : vector<16xf32>
      %get3A_283 = arith.index_cast %scan3A_126 : i32 to index
      %get3A_284 = arith.constant 128 : index
      %get3A_285 = tpu.vector_load %arg17[%get3A_283, %get3A_284] {strides = array<i32>} : memref<32x768xf32, #tpu.memory_space<vmem>>, vector<1x16xf32>,
      %get3A_286 = vector.shape_cast %get3A_285 : vector<1x16xf32> to vector<16xf32>
      %mul3A_287 = vector.broadcast %squeeze3A_133 : f32 to vector<16xf32>
      %mul3A_288 = arith.mulf %mul3A_287, %get3A_286 : vector<16xf32>
      %add3A_289 = arith.addf %mul3A_282, %mul3A_288 : vector<16xf32>
      %swap3A_290 = arith.index_cast %scan3A_126 : i32 to index
      %swap3A_291 = arith.constant 128 : index
      %swap3A_292 = tpu.vector_load %arg16[%swap3A_290, %swap3A_291] {strides = array<i32>} : memref<32x768xf32, #tpu.memory_space<vmem>>, vector<1x16xf32>,
      %swap3A_293 = vector.shape_cast %swap3A_292 : vector<1x16xf32> to vector<16xf32>
      %swap3A_294 = vector.shape_cast %add3A_289 : vector<16xf32> to vector<1x16xf32>
      tpu.vector_store %arg16[%swap3A_290, %swap3A_291], %swap3A_294 {strides = array<i32>} : memref<32x768xf32, #tpu.memory_space<vmem>>, vector<1x16xf32>,
      %get3A_295 = arith.index_cast %scan3A_126 : i32 to index
      %get3A_296 = arith.constant 144 : index
      %get3A_297 = tpu.vector_load %arg16[%get3A_295, %get3A_296] {strides = array<i32>} : memref<32x768xf32, #tpu.memory_space<vmem>>, vector<1x16xf32>,
      %get3A_298 = vector.shape_cast %get3A_297 : vector<1x16xf32> to vector<16xf32>
      %mul3A_299 = vector.broadcast %squeeze3A : f32 to vector<16xf32>
      %mul3A_300 = arith.mulf %mul3A_299, %get3A_298 : vector<16xf32>
      %get3A_301 = arith.index_cast %scan3A_126 : i32 to index
      %get3A_302 = arith.constant 144 : index
      %get3A_303 = tpu.vector_load %arg17[%get3A_301, %get3A_302] {strides = array<i32>} : memref<32x768xf32, #tpu.memory_space<vmem>>, vector<1x16xf32>,
      %get3A_304 = vector.shape_cast %get3A_303 : vector<1x16xf32> to vector<16xf32>
      %mul3A_305 = vector.broadcast %squeeze3A_133 : f32 to vector<16xf32>
      %mul3A_306 = arith.mulf %mul3A_305, %get3A_304 : vector<16xf32>
      %add3A_307 = arith.addf %mul3A_300, %mul3A_306 : vector<16xf32>
      %swap3A_308 = arith.index_cast %scan3A_126 : i32 to index
      %swap3A_309 = arith.constant 144 : index
      %swap3A_310 = tpu.vector_load %arg16[%swap3A_308, %swap3A_309] {strides = array<i32>} : memref<32x768xf32, #tpu.memory_space<vmem>>, vector<1x16xf32>,
      %swap3A_311 = vector.shape_cast %swap3A_310 : vector<1x16xf32> to vector<16xf32>
      %swap3A_312 = vector.shape_cast %add3A_307 : vector<16xf32> to vector<1x16xf32>
      tpu.vector_store %arg16[%swap3A_308, %swap3A_309], %swap3A_312 {strides = array<i32>} : memref<32x768xf32, #tpu.memory_space<vmem>>, vector<1x16xf32>,
      %get3A_313 = arith.index_cast %scan3A_126 : i32 to index
      %get3A_314 = arith.constant 160 : index
      %get3A_315 = tpu.vector_load %arg16[%get3A_313, %get3A_314] {strides = array<i32>} : memref<32x768xf32, #tpu.memory_space<vmem>>, vector<1x16xf32>,
      %get3A_316 = vector.shape_cast %get3A_315 : vector<1x16xf32> to vector<16xf32>
      %mul3A_317 = vector.broadcast %squeeze3A : f32 to vector<16xf32>
      %mul3A_318 = arith.mulf %mul3A_317, %get3A_316 : vector<16xf32>
      %get3A_319 = arith.index_cast %scan3A_126 : i32 to index
      %get3A_320 = arith.constant 160 : index
      %get3A_321 = tpu.vector_load %arg17[%get3A_319, %get3A_320] {strides = array<i32>} : memref<32x768xf32, #tpu.memory_space<vmem>>, vector<1x16xf32>,
      %get3A_322 = vector.shape_cast %get3A_321 : vector<1x16xf32> to vector<16xf32>
      %mul3A_323 = vector.broadcast %squeeze3A_133 : f32 to vector<16xf32>
      %mul3A_324 = arith.mulf %mul3A_323, %get3A_322 : vector<16xf32>
      %add3A_325 = arith.addf %mul3A_318, %mul3A_324 : vector<16xf32>
      %swap3A_326 = arith.index_cast %scan3A_126 : i32 to index
      %swap3A_327 = arith.constant 160 : index
      %swap3A_328 = tpu.vector_load %arg16[%swap3A_326, %swap3A_327] {strides = array<i32>} : memref<32x768xf32, #tpu.memory_space<vmem>>, vector<1x16xf32>,
      %swap3A_329 = vector.shape_cast %swap3A_328 : vector<1x16xf32> to vector<16xf32>
      %swap3A_330 = vector.shape_cast %add3A_325 : vector<16xf32> to vector<1x16xf32>
      tpu.vector_store %arg16[%swap3A_326, %swap3A_327], %swap3A_330 {strides = array<i32>} : memref<32x768xf32, #tpu.memory_space<vmem>>, vector<1x16xf32>,
      %get3A_331 = arith.index_cast %scan3A_126 : i32 to index
      %get3A_332 = arith.constant 176 : index
      %get3A_333 = tpu.vector_load %arg16[%get3A_331, %get3A_332] {strides = array<i32>} : memref<32x768xf32, #tpu.memory_space<vmem>>, vector<1x16xf32>,
      %get3A_334 = vector.shape_cast %get3A_333 : vector<1x16xf32> to vector<16xf32>
      %mul3A_335 = vector.broadcast %squeeze3A : f32 to vector<16xf32>
      %mul3A_336 = arith.mulf %mul3A_335, %get3A_334 : vector<16xf32>
      %get3A_337 = arith.index_cast %scan3A_126 : i32 to index
      %get3A_338 = arith.constant 176 : index
      %get3A_339 = tpu.vector_load %arg17[%get3A_337, %get3A_338] {strides = array<i32>} : memref<32x768xf32, #tpu.memory_space<vmem>>, vector<1x16xf32>,
      %get3A_340 = vector.shape_cast %get3A_339 : vector<1x16xf32> to vector<16xf32>
      %mul3A_341 = vector.broadcast %squeeze3A_133 : f32 to vector<16xf32>
      %mul3A_342 = arith.mulf %mul3A_341, %get3A_340 : vector<16xf32>
      %add3A_343 = arith.addf %mul3A_336, %mul3A_342 : vector<16xf32>
      %swap3A_344 = arith.index_cast %scan3A_126 : i32 to index
      %swap3A_345 = arith.constant 176 : index
      %swap3A_346 = tpu.vector_load %arg16[%swap3A_344, %swap3A_345] {strides = array<i32>} : memref<32x768xf32, #tpu.memory_space<vmem>>, vector<1x16xf32>,
      %swap3A_347 = vector.shape_cast %swap3A_346 : vector<1x16xf32> to vector<16xf32>
      %swap3A_348 = vector.shape_cast %add3A_343 : vector<16xf32> to vector<1x16xf32>
      tpu.vector_store %arg16[%swap3A_344, %swap3A_345], %swap3A_348 {strides = array<i32>} : memref<32x768xf32, #tpu.memory_space<vmem>>, vector<1x16xf32>,
      %get3A_349 = arith.index_cast %scan3A_126 : i32 to index
      %get3A_350 = arith.constant 192 : index
      %get3A_351 = tpu.vector_load %arg16[%get3A_349, %get3A_350] {strides = array<i32>} : memref<32x768xf32, #tpu.memory_space<vmem>>, vector<1x16xf32>,
      %get3A_352 = vector.shape_cast %get3A_351 : vector<1x16xf32> to vector<16xf32>
      %mul3A_353 = vector.broadcast %squeeze3A : f32 to vector<16xf32>
      %mul3A_354 = arith.mulf %mul3A_353, %get3A_352 : vector<16xf32>
      %get3A_355 = arith.index_cast %scan3A_126 : i32 to index
      %get3A_356 = arith.constant 192 : index
      %get3A_357 = tpu.vector_load %arg17[%get3A_355, %get3A_356] {strides = array<i32>} : memref<32x768xf32, #tpu.memory_space<vmem>>, vector<1x16xf32>,
      %get3A_358 = vector.shape_cast %get3A_357 : vector<1x16xf32> to vector<16xf32>
      %mul3A_359 = vector.broadcast %squeeze3A_133 : f32 to vector<16xf32>
      %mul3A_360 = arith.mulf %mul3A_359, %get3A_358 : vector<16xf32>
      %add3A_361 = arith.addf %mul3A_354, %mul3A_360 : vector<16xf32>
      %swap3A_362 = arith.index_cast %scan3A_126 : i32 to index
      %swap3A_363 = arith.constant 192 : index
      %swap3A_364 = tpu.vector_load %arg16[%swap3A_362, %swap3A_363] {strides = array<i32>} : memref<32x768xf32, #tpu.memory_space<vmem>>, vector<1x16xf32>,
      %swap3A_365 = vector.shape_cast %swap3A_364 : vector<1x16xf32> to vector<16xf32>
      %swap3A_366 = vector.shape_cast %add3A_361 : vector<16xf32> to vector<1x16xf32>
      tpu.vector_store %arg16[%swap3A_362, %swap3A_363], %swap3A_366 {strides = array<i32>} : memref<32x768xf32, #tpu.memory_space<vmem>>, vector<1x16xf32>,
      %get3A_367 = arith.index_cast %scan3A_126 : i32 to index
      %get3A_368 = arith.constant 208 : index
      %get3A_369 = tpu.vector_load %arg16[%get3A_367, %get3A_368] {strides = array<i32>} : memref<32x768xf32, #tpu.memory_space<vmem>>, vector<1x16xf32>,
      %get3A_370 = vector.shape_cast %get3A_369 : vector<1x16xf32> to vector<16xf32>
      %mul3A_371 = vector.broadcast %squeeze3A : f32 to vector<16xf32>
      %mul3A_372 = arith.mulf %mul3A_371, %get3A_370 : vector<16xf32>
      %get3A_373 = arith.index_cast %scan3A_126 : i32 to index
      %get3A_374 = arith.constant 208 : index
      %get3A_375 = tpu.vector_load %arg17[%get3A_373, %get3A_374] {strides = array<i32>} : memref<32x768xf32, #tpu.memory_space<vmem>>, vector<1x16xf32>,
      %get3A_376 = vector.shape_cast %get3A_375 : vector<1x16xf32> to vector<16xf32>
      %mul3A_377 = vector.broadcast %squeeze3A_133 : f32 to vector<16xf32>
      %mul3A_378 = arith.mulf %mul3A_377, %get3A_376 : vector<16xf32>
      %add3A_379 = arith.addf %mul3A_372, %mul3A_378 : vector<16xf32>
      %swap3A_380 = arith.index_cast %scan3A_126 : i32 to index
      %swap3A_381 = arith.constant 208 : index
      %swap3A_382 = tpu.vector_load %arg16[%swap3A_380, %swap3A_381] {strides = array<i32>} : memref<32x768xf32, #tpu.memory_space<vmem>>, vector<1x16xf32>,
      %swap3A_383 = vector.shape_cast %swap3A_382 : vector<1x16xf32> to vector<16xf32>
      %swap3A_384 = vector.shape_cast %add3A_379 : vector<16xf32> to vector<1x16xf32>
      tpu.vector_store %arg16[%swap3A_380, %swap3A_381], %swap3A_384 {strides = array<i32>} : memref<32x768xf32, #tpu.memory_space<vmem>>, vector<1x16xf32>,
      %get3A_385 = arith.index_cast %scan3A_126 : i32 to index
      %get3A_386 = arith.constant 224 : index
      %get3A_387 = tpu.vector_load %arg16[%get3A_385, %get3A_386] {strides = array<i32>} : memref<32x768xf32, #tpu.memory_space<vmem>>, vector<1x16xf32>,
      %get3A_388 = vector.shape_cast %get3A_387 : vector<1x16xf32> to vector<16xf32>
      %mul3A_389 = vector.broadcast %squeeze3A : f32 to vector<16xf32>
      %mul3A_390 = arith.mulf %mul3A_389, %get3A_388 : vector<16xf32>
      %get3A_391 = arith.index_cast %scan3A_126 : i32 to index
      %get3A_392 = arith.constant 224 : index
      %get3A_393 = tpu.vector_load %arg17[%get3A_391, %get3A_392] {strides = array<i32>} : memref<32x768xf32, #tpu.memory_space<vmem>>, vector<1x16xf32>,
      %get3A_394 = vector.shape_cast %get3A_393 : vector<1x16xf32> to vector<16xf32>
      %mul3A_395 = vector.broadcast %squeeze3A_133 : f32 to vector<16xf32>
      %mul3A_396 = arith.mulf %mul3A_395, %get3A_394 : vector<16xf32>
      %add3A_397 = arith.addf %mul3A_390, %mul3A_396 : vector<16xf32>
      %swap3A_398 = arith.index_cast %scan3A_126 : i32 to index
      %swap3A_399 = arith.constant 224 : index
      %swap3A_400 = tpu.vector_load %arg16[%swap3A_398, %swap3A_399] {strides = array<i32>} : memref<32x768xf32, #tpu.memory_space<vmem>>, vector<1x16xf32>,
      %swap3A_401 = vector.shape_cast %swap3A_400 : vector<1x16xf32> to vector<16xf32>
      %swap3A_402 = vector.shape_cast %add3A_397 : vector<16xf32> to vector<1x16xf32>
      tpu.vector_store %arg16[%swap3A_398, %swap3A_399], %swap3A_402 {strides = array<i32>} : memref<32x768xf32, #tpu.memory_space<vmem>>, vector<1x16xf32>,
      %get3A_403 = arith.index_cast %scan3A_126 : i32 to index
      %get3A_404 = arith.constant 240 : index
      %get3A_405 = tpu.vector_load %arg16[%get3A_403, %get3A_404] {strides = array<i32>} : memref<32x768xf32, #tpu.memory_space<vmem>>, vector<1x16xf32>,
      %get3A_406 = vector.shape_cast %get3A_405 : vector<1x16xf32> to vector<16xf32>
      %mul3A_407 = vector.broadcast %squeeze3A : f32 to vector<16xf32>
      %mul3A_408 = arith.mulf %mul3A_407, %get3A_406 : vector<16xf32>
      %get3A_409 = arith.index_cast %scan3A_126 : i32 to index
      %get3A_410 = arith.constant 240 : index
      %get3A_411 = tpu.vector_load %arg17[%get3A_409, %get3A_410] {strides = array<i32>} : memref<32x768xf32, #tpu.memory_space<vmem>>, vector<1x16xf32>,
      %get3A_412 = vector.shape_cast %get3A_411 : vector<1x16xf32> to vector<16xf32>
      %mul3A_413 = vector.broadcast %squeeze3A_133 : f32 to vector<16xf32>
      %mul3A_414 = arith.mulf %mul3A_413, %get3A_412 : vector<16xf32>
      %add3A_415 = arith.addf %mul3A_408, %mul3A_414 : vector<16xf32>
      %swap3A_416 = arith.index_cast %scan3A_126 : i32 to index
      %swap3A_417 = arith.constant 240 : index
      %swap3A_418 = tpu.vector_load %arg16[%swap3A_416, %swap3A_417] {strides = array<i32>} : memref<32x768xf32, #tpu.memory_space<vmem>>, vector<1x16xf32>,
      %swap3A_419 = vector.shape_cast %swap3A_418 : vector<1x16xf32> to vector<16xf32>
      %swap3A_420 = vector.shape_cast %add3A_415 : vector<16xf32> to vector<1x16xf32>
      tpu.vector_store %arg16[%swap3A_416, %swap3A_417], %swap3A_420 {strides = array<i32>} : memref<32x768xf32, #tpu.memory_space<vmem>>, vector<1x16xf32>,
      %get3A_421 = arith.index_cast %scan3A_126 : i32 to index
      %get3A_422 = arith.constant 256 : index
      %get3A_423 = tpu.vector_load %arg16[%get3A_421, %get3A_422] {strides = array<i32>} : memref<32x768xf32, #tpu.memory_space<vmem>>, vector<1x16xf32>,
      %get3A_424 = vector.shape_cast %get3A_423 : vector<1x16xf32> to vector<16xf32>
      %mul3A_425 = vector.broadcast %squeeze3A : f32 to vector<16xf32>
      %mul3A_426 = arith.mulf %mul3A_425, %get3A_424 : vector<16xf32>
      %get3A_427 = arith.index_cast %scan3A_126 : i32 to index
      %get3A_428 = arith.constant 256 : index
      %get3A_429 = tpu.vector_load %arg17[%get3A_427, %get3A_428] {strides = array<i32>} : memref<32x768xf32, #tpu.memory_space<vmem>>, vector<1x16xf32>,
      %get3A_430 = vector.shape_cast %get3A_429 : vector<1x16xf32> to vector<16xf32>
      %mul3A_431 = vector.broadcast %squeeze3A_133 : f32 to vector<16xf32>
      %mul3A_432 = arith.mulf %mul3A_431, %get3A_430 : vector<16xf32>
      %add3A_433 = arith.addf %mul3A_426, %mul3A_432 : vector<16xf32>
      %swap3A_434 = arith.index_cast %scan3A_126 : i32 to index
      %swap3A_435 = arith.constant 256 : index
      %swap3A_436 = tpu.vector_load %arg16[%swap3A_434, %swap3A_435] {strides = array<i32>} : memref<32x768xf32, #tpu.memory_space<vmem>>, vector<1x16xf32>,
      %swap3A_437 = vector.shape_cast %swap3A_436 : vector<1x16xf32> to vector<16xf32>
      %swap3A_438 = vector.shape_cast %add3A_433 : vector<16xf32> to vector<1x16xf32>
      tpu.vector_store %arg16[%swap3A_434, %swap3A_435], %swap3A_438 {strides = array<i32>} : memref<32x768xf32, #tpu.memory_space<vmem>>, vector<1x16xf32>,
      %get3A_439 = arith.index_cast %scan3A_126 : i32 to index
      %get3A_440 = arith.constant 272 : index
      %get3A_441 = tpu.vector_load %arg16[%get3A_439, %get3A_440] {strides = array<i32>} : memref<32x768xf32, #tpu.memory_space<vmem>>, vector<1x16xf32>,
      %get3A_442 = vector.shape_cast %get3A_441 : vector<1x16xf32> to vector<16xf32>
      %mul3A_443 = vector.broadcast %squeeze3A : f32 to vector<16xf32>
      %mul3A_444 = arith.mulf %mul3A_443, %get3A_442 : vector<16xf32>
      %get3A_445 = arith.index_cast %scan3A_126 : i32 to index
      %get3A_446 = arith.constant 272 : index
      %get3A_447 = tpu.vector_load %arg17[%get3A_445, %get3A_446] {strides = array<i32>} : memref<32x768xf32, #tpu.memory_space<vmem>>, vector<1x16xf32>,
      %get3A_448 = vector.shape_cast %get3A_447 : vector<1x16xf32> to vector<16xf32>
      %mul3A_449 = vector.broadcast %squeeze3A_133 : f32 to vector<16xf32>
      %mul3A_450 = arith.mulf %mul3A_449, %get3A_448 : vector<16xf32>
      %add3A_451 = arith.addf %mul3A_444, %mul3A_450 : vector<16xf32>
      %swap3A_452 = arith.index_cast %scan3A_126 : i32 to index
      %swap3A_453 = arith.constant 272 : index
      %swap3A_454 = tpu.vector_load %arg16[%swap3A_452, %swap3A_453] {strides = array<i32>} : memref<32x768xf32, #tpu.memory_space<vmem>>, vector<1x16xf32>,
      %swap3A_455 = vector.shape_cast %swap3A_454 : vector<1x16xf32> to vector<16xf32>
      %swap3A_456 = vector.shape_cast %add3A_451 : vector<16xf32> to vector<1x16xf32>
      tpu.vector_store %arg16[%swap3A_452, %swap3A_453], %swap3A_456 {strides = array<i32>} : memref<32x768xf32, #tpu.memory_space<vmem>>, vector<1x16xf32>,
      %get3A_457 = arith.index_cast %scan3A_126 : i32 to index
      %get3A_458 = arith.constant 288 : index
      %get3A_459 = tpu.vector_load %arg16[%get3A_457, %get3A_458] {strides = array<i32>} : memref<32x768xf32, #tpu.memory_space<vmem>>, vector<1x16xf32>,
      %get3A_460 = vector.shape_cast %get3A_459 : vector<1x16xf32> to vector<16xf32>
      %mul3A_461 = vector.broadcast %squeeze3A : f32 to vector<16xf32>
      %mul3A_462 = arith.mulf %mul3A_461, %get3A_460 : vector<16xf32>
      %get3A_463 = arith.index_cast %scan3A_126 : i32 to index
      %get3A_464 = arith.constant 288 : index
      %get3A_465 = tpu.vector_load %arg17[%get3A_463, %get3A_464] {strides = array<i32>} : memref<32x768xf32, #tpu.memory_space<vmem>>, vector<1x16xf32>,
      %get3A_466 = vector.shape_cast %get3A_465 : vector<1x16xf32> to vector<16xf32>
      %mul3A_467 = vector.broadcast %squeeze3A_133 : f32 to vector<16xf32>
      %mul3A_468 = arith.mulf %mul3A_467, %get3A_466 : vector<16xf32>
      %add3A_469 = arith.addf %mul3A_462, %mul3A_468 : vector<16xf32>
      %swap3A_470 = arith.index_cast %scan3A_126 : i32 to index
      %swap3A_471 = arith.constant 288 : index
      %swap3A_472 = tpu.vector_load %arg16[%swap3A_470, %swap3A_471] {strides = array<i32>} : memref<32x768xf32, #tpu.memory_space<vmem>>, vector<1x16xf32>,
      %swap3A_473 = vector.shape_cast %swap3A_472 : vector<1x16xf32> to vector<16xf32>
      %swap3A_474 = vector.shape_cast %add3A_469 : vector<16xf32> to vector<1x16xf32>
      tpu.vector_store %arg16[%swap3A_470, %swap3A_471], %swap3A_474 {strides = array<i32>} : memref<32x768xf32, #tpu.memory_space<vmem>>, vector<1x16xf32>,
      %get3A_475 = arith.index_cast %scan3A_126 : i32 to index
      %get3A_476 = arith.constant 304 : index
      %get3A_477 = tpu.vector_load %arg16[%get3A_475, %get3A_476] {strides = array<i32>} : memref<32x768xf32, #tpu.memory_space<vmem>>, vector<1x16xf32>,
      %get3A_478 = vector.shape_cast %get3A_477 : vector<1x16xf32> to vector<16xf32>
      %mul3A_479 = vector.broadcast %squeeze3A : f32 to vector<16xf32>
      %mul3A_480 = arith.mulf %mul3A_479, %get3A_478 : vector<16xf32>
      %get3A_481 = arith.index_cast %scan3A_126 : i32 to index
      %get3A_482 = arith.constant 304 : index
      %get3A_483 = tpu.vector_load %arg17[%get3A_481, %get3A_482] {strides = array<i32>} : memref<32x768xf32, #tpu.memory_space<vmem>>, vector<1x16xf32>,
      %get3A_484 = vector.shape_cast %get3A_483 : vector<1x16xf32> to vector<16xf32>
      %mul3A_485 = vector.broadcast %squeeze3A_133 : f32 to vector<16xf32>
      %mul3A_486 = arith.mulf %mul3A_485, %get3A_484 : vector<16xf32>
      %add3A_487 = arith.addf %mul3A_480, %mul3A_486 : vector<16xf32>
      %swap3A_488 = arith.index_cast %scan3A_126 : i32 to index
      %swap3A_489 = arith.constant 304 : index
      %swap3A_490 = tpu.vector_load %arg16[%swap3A_488, %swap3A_489] {strides = array<i32>} : memref<32x768xf32, #tpu.memory_space<vmem>>, vector<1x16xf32>,
      %swap3A_491 = vector.shape_cast %swap3A_490 : vector<1x16xf32> to vector<16xf32>
      %swap3A_492 = vector.shape_cast %add3A_487 : vector<16xf32> to vector<1x16xf32>
      tpu.vector_store %arg16[%swap3A_488, %swap3A_489], %swap3A_492 {strides = array<i32>} : memref<32x768xf32, #tpu.memory_space<vmem>>, vector<1x16xf32>,
      %get3A_493 = arith.index_cast %scan3A_126 : i32 to index
      %get3A_494 = arith.constant 320 : index
      %get3A_495 = tpu.vector_load %arg16[%get3A_493, %get3A_494] {strides = array<i32>} : memref<32x768xf32, #tpu.memory_space<vmem>>, vector<1x16xf32>,
      %get3A_496 = vector.shape_cast %get3A_495 : vector<1x16xf32> to vector<16xf32>
      %mul3A_497 = vector.broadcast %squeeze3A : f32 to vector<16xf32>
      %mul3A_498 = arith.mulf %mul3A_497, %get3A_496 : vector<16xf32>
      %get3A_499 = arith.index_cast %scan3A_126 : i32 to index
      %get3A_500 = arith.constant 320 : index
      %get3A_501 = tpu.vector_load %arg17[%get3A_499, %get3A_500] {strides = array<i32>} : memref<32x768xf32, #tpu.memory_space<vmem>>, vector<1x16xf32>,
      %get3A_502 = vector.shape_cast %get3A_501 : vector<1x16xf32> to vector<16xf32>
      %mul3A_503 = vector.broadcast %squeeze3A_133 : f32 to vector<16xf32>
      %mul3A_504 = arith.mulf %mul3A_503, %get3A_502 : vector<16xf32>
      %add3A_505 = arith.addf %mul3A_498, %mul3A_504 : vector<16xf32>
      %swap3A_506 = arith.index_cast %scan3A_126 : i32 to index
      %swap3A_507 = arith.constant 320 : index
      %swap3A_508 = tpu.vector_load %arg16[%swap3A_506, %swap3A_507] {strides = array<i32>} : memref<32x768xf32, #tpu.memory_space<vmem>>, vector<1x16xf32>,
      %swap3A_509 = vector.shape_cast %swap3A_508 : vector<1x16xf32> to vector<16xf32>
      %swap3A_510 = vector.shape_cast %add3A_505 : vector<16xf32> to vector<1x16xf32>
      tpu.vector_store %arg16[%swap3A_506, %swap3A_507], %swap3A_510 {strides = array<i32>} : memref<32x768xf32, #tpu.memory_space<vmem>>, vector<1x16xf32>,
      %get3A_511 = arith.index_cast %scan3A_126 : i32 to index
      %get3A_512 = arith.constant 336 : index
      %get3A_513 = tpu.vector_load %arg16[%get3A_511, %get3A_512] {strides = array<i32>} : memref<32x768xf32, #tpu.memory_space<vmem>>, vector<1x16xf32>,
      %get3A_514 = vector.shape_cast %get3A_513 : vector<1x16xf32> to vector<16xf32>
      %mul3A_515 = vector.broadcast %squeeze3A : f32 to vector<16xf32>
      %mul3A_516 = arith.mulf %mul3A_515, %get3A_514 : vector<16xf32>
      %get3A_517 = arith.index_cast %scan3A_126 : i32 to index
      %get3A_518 = arith.constant 336 : index
      %get3A_519 = tpu.vector_load %arg17[%get3A_517, %get3A_518] {strides = array<i32>} : memref<32x768xf32, #tpu.memory_space<vmem>>, vector<1x16xf32>,
      %get3A_520 = vector.shape_cast %get3A_519 : vector<1x16xf32> to vector<16xf32>
      %mul3A_521 = vector.broadcast %squeeze3A_133 : f32 to vector<16xf32>
      %mul3A_522 = arith.mulf %mul3A_521, %get3A_520 : vector<16xf32>
      %add3A_523 = arith.addf %mul3A_516, %mul3A_522 : vector<16xf32>
      %swap3A_524 = arith.index_cast %scan3A_126 : i32 to index
      %swap3A_525 = arith.constant 336 : index
      %swap3A_526 = tpu.vector_load %arg16[%swap3A_524, %swap3A_525] {strides = array<i32>} : memref<32x768xf32, #tpu.memory_space<vmem>>, vector<1x16xf32>,
      %swap3A_527 = vector.shape_cast %swap3A_526 : vector<1x16xf32> to vector<16xf32>
      %swap3A_528 = vector.shape_cast %add3A_523 : vector<16xf32> to vector<1x16xf32>
      tpu.vector_store %arg16[%swap3A_524, %swap3A_525], %swap3A_528 {strides = array<i32>} : memref<32x768xf32, #tpu.memory_space<vmem>>, vector<1x16xf32>,
      %get3A_529 = arith.index_cast %scan3A_126 : i32 to index
      %get3A_530 = arith.constant 352 : index
      %get3A_531 = tpu.vector_load %arg16[%get3A_529, %get3A_530] {strides = array<i32>} : memref<32x768xf32, #tpu.memory_space<vmem>>, vector<1x16xf32>,
      %get3A_532 = vector.shape_cast %get3A_531 : vector<1x16xf32> to vector<16xf32>
      %mul3A_533 = vector.broadcast %squeeze3A : f32 to vector<16xf32>
      %mul3A_534 = arith.mulf %mul3A_533, %get3A_532 : vector<16xf32>
      %get3A_535 = arith.index_cast %scan3A_126 : i32 to index
      %get3A_536 = arith.constant 352 : index
      %get3A_537 = tpu.vector_load %arg17[%get3A_535, %get3A_536] {strides = array<i32>} : memref<32x768xf32, #tpu.memory_space<vmem>>, vector<1x16xf32>,
      %get3A_538 = vector.shape_cast %get3A_537 : vector<1x16xf32> to vector<16xf32>
      %mul3A_539 = vector.broadcast %squeeze3A_133 : f32 to vector<16xf32>
      %mul3A_540 = arith.mulf %mul3A_539, %get3A_538 : vector<16xf32>
      %add3A_541 = arith.addf %mul3A_534, %mul3A_540 : vector<16xf32>
      %swap3A_542 = arith.index_cast %scan3A_126 : i32 to index
      %swap3A_543 = arith.constant 352 : index
      %swap3A_544 = tpu.vector_load %arg16[%swap3A_542, %swap3A_543] {strides = array<i32>} : memref<32x768xf32, #tpu.memory_space<vmem>>, vector<1x16xf32>,
      %swap3A_545 = vector.shape_cast %swap3A_544 : vector<1x16xf32> to vector<16xf32>
      %swap3A_546 = vector.shape_cast %add3A_541 : vector<16xf32> to vector<1x16xf32>
      tpu.vector_store %arg16[%swap3A_542, %swap3A_543], %swap3A_546 {strides = array<i32>} : memref<32x768xf32, #tpu.memory_space<vmem>>, vector<1x16xf32>,
      %get3A_547 = arith.index_cast %scan3A_126 : i32 to index
      %get3A_548 = arith.constant 368 : index
      %get3A_549 = tpu.vector_load %arg16[%get3A_547, %get3A_548] {strides = array<i32>} : memref<32x768xf32, #tpu.memory_space<vmem>>, vector<1x16xf32>,
      %get3A_550 = vector.shape_cast %get3A_549 : vector<1x16xf32> to vector<16xf32>
      %mul3A_551 = vector.broadcast %squeeze3A : f32 to vector<16xf32>
      %mul3A_552 = arith.mulf %mul3A_551, %get3A_550 : vector<16xf32>
      %get3A_553 = arith.index_cast %scan3A_126 : i32 to index
      %get3A_554 = arith.constant 368 : index
      %get3A_555 = tpu.vector_load %arg17[%get3A_553, %get3A_554] {strides = array<i32>} : memref<32x768xf32, #tpu.memory_space<vmem>>, vector<1x16xf32>,
      %get3A_556 = vector.shape_cast %get3A_555 : vector<1x16xf32> to vector<16xf32>
      %mul3A_557 = vector.broadcast %squeeze3A_133 : f32 to vector<16xf32>
      %mul3A_558 = arith.mulf %mul3A_557, %get3A_556 : vector<16xf32>
      %add3A_559 = arith.addf %mul3A_552, %mul3A_558 : vector<16xf32>
      %swap3A_560 = arith.index_cast %scan3A_126 : i32 to index
      %swap3A_561 = arith.constant 368 : index
      %swap3A_562 = tpu.vector_load %arg16[%swap3A_560, %swap3A_561] {strides = array<i32>} : memref<32x768xf32, #tpu.memory_space<vmem>>, vector<1x16xf32>,
      %swap3A_563 = vector.shape_cast %swap3A_562 : vector<1x16xf32> to vector<16xf32>
      %swap3A_564 = vector.shape_cast %add3A_559 : vector<16xf32> to vector<1x16xf32>
      tpu.vector_store %arg16[%swap3A_560, %swap3A_561], %swap3A_564 {strides = array<i32>} : memref<32x768xf32, #tpu.memory_space<vmem>>, vector<1x16xf32>,
      %get3A_565 = arith.index_cast %scan3A_126 : i32 to index
      %get3A_566 = arith.constant 384 : index
      %get3A_567 = tpu.vector_load %arg16[%get3A_565, %get3A_566] {strides = array<i32>} : memref<32x768xf32, #tpu.memory_space<vmem>>, vector<1x16xf32>,
      %get3A_568 = vector.shape_cast %get3A_567 : vector<1x16xf32> to vector<16xf32>
      %mul3A_569 = vector.broadcast %squeeze3A : f32 to vector<16xf32>
      %mul3A_570 = arith.mulf %mul3A_569, %get3A_568 : vector<16xf32>
      %get3A_571 = arith.index_cast %scan3A_126 : i32 to index
      %get3A_572 = arith.constant 384 : index
      %get3A_573 = tpu.vector_load %arg17[%get3A_571, %get3A_572] {strides = array<i32>} : memref<32x768xf32, #tpu.memory_space<vmem>>, vector<1x16xf32>,
      %get3A_574 = vector.shape_cast %get3A_573 : vector<1x16xf32> to vector<16xf32>
      %mul3A_575 = vector.broadcast %squeeze3A_133 : f32 to vector<16xf32>
      %mul3A_576 = arith.mulf %mul3A_575, %get3A_574 : vector<16xf32>
      %add3A_577 = arith.addf %mul3A_570, %mul3A_576 : vector<16xf32>
      %swap3A_578 = arith.index_cast %scan3A_126 : i32 to index
      %swap3A_579 = arith.constant 384 : index
      %swap3A_580 = tpu.vector_load %arg16[%swap3A_578, %swap3A_579] {strides = array<i32>} : memref<32x768xf32, #tpu.memory_space<vmem>>, vector<1x16xf32>,
      %swap3A_581 = vector.shape_cast %swap3A_580 : vector<1x16xf32> to vector<16xf32>
      %swap3A_582 = vector.shape_cast %add3A_577 : vector<16xf32> to vector<1x16xf32>
      tpu.vector_store %arg16[%swap3A_578, %swap3A_579], %swap3A_582 {strides = array<i32>} : memref<32x768xf32, #tpu.memory_space<vmem>>, vector<1x16xf32>,
      %get3A_583 = arith.index_cast %scan3A_126 : i32 to index
      %get3A_584 = arith.constant 400 : index
      %get3A_585 = tpu.vector_load %arg16[%get3A_583, %get3A_584] {strides = array<i32>} : memref<32x768xf32, #tpu.memory_space<vmem>>, vector<1x16xf32>,
      %get3A_586 = vector.shape_cast %get3A_585 : vector<1x16xf32> to vector<16xf32>
      %mul3A_587 = vector.broadcast %squeeze3A : f32 to vector<16xf32>
      %mul3A_588 = arith.mulf %mul3A_587, %get3A_586 : vector<16xf32>
      %get3A_589 = arith.index_cast %scan3A_126 : i32 to index
      %get3A_590 = arith.constant 400 : index
      %get3A_591 = tpu.vector_load %arg17[%get3A_589, %get3A_590] {strides = array<i32>} : memref<32x768xf32, #tpu.memory_space<vmem>>, vector<1x16xf32>,
      %get3A_592 = vector.shape_cast %get3A_591 : vector<1x16xf32> to vector<16xf32>
      %mul3A_593 = vector.broadcast %squeeze3A_133 : f32 to vector<16xf32>
      %mul3A_594 = arith.mulf %mul3A_593, %get3A_592 : vector<16xf32>
      %add3A_595 = arith.addf %mul3A_588, %mul3A_594 : vector<16xf32>
      %swap3A_596 = arith.index_cast %scan3A_126 : i32 to index
      %swap3A_597 = arith.constant 400 : index
      %swap3A_598 = tpu.vector_load %arg16[%swap3A_596, %swap3A_597] {strides = array<i32>} : memref<32x768xf32, #tpu.memory_space<vmem>>, vector<1x16xf32>,
      %swap3A_599 = vector.shape_cast %swap3A_598 : vector<1x16xf32> to vector<16xf32>
      %swap3A_600 = vector.shape_cast %add3A_595 : vector<16xf32> to vector<1x16xf32>
      tpu.vector_store %arg16[%swap3A_596, %swap3A_597], %swap3A_600 {strides = array<i32>} : memref<32x768xf32, #tpu.memory_space<vmem>>, vector<1x16xf32>,
      %get3A_601 = arith.index_cast %scan3A_126 : i32 to index
      %get3A_602 = arith.constant 416 : index
      %get3A_603 = tpu.vector_load %arg16[%get3A_601, %get3A_602] {strides = array<i32>} : memref<32x768xf32, #tpu.memory_space<vmem>>, vector<1x16xf32>,
      %get3A_604 = vector.shape_cast %get3A_603 : vector<1x16xf32> to vector<16xf32>
      %mul3A_605 = vector.broadcast %squeeze3A : f32 to vector<16xf32>
      %mul3A_606 = arith.mulf %mul3A_605, %get3A_604 : vector<16xf32>
      %get3A_607 = arith.index_cast %scan3A_126 : i32 to index
      %get3A_608 = arith.constant 416 : index
      %get3A_609 = tpu.vector_load %arg17[%get3A_607, %get3A_608] {strides = array<i32>} : memref<32x768xf32, #tpu.memory_space<vmem>>, vector<1x16xf32>,
      %get3A_610 = vector.shape_cast %get3A_609 : vector<1x16xf32> to vector<16xf32>
      %mul3A_611 = vector.broadcast %squeeze3A_133 : f32 to vector<16xf32>
      %mul3A_612 = arith.mulf %mul3A_611, %get3A_610 : vector<16xf32>
      %add3A_613 = arith.addf %mul3A_606, %mul3A_612 : vector<16xf32>
      %swap3A_614 = arith.index_cast %scan3A_126 : i32 to index
      %swap3A_615 = arith.constant 416 : index
      %swap3A_616 = tpu.vector_load %arg16[%swap3A_614, %swap3A_615] {strides = array<i32>} : memref<32x768xf32, #tpu.memory_space<vmem>>, vector<1x16xf32>,
      %swap3A_617 = vector.shape_cast %swap3A_616 : vector<1x16xf32> to vector<16xf32>
      %swap3A_618 = vector.shape_cast %add3A_613 : vector<16xf32> to vector<1x16xf32>
      tpu.vector_store %arg16[%swap3A_614, %swap3A_615], %swap3A_618 {strides = array<i32>} : memref<32x768xf32, #tpu.memory_space<vmem>>, vector<1x16xf32>,
      %get3A_619 = arith.index_cast %scan3A_126 : i32 to index
      %get3A_620 = arith.constant 432 : index
      %get3A_621 = tpu.vector_load %arg16[%get3A_619, %get3A_620] {strides = array<i32>} : memref<32x768xf32, #tpu.memory_space<vmem>>, vector<1x16xf32>,
      %get3A_622 = vector.shape_cast %get3A_621 : vector<1x16xf32> to vector<16xf32>
      %mul3A_623 = vector.broadcast %squeeze3A : f32 to vector<16xf32>
      %mul3A_624 = arith.mulf %mul3A_623, %get3A_622 : vector<16xf32>
      %get3A_625 = arith.index_cast %scan3A_126 : i32 to index
      %get3A_626 = arith.constant 432 : index
      %get3A_627 = tpu.vector_load %arg17[%get3A_625, %get3A_626] {strides = array<i32>} : memref<32x768xf32, #tpu.memory_space<vmem>>, vector<1x16xf32>,
      %get3A_628 = vector.shape_cast %get3A_627 : vector<1x16xf32> to vector<16xf32>
      %mul3A_629 = vector.broadcast %squeeze3A_133 : f32 to vector<16xf32>
      %mul3A_630 = arith.mulf %mul3A_629, %get3A_628 : vector<16xf32>
      %add3A_631 = arith.addf %mul3A_624, %mul3A_630 : vector<16xf32>
      %swap3A_632 = arith.index_cast %scan3A_126 : i32 to index
      %swap3A_633 = arith.constant 432 : index
      %swap3A_634 = tpu.vector_load %arg16[%swap3A_632, %swap3A_633] {strides = array<i32>} : memref<32x768xf32, #tpu.memory_space<vmem>>, vector<1x16xf32>,
      %swap3A_635 = vector.shape_cast %swap3A_634 : vector<1x16xf32> to vector<16xf32>
      %swap3A_636 = vector.shape_cast %add3A_631 : vector<16xf32> to vector<1x16xf32>
      tpu.vector_store %arg16[%swap3A_632, %swap3A_633], %swap3A_636 {strides = array<i32>} : memref<32x768xf32, #tpu.memory_space<vmem>>, vector<1x16xf32>,
      %get3A_637 = arith.index_cast %scan3A_126 : i32 to index
      %get3A_638 = arith.constant 448 : index
      %get3A_639 = tpu.vector_load %arg16[%get3A_637, %get3A_638] {strides = array<i32>} : memref<32x768xf32, #tpu.memory_space<vmem>>, vector<1x16xf32>,
      %get3A_640 = vector.shape_cast %get3A_639 : vector<1x16xf32> to vector<16xf32>
      %mul3A_641 = vector.broadcast %squeeze3A : f32 to vector<16xf32>
      %mul3A_642 = arith.mulf %mul3A_641, %get3A_640 : vector<16xf32>
      %get3A_643 = arith.index_cast %scan3A_126 : i32 to index
      %get3A_644 = arith.constant 448 : index
      %get3A_645 = tpu.vector_load %arg17[%get3A_643, %get3A_644] {strides = array<i32>} : memref<32x768xf32, #tpu.memory_space<vmem>>, vector<1x16xf32>,
      %get3A_646 = vector.shape_cast %get3A_645 : vector<1x16xf32> to vector<16xf32>
      %mul3A_647 = vector.broadcast %squeeze3A_133 : f32 to vector<16xf32>
      %mul3A_648 = arith.mulf %mul3A_647, %get3A_646 : vector<16xf32>
      %add3A_649 = arith.addf %mul3A_642, %mul3A_648 : vector<16xf32>
      %swap3A_650 = arith.index_cast %scan3A_126 : i32 to index
      %swap3A_651 = arith.constant 448 : index
      %swap3A_652 = tpu.vector_load %arg16[%swap3A_650, %swap3A_651] {strides = array<i32>} : memref<32x768xf32, #tpu.memory_space<vmem>>, vector<1x16xf32>,
      %swap3A_653 = vector.shape_cast %swap3A_652 : vector<1x16xf32> to vector<16xf32>
      %swap3A_654 = vector.shape_cast %add3A_649 : vector<16xf32> to vector<1x16xf32>
      tpu.vector_store %arg16[%swap3A_650, %swap3A_651], %swap3A_654 {strides = array<i32>} : memref<32x768xf32, #tpu.memory_space<vmem>>, vector<1x16xf32>,
      %get3A_655 = arith.index_cast %scan3A_126 : i32 to index
      %get3A_656 = arith.constant 464 : index
      %get3A_657 = tpu.vector_load %arg16[%get3A_655, %get3A_656] {strides = array<i32>} : memref<32x768xf32, #tpu.memory_space<vmem>>, vector<1x16xf32>,
      %get3A_658 = vector.shape_cast %get3A_657 : vector<1x16xf32> to vector<16xf32>
      %mul3A_659 = vector.broadcast %squeeze3A : f32 to vector<16xf32>
      %mul3A_660 = arith.mulf %mul3A_659, %get3A_658 : vector<16xf32>
      %get3A_661 = arith.index_cast %scan3A_126 : i32 to index
      %get3A_662 = arith.constant 464 : index
      %get3A_663 = tpu.vector_load %arg17[%get3A_661, %get3A_662] {strides = array<i32>} : memref<32x768xf32, #tpu.memory_space<vmem>>, vector<1x16xf32>,
      %get3A_664 = vector.shape_cast %get3A_663 : vector<1x16xf32> to vector<16xf32>
      %mul3A_665 = vector.broadcast %squeeze3A_133 : f32 to vector<16xf32>
      %mul3A_666 = arith.mulf %mul3A_665, %get3A_664 : vector<16xf32>
      %add3A_667 = arith.addf %mul3A_660, %mul3A_666 : vector<16xf32>
      %swap3A_668 = arith.index_cast %scan3A_126 : i32 to index
      %swap3A_669 = arith.constant 464 : index
      %swap3A_670 = tpu.vector_load %arg16[%swap3A_668, %swap3A_669] {strides = array<i32>} : memref<32x768xf32, #tpu.memory_space<vmem>>, vector<1x16xf32>,
      %swap3A_671 = vector.shape_cast %swap3A_670 : vector<1x16xf32> to vector<16xf32>
      %swap3A_672 = vector.shape_cast %add3A_667 : vector<16xf32> to vector<1x16xf32>
      tpu.vector_store %arg16[%swap3A_668, %swap3A_669], %swap3A_672 {strides = array<i32>} : memref<32x768xf32, #tpu.memory_space<vmem>>, vector<1x16xf32>,
      %get3A_673 = arith.index_cast %scan3A_126 : i32 to index
      %get3A_674 = arith.constant 480 : index
      %get3A_675 = tpu.vector_load %arg16[%get3A_673, %get3A_674] {strides = array<i32>} : memref<32x768xf32, #tpu.memory_space<vmem>>, vector<1x16xf32>,
      %get3A_676 = vector.shape_cast %get3A_675 : vector<1x16xf32> to vector<16xf32>
      %mul3A_677 = vector.broadcast %squeeze3A : f32 to vector<16xf32>
      %mul3A_678 = arith.mulf %mul3A_677, %get3A_676 : vector<16xf32>
      %get3A_679 = arith.index_cast %scan3A_126 : i32 to index
      %get3A_680 = arith.constant 480 : index
      %get3A_681 = tpu.vector_load %arg17[%get3A_679, %get3A_680] {strides = array<i32>} : memref<32x768xf32, #tpu.memory_space<vmem>>, vector<1x16xf32>,
      %get3A_682 = vector.shape_cast %get3A_681 : vector<1x16xf32> to vector<16xf32>
      %mul3A_683 = vector.broadcast %squeeze3A_133 : f32 to vector<16xf32>
      %mul3A_684 = arith.mulf %mul3A_683, %get3A_682 : vector<16xf32>
      %add3A_685 = arith.addf %mul3A_678, %mul3A_684 : vector<16xf32>
      %swap3A_686 = arith.index_cast %scan3A_126 : i32 to index
      %swap3A_687 = arith.constant 480 : index
      %swap3A_688 = tpu.vector_load %arg16[%swap3A_686, %swap3A_687] {strides = array<i32>} : memref<32x768xf32, #tpu.memory_space<vmem>>, vector<1x16xf32>,
      %swap3A_689 = vector.shape_cast %swap3A_688 : vector<1x16xf32> to vector<16xf32>
      %swap3A_690 = vector.shape_cast %add3A_685 : vector<16xf32> to vector<1x16xf32>
      tpu.vector_store %arg16[%swap3A_686, %swap3A_687], %swap3A_690 {strides = array<i32>} : memref<32x768xf32, #tpu.memory_space<vmem>>, vector<1x16xf32>,
      %get3A_691 = arith.index_cast %scan3A_126 : i32 to index
      %get3A_692 = arith.constant 496 : index
      %get3A_693 = tpu.vector_load %arg16[%get3A_691, %get3A_692] {strides = array<i32>} : memref<32x768xf32, #tpu.memory_space<vmem>>, vector<1x16xf32>,
      %get3A_694 = vector.shape_cast %get3A_693 : vector<1x16xf32> to vector<16xf32>
      %mul3A_695 = vector.broadcast %squeeze3A : f32 to vector<16xf32>
      %mul3A_696 = arith.mulf %mul3A_695, %get3A_694 : vector<16xf32>
      %get3A_697 = arith.index_cast %scan3A_126 : i32 to index
      %get3A_698 = arith.constant 496 : index
      %get3A_699 = tpu.vector_load %arg17[%get3A_697, %get3A_698] {strides = array<i32>} : memref<32x768xf32, #tpu.memory_space<vmem>>, vector<1x16xf32>,
      %get3A_700 = vector.shape_cast %get3A_699 : vector<1x16xf32> to vector<16xf32>
      %mul3A_701 = vector.broadcast %squeeze3A_133 : f32 to vector<16xf32>
      %mul3A_702 = arith.mulf %mul3A_701, %get3A_700 : vector<16xf32>
      %add3A_703 = arith.addf %mul3A_696, %mul3A_702 : vector<16xf32>
      %swap3A_704 = arith.index_cast %scan3A_126 : i32 to index
      %swap3A_705 = arith.constant 496 : index
      %swap3A_706 = tpu.vector_load %arg16[%swap3A_704, %swap3A_705] {strides = array<i32>} : memref<32x768xf32, #tpu.memory_space<vmem>>, vector<1x16xf32>,
      %swap3A_707 = vector.shape_cast %swap3A_706 : vector<1x16xf32> to vector<16xf32>
      %swap3A_708 = vector.shape_cast %add3A_703 : vector<16xf32> to vector<1x16xf32>
      tpu.vector_store %arg16[%swap3A_704, %swap3A_705], %swap3A_708 {strides = array<i32>} : memref<32x768xf32, #tpu.memory_space<vmem>>, vector<1x16xf32>,
      %get3A_709 = arith.index_cast %scan3A_126 : i32 to index
      %get3A_710 = arith.constant 512 : index
      %get3A_711 = tpu.vector_load %arg16[%get3A_709, %get3A_710] {strides = array<i32>} : memref<32x768xf32, #tpu.memory_space<vmem>>, vector<1x16xf32>,
      %get3A_712 = vector.shape_cast %get3A_711 : vector<1x16xf32> to vector<16xf32>
      %mul3A_713 = vector.broadcast %squeeze3A : f32 to vector<16xf32>
      %mul3A_714 = arith.mulf %mul3A_713, %get3A_712 : vector<16xf32>
      %get3A_715 = arith.index_cast %scan3A_126 : i32 to index
      %get3A_716 = arith.constant 512 : index
      %get3A_717 = tpu.vector_load %arg17[%get3A_715, %get3A_716] {strides = array<i32>} : memref<32x768xf32, #tpu.memory_space<vmem>>, vector<1x16xf32>,
      %get3A_718 = vector.shape_cast %get3A_717 : vector<1x16xf32> to vector<16xf32>
      %mul3A_719 = vector.broadcast %squeeze3A_133 : f32 to vector<16xf32>
      %mul3A_720 = arith.mulf %mul3A_719, %get3A_718 : vector<16xf32>
      %add3A_721 = arith.addf %mul3A_714, %mul3A_720 : vector<16xf32>
      %swap3A_722 = arith.index_cast %scan3A_126 : i32 to index
      %swap3A_723 = arith.constant 512 : index
      %swap3A_724 = tpu.vector_load %arg16[%swap3A_722, %swap3A_723] {strides = array<i32>} : memref<32x768xf32, #tpu.memory_space<vmem>>, vector<1x16xf32>,
      %swap3A_725 = vector.shape_cast %swap3A_724 : vector<1x16xf32> to vector<16xf32>
      %swap3A_726 = vector.shape_cast %add3A_721 : vector<16xf32> to vector<1x16xf32>
      tpu.vector_store %arg16[%swap3A_722, %swap3A_723], %swap3A_726 {strides = array<i32>} : memref<32x768xf32, #tpu.memory_space<vmem>>, vector<1x16xf32>,
      %get3A_727 = arith.index_cast %scan3A_126 : i32 to index
      %get3A_728 = arith.constant 528 : index
      %get3A_729 = tpu.vector_load %arg16[%get3A_727, %get3A_728] {strides = array<i32>} : memref<32x768xf32, #tpu.memory_space<vmem>>, vector<1x16xf32>,
      %get3A_730 = vector.shape_cast %get3A_729 : vector<1x16xf32> to vector<16xf32>
      %mul3A_731 = vector.broadcast %squeeze3A : f32 to vector<16xf32>
      %mul3A_732 = arith.mulf %mul3A_731, %get3A_730 : vector<16xf32>
      %get3A_733 = arith.index_cast %scan3A_126 : i32 to index
      %get3A_734 = arith.constant 528 : index
      %get3A_735 = tpu.vector_load %arg17[%get3A_733, %get3A_734] {strides = array<i32>} : memref<32x768xf32, #tpu.memory_space<vmem>>, vector<1x16xf32>,
      %get3A_736 = vector.shape_cast %get3A_735 : vector<1x16xf32> to vector<16xf32>
      %mul3A_737 = vector.broadcast %squeeze3A_133 : f32 to vector<16xf32>
      %mul3A_738 = arith.mulf %mul3A_737, %get3A_736 : vector<16xf32>
      %add3A_739 = arith.addf %mul3A_732, %mul3A_738 : vector<16xf32>
      %swap3A_740 = arith.index_cast %scan3A_126 : i32 to index
      %swap3A_741 = arith.constant 528 : index
      %swap3A_742 = tpu.vector_load %arg16[%swap3A_740, %swap3A_741] {strides = array<i32>} : memref<32x768xf32, #tpu.memory_space<vmem>>, vector<1x16xf32>,
      %swap3A_743 = vector.shape_cast %swap3A_742 : vector<1x16xf32> to vector<16xf32>
      %swap3A_744 = vector.shape_cast %add3A_739 : vector<16xf32> to vector<1x16xf32>
      tpu.vector_store %arg16[%swap3A_740, %swap3A_741], %swap3A_744 {strides = array<i32>} : memref<32x768xf32, #tpu.memory_space<vmem>>, vector<1x16xf32>,
      %get3A_745 = arith.index_cast %scan3A_126 : i32 to index
      %get3A_746 = arith.constant 544 : index
      %get3A_747 = tpu.vector_load %arg16[%get3A_745, %get3A_746] {strides = array<i32>} : memref<32x768xf32, #tpu.memory_space<vmem>>, vector<1x16xf32>,
      %get3A_748 = vector.shape_cast %get3A_747 : vector<1x16xf32> to vector<16xf32>
      %mul3A_749 = vector.broadcast %squeeze3A : f32 to vector<16xf32>
      %mul3A_750 = arith.mulf %mul3A_749, %get3A_748 : vector<16xf32>
      %get3A_751 = arith.index_cast %scan3A_126 : i32 to index
      %get3A_752 = arith.constant 544 : index
      %get3A_753 = tpu.vector_load %arg17[%get3A_751, %get3A_752] {strides = array<i32>} : memref<32x768xf32, #tpu.memory_space<vmem>>, vector<1x16xf32>,
      %get3A_754 = vector.shape_cast %get3A_753 : vector<1x16xf32> to vector<16xf32>
      %mul3A_755 = vector.broadcast %squeeze3A_133 : f32 to vector<16xf32>
      %mul3A_756 = arith.mulf %mul3A_755, %get3A_754 : vector<16xf32>
      %add3A_757 = arith.addf %mul3A_750, %mul3A_756 : vector<16xf32>
      %swap3A_758 = arith.index_cast %scan3A_126 : i32 to index
      %swap3A_759 = arith.constant 544 : index
      %swap3A_760 = tpu.vector_load %arg16[%swap3A_758, %swap3A_759] {strides = array<i32>} : memref<32x768xf32, #tpu.memory_space<vmem>>, vector<1x16xf32>,
      %swap3A_761 = vector.shape_cast %swap3A_760 : vector<1x16xf32> to vector<16xf32>
      %swap3A_762 = vector.shape_cast %add3A_757 : vector<16xf32> to vector<1x16xf32>
      tpu.vector_store %arg16[%swap3A_758, %swap3A_759], %swap3A_762 {strides = array<i32>} : memref<32x768xf32, #tpu.memory_space<vmem>>, vector<1x16xf32>,
      %get3A_763 = arith.index_cast %scan3A_126 : i32 to index
      %get3A_764 = arith.constant 560 : index
      %get3A_765 = tpu.vector_load %arg16[%get3A_763, %get3A_764] {strides = array<i32>} : memref<32x768xf32, #tpu.memory_space<vmem>>, vector<1x16xf32>,
      %get3A_766 = vector.shape_cast %get3A_765 : vector<1x16xf32> to vector<16xf32>
      %mul3A_767 = vector.broadcast %squeeze3A : f32 to vector<16xf32>
      %mul3A_768 = arith.mulf %mul3A_767, %get3A_766 : vector<16xf32>
      %get3A_769 = arith.index_cast %scan3A_126 : i32 to index
      %get3A_770 = arith.constant 560 : index
      %get3A_771 = tpu.vector_load %arg17[%get3A_769, %get3A_770] {strides = array<i32>} : memref<32x768xf32, #tpu.memory_space<vmem>>, vector<1x16xf32>,
      %get3A_772 = vector.shape_cast %get3A_771 : vector<1x16xf32> to vector<16xf32>
      %mul3A_773 = vector.broadcast %squeeze3A_133 : f32 to vector<16xf32>
      %mul3A_774 = arith.mulf %mul3A_773, %get3A_772 : vector<16xf32>
      %add3A_775 = arith.addf %mul3A_768, %mul3A_774 : vector<16xf32>
      %swap3A_776 = arith.index_cast %scan3A_126 : i32 to index
      %swap3A_777 = arith.constant 560 : index
      %swap3A_778 = tpu.vector_load %arg16[%swap3A_776, %swap3A_777] {strides = array<i32>} : memref<32x768xf32, #tpu.memory_space<vmem>>, vector<1x16xf32>,
      %swap3A_779 = vector.shape_cast %swap3A_778 : vector<1x16xf32> to vector<16xf32>
      %swap3A_780 = vector.shape_cast %add3A_775 : vector<16xf32> to vector<1x16xf32>
      tpu.vector_store %arg16[%swap3A_776, %swap3A_777], %swap3A_780 {strides = array<i32>} : memref<32x768xf32, #tpu.memory_space<vmem>>, vector<1x16xf32>,
      %get3A_781 = arith.index_cast %scan3A_126 : i32 to index
      %get3A_782 = arith.constant 576 : index
      %get3A_783 = tpu.vector_load %arg16[%get3A_781, %get3A_782] {strides = array<i32>} : memref<32x768xf32, #tpu.memory_space<vmem>>, vector<1x16xf32>,
      %get3A_784 = vector.shape_cast %get3A_783 : vector<1x16xf32> to vector<16xf32>
      %mul3A_785 = vector.broadcast %squeeze3A : f32 to vector<16xf32>
      %mul3A_786 = arith.mulf %mul3A_785, %get3A_784 : vector<16xf32>
      %get3A_787 = arith.index_cast %scan3A_126 : i32 to index
      %get3A_788 = arith.constant 576 : index
      %get3A_789 = tpu.vector_load %arg17[%get3A_787, %get3A_788] {strides = array<i32>} : memref<32x768xf32, #tpu.memory_space<vmem>>, vector<1x16xf32>,
      %get3A_790 = vector.shape_cast %get3A_789 : vector<1x16xf32> to vector<16xf32>
      %mul3A_791 = vector.broadcast %squeeze3A_133 : f32 to vector<16xf32>
      %mul3A_792 = arith.mulf %mul3A_791, %get3A_790 : vector<16xf32>
      %add3A_793 = arith.addf %mul3A_786, %mul3A_792 : vector<16xf32>
      %swap3A_794 = arith.index_cast %scan3A_126 : i32 to index
      %swap3A_795 = arith.constant 576 : index
      %swap3A_796 = tpu.vector_load %arg16[%swap3A_794, %swap3A_795] {strides = array<i32>} : memref<32x768xf32, #tpu.memory_space<vmem>>, vector<1x16xf32>,
      %swap3A_797 = vector.shape_cast %swap3A_796 : vector<1x16xf32> to vector<16xf32>
      %swap3A_798 = vector.shape_cast %add3A_793 : vector<16xf32> to vector<1x16xf32>
      tpu.vector_store %arg16[%swap3A_794, %swap3A_795], %swap3A_798 {strides = array<i32>} : memref<32x768xf32, #tpu.memory_space<vmem>>, vector<1x16xf32>,
      %get3A_799 = arith.index_cast %scan3A_126 : i32 to index
      %get3A_800 = arith.constant 592 : index
      %get3A_801 = tpu.vector_load %arg16[%get3A_799, %get3A_800] {strides = array<i32>} : memref<32x768xf32, #tpu.memory_space<vmem>>, vector<1x16xf32>,
      %get3A_802 = vector.shape_cast %get3A_801 : vector<1x16xf32> to vector<16xf32>
      %mul3A_803 = vector.broadcast %squeeze3A : f32 to vector<16xf32>
      %mul3A_804 = arith.mulf %mul3A_803, %get3A_802 : vector<16xf32>
      %get3A_805 = arith.index_cast %scan3A_126 : i32 to index
      %get3A_806 = arith.constant 592 : index
      %get3A_807 = tpu.vector_load %arg17[%get3A_805, %get3A_806] {strides = array<i32>} : memref<32x768xf32, #tpu.memory_space<vmem>>, vector<1x16xf32>,
      %get3A_808 = vector.shape_cast %get3A_807 : vector<1x16xf32> to vector<16xf32>
      %mul3A_809 = vector.broadcast %squeeze3A_133 : f32 to vector<16xf32>
      %mul3A_810 = arith.mulf %mul3A_809, %get3A_808 : vector<16xf32>
      %add3A_811 = arith.addf %mul3A_804, %mul3A_810 : vector<16xf32>
      %swap3A_812 = arith.index_cast %scan3A_126 : i32 to index
      %swap3A_813 = arith.constant 592 : index
      %swap3A_814 = tpu.vector_load %arg16[%swap3A_812, %swap3A_813] {strides = array<i32>} : memref<32x768xf32, #tpu.memory_space<vmem>>, vector<1x16xf32>,
      %swap3A_815 = vector.shape_cast %swap3A_814 : vector<1x16xf32> to vector<16xf32>
      %swap3A_816 = vector.shape_cast %add3A_811 : vector<16xf32> to vector<1x16xf32>
      tpu.vector_store %arg16[%swap3A_812, %swap3A_813], %swap3A_816 {strides = array<i32>} : memref<32x768xf32, #tpu.memory_space<vmem>>, vector<1x16xf32>,
      %get3A_817 = arith.index_cast %scan3A_126 : i32 to index
      %get3A_818 = arith.constant 608 : index
      %get3A_819 = tpu.vector_load %arg16[%get3A_817, %get3A_818] {strides = array<i32>} : memref<32x768xf32, #tpu.memory_space<vmem>>, vector<1x16xf32>,
      %get3A_820 = vector.shape_cast %get3A_819 : vector<1x16xf32> to vector<16xf32>
      %mul3A_821 = vector.broadcast %squeeze3A : f32 to vector<16xf32>
      %mul3A_822 = arith.mulf %mul3A_821, %get3A_820 : vector<16xf32>
      %get3A_823 = arith.index_cast %scan3A_126 : i32 to index
      %get3A_824 = arith.constant 608 : index
      %get3A_825 = tpu.vector_load %arg17[%get3A_823, %get3A_824] {strides = array<i32>} : memref<32x768xf32, #tpu.memory_space<vmem>>, vector<1x16xf32>,
      %get3A_826 = vector.shape_cast %get3A_825 : vector<1x16xf32> to vector<16xf32>
      %mul3A_827 = vector.broadcast %squeeze3A_133 : f32 to vector<16xf32>
      %mul3A_828 = arith.mulf %mul3A_827, %get3A_826 : vector<16xf32>
      %add3A_829 = arith.addf %mul3A_822, %mul3A_828 : vector<16xf32>
      %swap3A_830 = arith.index_cast %scan3A_126 : i32 to index
      %swap3A_831 = arith.constant 608 : index
      %swap3A_832 = tpu.vector_load %arg16[%swap3A_830, %swap3A_831] {strides = array<i32>} : memref<32x768xf32, #tpu.memory_space<vmem>>, vector<1x16xf32>,
      %swap3A_833 = vector.shape_cast %swap3A_832 : vector<1x16xf32> to vector<16xf32>
      %swap3A_834 = vector.shape_cast %add3A_829 : vector<16xf32> to vector<1x16xf32>
      tpu.vector_store %arg16[%swap3A_830, %swap3A_831], %swap3A_834 {strides = array<i32>} : memref<32x768xf32, #tpu.memory_space<vmem>>, vector<1x16xf32>,
      %get3A_835 = arith.index_cast %scan3A_126 : i32 to index
      %get3A_836 = arith.constant 624 : index
      %get3A_837 = tpu.vector_load %arg16[%get3A_835, %get3A_836] {strides = array<i32>} : memref<32x768xf32, #tpu.memory_space<vmem>>, vector<1x16xf32>,
      %get3A_838 = vector.shape_cast %get3A_837 : vector<1x16xf32> to vector<16xf32>
      %mul3A_839 = vector.broadcast %squeeze3A : f32 to vector<16xf32>
      %mul3A_840 = arith.mulf %mul3A_839, %get3A_838 : vector<16xf32>
      %get3A_841 = arith.index_cast %scan3A_126 : i32 to index
      %get3A_842 = arith.constant 624 : index
      %get3A_843 = tpu.vector_load %arg17[%get3A_841, %get3A_842] {strides = array<i32>} : memref<32x768xf32, #tpu.memory_space<vmem>>, vector<1x16xf32>,
      %get3A_844 = vector.shape_cast %get3A_843 : vector<1x16xf32> to vector<16xf32>
      %mul3A_845 = vector.broadcast %squeeze3A_133 : f32 to vector<16xf32>
      %mul3A_846 = arith.mulf %mul3A_845, %get3A_844 : vector<16xf32>
      %add3A_847 = arith.addf %mul3A_840, %mul3A_846 : vector<16xf32>
      %swap3A_848 = arith.index_cast %scan3A_126 : i32 to index
      %swap3A_849 = arith.constant 624 : index
      %swap3A_850 = tpu.vector_load %arg16[%swap3A_848, %swap3A_849] {strides = array<i32>} : memref<32x768xf32, #tpu.memory_space<vmem>>, vector<1x16xf32>,
      %swap3A_851 = vector.shape_cast %swap3A_850 : vector<1x16xf32> to vector<16xf32>
      %swap3A_852 = vector.shape_cast %add3A_847 : vector<16xf32> to vector<1x16xf32>
      tpu.vector_store %arg16[%swap3A_848, %swap3A_849], %swap3A_852 {strides = array<i32>} : memref<32x768xf32, #tpu.memory_space<vmem>>, vector<1x16xf32>,
      %get3A_853 = arith.index_cast %scan3A_126 : i32 to index
      %get3A_854 = arith.constant 640 : index
      %get3A_855 = tpu.vector_load %arg16[%get3A_853, %get3A_854] {strides = array<i32>} : memref<32x768xf32, #tpu.memory_space<vmem>>, vector<1x16xf32>,
      %get3A_856 = vector.shape_cast %get3A_855 : vector<1x16xf32> to vector<16xf32>
      %mul3A_857 = vector.broadcast %squeeze3A : f32 to vector<16xf32>
      %mul3A_858 = arith.mulf %mul3A_857, %get3A_856 : vector<16xf32>
      %get3A_859 = arith.index_cast %scan3A_126 : i32 to index
      %get3A_860 = arith.constant 640 : index
      %get3A_861 = tpu.vector_load %arg17[%get3A_859, %get3A_860] {strides = array<i32>} : memref<32x768xf32, #tpu.memory_space<vmem>>, vector<1x16xf32>,
      %get3A_862 = vector.shape_cast %get3A_861 : vector<1x16xf32> to vector<16xf32>
      %mul3A_863 = vector.broadcast %squeeze3A_133 : f32 to vector<16xf32>
      %mul3A_864 = arith.mulf %mul3A_863, %get3A_862 : vector<16xf32>
      %add3A_865 = arith.addf %mul3A_858, %mul3A_864 : vector<16xf32>
      %swap3A_866 = arith.index_cast %scan3A_126 : i32 to index
      %swap3A_867 = arith.constant 640 : index
      %swap3A_868 = tpu.vector_load %arg16[%swap3A_866, %swap3A_867] {strides = array<i32>} : memref<32x768xf32, #tpu.memory_space<vmem>>, vector<1x16xf32>,
      %swap3A_869 = vector.shape_cast %swap3A_868 : vector<1x16xf32> to vector<16xf32>
      %swap3A_870 = vector.shape_cast %add3A_865 : vector<16xf32> to vector<1x16xf32>
      tpu.vector_store %arg16[%swap3A_866, %swap3A_867], %swap3A_870 {strides = array<i32>} : memref<32x768xf32, #tpu.memory_space<vmem>>, vector<1x16xf32>,
      %get3A_871 = arith.index_cast %scan3A_126 : i32 to index
      %get3A_872 = arith.constant 656 : index
      %get3A_873 = tpu.vector_load %arg16[%get3A_871, %get3A_872] {strides = array<i32>} : memref<32x768xf32, #tpu.memory_space<vmem>>, vector<1x16xf32>,
      %get3A_874 = vector.shape_cast %get3A_873 : vector<1x16xf32> to vector<16xf32>
      %mul3A_875 = vector.broadcast %squeeze3A : f32 to vector<16xf32>
      %mul3A_876 = arith.mulf %mul3A_875, %get3A_874 : vector<16xf32>
      %get3A_877 = arith.index_cast %scan3A_126 : i32 to index
      %get3A_878 = arith.constant 656 : index
      %get3A_879 = tpu.vector_load %arg17[%get3A_877, %get3A_878] {strides = array<i32>} : memref<32x768xf32, #tpu.memory_space<vmem>>, vector<1x16xf32>,
      %get3A_880 = vector.shape_cast %get3A_879 : vector<1x16xf32> to vector<16xf32>
      %mul3A_881 = vector.broadcast %squeeze3A_133 : f32 to vector<16xf32>
      %mul3A_882 = arith.mulf %mul3A_881, %get3A_880 : vector<16xf32>
      %add3A_883 = arith.addf %mul3A_876, %mul3A_882 : vector<16xf32>
      %swap3A_884 = arith.index_cast %scan3A_126 : i32 to index
      %swap3A_885 = arith.constant 656 : index
      %swap3A_886 = tpu.vector_load %arg16[%swap3A_884, %swap3A_885] {strides = array<i32>} : memref<32x768xf32, #tpu.memory_space<vmem>>, vector<1x16xf32>,
      %swap3A_887 = vector.shape_cast %swap3A_886 : vector<1x16xf32> to vector<16xf32>
      %swap3A_888 = vector.shape_cast %add3A_883 : vector<16xf32> to vector<1x16xf32>
      tpu.vector_store %arg16[%swap3A_884, %swap3A_885], %swap3A_888 {strides = array<i32>} : memref<32x768xf32, #tpu.memory_space<vmem>>, vector<1x16xf32>,
      %get3A_889 = arith.index_cast %scan3A_126 : i32 to index
      %get3A_890 = arith.constant 672 : index
      %get3A_891 = tpu.vector_load %arg16[%get3A_889, %get3A_890] {strides = array<i32>} : memref<32x768xf32, #tpu.memory_space<vmem>>, vector<1x16xf32>,
      %get3A_892 = vector.shape_cast %get3A_891 : vector<1x16xf32> to vector<16xf32>
      %mul3A_893 = vector.broadcast %squeeze3A : f32 to vector<16xf32>
      %mul3A_894 = arith.mulf %mul3A_893, %get3A_892 : vector<16xf32>
      %get3A_895 = arith.index_cast %scan3A_126 : i32 to index
      %get3A_896 = arith.constant 672 : index
      %get3A_897 = tpu.vector_load %arg17[%get3A_895, %get3A_896] {strides = array<i32>} : memref<32x768xf32, #tpu.memory_space<vmem>>, vector<1x16xf32>,
      %get3A_898 = vector.shape_cast %get3A_897 : vector<1x16xf32> to vector<16xf32>
      %mul3A_899 = vector.broadcast %squeeze3A_133 : f32 to vector<16xf32>
      %mul3A_900 = arith.mulf %mul3A_899, %get3A_898 : vector<16xf32>
      %add3A_901 = arith.addf %mul3A_894, %mul3A_900 : vector<16xf32>
      %swap3A_902 = arith.index_cast %scan3A_126 : i32 to index
      %swap3A_903 = arith.constant 672 : index
      %swap3A_904 = tpu.vector_load %arg16[%swap3A_902, %swap3A_903] {strides = array<i32>} : memref<32x768xf32, #tpu.memory_space<vmem>>, vector<1x16xf32>,
      %swap3A_905 = vector.shape_cast %swap3A_904 : vector<1x16xf32> to vector<16xf32>
      %swap3A_906 = vector.shape_cast %add3A_901 : vector<16xf32> to vector<1x16xf32>
      tpu.vector_store %arg16[%swap3A_902, %swap3A_903], %swap3A_906 {strides = array<i32>} : memref<32x768xf32, #tpu.memory_space<vmem>>, vector<1x16xf32>,
      %get3A_907 = arith.index_cast %scan3A_126 : i32 to index
      %get3A_908 = arith.constant 688 : index
      %get3A_909 = tpu.vector_load %arg16[%get3A_907, %get3A_908] {strides = array<i32>} : memref<32x768xf32, #tpu.memory_space<vmem>>, vector<1x16xf32>,
      %get3A_910 = vector.shape_cast %get3A_909 : vector<1x16xf32> to vector<16xf32>
      %mul3A_911 = vector.broadcast %squeeze3A : f32 to vector<16xf32>
      %mul3A_912 = arith.mulf %mul3A_911, %get3A_910 : vector<16xf32>
      %get3A_913 = arith.index_cast %scan3A_126 : i32 to index
      %get3A_914 = arith.constant 688 : index
      %get3A_915 = tpu.vector_load %arg17[%get3A_913, %get3A_914] {strides = array<i32>} : memref<32x768xf32, #tpu.memory_space<vmem>>, vector<1x16xf32>,
      %get3A_916 = vector.shape_cast %get3A_915 : vector<1x16xf32> to vector<16xf32>
      %mul3A_917 = vector.broadcast %squeeze3A_133 : f32 to vector<16xf32>
      %mul3A_918 = arith.mulf %mul3A_917, %get3A_916 : vector<16xf32>
      %add3A_919 = arith.addf %mul3A_912, %mul3A_918 : vector<16xf32>
      %swap3A_920 = arith.index_cast %scan3A_126 : i32 to index
      %swap3A_921 = arith.constant 688 : index
      %swap3A_922 = tpu.vector_load %arg16[%swap3A_920, %swap3A_921] {strides = array<i32>} : memref<32x768xf32, #tpu.memory_space<vmem>>, vector<1x16xf32>,
      %swap3A_923 = vector.shape_cast %swap3A_922 : vector<1x16xf32> to vector<16xf32>
      %swap3A_924 = vector.shape_cast %add3A_919 : vector<16xf32> to vector<1x16xf32>
      tpu.vector_store %arg16[%swap3A_920, %swap3A_921], %swap3A_924 {strides = array<i32>} : memref<32x768xf32, #tpu.memory_space<vmem>>, vector<1x16xf32>,
      %get3A_925 = arith.index_cast %scan3A_126 : i32 to index
      %get3A_926 = arith.constant 704 : index
      %get3A_927 = tpu.vector_load %arg16[%get3A_925, %get3A_926] {strides = array<i32>} : memref<32x768xf32, #tpu.memory_space<vmem>>, vector<1x16xf32>,
      %get3A_928 = vector.shape_cast %get3A_927 : vector<1x16xf32> to vector<16xf32>
      %mul3A_929 = vector.broadcast %squeeze3A : f32 to vector<16xf32>
      %mul3A_930 = arith.mulf %mul3A_929, %get3A_928 : vector<16xf32>
      %get3A_931 = arith.index_cast %scan3A_126 : i32 to index
      %get3A_932 = arith.constant 704 : index
      %get3A_933 = tpu.vector_load %arg17[%get3A_931, %get3A_932] {strides = array<i32>} : memref<32x768xf32, #tpu.memory_space<vmem>>, vector<1x16xf32>,
      %get3A_934 = vector.shape_cast %get3A_933 : vector<1x16xf32> to vector<16xf32>
      %mul3A_935 = vector.broadcast %squeeze3A_133 : f32 to vector<16xf32>
      %mul3A_936 = arith.mulf %mul3A_935, %get3A_934 : vector<16xf32>
      %add3A_937 = arith.addf %mul3A_930, %mul3A_936 : vector<16xf32>
      %swap3A_938 = arith.index_cast %scan3A_126 : i32 to index
      %swap3A_939 = arith.constant 704 : index
      %swap3A_940 = tpu.vector_load %arg16[%swap3A_938, %swap3A_939] {strides = array<i32>} : memref<32x768xf32, #tpu.memory_space<vmem>>, vector<1x16xf32>,
      %swap3A_941 = vector.shape_cast %swap3A_940 : vector<1x16xf32> to vector<16xf32>
      %swap3A_942 = vector.shape_cast %add3A_937 : vector<16xf32> to vector<1x16xf32>
      tpu.vector_store %arg16[%swap3A_938, %swap3A_939], %swap3A_942 {strides = array<i32>} : memref<32x768xf32, #tpu.memory_space<vmem>>, vector<1x16xf32>,
      %get3A_943 = arith.index_cast %scan3A_126 : i32 to index
      %get3A_944 = arith.constant 720 : index
      %get3A_945 = tpu.vector_load %arg16[%get3A_943, %get3A_944] {strides = array<i32>} : memref<32x768xf32, #tpu.memory_space<vmem>>, vector<1x16xf32>,
      %get3A_946 = vector.shape_cast %get3A_945 : vector<1x16xf32> to vector<16xf32>
      %mul3A_947 = vector.broadcast %squeeze3A : f32 to vector<16xf32>
      %mul3A_948 = arith.mulf %mul3A_947, %get3A_946 : vector<16xf32>
      %get3A_949 = arith.index_cast %scan3A_126 : i32 to index
      %get3A_950 = arith.constant 720 : index
      %get3A_951 = tpu.vector_load %arg17[%get3A_949, %get3A_950] {strides = array<i32>} : memref<32x768xf32, #tpu.memory_space<vmem>>, vector<1x16xf32>,
      %get3A_952 = vector.shape_cast %get3A_951 : vector<1x16xf32> to vector<16xf32>
      %mul3A_953 = vector.broadcast %squeeze3A_133 : f32 to vector<16xf32>
      %mul3A_954 = arith.mulf %mul3A_953, %get3A_952 : vector<16xf32>
      %add3A_955 = arith.addf %mul3A_948, %mul3A_954 : vector<16xf32>
      %swap3A_956 = arith.index_cast %scan3A_126 : i32 to index
      %swap3A_957 = arith.constant 720 : index
      %swap3A_958 = tpu.vector_load %arg16[%swap3A_956, %swap3A_957] {strides = array<i32>} : memref<32x768xf32, #tpu.memory_space<vmem>>, vector<1x16xf32>,
      %swap3A_959 = vector.shape_cast %swap3A_958 : vector<1x16xf32> to vector<16xf32>
      %swap3A_960 = vector.shape_cast %add3A_955 : vector<16xf32> to vector<1x16xf32>
      tpu.vector_store %arg16[%swap3A_956, %swap3A_957], %swap3A_960 {strides = array<i32>} : memref<32x768xf32, #tpu.memory_space<vmem>>, vector<1x16xf32>,
      %get3A_961 = arith.index_cast %scan3A_126 : i32 to index
      %get3A_962 = arith.constant 736 : index
      %get3A_963 = tpu.vector_load %arg16[%get3A_961, %get3A_962] {strides = array<i32>} : memref<32x768xf32, #tpu.memory_space<vmem>>, vector<1x16xf32>,
      %get3A_964 = vector.shape_cast %get3A_963 : vector<1x16xf32> to vector<16xf32>
      %mul3A_965 = vector.broadcast %squeeze3A : f32 to vector<16xf32>
      %mul3A_966 = arith.mulf %mul3A_965, %get3A_964 : vector<16xf32>
      %get3A_967 = arith.index_cast %scan3A_126 : i32 to index
      %get3A_968 = arith.constant 736 : index
      %get3A_969 = tpu.vector_load %arg17[%get3A_967, %get3A_968] {strides = array<i32>} : memref<32x768xf32, #tpu.memory_space<vmem>>, vector<1x16xf32>,
      %get3A_970 = vector.shape_cast %get3A_969 : vector<1x16xf32> to vector<16xf32>
      %mul3A_971 = vector.broadcast %squeeze3A_133 : f32 to vector<16xf32>
      %mul3A_972 = arith.mulf %mul3A_971, %get3A_970 : vector<16xf32>
      %add3A_973 = arith.addf %mul3A_966, %mul3A_972 : vector<16xf32>
      %swap3A_974 = arith.index_cast %scan3A_126 : i32 to index
      %swap3A_975 = arith.constant 736 : index
      %swap3A_976 = tpu.vector_load %arg16[%swap3A_974, %swap3A_975] {strides = array<i32>} : memref<32x768xf32, #tpu.memory_space<vmem>>, vector<1x16xf32>,
      %swap3A_977 = vector.shape_cast %swap3A_976 : vector<1x16xf32> to vector<16xf32>
      %swap3A_978 = vector.shape_cast %add3A_973 : vector<16xf32> to vector<1x16xf32>
      tpu.vector_store %arg16[%swap3A_974, %swap3A_975], %swap3A_978 {strides = array<i32>} : memref<32x768xf32, #tpu.memory_space<vmem>>, vector<1x16xf32>,
      %get3A_979 = arith.index_cast %scan3A_126 : i32 to index
      %get3A_980 = arith.constant 752 : index
      %get3A_981 = tpu.vector_load %arg16[%get3A_979, %get3A_980] {strides = array<i32>} : memref<32x768xf32, #tpu.memory_space<vmem>>, vector<1x16xf32>,
      %get3A_982 = vector.shape_cast %get3A_981 : vector<1x16xf32> to vector<16xf32>
      %mul3A_983 = vector.broadcast %squeeze3A : f32 to vector<16xf32>
      %mul3A_984 = arith.mulf %mul3A_983, %get3A_982 : vector<16xf32>
      %get3A_985 = arith.index_cast %scan3A_126 : i32 to index
      %get3A_986 = arith.constant 752 : index
      %get3A_987 = tpu.vector_load %arg17[%get3A_985, %get3A_986] {strides = array<i32>} : memref<32x768xf32, #tpu.memory_space<vmem>>, vector<1x16xf32>,
      %get3A_988 = vector.shape_cast %get3A_987 : vector<1x16xf32> to vector<16xf32>
      %mul3A_989 = vector.broadcast %squeeze3A_133 : f32 to vector<16xf32>
      %mul3A_990 = arith.mulf %mul3A_989, %get3A_988 : vector<16xf32>
      %add3A_991 = arith.addf %mul3A_984, %mul3A_990 : vector<16xf32>
      %swap3A_992 = arith.index_cast %scan3A_126 : i32 to index
      %swap3A_993 = arith.constant 752 : index
      %swap3A_994 = tpu.vector_load %arg16[%swap3A_992, %swap3A_993] {strides = array<i32>} : memref<32x768xf32, #tpu.memory_space<vmem>>, vector<1x16xf32>,
      %swap3A_995 = vector.shape_cast %swap3A_994 : vector<1x16xf32> to vector<16xf32>
      %swap3A_996 = vector.shape_cast %add3A_991 : vector<16xf32> to vector<1x16xf32>
      tpu.vector_store %arg16[%swap3A_992, %swap3A_993], %swap3A_996 {strides = array<i32>} : memref<32x768xf32, #tpu.memory_space<vmem>>, vector<1x16xf32>,
    }
    %scan3A_95 = arith.constant 32 : i32
    %dma_start3A_96 = arith.constant 0 : i32
    %dma_start3A_97 = tpu.memref_slice %arg7[%mul3A_2, %dma_start3A_96] : memref<2048x768xf32, #tpu.memory_space<hbm>> -> memref<32x768xf32, #tpu.memory_space<hbm>>
    %dma_start3A_98 = arith.constant 0 : i32
    %dma_start3A_99 = tpu.memref_slice %arg7[%mul3A_2, %dma_start3A_98] : memref<2048x768xf32, #tpu.memory_space<hbm>> -> memref<32x768xf32, #tpu.memory_space<hbm>>
    tpu.enqueue_dma source(%arg16 : memref<32x768xf32, #tpu.memory_space<vmem>>) target(%dma_start3A_99 : memref<32x768xf32, #tpu.memory_space<hbm>>) target_semaphore(%arg23 : memref<!tpu.dma_semaphore, #tpu.memory_space<semaphore_mem>>)
    %dma_wait3A_100 = arith.constant 0 : i32
    %dma_wait3A_101 = arith.constant 0 : i32
    %dma_wait3A_102 = tpu.memref_slice %arg2[%dma_wait3A_100, %dma_wait3A_101] : memref<6144x768xf32, #tpu.memory_space<hbm>> -> memref<6144x768xf32, #tpu.memory_space<hbm>>
    tpu.wait_indirect_dma semaphore(%arg22 : memref<!tpu.dma_semaphore, #tpu.memory_space<semaphore_mem>>) src(%dma_wait3A_102 : memref<6144x768xf32, #tpu.memory_space<hbm>>) dst(%arg18 : memref<32x768xf32, #tpu.memory_space<vmem>>)
    %dma_wait3A_103 = arith.constant 0 : i32
    %dma_wait3A_104 = arith.constant 0 : i32
    %dma_wait3A_105 = tpu.memref_slice %arg2[%dma_wait3A_103, %dma_wait3A_104] : memref<6144x768xf32, #tpu.memory_space<hbm>> -> memref<6144x768xf32, #tpu.memory_space<hbm>>
    tpu.wait_indirect_dma semaphore(%arg22 : memref<!tpu.dma_semaphore, #tpu.memory_space<semaphore_mem>>) src(%dma_wait3A_105 : memref<6144x768xf32, #tpu.memory_space<hbm>>) dst(%arg19 : memref<32x768xf32, #tpu.memory_space<vmem>>)
    %scan3A_106 = arith.constant 0 : i32
    %scan3A_107 = arith.constant 0 : i32
    %scan3A_108 = arith.constant 32 : i32
    %scan3A_109 = arith.addi %scan3A_107, %scan3A_108 : i32
    %scan3A_110 = arith.constant 1 : i32
    scf.for %scan3A_126 = %scan3A_107 to %scan3A_109 step %scan3A_110  : i32 {
      %get3A = arith.index_cast %scan3A_126 : i32 to index
      %get3A_127 = tpu.vector_load %arg14[%get3A] {strides = array<i32>} : memref<48xf32, #tpu.memory_space<vmem>>, vector<16xf32>,
      %get3A_128 = vector.shape_cast %get3A_127 : vector<16xf32> to vector<16xf32>
      %slice3A = vector.extract_strided_slice %get3A_128 {offsets = [0], sizes = [1], strides = [1]} : vector<16xf32> to vector<1xf32>
      %squeeze3A = vector.extract %slice3A[0] : f32 from vector<1xf32>
      %get3A_129 = arith.index_cast %scan3A_126 : i32 to index
      %get3A_130 = tpu.vector_load %arg15[%get3A_129] {strides = array<i32>} : memref<48xf32, #tpu.memory_space<vmem>>, vector<16xf32>,
      %get3A_131 = vector.shape_cast %get3A_130 : vector<16xf32> to vector<16xf32>
      %slice3A_132 = vector.extract_strided_slice %get3A_131 {offsets = [0], sizes = [1], strides = [1]} : vector<16xf32> to vector<1xf32>
      %squeeze3A_133 = vector.extract %slice3A_132[0] : f32 from vector<1xf32>
      %get3A_134 = arith.index_cast %scan3A_126 : i32 to index
      %get3A_135 = arith.constant 0 : index
      %get3A_136 = tpu.vector_load %arg18[%get3A_134, %get3A_135] {strides = array<i32>} : memref<32x768xf32, #tpu.memory_space<vmem>>, vector<1x16xf32>,
      %get3A_137 = vector.shape_cast %get3A_136 : vector<1x16xf32> to vector<16xf32>
      %mul3A_138 = vector.broadcast %squeeze3A : f32 to vector<16xf32>
      %mul3A_139 = arith.mulf %mul3A_138, %get3A_137 : vector<16xf32>
      %get3A_140 = arith.index_cast %scan3A_126 : i32 to index
      %get3A_141 = arith.constant 0 : index
      %get3A_142 = tpu.vector_load %arg19[%get3A_140, %get3A_141] {strides = array<i32>} : memref<32x768xf32, #tpu.memory_space<vmem>>, vector<1x16xf32>,
      %get3A_143 = vector.shape_cast %get3A_142 : vector<1x16xf32> to vector<16xf32>
      %mul3A_144 = vector.broadcast %squeeze3A_133 : f32 to vector<16xf32>
      %mul3A_145 = arith.mulf %mul3A_144, %get3A_143 : vector<16xf32>
      %add3A_146 = arith.addf %mul3A_139, %mul3A_145 : vector<16xf32>
      %swap3A = arith.index_cast %scan3A_126 : i32 to index
      %swap3A_147 = arith.constant 0 : index
      %swap3A_148 = tpu.vector_load %arg18[%swap3A, %swap3A_147] {strides = array<i32>} : memref<32x768xf32, #tpu.memory_space<vmem>>, vector<1x16xf32>,
      %swap3A_149 = vector.shape_cast %swap3A_148 : vector<1x16xf32> to vector<16xf32>
      %swap3A_150 = vector.shape_cast %add3A_146 : vector<16xf32> to vector<1x16xf32>
      tpu.vector_store %arg18[%swap3A, %swap3A_147], %swap3A_150 {strides = array<i32>} : memref<32x768xf32, #tpu.memory_space<vmem>>, vector<1x16xf32>,
      %get3A_151 = arith.index_cast %scan3A_126 : i32 to index
      %get3A_152 = arith.constant 16 : index
      %get3A_153 = tpu.vector_load %arg18[%get3A_151, %get3A_152] {strides = array<i32>} : memref<32x768xf32, #tpu.memory_space<vmem>>, vector<1x16xf32>,
      %get3A_154 = vector.shape_cast %get3A_153 : vector<1x16xf32> to vector<16xf32>
      %mul3A_155 = vector.broadcast %squeeze3A : f32 to vector<16xf32>
      %mul3A_156 = arith.mulf %mul3A_155, %get3A_154 : vector<16xf32>
      %get3A_157 = arith.index_cast %scan3A_126 : i32 to index
      %get3A_158 = arith.constant 16 : index
      %get3A_159 = tpu.vector_load %arg19[%get3A_157, %get3A_158] {strides = array<i32>} : memref<32x768xf32, #tpu.memory_space<vmem>>, vector<1x16xf32>,
      %get3A_160 = vector.shape_cast %get3A_159 : vector<1x16xf32> to vector<16xf32>
      %mul3A_161 = vector.broadcast %squeeze3A_133 : f32 to vector<16xf32>
      %mul3A_162 = arith.mulf %mul3A_161, %get3A_160 : vector<16xf32>
      %add3A_163 = arith.addf %mul3A_156, %mul3A_162 : vector<16xf32>
      %swap3A_164 = arith.index_cast %scan3A_126 : i32 to index
      %swap3A_165 = arith.constant 16 : index
      %swap3A_166 = tpu.vector_load %arg18[%swap3A_164, %swap3A_165] {strides = array<i32>} : memref<32x768xf32, #tpu.memory_space<vmem>>, vector<1x16xf32>,
      %swap3A_167 = vector.shape_cast %swap3A_166 : vector<1x16xf32> to vector<16xf32>
      %swap3A_168 = vector.shape_cast %add3A_163 : vector<16xf32> to vector<1x16xf32>
      tpu.vector_store %arg18[%swap3A_164, %swap3A_165], %swap3A_168 {strides = array<i32>} : memref<32x768xf32, #tpu.memory_space<vmem>>, vector<1x16xf32>,
      %get3A_169 = arith.index_cast %scan3A_126 : i32 to index
      %get3A_170 = arith.constant 32 : index
      %get3A_171 = tpu.vector_load %arg18[%get3A_169, %get3A_170] {strides = array<i32>} : memref<32x768xf32, #tpu.memory_space<vmem>>, vector<1x16xf32>,
      %get3A_172 = vector.shape_cast %get3A_171 : vector<1x16xf32> to vector<16xf32>
      %mul3A_173 = vector.broadcast %squeeze3A : f32 to vector<16xf32>
      %mul3A_174 = arith.mulf %mul3A_173, %get3A_172 : vector<16xf32>
      %get3A_175 = arith.index_cast %scan3A_126 : i32 to index
      %get3A_176 = arith.constant 32 : index
      %get3A_177 = tpu.vector_load %arg19[%get3A_175, %get3A_176] {strides = array<i32>} : memref<32x768xf32, #tpu.memory_space<vmem>>, vector<1x16xf32>,
      %get3A_178 = vector.shape_cast %get3A_177 : vector<1x16xf32> to vector<16xf32>
      %mul3A_179 = vector.broadcast %squeeze3A_133 : f32 to vector<16xf32>
      %mul3A_180 = arith.mulf %mul3A_179, %get3A_178 : vector<16xf32>
      %add3A_181 = arith.addf %mul3A_174, %mul3A_180 : vector<16xf32>
      %swap3A_182 = arith.index_cast %scan3A_126 : i32 to index
      %swap3A_183 = arith.constant 32 : index
      %swap3A_184 = tpu.vector_load %arg18[%swap3A_182, %swap3A_183] {strides = array<i32>} : memref<32x768xf32, #tpu.memory_space<vmem>>, vector<1x16xf32>,
      %swap3A_185 = vector.shape_cast %swap3A_184 : vector<1x16xf32> to vector<16xf32>
      %swap3A_186 = vector.shape_cast %add3A_181 : vector<16xf32> to vector<1x16xf32>
      tpu.vector_store %arg18[%swap3A_182, %swap3A_183], %swap3A_186 {strides = array<i32>} : memref<32x768xf32, #tpu.memory_space<vmem>>, vector<1x16xf32>,
      %get3A_187 = arith.index_cast %scan3A_126 : i32 to index
      %get3A_188 = arith.constant 48 : index
      %get3A_189 = tpu.vector_load %arg18[%get3A_187, %get3A_188] {strides = array<i32>} : memref<32x768xf32, #tpu.memory_space<vmem>>, vector<1x16xf32>,
      %get3A_190 = vector.shape_cast %get3A_189 : vector<1x16xf32> to vector<16xf32>
      %mul3A_191 = vector.broadcast %squeeze3A : f32 to vector<16xf32>
      %mul3A_192 = arith.mulf %mul3A_191, %get3A_190 : vector<16xf32>
      %get3A_193 = arith.index_cast %scan3A_126 : i32 to index
      %get3A_194 = arith.constant 48 : index
      %get3A_195 = tpu.vector_load %arg19[%get3A_193, %get3A_194] {strides = array<i32>} : memref<32x768xf32, #tpu.memory_space<vmem>>, vector<1x16xf32>,
      %get3A_196 = vector.shape_cast %get3A_195 : vector<1x16xf32> to vector<16xf32>
      %mul3A_197 = vector.broadcast %squeeze3A_133 : f32 to vector<16xf32>
      %mul3A_198 = arith.mulf %mul3A_197, %get3A_196 : vector<16xf32>
      %add3A_199 = arith.addf %mul3A_192, %mul3A_198 : vector<16xf32>
      %swap3A_200 = arith.index_cast %scan3A_126 : i32 to index
      %swap3A_201 = arith.constant 48 : index
      %swap3A_202 = tpu.vector_load %arg18[%swap3A_200, %swap3A_201] {strides = array<i32>} : memref<32x768xf32, #tpu.memory_space<vmem>>, vector<1x16xf32>,
      %swap3A_203 = vector.shape_cast %swap3A_202 : vector<1x16xf32> to vector<16xf32>
      %swap3A_204 = vector.shape_cast %add3A_199 : vector<16xf32> to vector<1x16xf32>
      tpu.vector_store %arg18[%swap3A_200, %swap3A_201], %swap3A_204 {strides = array<i32>} : memref<32x768xf32, #tpu.memory_space<vmem>>, vector<1x16xf32>,
      %get3A_205 = arith.index_cast %scan3A_126 : i32 to index
      %get3A_206 = arith.constant 64 : index
      %get3A_207 = tpu.vector_load %arg18[%get3A_205, %get3A_206] {strides = array<i32>} : memref<32x768xf32, #tpu.memory_space<vmem>>, vector<1x16xf32>,
      %get3A_208 = vector.shape_cast %get3A_207 : vector<1x16xf32> to vector<16xf32>
      %mul3A_209 = vector.broadcast %squeeze3A : f32 to vector<16xf32>
      %mul3A_210 = arith.mulf %mul3A_209, %get3A_208 : vector<16xf32>
      %get3A_211 = arith.index_cast %scan3A_126 : i32 to index
      %get3A_212 = arith.constant 64 : index
      %get3A_213 = tpu.vector_load %arg19[%get3A_211, %get3A_212] {strides = array<i32>} : memref<32x768xf32, #tpu.memory_space<vmem>>, vector<1x16xf32>,
      %get3A_214 = vector.shape_cast %get3A_213 : vector<1x16xf32> to vector<16xf32>
      %mul3A_215 = vector.broadcast %squeeze3A_133 : f32 to vector<16xf32>
      %mul3A_216 = arith.mulf %mul3A_215, %get3A_214 : vector<16xf32>
      %add3A_217 = arith.addf %mul3A_210, %mul3A_216 : vector<16xf32>
      %swap3A_218 = arith.index_cast %scan3A_126 : i32 to index
      %swap3A_219 = arith.constant 64 : index
      %swap3A_220 = tpu.vector_load %arg18[%swap3A_218, %swap3A_219] {strides = array<i32>} : memref<32x768xf32, #tpu.memory_space<vmem>>, vector<1x16xf32>,
      %swap3A_221 = vector.shape_cast %swap3A_220 : vector<1x16xf32> to vector<16xf32>
      %swap3A_222 = vector.shape_cast %add3A_217 : vector<16xf32> to vector<1x16xf32>
      tpu.vector_store %arg18[%swap3A_218, %swap3A_219], %swap3A_222 {strides = array<i32>} : memref<32x768xf32, #tpu.memory_space<vmem>>, vector<1x16xf32>,
      %get3A_223 = arith.index_cast %scan3A_126 : i32 to index
      %get3A_224 = arith.constant 80 : index
      %get3A_225 = tpu.vector_load %arg18[%get3A_223, %get3A_224] {strides = array<i32>} : memref<32x768xf32, #tpu.memory_space<vmem>>, vector<1x16xf32>,
      %get3A_226 = vector.shape_cast %get3A_225 : vector<1x16xf32> to vector<16xf32>
      %mul3A_227 = vector.broadcast %squeeze3A : f32 to vector<16xf32>
      %mul3A_228 = arith.mulf %mul3A_227, %get3A_226 : vector<16xf32>
      %get3A_229 = arith.index_cast %scan3A_126 : i32 to index
      %get3A_230 = arith.constant 80 : index
      %get3A_231 = tpu.vector_load %arg19[%get3A_229, %get3A_230] {strides = array<i32>} : memref<32x768xf32, #tpu.memory_space<vmem>>, vector<1x16xf32>,
      %get3A_232 = vector.shape_cast %get3A_231 : vector<1x16xf32> to vector<16xf32>
      %mul3A_233 = vector.broadcast %squeeze3A_133 : f32 to vector<16xf32>
      %mul3A_234 = arith.mulf %mul3A_233, %get3A_232 : vector<16xf32>
      %add3A_235 = arith.addf %mul3A_228, %mul3A_234 : vector<16xf32>
      %swap3A_236 = arith.index_cast %scan3A_126 : i32 to index
      %swap3A_237 = arith.constant 80 : index
      %swap3A_238 = tpu.vector_load %arg18[%swap3A_236, %swap3A_237] {strides = array<i32>} : memref<32x768xf32, #tpu.memory_space<vmem>>, vector<1x16xf32>,
      %swap3A_239 = vector.shape_cast %swap3A_238 : vector<1x16xf32> to vector<16xf32>
      %swap3A_240 = vector.shape_cast %add3A_235 : vector<16xf32> to vector<1x16xf32>
      tpu.vector_store %arg18[%swap3A_236, %swap3A_237], %swap3A_240 {strides = array<i32>} : memref<32x768xf32, #tpu.memory_space<vmem>>, vector<1x16xf32>,
      %get3A_241 = arith.index_cast %scan3A_126 : i32 to index
      %get3A_242 = arith.constant 96 : index
      %get3A_243 = tpu.vector_load %arg18[%get3A_241, %get3A_242] {strides = array<i32>} : memref<32x768xf32, #tpu.memory_space<vmem>>, vector<1x16xf32>,
      %get3A_244 = vector.shape_cast %get3A_243 : vector<1x16xf32> to vector<16xf32>
      %mul3A_245 = vector.broadcast %squeeze3A : f32 to vector<16xf32>
      %mul3A_246 = arith.mulf %mul3A_245, %get3A_244 : vector<16xf32>
      %get3A_247 = arith.index_cast %scan3A_126 : i32 to index
      %get3A_248 = arith.constant 96 : index
      %get3A_249 = tpu.vector_load %arg19[%get3A_247, %get3A_248] {strides = array<i32>} : memref<32x768xf32, #tpu.memory_space<vmem>>, vector<1x16xf32>,
      %get3A_250 = vector.shape_cast %get3A_249 : vector<1x16xf32> to vector<16xf32>
      %mul3A_251 = vector.broadcast %squeeze3A_133 : f32 to vector<16xf32>
      %mul3A_252 = arith.mulf %mul3A_251, %get3A_250 : vector<16xf32>
      %add3A_253 = arith.addf %mul3A_246, %mul3A_252 : vector<16xf32>
      %swap3A_254 = arith.index_cast %scan3A_126 : i32 to index
      %swap3A_255 = arith.constant 96 : index
      %swap3A_256 = tpu.vector_load %arg18[%swap3A_254, %swap3A_255] {strides = array<i32>} : memref<32x768xf32, #tpu.memory_space<vmem>>, vector<1x16xf32>,
      %swap3A_257 = vector.shape_cast %swap3A_256 : vector<1x16xf32> to vector<16xf32>
      %swap3A_258 = vector.shape_cast %add3A_253 : vector<16xf32> to vector<1x16xf32>
      tpu.vector_store %arg18[%swap3A_254, %swap3A_255], %swap3A_258 {strides = array<i32>} : memref<32x768xf32, #tpu.memory_space<vmem>>, vector<1x16xf32>,
      %get3A_259 = arith.index_cast %scan3A_126 : i32 to index
      %get3A_260 = arith.constant 112 : index
      %get3A_261 = tpu.vector_load %arg18[%get3A_259, %get3A_260] {strides = array<i32>} : memref<32x768xf32, #tpu.memory_space<vmem>>, vector<1x16xf32>,
      %get3A_262 = vector.shape_cast %get3A_261 : vector<1x16xf32> to vector<16xf32>
      %mul3A_263 = vector.broadcast %squeeze3A : f32 to vector<16xf32>
      %mul3A_264 = arith.mulf %mul3A_263, %get3A_262 : vector<16xf32>
      %get3A_265 = arith.index_cast %scan3A_126 : i32 to index
      %get3A_266 = arith.constant 112 : index
      %get3A_267 = tpu.vector_load %arg19[%get3A_265, %get3A_266] {strides = array<i32>} : memref<32x768xf32, #tpu.memory_space<vmem>>, vector<1x16xf32>,
      %get3A_268 = vector.shape_cast %get3A_267 : vector<1x16xf32> to vector<16xf32>
      %mul3A_269 = vector.broadcast %squeeze3A_133 : f32 to vector<16xf32>
      %mul3A_270 = arith.mulf %mul3A_269, %get3A_268 : vector<16xf32>
      %add3A_271 = arith.addf %mul3A_264, %mul3A_270 : vector<16xf32>
      %swap3A_272 = arith.index_cast %scan3A_126 : i32 to index
      %swap3A_273 = arith.constant 112 : index
      %swap3A_274 = tpu.vector_load %arg18[%swap3A_272, %swap3A_273] {strides = array<i32>} : memref<32x768xf32, #tpu.memory_space<vmem>>, vector<1x16xf32>,
      %swap3A_275 = vector.shape_cast %swap3A_274 : vector<1x16xf32> to vector<16xf32>
      %swap3A_276 = vector.shape_cast %add3A_271 : vector<16xf32> to vector<1x16xf32>
      tpu.vector_store %arg18[%swap3A_272, %swap3A_273], %swap3A_276 {strides = array<i32>} : memref<32x768xf32, #tpu.memory_space<vmem>>, vector<1x16xf32>,
      %get3A_277 = arith.index_cast %scan3A_126 : i32 to index
      %get3A_278 = arith.constant 128 : index
      %get3A_279 = tpu.vector_load %arg18[%get3A_277, %get3A_278] {strides = array<i32>} : memref<32x768xf32, #tpu.memory_space<vmem>>, vector<1x16xf32>,
      %get3A_280 = vector.shape_cast %get3A_279 : vector<1x16xf32> to vector<16xf32>
      %mul3A_281 = vector.broadcast %squeeze3A : f32 to vector<16xf32>
      %mul3A_282 = arith.mulf %mul3A_281, %get3A_280 : vector<16xf32>
      %get3A_283 = arith.index_cast %scan3A_126 : i32 to index
      %get3A_284 = arith.constant 128 : index
      %get3A_285 = tpu.vector_load %arg19[%get3A_283, %get3A_284] {strides = array<i32>} : memref<32x768xf32, #tpu.memory_space<vmem>>, vector<1x16xf32>,
      %get3A_286 = vector.shape_cast %get3A_285 : vector<1x16xf32> to vector<16xf32>
      %mul3A_287 = vector.broadcast %squeeze3A_133 : f32 to vector<16xf32>
      %mul3A_288 = arith.mulf %mul3A_287, %get3A_286 : vector<16xf32>
      %add3A_289 = arith.addf %mul3A_282, %mul3A_288 : vector<16xf32>
      %swap3A_290 = arith.index_cast %scan3A_126 : i32 to index
      %swap3A_291 = arith.constant 128 : index
      %swap3A_292 = tpu.vector_load %arg18[%swap3A_290, %swap3A_291] {strides = array<i32>} : memref<32x768xf32, #tpu.memory_space<vmem>>, vector<1x16xf32>,
      %swap3A_293 = vector.shape_cast %swap3A_292 : vector<1x16xf32> to vector<16xf32>
      %swap3A_294 = vector.shape_cast %add3A_289 : vector<16xf32> to vector<1x16xf32>
      tpu.vector_store %arg18[%swap3A_290, %swap3A_291], %swap3A_294 {strides = array<i32>} : memref<32x768xf32, #tpu.memory_space<vmem>>, vector<1x16xf32>,
      %get3A_295 = arith.index_cast %scan3A_126 : i32 to index
      %get3A_296 = arith.constant 144 : index
      %get3A_297 = tpu.vector_load %arg18[%get3A_295, %get3A_296] {strides = array<i32>} : memref<32x768xf32, #tpu.memory_space<vmem>>, vector<1x16xf32>,
      %get3A_298 = vector.shape_cast %get3A_297 : vector<1x16xf32> to vector<16xf32>
      %mul3A_299 = vector.broadcast %squeeze3A : f32 to vector<16xf32>
      %mul3A_300 = arith.mulf %mul3A_299, %get3A_298 : vector<16xf32>
      %get3A_301 = arith.index_cast %scan3A_126 : i32 to index
      %get3A_302 = arith.constant 144 : index
      %get3A_303 = tpu.vector_load %arg19[%get3A_301, %get3A_302] {strides = array<i32>} : memref<32x768xf32, #tpu.memory_space<vmem>>, vector<1x16xf32>,
      %get3A_304 = vector.shape_cast %get3A_303 : vector<1x16xf32> to vector<16xf32>
      %mul3A_305 = vector.broadcast %squeeze3A_133 : f32 to vector<16xf32>
      %mul3A_306 = arith.mulf %mul3A_305, %get3A_304 : vector<16xf32>
      %add3A_307 = arith.addf %mul3A_300, %mul3A_306 : vector<16xf32>
      %swap3A_308 = arith.index_cast %scan3A_126 : i32 to index
      %swap3A_309 = arith.constant 144 : index
      %swap3A_310 = tpu.vector_load %arg18[%swap3A_308, %swap3A_309] {strides = array<i32>} : memref<32x768xf32, #tpu.memory_space<vmem>>, vector<1x16xf32>,
      %swap3A_311 = vector.shape_cast %swap3A_310 : vector<1x16xf32> to vector<16xf32>
      %swap3A_312 = vector.shape_cast %add3A_307 : vector<16xf32> to vector<1x16xf32>
      tpu.vector_store %arg18[%swap3A_308, %swap3A_309], %swap3A_312 {strides = array<i32>} : memref<32x768xf32, #tpu.memory_space<vmem>>, vector<1x16xf32>,
      %get3A_313 = arith.index_cast %scan3A_126 : i32 to index
      %get3A_314 = arith.constant 160 : index
      %get3A_315 = tpu.vector_load %arg18[%get3A_313, %get3A_314] {strides = array<i32>} : memref<32x768xf32, #tpu.memory_space<vmem>>, vector<1x16xf32>,
      %get3A_316 = vector.shape_cast %get3A_315 : vector<1x16xf32> to vector<16xf32>
      %mul3A_317 = vector.broadcast %squeeze3A : f32 to vector<16xf32>
      %mul3A_318 = arith.mulf %mul3A_317, %get3A_316 : vector<16xf32>
      %get3A_319 = arith.index_cast %scan3A_126 : i32 to index
      %get3A_320 = arith.constant 160 : index
      %get3A_321 = tpu.vector_load %arg19[%get3A_319, %get3A_320] {strides = array<i32>} : memref<32x768xf32, #tpu.memory_space<vmem>>, vector<1x16xf32>,
      %get3A_322 = vector.shape_cast %get3A_321 : vector<1x16xf32> to vector<16xf32>
      %mul3A_323 = vector.broadcast %squeeze3A_133 : f32 to vector<16xf32>
      %mul3A_324 = arith.mulf %mul3A_323, %get3A_322 : vector<16xf32>
      %add3A_325 = arith.addf %mul3A_318, %mul3A_324 : vector<16xf32>
      %swap3A_326 = arith.index_cast %scan3A_126 : i32 to index
      %swap3A_327 = arith.constant 160 : index
      %swap3A_328 = tpu.vector_load %arg18[%swap3A_326, %swap3A_327] {strides = array<i32>} : memref<32x768xf32, #tpu.memory_space<vmem>>, vector<1x16xf32>,
      %swap3A_329 = vector.shape_cast %swap3A_328 : vector<1x16xf32> to vector<16xf32>
      %swap3A_330 = vector.shape_cast %add3A_325 : vector<16xf32> to vector<1x16xf32>
      tpu.vector_store %arg18[%swap3A_326, %swap3A_327], %swap3A_330 {strides = array<i32>} : memref<32x768xf32, #tpu.memory_space<vmem>>, vector<1x16xf32>,
      %get3A_331 = arith.index_cast %scan3A_126 : i32 to index
      %get3A_332 = arith.constant 176 : index
      %get3A_333 = tpu.vector_load %arg18[%get3A_331, %get3A_332] {strides = array<i32>} : memref<32x768xf32, #tpu.memory_space<vmem>>, vector<1x16xf32>,
      %get3A_334 = vector.shape_cast %get3A_333 : vector<1x16xf32> to vector<16xf32>
      %mul3A_335 = vector.broadcast %squeeze3A : f32 to vector<16xf32>
      %mul3A_336 = arith.mulf %mul3A_335, %get3A_334 : vector<16xf32>
      %get3A_337 = arith.index_cast %scan3A_126 : i32 to index
      %get3A_338 = arith.constant 176 : index
      %get3A_339 = tpu.vector_load %arg19[%get3A_337, %get3A_338] {strides = array<i32>} : memref<32x768xf32, #tpu.memory_space<vmem>>, vector<1x16xf32>,
      %get3A_340 = vector.shape_cast %get3A_339 : vector<1x16xf32> to vector<16xf32>
      %mul3A_341 = vector.broadcast %squeeze3A_133 : f32 to vector<16xf32>
      %mul3A_342 = arith.mulf %mul3A_341, %get3A_340 : vector<16xf32>
      %add3A_343 = arith.addf %mul3A_336, %mul3A_342 : vector<16xf32>
      %swap3A_344 = arith.index_cast %scan3A_126 : i32 to index
      %swap3A_345 = arith.constant 176 : index
      %swap3A_346 = tpu.vector_load %arg18[%swap3A_344, %swap3A_345] {strides = array<i32>} : memref<32x768xf32, #tpu.memory_space<vmem>>, vector<1x16xf32>,
      %swap3A_347 = vector.shape_cast %swap3A_346 : vector<1x16xf32> to vector<16xf32>
      %swap3A_348 = vector.shape_cast %add3A_343 : vector<16xf32> to vector<1x16xf32>
      tpu.vector_store %arg18[%swap3A_344, %swap3A_345], %swap3A_348 {strides = array<i32>} : memref<32x768xf32, #tpu.memory_space<vmem>>, vector<1x16xf32>,
      %get3A_349 = arith.index_cast %scan3A_126 : i32 to index
      %get3A_350 = arith.constant 192 : index
      %get3A_351 = tpu.vector_load %arg18[%get3A_349, %get3A_350] {strides = array<i32>} : memref<32x768xf32, #tpu.memory_space<vmem>>, vector<1x16xf32>,
      %get3A_352 = vector.shape_cast %get3A_351 : vector<1x16xf32> to vector<16xf32>
      %mul3A_353 = vector.broadcast %squeeze3A : f32 to vector<16xf32>
      %mul3A_354 = arith.mulf %mul3A_353, %get3A_352 : vector<16xf32>
      %get3A_355 = arith.index_cast %scan3A_126 : i32 to index
      %get3A_356 = arith.constant 192 : index
      %get3A_357 = tpu.vector_load %arg19[%get3A_355, %get3A_356] {strides = array<i32>} : memref<32x768xf32, #tpu.memory_space<vmem>>, vector<1x16xf32>,
      %get3A_358 = vector.shape_cast %get3A_357 : vector<1x16xf32> to vector<16xf32>
      %mul3A_359 = vector.broadcast %squeeze3A_133 : f32 to vector<16xf32>
      %mul3A_360 = arith.mulf %mul3A_359, %get3A_358 : vector<16xf32>
      %add3A_361 = arith.addf %mul3A_354, %mul3A_360 : vector<16xf32>
      %swap3A_362 = arith.index_cast %scan3A_126 : i32 to index
      %swap3A_363 = arith.constant 192 : index
      %swap3A_364 = tpu.vector_load %arg18[%swap3A_362, %swap3A_363] {strides = array<i32>} : memref<32x768xf32, #tpu.memory_space<vmem>>, vector<1x16xf32>,
      %swap3A_365 = vector.shape_cast %swap3A_364 : vector<1x16xf32> to vector<16xf32>
      %swap3A_366 = vector.shape_cast %add3A_361 : vector<16xf32> to vector<1x16xf32>
      tpu.vector_store %arg18[%swap3A_362, %swap3A_363], %swap3A_366 {strides = array<i32>} : memref<32x768xf32, #tpu.memory_space<vmem>>, vector<1x16xf32>,
      %get3A_367 = arith.index_cast %scan3A_126 : i32 to index
      %get3A_368 = arith.constant 208 : index
      %get3A_369 = tpu.vector_load %arg18[%get3A_367, %get3A_368] {strides = array<i32>} : memref<32x768xf32, #tpu.memory_space<vmem>>, vector<1x16xf32>,
      %get3A_370 = vector.shape_cast %get3A_369 : vector<1x16xf32> to vector<16xf32>
      %mul3A_371 = vector.broadcast %squeeze3A : f32 to vector<16xf32>
      %mul3A_372 = arith.mulf %mul3A_371, %get3A_370 : vector<16xf32>
      %get3A_373 = arith.index_cast %scan3A_126 : i32 to index
      %get3A_374 = arith.constant 208 : index
      %get3A_375 = tpu.vector_load %arg19[%get3A_373, %get3A_374] {strides = array<i32>} : memref<32x768xf32, #tpu.memory_space<vmem>>, vector<1x16xf32>,
      %get3A_376 = vector.shape_cast %get3A_375 : vector<1x16xf32> to vector<16xf32>
      %mul3A_377 = vector.broadcast %squeeze3A_133 : f32 to vector<16xf32>
      %mul3A_378 = arith.mulf %mul3A_377, %get3A_376 : vector<16xf32>
      %add3A_379 = arith.addf %mul3A_372, %mul3A_378 : vector<16xf32>
      %swap3A_380 = arith.index_cast %scan3A_126 : i32 to index
      %swap3A_381 = arith.constant 208 : index
      %swap3A_382 = tpu.vector_load %arg18[%swap3A_380, %swap3A_381] {strides = array<i32>} : memref<32x768xf32, #tpu.memory_space<vmem>>, vector<1x16xf32>,
      %swap3A_383 = vector.shape_cast %swap3A_382 : vector<1x16xf32> to vector<16xf32>
      %swap3A_384 = vector.shape_cast %add3A_379 : vector<16xf32> to vector<1x16xf32>
      tpu.vector_store %arg18[%swap3A_380, %swap3A_381], %swap3A_384 {strides = array<i32>} : memref<32x768xf32, #tpu.memory_space<vmem>>, vector<1x16xf32>,
      %get3A_385 = arith.index_cast %scan3A_126 : i32 to index
      %get3A_386 = arith.constant 224 : index
      %get3A_387 = tpu.vector_load %arg18[%get3A_385, %get3A_386] {strides = array<i32>} : memref<32x768xf32, #tpu.memory_space<vmem>>, vector<1x16xf32>,
      %get3A_388 = vector.shape_cast %get3A_387 : vector<1x16xf32> to vector<16xf32>
      %mul3A_389 = vector.broadcast %squeeze3A : f32 to vector<16xf32>
      %mul3A_390 = arith.mulf %mul3A_389, %get3A_388 : vector<16xf32>
      %get3A_391 = arith.index_cast %scan3A_126 : i32 to index
      %get3A_392 = arith.constant 224 : index
      %get3A_393 = tpu.vector_load %arg19[%get3A_391, %get3A_392] {strides = array<i32>} : memref<32x768xf32, #tpu.memory_space<vmem>>, vector<1x16xf32>,
      %get3A_394 = vector.shape_cast %get3A_393 : vector<1x16xf32> to vector<16xf32>
      %mul3A_395 = vector.broadcast %squeeze3A_133 : f32 to vector<16xf32>
      %mul3A_396 = arith.mulf %mul3A_395, %get3A_394 : vector<16xf32>
      %add3A_397 = arith.addf %mul3A_390, %mul3A_396 : vector<16xf32>
      %swap3A_398 = arith.index_cast %scan3A_126 : i32 to index
      %swap3A_399 = arith.constant 224 : index
      %swap3A_400 = tpu.vector_load %arg18[%swap3A_398, %swap3A_399] {strides = array<i32>} : memref<32x768xf32, #tpu.memory_space<vmem>>, vector<1x16xf32>,
      %swap3A_401 = vector.shape_cast %swap3A_400 : vector<1x16xf32> to vector<16xf32>
      %swap3A_402 = vector.shape_cast %add3A_397 : vector<16xf32> to vector<1x16xf32>
      tpu.vector_store %arg18[%swap3A_398, %swap3A_399], %swap3A_402 {strides = array<i32>} : memref<32x768xf32, #tpu.memory_space<vmem>>, vector<1x16xf32>,
      %get3A_403 = arith.index_cast %scan3A_126 : i32 to index
      %get3A_404 = arith.constant 240 : index
      %get3A_405 = tpu.vector_load %arg18[%get3A_403, %get3A_404] {strides = array<i32>} : memref<32x768xf32, #tpu.memory_space<vmem>>, vector<1x16xf32>,
      %get3A_406 = vector.shape_cast %get3A_405 : vector<1x16xf32> to vector<16xf32>
      %mul3A_407 = vector.broadcast %squeeze3A : f32 to vector<16xf32>
      %mul3A_408 = arith.mulf %mul3A_407, %get3A_406 : vector<16xf32>
      %get3A_409 = arith.index_cast %scan3A_126 : i32 to index
      %get3A_410 = arith.constant 240 : index
      %get3A_411 = tpu.vector_load %arg19[%get3A_409, %get3A_410] {strides = array<i32>} : memref<32x768xf32, #tpu.memory_space<vmem>>, vector<1x16xf32>,
      %get3A_412 = vector.shape_cast %get3A_411 : vector<1x16xf32> to vector<16xf32>
      %mul3A_413 = vector.broadcast %squeeze3A_133 : f32 to vector<16xf32>
      %mul3A_414 = arith.mulf %mul3A_413, %get3A_412 : vector<16xf32>
      %add3A_415 = arith.addf %mul3A_408, %mul3A_414 : vector<16xf32>
      %swap3A_416 = arith.index_cast %scan3A_126 : i32 to index
      %swap3A_417 = arith.constant 240 : index
      %swap3A_418 = tpu.vector_load %arg18[%swap3A_416, %swap3A_417] {strides = array<i32>} : memref<32x768xf32, #tpu.memory_space<vmem>>, vector<1x16xf32>,
      %swap3A_419 = vector.shape_cast %swap3A_418 : vector<1x16xf32> to vector<16xf32>
      %swap3A_420 = vector.shape_cast %add3A_415 : vector<16xf32> to vector<1x16xf32>
      tpu.vector_store %arg18[%swap3A_416, %swap3A_417], %swap3A_420 {strides = array<i32>} : memref<32x768xf32, #tpu.memory_space<vmem>>, vector<1x16xf32>,
      %get3A_421 = arith.index_cast %scan3A_126 : i32 to index
      %get3A_422 = arith.constant 256 : index
      %get3A_423 = tpu.vector_load %arg18[%get3A_421, %get3A_422] {strides = array<i32>} : memref<32x768xf32, #tpu.memory_space<vmem>>, vector<1x16xf32>,
      %get3A_424 = vector.shape_cast %get3A_423 : vector<1x16xf32> to vector<16xf32>
      %mul3A_425 = vector.broadcast %squeeze3A : f32 to vector<16xf32>
      %mul3A_426 = arith.mulf %mul3A_425, %get3A_424 : vector<16xf32>
      %get3A_427 = arith.index_cast %scan3A_126 : i32 to index
      %get3A_428 = arith.constant 256 : index
      %get3A_429 = tpu.vector_load %arg19[%get3A_427, %get3A_428] {strides = array<i32>} : memref<32x768xf32, #tpu.memory_space<vmem>>, vector<1x16xf32>,
      %get3A_430 = vector.shape_cast %get3A_429 : vector<1x16xf32> to vector<16xf32>
      %mul3A_431 = vector.broadcast %squeeze3A_133 : f32 to vector<16xf32>
      %mul3A_432 = arith.mulf %mul3A_431, %get3A_430 : vector<16xf32>
      %add3A_433 = arith.addf %mul3A_426, %mul3A_432 : vector<16xf32>
      %swap3A_434 = arith.index_cast %scan3A_126 : i32 to index
      %swap3A_435 = arith.constant 256 : index
      %swap3A_436 = tpu.vector_load %arg18[%swap3A_434, %swap3A_435] {strides = array<i32>} : memref<32x768xf32, #tpu.memory_space<vmem>>, vector<1x16xf32>,
      %swap3A_437 = vector.shape_cast %swap3A_436 : vector<1x16xf32> to vector<16xf32>
      %swap3A_438 = vector.shape_cast %add3A_433 : vector<16xf32> to vector<1x16xf32>
      tpu.vector_store %arg18[%swap3A_434, %swap3A_435], %swap3A_438 {strides = array<i32>} : memref<32x768xf32, #tpu.memory_space<vmem>>, vector<1x16xf32>,
      %get3A_439 = arith.index_cast %scan3A_126 : i32 to index
      %get3A_440 = arith.constant 272 : index
      %get3A_441 = tpu.vector_load %arg18[%get3A_439, %get3A_440] {strides = array<i32>} : memref<32x768xf32, #tpu.memory_space<vmem>>, vector<1x16xf32>,
      %get3A_442 = vector.shape_cast %get3A_441 : vector<1x16xf32> to vector<16xf32>
      %mul3A_443 = vector.broadcast %squeeze3A : f32 to vector<16xf32>
      %mul3A_444 = arith.mulf %mul3A_443, %get3A_442 : vector<16xf32>
      %get3A_445 = arith.index_cast %scan3A_126 : i32 to index
      %get3A_446 = arith.constant 272 : index
      %get3A_447 = tpu.vector_load %arg19[%get3A_445, %get3A_446] {strides = array<i32>} : memref<32x768xf32, #tpu.memory_space<vmem>>, vector<1x16xf32>,
      %get3A_448 = vector.shape_cast %get3A_447 : vector<1x16xf32> to vector<16xf32>
      %mul3A_449 = vector.broadcast %squeeze3A_133 : f32 to vector<16xf32>
      %mul3A_450 = arith.mulf %mul3A_449, %get3A_448 : vector<16xf32>
      %add3A_451 = arith.addf %mul3A_444, %mul3A_450 : vector<16xf32>
      %swap3A_452 = arith.index_cast %scan3A_126 : i32 to index
      %swap3A_453 = arith.constant 272 : index
      %swap3A_454 = tpu.vector_load %arg18[%swap3A_452, %swap3A_453] {strides = array<i32>} : memref<32x768xf32, #tpu.memory_space<vmem>>, vector<1x16xf32>,
      %swap3A_455 = vector.shape_cast %swap3A_454 : vector<1x16xf32> to vector<16xf32>
      %swap3A_456 = vector.shape_cast %add3A_451 : vector<16xf32> to vector<1x16xf32>
      tpu.vector_store %arg18[%swap3A_452, %swap3A_453], %swap3A_456 {strides = array<i32>} : memref<32x768xf32, #tpu.memory_space<vmem>>, vector<1x16xf32>,
      %get3A_457 = arith.index_cast %scan3A_126 : i32 to index
      %get3A_458 = arith.constant 288 : index
      %get3A_459 = tpu.vector_load %arg18[%get3A_457, %get3A_458] {strides = array<i32>} : memref<32x768xf32, #tpu.memory_space<vmem>>, vector<1x16xf32>,
      %get3A_460 = vector.shape_cast %get3A_459 : vector<1x16xf32> to vector<16xf32>
      %mul3A_461 = vector.broadcast %squeeze3A : f32 to vector<16xf32>
      %mul3A_462 = arith.mulf %mul3A_461, %get3A_460 : vector<16xf32>
      %get3A_463 = arith.index_cast %scan3A_126 : i32 to index
      %get3A_464 = arith.constant 288 : index
      %get3A_465 = tpu.vector_load %arg19[%get3A_463, %get3A_464] {strides = array<i32>} : memref<32x768xf32, #tpu.memory_space<vmem>>, vector<1x16xf32>,
      %get3A_466 = vector.shape_cast %get3A_465 : vector<1x16xf32> to vector<16xf32>
      %mul3A_467 = vector.broadcast %squeeze3A_133 : f32 to vector<16xf32>
      %mul3A_468 = arith.mulf %mul3A_467, %get3A_466 : vector<16xf32>
      %add3A_469 = arith.addf %mul3A_462, %mul3A_468 : vector<16xf32>
      %swap3A_470 = arith.index_cast %scan3A_126 : i32 to index
      %swap3A_471 = arith.constant 288 : index
      %swap3A_472 = tpu.vector_load %arg18[%swap3A_470, %swap3A_471] {strides = array<i32>} : memref<32x768xf32, #tpu.memory_space<vmem>>, vector<1x16xf32>,
      %swap3A_473 = vector.shape_cast %swap3A_472 : vector<1x16xf32> to vector<16xf32>
      %swap3A_474 = vector.shape_cast %add3A_469 : vector<16xf32> to vector<1x16xf32>
      tpu.vector_store %arg18[%swap3A_470, %swap3A_471], %swap3A_474 {strides = array<i32>} : memref<32x768xf32, #tpu.memory_space<vmem>>, vector<1x16xf32>,
      %get3A_475 = arith.index_cast %scan3A_126 : i32 to index
      %get3A_476 = arith.constant 304 : index
      %get3A_477 = tpu.vector_load %arg18[%get3A_475, %get3A_476] {strides = array<i32>} : memref<32x768xf32, #tpu.memory_space<vmem>>, vector<1x16xf32>,
      %get3A_478 = vector.shape_cast %get3A_477 : vector<1x16xf32> to vector<16xf32>
      %mul3A_479 = vector.broadcast %squeeze3A : f32 to vector<16xf32>
      %mul3A_480 = arith.mulf %mul3A_479, %get3A_478 : vector<16xf32>
      %get3A_481 = arith.index_cast %scan3A_126 : i32 to index
      %get3A_482 = arith.constant 304 : index
      %get3A_483 = tpu.vector_load %arg19[%get3A_481, %get3A_482] {strides = array<i32>} : memref<32x768xf32, #tpu.memory_space<vmem>>, vector<1x16xf32>,
      %get3A_484 = vector.shape_cast %get3A_483 : vector<1x16xf32> to vector<16xf32>
      %mul3A_485 = vector.broadcast %squeeze3A_133 : f32 to vector<16xf32>
      %mul3A_486 = arith.mulf %mul3A_485, %get3A_484 : vector<16xf32>
      %add3A_487 = arith.addf %mul3A_480, %mul3A_486 : vector<16xf32>
      %swap3A_488 = arith.index_cast %scan3A_126 : i32 to index
      %swap3A_489 = arith.constant 304 : index
      %swap3A_490 = tpu.vector_load %arg18[%swap3A_488, %swap3A_489] {strides = array<i32>} : memref<32x768xf32, #tpu.memory_space<vmem>>, vector<1x16xf32>,
      %swap3A_491 = vector.shape_cast %swap3A_490 : vector<1x16xf32> to vector<16xf32>
      %swap3A_492 = vector.shape_cast %add3A_487 : vector<16xf32> to vector<1x16xf32>
      tpu.vector_store %arg18[%swap3A_488, %swap3A_489], %swap3A_492 {strides = array<i32>} : memref<32x768xf32, #tpu.memory_space<vmem>>, vector<1x16xf32>,
      %get3A_493 = arith.index_cast %scan3A_126 : i32 to index
      %get3A_494 = arith.constant 320 : index
      %get3A_495 = tpu.vector_load %arg18[%get3A_493, %get3A_494] {strides = array<i32>} : memref<32x768xf32, #tpu.memory_space<vmem>>, vector<1x16xf32>,
      %get3A_496 = vector.shape_cast %get3A_495 : vector<1x16xf32> to vector<16xf32>
      %mul3A_497 = vector.broadcast %squeeze3A : f32 to vector<16xf32>
      %mul3A_498 = arith.mulf %mul3A_497, %get3A_496 : vector<16xf32>
      %get3A_499 = arith.index_cast %scan3A_126 : i32 to index
      %get3A_500 = arith.constant 320 : index
      %get3A_501 = tpu.vector_load %arg19[%get3A_499, %get3A_500] {strides = array<i32>} : memref<32x768xf32, #tpu.memory_space<vmem>>, vector<1x16xf32>,
      %get3A_502 = vector.shape_cast %get3A_501 : vector<1x16xf32> to vector<16xf32>
      %mul3A_503 = vector.broadcast %squeeze3A_133 : f32 to vector<16xf32>
      %mul3A_504 = arith.mulf %mul3A_503, %get3A_502 : vector<16xf32>
      %add3A_505 = arith.addf %mul3A_498, %mul3A_504 : vector<16xf32>
      %swap3A_506 = arith.index_cast %scan3A_126 : i32 to index
      %swap3A_507 = arith.constant 320 : index
      %swap3A_508 = tpu.vector_load %arg18[%swap3A_506, %swap3A_507] {strides = array<i32>} : memref<32x768xf32, #tpu.memory_space<vmem>>, vector<1x16xf32>,
      %swap3A_509 = vector.shape_cast %swap3A_508 : vector<1x16xf32> to vector<16xf32>
      %swap3A_510 = vector.shape_cast %add3A_505 : vector<16xf32> to vector<1x16xf32>
      tpu.vector_store %arg18[%swap3A_506, %swap3A_507], %swap3A_510 {strides = array<i32>} : memref<32x768xf32, #tpu.memory_space<vmem>>, vector<1x16xf32>,
      %get3A_511 = arith.index_cast %scan3A_126 : i32 to index
      %get3A_512 = arith.constant 336 : index
      %get3A_513 = tpu.vector_load %arg18[%get3A_511, %get3A_512] {strides = array<i32>} : memref<32x768xf32, #tpu.memory_space<vmem>>, vector<1x16xf32>,
      %get3A_514 = vector.shape_cast %get3A_513 : vector<1x16xf32> to vector<16xf32>
      %mul3A_515 = vector.broadcast %squeeze3A : f32 to vector<16xf32>
      %mul3A_516 = arith.mulf %mul3A_515, %get3A_514 : vector<16xf32>
      %get3A_517 = arith.index_cast %scan3A_126 : i32 to index
      %get3A_518 = arith.constant 336 : index
      %get3A_519 = tpu.vector_load %arg19[%get3A_517, %get3A_518] {strides = array<i32>} : memref<32x768xf32, #tpu.memory_space<vmem>>, vector<1x16xf32>,
      %get3A_520 = vector.shape_cast %get3A_519 : vector<1x16xf32> to vector<16xf32>
      %mul3A_521 = vector.broadcast %squeeze3A_133 : f32 to vector<16xf32>
      %mul3A_522 = arith.mulf %mul3A_521, %get3A_520 : vector<16xf32>
      %add3A_523 = arith.addf %mul3A_516, %mul3A_522 : vector<16xf32>
      %swap3A_524 = arith.index_cast %scan3A_126 : i32 to index
      %swap3A_525 = arith.constant 336 : index
      %swap3A_526 = tpu.vector_load %arg18[%swap3A_524, %swap3A_525] {strides = array<i32>} : memref<32x768xf32, #tpu.memory_space<vmem>>, vector<1x16xf32>,
      %swap3A_527 = vector.shape_cast %swap3A_526 : vector<1x16xf32> to vector<16xf32>
      %swap3A_528 = vector.shape_cast %add3A_523 : vector<16xf32> to vector<1x16xf32>
      tpu.vector_store %arg18[%swap3A_524, %swap3A_525], %swap3A_528 {strides = array<i32>} : memref<32x768xf32, #tpu.memory_space<vmem>>, vector<1x16xf32>,
      %get3A_529 = arith.index_cast %scan3A_126 : i32 to index
      %get3A_530 = arith.constant 352 : index
      %get3A_531 = tpu.vector_load %arg18[%get3A_529, %get3A_530] {strides = array<i32>} : memref<32x768xf32, #tpu.memory_space<vmem>>, vector<1x16xf32>,
      %get3A_532 = vector.shape_cast %get3A_531 : vector<1x16xf32> to vector<16xf32>
      %mul3A_533 = vector.broadcast %squeeze3A : f32 to vector<16xf32>
      %mul3A_534 = arith.mulf %mul3A_533, %get3A_532 : vector<16xf32>
      %get3A_535 = arith.index_cast %scan3A_126 : i32 to index
      %get3A_536 = arith.constant 352 : index
      %get3A_537 = tpu.vector_load %arg19[%get3A_535, %get3A_536] {strides = array<i32>} : memref<32x768xf32, #tpu.memory_space<vmem>>, vector<1x16xf32>,
      %get3A_538 = vector.shape_cast %get3A_537 : vector<1x16xf32> to vector<16xf32>
      %mul3A_539 = vector.broadcast %squeeze3A_133 : f32 to vector<16xf32>
      %mul3A_540 = arith.mulf %mul3A_539, %get3A_538 : vector<16xf32>
      %add3A_541 = arith.addf %mul3A_534, %mul3A_540 : vector<16xf32>
      %swap3A_542 = arith.index_cast %scan3A_126 : i32 to index
      %swap3A_543 = arith.constant 352 : index
      %swap3A_544 = tpu.vector_load %arg18[%swap3A_542, %swap3A_543] {strides = array<i32>} : memref<32x768xf32, #tpu.memory_space<vmem>>, vector<1x16xf32>,
      %swap3A_545 = vector.shape_cast %swap3A_544 : vector<1x16xf32> to vector<16xf32>
      %swap3A_546 = vector.shape_cast %add3A_541 : vector<16xf32> to vector<1x16xf32>
      tpu.vector_store %arg18[%swap3A_542, %swap3A_543], %swap3A_546 {strides = array<i32>} : memref<32x768xf32, #tpu.memory_space<vmem>>, vector<1x16xf32>,
      %get3A_547 = arith.index_cast %scan3A_126 : i32 to index
      %get3A_548 = arith.constant 368 : index
      %get3A_549 = tpu.vector_load %arg18[%get3A_547, %get3A_548] {strides = array<i32>} : memref<32x768xf32, #tpu.memory_space<vmem>>, vector<1x16xf32>,
      %get3A_550 = vector.shape_cast %get3A_549 : vector<1x16xf32> to vector<16xf32>
      %mul3A_551 = vector.broadcast %squeeze3A : f32 to vector<16xf32>
      %mul3A_552 = arith.mulf %mul3A_551, %get3A_550 : vector<16xf32>
      %get3A_553 = arith.index_cast %scan3A_126 : i32 to index
      %get3A_554 = arith.constant 368 : index
      %get3A_555 = tpu.vector_load %arg19[%get3A_553, %get3A_554] {strides = array<i32>} : memref<32x768xf32, #tpu.memory_space<vmem>>, vector<1x16xf32>,
      %get3A_556 = vector.shape_cast %get3A_555 : vector<1x16xf32> to vector<16xf32>
      %mul3A_557 = vector.broadcast %squeeze3A_133 : f32 to vector<16xf32>
      %mul3A_558 = arith.mulf %mul3A_557, %get3A_556 : vector<16xf32>
      %add3A_559 = arith.addf %mul3A_552, %mul3A_558 : vector<16xf32>
      %swap3A_560 = arith.index_cast %scan3A_126 : i32 to index
      %swap3A_561 = arith.constant 368 : index
      %swap3A_562 = tpu.vector_load %arg18[%swap3A_560, %swap3A_561] {strides = array<i32>} : memref<32x768xf32, #tpu.memory_space<vmem>>, vector<1x16xf32>,
      %swap3A_563 = vector.shape_cast %swap3A_562 : vector<1x16xf32> to vector<16xf32>
      %swap3A_564 = vector.shape_cast %add3A_559 : vector<16xf32> to vector<1x16xf32>
      tpu.vector_store %arg18[%swap3A_560, %swap3A_561], %swap3A_564 {strides = array<i32>} : memref<32x768xf32, #tpu.memory_space<vmem>>, vector<1x16xf32>,
      %get3A_565 = arith.index_cast %scan3A_126 : i32 to index
      %get3A_566 = arith.constant 384 : index
      %get3A_567 = tpu.vector_load %arg18[%get3A_565, %get3A_566] {strides = array<i32>} : memref<32x768xf32, #tpu.memory_space<vmem>>, vector<1x16xf32>,
      %get3A_568 = vector.shape_cast %get3A_567 : vector<1x16xf32> to vector<16xf32>
      %mul3A_569 = vector.broadcast %squeeze3A : f32 to vector<16xf32>
      %mul3A_570 = arith.mulf %mul3A_569, %get3A_568 : vector<16xf32>
      %get3A_571 = arith.index_cast %scan3A_126 : i32 to index
      %get3A_572 = arith.constant 384 : index
      %get3A_573 = tpu.vector_load %arg19[%get3A_571, %get3A_572] {strides = array<i32>} : memref<32x768xf32, #tpu.memory_space<vmem>>, vector<1x16xf32>,
      %get3A_574 = vector.shape_cast %get3A_573 : vector<1x16xf32> to vector<16xf32>
      %mul3A_575 = vector.broadcast %squeeze3A_133 : f32 to vector<16xf32>
      %mul3A_576 = arith.mulf %mul3A_575, %get3A_574 : vector<16xf32>
      %add3A_577 = arith.addf %mul3A_570, %mul3A_576 : vector<16xf32>
      %swap3A_578 = arith.index_cast %scan3A_126 : i32 to index
      %swap3A_579 = arith.constant 384 : index
      %swap3A_580 = tpu.vector_load %arg18[%swap3A_578, %swap3A_579] {strides = array<i32>} : memref<32x768xf32, #tpu.memory_space<vmem>>, vector<1x16xf32>,
      %swap3A_581 = vector.shape_cast %swap3A_580 : vector<1x16xf32> to vector<16xf32>
      %swap3A_582 = vector.shape_cast %add3A_577 : vector<16xf32> to vector<1x16xf32>
      tpu.vector_store %arg18[%swap3A_578, %swap3A_579], %swap3A_582 {strides = array<i32>} : memref<32x768xf32, #tpu.memory_space<vmem>>, vector<1x16xf32>,
      %get3A_583 = arith.index_cast %scan3A_126 : i32 to index
      %get3A_584 = arith.constant 400 : index
      %get3A_585 = tpu.vector_load %arg18[%get3A_583, %get3A_584] {strides = array<i32>} : memref<32x768xf32, #tpu.memory_space<vmem>>, vector<1x16xf32>,
      %get3A_586 = vector.shape_cast %get3A_585 : vector<1x16xf32> to vector<16xf32>
      %mul3A_587 = vector.broadcast %squeeze3A : f32 to vector<16xf32>
      %mul3A_588 = arith.mulf %mul3A_587, %get3A_586 : vector<16xf32>
      %get3A_589 = arith.index_cast %scan3A_126 : i32 to index
      %get3A_590 = arith.constant 400 : index
      %get3A_591 = tpu.vector_load %arg19[%get3A_589, %get3A_590] {strides = array<i32>} : memref<32x768xf32, #tpu.memory_space<vmem>>, vector<1x16xf32>,
      %get3A_592 = vector.shape_cast %get3A_591 : vector<1x16xf32> to vector<16xf32>
      %mul3A_593 = vector.broadcast %squeeze3A_133 : f32 to vector<16xf32>
      %mul3A_594 = arith.mulf %mul3A_593, %get3A_592 : vector<16xf32>
      %add3A_595 = arith.addf %mul3A_588, %mul3A_594 : vector<16xf32>
      %swap3A_596 = arith.index_cast %scan3A_126 : i32 to index
      %swap3A_597 = arith.constant 400 : index
      %swap3A_598 = tpu.vector_load %arg18[%swap3A_596, %swap3A_597] {strides = array<i32>} : memref<32x768xf32, #tpu.memory_space<vmem>>, vector<1x16xf32>,
      %swap3A_599 = vector.shape_cast %swap3A_598 : vector<1x16xf32> to vector<16xf32>
      %swap3A_600 = vector.shape_cast %add3A_595 : vector<16xf32> to vector<1x16xf32>
      tpu.vector_store %arg18[%swap3A_596, %swap3A_597], %swap3A_600 {strides = array<i32>} : memref<32x768xf32, #tpu.memory_space<vmem>>, vector<1x16xf32>,
      %get3A_601 = arith.index_cast %scan3A_126 : i32 to index
      %get3A_602 = arith.constant 416 : index
      %get3A_603 = tpu.vector_load %arg18[%get3A_601, %get3A_602] {strides = array<i32>} : memref<32x768xf32, #tpu.memory_space<vmem>>, vector<1x16xf32>,
      %get3A_604 = vector.shape_cast %get3A_603 : vector<1x16xf32> to vector<16xf32>
      %mul3A_605 = vector.broadcast %squeeze3A : f32 to vector<16xf32>
      %mul3A_606 = arith.mulf %mul3A_605, %get3A_604 : vector<16xf32>
      %get3A_607 = arith.index_cast %scan3A_126 : i32 to index
      %get3A_608 = arith.constant 416 : index
      %get3A_609 = tpu.vector_load %arg19[%get3A_607, %get3A_608] {strides = array<i32>} : memref<32x768xf32, #tpu.memory_space<vmem>>, vector<1x16xf32>,
      %get3A_610 = vector.shape_cast %get3A_609 : vector<1x16xf32> to vector<16xf32>
      %mul3A_611 = vector.broadcast %squeeze3A_133 : f32 to vector<16xf32>
      %mul3A_612 = arith.mulf %mul3A_611, %get3A_610 : vector<16xf32>
      %add3A_613 = arith.addf %mul3A_606, %mul3A_612 : vector<16xf32>
      %swap3A_614 = arith.index_cast %scan3A_126 : i32 to index
      %swap3A_615 = arith.constant 416 : index
      %swap3A_616 = tpu.vector_load %arg18[%swap3A_614, %swap3A_615] {strides = array<i32>} : memref<32x768xf32, #tpu.memory_space<vmem>>, vector<1x16xf32>,
      %swap3A_617 = vector.shape_cast %swap3A_616 : vector<1x16xf32> to vector<16xf32>
      %swap3A_618 = vector.shape_cast %add3A_613 : vector<16xf32> to vector<1x16xf32>
      tpu.vector_store %arg18[%swap3A_614, %swap3A_615], %swap3A_618 {strides = array<i32>} : memref<32x768xf32, #tpu.memory_space<vmem>>, vector<1x16xf32>,
      %get3A_619 = arith.index_cast %scan3A_126 : i32 to index
      %get3A_620 = arith.constant 432 : index
      %get3A_621 = tpu.vector_load %arg18[%get3A_619, %get3A_620] {strides = array<i32>} : memref<32x768xf32, #tpu.memory_space<vmem>>, vector<1x16xf32>,
      %get3A_622 = vector.shape_cast %get3A_621 : vector<1x16xf32> to vector<16xf32>
      %mul3A_623 = vector.broadcast %squeeze3A : f32 to vector<16xf32>
      %mul3A_624 = arith.mulf %mul3A_623, %get3A_622 : vector<16xf32>
      %get3A_625 = arith.index_cast %scan3A_126 : i32 to index
      %get3A_626 = arith.constant 432 : index
      %get3A_627 = tpu.vector_load %arg19[%get3A_625, %get3A_626] {strides = array<i32>} : memref<32x768xf32, #tpu.memory_space<vmem>>, vector<1x16xf32>,
      %get3A_628 = vector.shape_cast %get3A_627 : vector<1x16xf32> to vector<16xf32>
      %mul3A_629 = vector.broadcast %squeeze3A_133 : f32 to vector<16xf32>
      %mul3A_630 = arith.mulf %mul3A_629, %get3A_628 : vector<16xf32>
      %add3A_631 = arith.addf %mul3A_624, %mul3A_630 : vector<16xf32>
      %swap3A_632 = arith.index_cast %scan3A_126 : i32 to index
      %swap3A_633 = arith.constant 432 : index
      %swap3A_634 = tpu.vector_load %arg18[%swap3A_632, %swap3A_633] {strides = array<i32>} : memref<32x768xf32, #tpu.memory_space<vmem>>, vector<1x16xf32>,
      %swap3A_635 = vector.shape_cast %swap3A_634 : vector<1x16xf32> to vector<16xf32>
      %swap3A_636 = vector.shape_cast %add3A_631 : vector<16xf32> to vector<1x16xf32>
      tpu.vector_store %arg18[%swap3A_632, %swap3A_633], %swap3A_636 {strides = array<i32>} : memref<32x768xf32, #tpu.memory_space<vmem>>, vector<1x16xf32>,
      %get3A_637 = arith.index_cast %scan3A_126 : i32 to index
      %get3A_638 = arith.constant 448 : index
      %get3A_639 = tpu.vector_load %arg18[%get3A_637, %get3A_638] {strides = array<i32>} : memref<32x768xf32, #tpu.memory_space<vmem>>, vector<1x16xf32>,
      %get3A_640 = vector.shape_cast %get3A_639 : vector<1x16xf32> to vector<16xf32>
      %mul3A_641 = vector.broadcast %squeeze3A : f32 to vector<16xf32>
      %mul3A_642 = arith.mulf %mul3A_641, %get3A_640 : vector<16xf32>
      %get3A_643 = arith.index_cast %scan3A_126 : i32 to index
      %get3A_644 = arith.constant 448 : index
      %get3A_645 = tpu.vector_load %arg19[%get3A_643, %get3A_644] {strides = array<i32>} : memref<32x768xf32, #tpu.memory_space<vmem>>, vector<1x16xf32>,
      %get3A_646 = vector.shape_cast %get3A_645 : vector<1x16xf32> to vector<16xf32>
      %mul3A_647 = vector.broadcast %squeeze3A_133 : f32 to vector<16xf32>
      %mul3A_648 = arith.mulf %mul3A_647, %get3A_646 : vector<16xf32>
      %add3A_649 = arith.addf %mul3A_642, %mul3A_648 : vector<16xf32>
      %swap3A_650 = arith.index_cast %scan3A_126 : i32 to index
      %swap3A_651 = arith.constant 448 : index
      %swap3A_652 = tpu.vector_load %arg18[%swap3A_650, %swap3A_651] {strides = array<i32>} : memref<32x768xf32, #tpu.memory_space<vmem>>, vector<1x16xf32>,
      %swap3A_653 = vector.shape_cast %swap3A_652 : vector<1x16xf32> to vector<16xf32>
      %swap3A_654 = vector.shape_cast %add3A_649 : vector<16xf32> to vector<1x16xf32>
      tpu.vector_store %arg18[%swap3A_650, %swap3A_651], %swap3A_654 {strides = array<i32>} : memref<32x768xf32, #tpu.memory_space<vmem>>, vector<1x16xf32>,
      %get3A_655 = arith.index_cast %scan3A_126 : i32 to index
      %get3A_656 = arith.constant 464 : index
      %get3A_657 = tpu.vector_load %arg18[%get3A_655, %get3A_656] {strides = array<i32>} : memref<32x768xf32, #tpu.memory_space<vmem>>, vector<1x16xf32>,
      %get3A_658 = vector.shape_cast %get3A_657 : vector<1x16xf32> to vector<16xf32>
      %mul3A_659 = vector.broadcast %squeeze3A : f32 to vector<16xf32>
      %mul3A_660 = arith.mulf %mul3A_659, %get3A_658 : vector<16xf32>
      %get3A_661 = arith.index_cast %scan3A_126 : i32 to index
      %get3A_662 = arith.constant 464 : index
      %get3A_663 = tpu.vector_load %arg19[%get3A_661, %get3A_662] {strides = array<i32>} : memref<32x768xf32, #tpu.memory_space<vmem>>, vector<1x16xf32>,
      %get3A_664 = vector.shape_cast %get3A_663 : vector<1x16xf32> to vector<16xf32>
      %mul3A_665 = vector.broadcast %squeeze3A_133 : f32 to vector<16xf32>
      %mul3A_666 = arith.mulf %mul3A_665, %get3A_664 : vector<16xf32>
      %add3A_667 = arith.addf %mul3A_660, %mul3A_666 : vector<16xf32>
      %swap3A_668 = arith.index_cast %scan3A_126 : i32 to index
      %swap3A_669 = arith.constant 464 : index
      %swap3A_670 = tpu.vector_load %arg18[%swap3A_668, %swap3A_669] {strides = array<i32>} : memref<32x768xf32, #tpu.memory_space<vmem>>, vector<1x16xf32>,
      %swap3A_671 = vector.shape_cast %swap3A_670 : vector<1x16xf32> to vector<16xf32>
      %swap3A_672 = vector.shape_cast %add3A_667 : vector<16xf32> to vector<1x16xf32>
      tpu.vector_store %arg18[%swap3A_668, %swap3A_669], %swap3A_672 {strides = array<i32>} : memref<32x768xf32, #tpu.memory_space<vmem>>, vector<1x16xf32>,
      %get3A_673 = arith.index_cast %scan3A_126 : i32 to index
      %get3A_674 = arith.constant 480 : index
      %get3A_675 = tpu.vector_load %arg18[%get3A_673, %get3A_674] {strides = array<i32>} : memref<32x768xf32, #tpu.memory_space<vmem>>, vector<1x16xf32>,
      %get3A_676 = vector.shape_cast %get3A_675 : vector<1x16xf32> to vector<16xf32>
      %mul3A_677 = vector.broadcast %squeeze3A : f32 to vector<16xf32>
      %mul3A_678 = arith.mulf %mul3A_677, %get3A_676 : vector<16xf32>
      %get3A_679 = arith.index_cast %scan3A_126 : i32 to index
      %get3A_680 = arith.constant 480 : index
      %get3A_681 = tpu.vector_load %arg19[%get3A_679, %get3A_680] {strides = array<i32>} : memref<32x768xf32, #tpu.memory_space<vmem>>, vector<1x16xf32>,
      %get3A_682 = vector.shape_cast %get3A_681 : vector<1x16xf32> to vector<16xf32>
      %mul3A_683 = vector.broadcast %squeeze3A_133 : f32 to vector<16xf32>
      %mul3A_684 = arith.mulf %mul3A_683, %get3A_682 : vector<16xf32>
      %add3A_685 = arith.addf %mul3A_678, %mul3A_684 : vector<16xf32>
      %swap3A_686 = arith.index_cast %scan3A_126 : i32 to index
      %swap3A_687 = arith.constant 480 : index
      %swap3A_688 = tpu.vector_load %arg18[%swap3A_686, %swap3A_687] {strides = array<i32>} : memref<32x768xf32, #tpu.memory_space<vmem>>, vector<1x16xf32>,
      %swap3A_689 = vector.shape_cast %swap3A_688 : vector<1x16xf32> to vector<16xf32>
      %swap3A_690 = vector.shape_cast %add3A_685 : vector<16xf32> to vector<1x16xf32>
      tpu.vector_store %arg18[%swap3A_686, %swap3A_687], %swap3A_690 {strides = array<i32>} : memref<32x768xf32, #tpu.memory_space<vmem>>, vector<1x16xf32>,
      %get3A_691 = arith.index_cast %scan3A_126 : i32 to index
      %get3A_692 = arith.constant 496 : index
      %get3A_693 = tpu.vector_load %arg18[%get3A_691, %get3A_692] {strides = array<i32>} : memref<32x768xf32, #tpu.memory_space<vmem>>, vector<1x16xf32>,
      %get3A_694 = vector.shape_cast %get3A_693 : vector<1x16xf32> to vector<16xf32>
      %mul3A_695 = vector.broadcast %squeeze3A : f32 to vector<16xf32>
      %mul3A_696 = arith.mulf %mul3A_695, %get3A_694 : vector<16xf32>
      %get3A_697 = arith.index_cast %scan3A_126 : i32 to index
      %get3A_698 = arith.constant 496 : index
      %get3A_699 = tpu.vector_load %arg19[%get3A_697, %get3A_698] {strides = array<i32>} : memref<32x768xf32, #tpu.memory_space<vmem>>, vector<1x16xf32>,
      %get3A_700 = vector.shape_cast %get3A_699 : vector<1x16xf32> to vector<16xf32>
      %mul3A_701 = vector.broadcast %squeeze3A_133 : f32 to vector<16xf32>
      %mul3A_702 = arith.mulf %mul3A_701, %get3A_700 : vector<16xf32>
      %add3A_703 = arith.addf %mul3A_696, %mul3A_702 : vector<16xf32>
      %swap3A_704 = arith.index_cast %scan3A_126 : i32 to index
      %swap3A_705 = arith.constant 496 : index
      %swap3A_706 = tpu.vector_load %arg18[%swap3A_704, %swap3A_705] {strides = array<i32>} : memref<32x768xf32, #tpu.memory_space<vmem>>, vector<1x16xf32>,
      %swap3A_707 = vector.shape_cast %swap3A_706 : vector<1x16xf32> to vector<16xf32>
      %swap3A_708 = vector.shape_cast %add3A_703 : vector<16xf32> to vector<1x16xf32>
      tpu.vector_store %arg18[%swap3A_704, %swap3A_705], %swap3A_708 {strides = array<i32>} : memref<32x768xf32, #tpu.memory_space<vmem>>, vector<1x16xf32>,
      %get3A_709 = arith.index_cast %scan3A_126 : i32 to index
      %get3A_710 = arith.constant 512 : index
      %get3A_711 = tpu.vector_load %arg18[%get3A_709, %get3A_710] {strides = array<i32>} : memref<32x768xf32, #tpu.memory_space<vmem>>, vector<1x16xf32>,
      %get3A_712 = vector.shape_cast %get3A_711 : vector<1x16xf32> to vector<16xf32>
      %mul3A_713 = vector.broadcast %squeeze3A : f32 to vector<16xf32>
      %mul3A_714 = arith.mulf %mul3A_713, %get3A_712 : vector<16xf32>
      %get3A_715 = arith.index_cast %scan3A_126 : i32 to index
      %get3A_716 = arith.constant 512 : index
      %get3A_717 = tpu.vector_load %arg19[%get3A_715, %get3A_716] {strides = array<i32>} : memref<32x768xf32, #tpu.memory_space<vmem>>, vector<1x16xf32>,
      %get3A_718 = vector.shape_cast %get3A_717 : vector<1x16xf32> to vector<16xf32>
      %mul3A_719 = vector.broadcast %squeeze3A_133 : f32 to vector<16xf32>
      %mul3A_720 = arith.mulf %mul3A_719, %get3A_718 : vector<16xf32>
      %add3A_721 = arith.addf %mul3A_714, %mul3A_720 : vector<16xf32>
      %swap3A_722 = arith.index_cast %scan3A_126 : i32 to index
      %swap3A_723 = arith.constant 512 : index
      %swap3A_724 = tpu.vector_load %arg18[%swap3A_722, %swap3A_723] {strides = array<i32>} : memref<32x768xf32, #tpu.memory_space<vmem>>, vector<1x16xf32>,
      %swap3A_725 = vector.shape_cast %swap3A_724 : vector<1x16xf32> to vector<16xf32>
      %swap3A_726 = vector.shape_cast %add3A_721 : vector<16xf32> to vector<1x16xf32>
      tpu.vector_store %arg18[%swap3A_722, %swap3A_723], %swap3A_726 {strides = array<i32>} : memref<32x768xf32, #tpu.memory_space<vmem>>, vector<1x16xf32>,
      %get3A_727 = arith.index_cast %scan3A_126 : i32 to index
      %get3A_728 = arith.constant 528 : index
      %get3A_729 = tpu.vector_load %arg18[%get3A_727, %get3A_728] {strides = array<i32>} : memref<32x768xf32, #tpu.memory_space<vmem>>, vector<1x16xf32>,
      %get3A_730 = vector.shape_cast %get3A_729 : vector<1x16xf32> to vector<16xf32>
      %mul3A_731 = vector.broadcast %squeeze3A : f32 to vector<16xf32>
      %mul3A_732 = arith.mulf %mul3A_731, %get3A_730 : vector<16xf32>
      %get3A_733 = arith.index_cast %scan3A_126 : i32 to index
      %get3A_734 = arith.constant 528 : index
      %get3A_735 = tpu.vector_load %arg19[%get3A_733, %get3A_734] {strides = array<i32>} : memref<32x768xf32, #tpu.memory_space<vmem>>, vector<1x16xf32>,
      %get3A_736 = vector.shape_cast %get3A_735 : vector<1x16xf32> to vector<16xf32>
      %mul3A_737 = vector.broadcast %squeeze3A_133 : f32 to vector<16xf32>
      %mul3A_738 = arith.mulf %mul3A_737, %get3A_736 : vector<16xf32>
      %add3A_739 = arith.addf %mul3A_732, %mul3A_738 : vector<16xf32>
      %swap3A_740 = arith.index_cast %scan3A_126 : i32 to index
      %swap3A_741 = arith.constant 528 : index
      %swap3A_742 = tpu.vector_load %arg18[%swap3A_740, %swap3A_741] {strides = array<i32>} : memref<32x768xf32, #tpu.memory_space<vmem>>, vector<1x16xf32>,
      %swap3A_743 = vector.shape_cast %swap3A_742 : vector<1x16xf32> to vector<16xf32>
      %swap3A_744 = vector.shape_cast %add3A_739 : vector<16xf32> to vector<1x16xf32>
      tpu.vector_store %arg18[%swap3A_740, %swap3A_741], %swap3A_744 {strides = array<i32>} : memref<32x768xf32, #tpu.memory_space<vmem>>, vector<1x16xf32>,
      %get3A_745 = arith.index_cast %scan3A_126 : i32 to index
      %get3A_746 = arith.constant 544 : index
      %get3A_747 = tpu.vector_load %arg18[%get3A_745, %get3A_746] {strides = array<i32>} : memref<32x768xf32, #tpu.memory_space<vmem>>, vector<1x16xf32>,
      %get3A_748 = vector.shape_cast %get3A_747 : vector<1x16xf32> to vector<16xf32>
      %mul3A_749 = vector.broadcast %squeeze3A : f32 to vector<16xf32>
      %mul3A_750 = arith.mulf %mul3A_749, %get3A_748 : vector<16xf32>
      %get3A_751 = arith.index_cast %scan3A_126 : i32 to index
      %get3A_752 = arith.constant 544 : index
      %get3A_753 = tpu.vector_load %arg19[%get3A_751, %get3A_752] {strides = array<i32>} : memref<32x768xf32, #tpu.memory_space<vmem>>, vector<1x16xf32>,
      %get3A_754 = vector.shape_cast %get3A_753 : vector<1x16xf32> to vector<16xf32>
      %mul3A_755 = vector.broadcast %squeeze3A_133 : f32 to vector<16xf32>
      %mul3A_756 = arith.mulf %mul3A_755, %get3A_754 : vector<16xf32>
      %add3A_757 = arith.addf %mul3A_750, %mul3A_756 : vector<16xf32>
      %swap3A_758 = arith.index_cast %scan3A_126 : i32 to index
      %swap3A_759 = arith.constant 544 : index
      %swap3A_760 = tpu.vector_load %arg18[%swap3A_758, %swap3A_759] {strides = array<i32>} : memref<32x768xf32, #tpu.memory_space<vmem>>, vector<1x16xf32>,
      %swap3A_761 = vector.shape_cast %swap3A_760 : vector<1x16xf32> to vector<16xf32>
      %swap3A_762 = vector.shape_cast %add3A_757 : vector<16xf32> to vector<1x16xf32>
      tpu.vector_store %arg18[%swap3A_758, %swap3A_759], %swap3A_762 {strides = array<i32>} : memref<32x768xf32, #tpu.memory_space<vmem>>, vector<1x16xf32>,
      %get3A_763 = arith.index_cast %scan3A_126 : i32 to index
      %get3A_764 = arith.constant 560 : index
      %get3A_765 = tpu.vector_load %arg18[%get3A_763, %get3A_764] {strides = array<i32>} : memref<32x768xf32, #tpu.memory_space<vmem>>, vector<1x16xf32>,
      %get3A_766 = vector.shape_cast %get3A_765 : vector<1x16xf32> to vector<16xf32>
      %mul3A_767 = vector.broadcast %squeeze3A : f32 to vector<16xf32>
      %mul3A_768 = arith.mulf %mul3A_767, %get3A_766 : vector<16xf32>
      %get3A_769 = arith.index_cast %scan3A_126 : i32 to index
      %get3A_770 = arith.constant 560 : index
      %get3A_771 = tpu.vector_load %arg19[%get3A_769, %get3A_770] {strides = array<i32>} : memref<32x768xf32, #tpu.memory_space<vmem>>, vector<1x16xf32>,
      %get3A_772 = vector.shape_cast %get3A_771 : vector<1x16xf32> to vector<16xf32>
      %mul3A_773 = vector.broadcast %squeeze3A_133 : f32 to vector<16xf32>
      %mul3A_774 = arith.mulf %mul3A_773, %get3A_772 : vector<16xf32>
      %add3A_775 = arith.addf %mul3A_768, %mul3A_774 : vector<16xf32>
      %swap3A_776 = arith.index_cast %scan3A_126 : i32 to index
      %swap3A_777 = arith.constant 560 : index
      %swap3A_778 = tpu.vector_load %arg18[%swap3A_776, %swap3A_777] {strides = array<i32>} : memref<32x768xf32, #tpu.memory_space<vmem>>, vector<1x16xf32>,
      %swap3A_779 = vector.shape_cast %swap3A_778 : vector<1x16xf32> to vector<16xf32>
      %swap3A_780 = vector.shape_cast %add3A_775 : vector<16xf32> to vector<1x16xf32>
      tpu.vector_store %arg18[%swap3A_776, %swap3A_777], %swap3A_780 {strides = array<i32>} : memref<32x768xf32, #tpu.memory_space<vmem>>, vector<1x16xf32>,
      %get3A_781 = arith.index_cast %scan3A_126 : i32 to index
      %get3A_782 = arith.constant 576 : index
      %get3A_783 = tpu.vector_load %arg18[%get3A_781, %get3A_782] {strides = array<i32>} : memref<32x768xf32, #tpu.memory_space<vmem>>, vector<1x16xf32>,
      %get3A_784 = vector.shape_cast %get3A_783 : vector<1x16xf32> to vector<16xf32>
      %mul3A_785 = vector.broadcast %squeeze3A : f32 to vector<16xf32>
      %mul3A_786 = arith.mulf %mul3A_785, %get3A_784 : vector<16xf32>
      %get3A_787 = arith.index_cast %scan3A_126 : i32 to index
      %get3A_788 = arith.constant 576 : index
      %get3A_789 = tpu.vector_load %arg19[%get3A_787, %get3A_788] {strides = array<i32>} : memref<32x768xf32, #tpu.memory_space<vmem>>, vector<1x16xf32>,
      %get3A_790 = vector.shape_cast %get3A_789 : vector<1x16xf32> to vector<16xf32>
      %mul3A_791 = vector.broadcast %squeeze3A_133 : f32 to vector<16xf32>
      %mul3A_792 = arith.mulf %mul3A_791, %get3A_790 : vector<16xf32>
      %add3A_793 = arith.addf %mul3A_786, %mul3A_792 : vector<16xf32>
      %swap3A_794 = arith.index_cast %scan3A_126 : i32 to index
      %swap3A_795 = arith.constant 576 : index
      %swap3A_796 = tpu.vector_load %arg18[%swap3A_794, %swap3A_795] {strides = array<i32>} : memref<32x768xf32, #tpu.memory_space<vmem>>, vector<1x16xf32>,
      %swap3A_797 = vector.shape_cast %swap3A_796 : vector<1x16xf32> to vector<16xf32>
      %swap3A_798 = vector.shape_cast %add3A_793 : vector<16xf32> to vector<1x16xf32>
      tpu.vector_store %arg18[%swap3A_794, %swap3A_795], %swap3A_798 {strides = array<i32>} : memref<32x768xf32, #tpu.memory_space<vmem>>, vector<1x16xf32>,
      %get3A_799 = arith.index_cast %scan3A_126 : i32 to index
      %get3A_800 = arith.constant 592 : index
      %get3A_801 = tpu.vector_load %arg18[%get3A_799, %get3A_800] {strides = array<i32>} : memref<32x768xf32, #tpu.memory_space<vmem>>, vector<1x16xf32>,
      %get3A_802 = vector.shape_cast %get3A_801 : vector<1x16xf32> to vector<16xf32>
      %mul3A_803 = vector.broadcast %squeeze3A : f32 to vector<16xf32>
      %mul3A_804 = arith.mulf %mul3A_803, %get3A_802 : vector<16xf32>
      %get3A_805 = arith.index_cast %scan3A_126 : i32 to index
      %get3A_806 = arith.constant 592 : index
      %get3A_807 = tpu.vector_load %arg19[%get3A_805, %get3A_806] {strides = array<i32>} : memref<32x768xf32, #tpu.memory_space<vmem>>, vector<1x16xf32>,
      %get3A_808 = vector.shape_cast %get3A_807 : vector<1x16xf32> to vector<16xf32>
      %mul3A_809 = vector.broadcast %squeeze3A_133 : f32 to vector<16xf32>
      %mul3A_810 = arith.mulf %mul3A_809, %get3A_808 : vector<16xf32>
      %add3A_811 = arith.addf %mul3A_804, %mul3A_810 : vector<16xf32>
      %swap3A_812 = arith.index_cast %scan3A_126 : i32 to index
      %swap3A_813 = arith.constant 592 : index
      %swap3A_814 = tpu.vector_load %arg18[%swap3A_812, %swap3A_813] {strides = array<i32>} : memref<32x768xf32, #tpu.memory_space<vmem>>, vector<1x16xf32>,
      %swap3A_815 = vector.shape_cast %swap3A_814 : vector<1x16xf32> to vector<16xf32>
      %swap3A_816 = vector.shape_cast %add3A_811 : vector<16xf32> to vector<1x16xf32>
      tpu.vector_store %arg18[%swap3A_812, %swap3A_813], %swap3A_816 {strides = array<i32>} : memref<32x768xf32, #tpu.memory_space<vmem>>, vector<1x16xf32>,
      %get3A_817 = arith.index_cast %scan3A_126 : i32 to index
      %get3A_818 = arith.constant 608 : index
      %get3A_819 = tpu.vector_load %arg18[%get3A_817, %get3A_818] {strides = array<i32>} : memref<32x768xf32, #tpu.memory_space<vmem>>, vector<1x16xf32>,
      %get3A_820 = vector.shape_cast %get3A_819 : vector<1x16xf32> to vector<16xf32>
      %mul3A_821 = vector.broadcast %squeeze3A : f32 to vector<16xf32>
      %mul3A_822 = arith.mulf %mul3A_821, %get3A_820 : vector<16xf32>
      %get3A_823 = arith.index_cast %scan3A_126 : i32 to index
      %get3A_824 = arith.constant 608 : index
      %get3A_825 = tpu.vector_load %arg19[%get3A_823, %get3A_824] {strides = array<i32>} : memref<32x768xf32, #tpu.memory_space<vmem>>, vector<1x16xf32>,
      %get3A_826 = vector.shape_cast %get3A_825 : vector<1x16xf32> to vector<16xf32>
      %mul3A_827 = vector.broadcast %squeeze3A_133 : f32 to vector<16xf32>
      %mul3A_828 = arith.mulf %mul3A_827, %get3A_826 : vector<16xf32>
      %add3A_829 = arith.addf %mul3A_822, %mul3A_828 : vector<16xf32>
      %swap3A_830 = arith.index_cast %scan3A_126 : i32 to index
      %swap3A_831 = arith.constant 608 : index
      %swap3A_832 = tpu.vector_load %arg18[%swap3A_830, %swap3A_831] {strides = array<i32>} : memref<32x768xf32, #tpu.memory_space<vmem>>, vector<1x16xf32>,
      %swap3A_833 = vector.shape_cast %swap3A_832 : vector<1x16xf32> to vector<16xf32>
      %swap3A_834 = vector.shape_cast %add3A_829 : vector<16xf32> to vector<1x16xf32>
      tpu.vector_store %arg18[%swap3A_830, %swap3A_831], %swap3A_834 {strides = array<i32>} : memref<32x768xf32, #tpu.memory_space<vmem>>, vector<1x16xf32>,
      %get3A_835 = arith.index_cast %scan3A_126 : i32 to index
      %get3A_836 = arith.constant 624 : index
      %get3A_837 = tpu.vector_load %arg18[%get3A_835, %get3A_836] {strides = array<i32>} : memref<32x768xf32, #tpu.memory_space<vmem>>, vector<1x16xf32>,
      %get3A_838 = vector.shape_cast %get3A_837 : vector<1x16xf32> to vector<16xf32>
      %mul3A_839 = vector.broadcast %squeeze3A : f32 to vector<16xf32>
      %mul3A_840 = arith.mulf %mul3A_839, %get3A_838 : vector<16xf32>
      %get3A_841 = arith.index_cast %scan3A_126 : i32 to index
      %get3A_842 = arith.constant 624 : index
      %get3A_843 = tpu.vector_load %arg19[%get3A_841, %get3A_842] {strides = array<i32>} : memref<32x768xf32, #tpu.memory_space<vmem>>, vector<1x16xf32>,
      %get3A_844 = vector.shape_cast %get3A_843 : vector<1x16xf32> to vector<16xf32>
      %mul3A_845 = vector.broadcast %squeeze3A_133 : f32 to vector<16xf32>
      %mul3A_846 = arith.mulf %mul3A_845, %get3A_844 : vector<16xf32>
      %add3A_847 = arith.addf %mul3A_840, %mul3A_846 : vector<16xf32>
      %swap3A_848 = arith.index_cast %scan3A_126 : i32 to index
      %swap3A_849 = arith.constant 624 : index
      %swap3A_850 = tpu.vector_load %arg18[%swap3A_848, %swap3A_849] {strides = array<i32>} : memref<32x768xf32, #tpu.memory_space<vmem>>, vector<1x16xf32>,
      %swap3A_851 = vector.shape_cast %swap3A_850 : vector<1x16xf32> to vector<16xf32>
      %swap3A_852 = vector.shape_cast %add3A_847 : vector<16xf32> to vector<1x16xf32>
      tpu.vector_store %arg18[%swap3A_848, %swap3A_849], %swap3A_852 {strides = array<i32>} : memref<32x768xf32, #tpu.memory_space<vmem>>, vector<1x16xf32>,
      %get3A_853 = arith.index_cast %scan3A_126 : i32 to index
      %get3A_854 = arith.constant 640 : index
      %get3A_855 = tpu.vector_load %arg18[%get3A_853, %get3A_854] {strides = array<i32>} : memref<32x768xf32, #tpu.memory_space<vmem>>, vector<1x16xf32>,
      %get3A_856 = vector.shape_cast %get3A_855 : vector<1x16xf32> to vector<16xf32>
      %mul3A_857 = vector.broadcast %squeeze3A : f32 to vector<16xf32>
      %mul3A_858 = arith.mulf %mul3A_857, %get3A_856 : vector<16xf32>
      %get3A_859 = arith.index_cast %scan3A_126 : i32 to index
      %get3A_860 = arith.constant 640 : index
      %get3A_861 = tpu.vector_load %arg19[%get3A_859, %get3A_860] {strides = array<i32>} : memref<32x768xf32, #tpu.memory_space<vmem>>, vector<1x16xf32>,
      %get3A_862 = vector.shape_cast %get3A_861 : vector<1x16xf32> to vector<16xf32>
      %mul3A_863 = vector.broadcast %squeeze3A_133 : f32 to vector<16xf32>
      %mul3A_864 = arith.mulf %mul3A_863, %get3A_862 : vector<16xf32>
      %add3A_865 = arith.addf %mul3A_858, %mul3A_864 : vector<16xf32>
      %swap3A_866 = arith.index_cast %scan3A_126 : i32 to index
      %swap3A_867 = arith.constant 640 : index
      %swap3A_868 = tpu.vector_load %arg18[%swap3A_866, %swap3A_867] {strides = array<i32>} : memref<32x768xf32, #tpu.memory_space<vmem>>, vector<1x16xf32>,
      %swap3A_869 = vector.shape_cast %swap3A_868 : vector<1x16xf32> to vector<16xf32>
      %swap3A_870 = vector.shape_cast %add3A_865 : vector<16xf32> to vector<1x16xf32>
      tpu.vector_store %arg18[%swap3A_866, %swap3A_867], %swap3A_870 {strides = array<i32>} : memref<32x768xf32, #tpu.memory_space<vmem>>, vector<1x16xf32>,
      %get3A_871 = arith.index_cast %scan3A_126 : i32 to index
      %get3A_872 = arith.constant 656 : index
      %get3A_873 = tpu.vector_load %arg18[%get3A_871, %get3A_872] {strides = array<i32>} : memref<32x768xf32, #tpu.memory_space<vmem>>, vector<1x16xf32>,
      %get3A_874 = vector.shape_cast %get3A_873 : vector<1x16xf32> to vector<16xf32>
      %mul3A_875 = vector.broadcast %squeeze3A : f32 to vector<16xf32>
      %mul3A_876 = arith.mulf %mul3A_875, %get3A_874 : vector<16xf32>
      %get3A_877 = arith.index_cast %scan3A_126 : i32 to index
      %get3A_878 = arith.constant 656 : index
      %get3A_879 = tpu.vector_load %arg19[%get3A_877, %get3A_878] {strides = array<i32>} : memref<32x768xf32, #tpu.memory_space<vmem>>, vector<1x16xf32>,
      %get3A_880 = vector.shape_cast %get3A_879 : vector<1x16xf32> to vector<16xf32>
      %mul3A_881 = vector.broadcast %squeeze3A_133 : f32 to vector<16xf32>
      %mul3A_882 = arith.mulf %mul3A_881, %get3A_880 : vector<16xf32>
      %add3A_883 = arith.addf %mul3A_876, %mul3A_882 : vector<16xf32>
      %swap3A_884 = arith.index_cast %scan3A_126 : i32 to index
      %swap3A_885 = arith.constant 656 : index
      %swap3A_886 = tpu.vector_load %arg18[%swap3A_884, %swap3A_885] {strides = array<i32>} : memref<32x768xf32, #tpu.memory_space<vmem>>, vector<1x16xf32>,
      %swap3A_887 = vector.shape_cast %swap3A_886 : vector<1x16xf32> to vector<16xf32>
      %swap3A_888 = vector.shape_cast %add3A_883 : vector<16xf32> to vector<1x16xf32>
      tpu.vector_store %arg18[%swap3A_884, %swap3A_885], %swap3A_888 {strides = array<i32>} : memref<32x768xf32, #tpu.memory_space<vmem>>, vector<1x16xf32>,
      %get3A_889 = arith.index_cast %scan3A_126 : i32 to index
      %get3A_890 = arith.constant 672 : index
      %get3A_891 = tpu.vector_load %arg18[%get3A_889, %get3A_890] {strides = array<i32>} : memref<32x768xf32, #tpu.memory_space<vmem>>, vector<1x16xf32>,
      %get3A_892 = vector.shape_cast %get3A_891 : vector<1x16xf32> to vector<16xf32>
      %mul3A_893 = vector.broadcast %squeeze3A : f32 to vector<16xf32>
      %mul3A_894 = arith.mulf %mul3A_893, %get3A_892 : vector<16xf32>
      %get3A_895 = arith.index_cast %scan3A_126 : i32 to index
      %get3A_896 = arith.constant 672 : index
      %get3A_897 = tpu.vector_load %arg19[%get3A_895, %get3A_896] {strides = array<i32>} : memref<32x768xf32, #tpu.memory_space<vmem>>, vector<1x16xf32>,
      %get3A_898 = vector.shape_cast %get3A_897 : vector<1x16xf32> to vector<16xf32>
      %mul3A_899 = vector.broadcast %squeeze3A_133 : f32 to vector<16xf32>
      %mul3A_900 = arith.mulf %mul3A_899, %get3A_898 : vector<16xf32>
      %add3A_901 = arith.addf %mul3A_894, %mul3A_900 : vector<16xf32>
      %swap3A_902 = arith.index_cast %scan3A_126 : i32 to index
      %swap3A_903 = arith.constant 672 : index
      %swap3A_904 = tpu.vector_load %arg18[%swap3A_902, %swap3A_903] {strides = array<i32>} : memref<32x768xf32, #tpu.memory_space<vmem>>, vector<1x16xf32>,
      %swap3A_905 = vector.shape_cast %swap3A_904 : vector<1x16xf32> to vector<16xf32>
      %swap3A_906 = vector.shape_cast %add3A_901 : vector<16xf32> to vector<1x16xf32>
      tpu.vector_store %arg18[%swap3A_902, %swap3A_903], %swap3A_906 {strides = array<i32>} : memref<32x768xf32, #tpu.memory_space<vmem>>, vector<1x16xf32>,
      %get3A_907 = arith.index_cast %scan3A_126 : i32 to index
      %get3A_908 = arith.constant 688 : index
      %get3A_909 = tpu.vector_load %arg18[%get3A_907, %get3A_908] {strides = array<i32>} : memref<32x768xf32, #tpu.memory_space<vmem>>, vector<1x16xf32>,
      %get3A_910 = vector.shape_cast %get3A_909 : vector<1x16xf32> to vector<16xf32>
      %mul3A_911 = vector.broadcast %squeeze3A : f32 to vector<16xf32>
      %mul3A_912 = arith.mulf %mul3A_911, %get3A_910 : vector<16xf32>
      %get3A_913 = arith.index_cast %scan3A_126 : i32 to index
      %get3A_914 = arith.constant 688 : index
      %get3A_915 = tpu.vector_load %arg19[%get3A_913, %get3A_914] {strides = array<i32>} : memref<32x768xf32, #tpu.memory_space<vmem>>, vector<1x16xf32>,
      %get3A_916 = vector.shape_cast %get3A_915 : vector<1x16xf32> to vector<16xf32>
      %mul3A_917 = vector.broadcast %squeeze3A_133 : f32 to vector<16xf32>
      %mul3A_918 = arith.mulf %mul3A_917, %get3A_916 : vector<16xf32>
      %add3A_919 = arith.addf %mul3A_912, %mul3A_918 : vector<16xf32>
      %swap3A_920 = arith.index_cast %scan3A_126 : i32 to index
      %swap3A_921 = arith.constant 688 : index
      %swap3A_922 = tpu.vector_load %arg18[%swap3A_920, %swap3A_921] {strides = array<i32>} : memref<32x768xf32, #tpu.memory_space<vmem>>, vector<1x16xf32>,
      %swap3A_923 = vector.shape_cast %swap3A_922 : vector<1x16xf32> to vector<16xf32>
      %swap3A_924 = vector.shape_cast %add3A_919 : vector<16xf32> to vector<1x16xf32>
      tpu.vector_store %arg18[%swap3A_920, %swap3A_921], %swap3A_924 {strides = array<i32>} : memref<32x768xf32, #tpu.memory_space<vmem>>, vector<1x16xf32>,
      %get3A_925 = arith.index_cast %scan3A_126 : i32 to index
      %get3A_926 = arith.constant 704 : index
      %get3A_927 = tpu.vector_load %arg18[%get3A_925, %get3A_926] {strides = array<i32>} : memref<32x768xf32, #tpu.memory_space<vmem>>, vector<1x16xf32>,
      %get3A_928 = vector.shape_cast %get3A_927 : vector<1x16xf32> to vector<16xf32>
      %mul3A_929 = vector.broadcast %squeeze3A : f32 to vector<16xf32>
      %mul3A_930 = arith.mulf %mul3A_929, %get3A_928 : vector<16xf32>
      %get3A_931 = arith.index_cast %scan3A_126 : i32 to index
      %get3A_932 = arith.constant 704 : index
      %get3A_933 = tpu.vector_load %arg19[%get3A_931, %get3A_932] {strides = array<i32>} : memref<32x768xf32, #tpu.memory_space<vmem>>, vector<1x16xf32>,
      %get3A_934 = vector.shape_cast %get3A_933 : vector<1x16xf32> to vector<16xf32>
      %mul3A_935 = vector.broadcast %squeeze3A_133 : f32 to vector<16xf32>
      %mul3A_936 = arith.mulf %mul3A_935, %get3A_934 : vector<16xf32>
      %add3A_937 = arith.addf %mul3A_930, %mul3A_936 : vector<16xf32>
      %swap3A_938 = arith.index_cast %scan3A_126 : i32 to index
      %swap3A_939 = arith.constant 704 : index
      %swap3A_940 = tpu.vector_load %arg18[%swap3A_938, %swap3A_939] {strides = array<i32>} : memref<32x768xf32, #tpu.memory_space<vmem>>, vector<1x16xf32>,
      %swap3A_941 = vector.shape_cast %swap3A_940 : vector<1x16xf32> to vector<16xf32>
      %swap3A_942 = vector.shape_cast %add3A_937 : vector<16xf32> to vector<1x16xf32>
      tpu.vector_store %arg18[%swap3A_938, %swap3A_939], %swap3A_942 {strides = array<i32>} : memref<32x768xf32, #tpu.memory_space<vmem>>, vector<1x16xf32>,
      %get3A_943 = arith.index_cast %scan3A_126 : i32 to index
      %get3A_944 = arith.constant 720 : index
      %get3A_945 = tpu.vector_load %arg18[%get3A_943, %get3A_944] {strides = array<i32>} : memref<32x768xf32, #tpu.memory_space<vmem>>, vector<1x16xf32>,
      %get3A_946 = vector.shape_cast %get3A_945 : vector<1x16xf32> to vector<16xf32>
      %mul3A_947 = vector.broadcast %squeeze3A : f32 to vector<16xf32>
      %mul3A_948 = arith.mulf %mul3A_947, %get3A_946 : vector<16xf32>
      %get3A_949 = arith.index_cast %scan3A_126 : i32 to index
      %get3A_950 = arith.constant 720 : index
      %get3A_951 = tpu.vector_load %arg19[%get3A_949, %get3A_950] {strides = array<i32>} : memref<32x768xf32, #tpu.memory_space<vmem>>, vector<1x16xf32>,
      %get3A_952 = vector.shape_cast %get3A_951 : vector<1x16xf32> to vector<16xf32>
      %mul3A_953 = vector.broadcast %squeeze3A_133 : f32 to vector<16xf32>
      %mul3A_954 = arith.mulf %mul3A_953, %get3A_952 : vector<16xf32>
      %add3A_955 = arith.addf %mul3A_948, %mul3A_954 : vector<16xf32>
      %swap3A_956 = arith.index_cast %scan3A_126 : i32 to index
      %swap3A_957 = arith.constant 720 : index
      %swap3A_958 = tpu.vector_load %arg18[%swap3A_956, %swap3A_957] {strides = array<i32>} : memref<32x768xf32, #tpu.memory_space<vmem>>, vector<1x16xf32>,
      %swap3A_959 = vector.shape_cast %swap3A_958 : vector<1x16xf32> to vector<16xf32>
      %swap3A_960 = vector.shape_cast %add3A_955 : vector<16xf32> to vector<1x16xf32>
      tpu.vector_store %arg18[%swap3A_956, %swap3A_957], %swap3A_960 {strides = array<i32>} : memref<32x768xf32, #tpu.memory_space<vmem>>, vector<1x16xf32>,
      %get3A_961 = arith.index_cast %scan3A_126 : i32 to index
      %get3A_962 = arith.constant 736 : index
      %get3A_963 = tpu.vector_load %arg18[%get3A_961, %get3A_962] {strides = array<i32>} : memref<32x768xf32, #tpu.memory_space<vmem>>, vector<1x16xf32>,
      %get3A_964 = vector.shape_cast %get3A_963 : vector<1x16xf32> to vector<16xf32>
      %mul3A_965 = vector.broadcast %squeeze3A : f32 to vector<16xf32>
      %mul3A_966 = arith.mulf %mul3A_965, %get3A_964 : vector<16xf32>
      %get3A_967 = arith.index_cast %scan3A_126 : i32 to index
      %get3A_968 = arith.constant 736 : index
      %get3A_969 = tpu.vector_load %arg19[%get3A_967, %get3A_968] {strides = array<i32>} : memref<32x768xf32, #tpu.memory_space<vmem>>, vector<1x16xf32>,
      %get3A_970 = vector.shape_cast %get3A_969 : vector<1x16xf32> to vector<16xf32>
      %mul3A_971 = vector.broadcast %squeeze3A_133 : f32 to vector<16xf32>
      %mul3A_972 = arith.mulf %mul3A_971, %get3A_970 : vector<16xf32>
      %add3A_973 = arith.addf %mul3A_966, %mul3A_972 : vector<16xf32>
      %swap3A_974 = arith.index_cast %scan3A_126 : i32 to index
      %swap3A_975 = arith.constant 736 : index
      %swap3A_976 = tpu.vector_load %arg18[%swap3A_974, %swap3A_975] {strides = array<i32>} : memref<32x768xf32, #tpu.memory_space<vmem>>, vector<1x16xf32>,
      %swap3A_977 = vector.shape_cast %swap3A_976 : vector<1x16xf32> to vector<16xf32>
      %swap3A_978 = vector.shape_cast %add3A_973 : vector<16xf32> to vector<1x16xf32>
      tpu.vector_store %arg18[%swap3A_974, %swap3A_975], %swap3A_978 {strides = array<i32>} : memref<32x768xf32, #tpu.memory_space<vmem>>, vector<1x16xf32>,
      %get3A_979 = arith.index_cast %scan3A_126 : i32 to index
      %get3A_980 = arith.constant 752 : index
      %get3A_981 = tpu.vector_load %arg18[%get3A_979, %get3A_980] {strides = array<i32>} : memref<32x768xf32, #tpu.memory_space<vmem>>, vector<1x16xf32>,
      %get3A_982 = vector.shape_cast %get3A_981 : vector<1x16xf32> to vector<16xf32>
      %mul3A_983 = vector.broadcast %squeeze3A : f32 to vector<16xf32>
      %mul3A_984 = arith.mulf %mul3A_983, %get3A_982 : vector<16xf32>
      %get3A_985 = arith.index_cast %scan3A_126 : i32 to index
      %get3A_986 = arith.constant 752 : index
      %get3A_987 = tpu.vector_load %arg19[%get3A_985, %get3A_986] {strides = array<i32>} : memref<32x768xf32, #tpu.memory_space<vmem>>, vector<1x16xf32>,
      %get3A_988 = vector.shape_cast %get3A_987 : vector<1x16xf32> to vector<16xf32>
      %mul3A_989 = vector.broadcast %squeeze3A_133 : f32 to vector<16xf32>
      %mul3A_990 = arith.mulf %mul3A_989, %get3A_988 : vector<16xf32>
      %add3A_991 = arith.addf %mul3A_984, %mul3A_990 : vector<16xf32>
      %swap3A_992 = arith.index_cast %scan3A_126 : i32 to index
      %swap3A_993 = arith.constant 752 : index
      %swap3A_994 = tpu.vector_load %arg18[%swap3A_992, %swap3A_993] {strides = array<i32>} : memref<32x768xf32, #tpu.memory_space<vmem>>, vector<1x16xf32>,
      %swap3A_995 = vector.shape_cast %swap3A_994 : vector<1x16xf32> to vector<16xf32>
      %swap3A_996 = vector.shape_cast %add3A_991 : vector<16xf32> to vector<1x16xf32>
      tpu.vector_store %arg18[%swap3A_992, %swap3A_993], %swap3A_996 {strides = array<i32>} : memref<32x768xf32, #tpu.memory_space<vmem>>, vector<1x16xf32>,
    }
    %scan3A_111 = arith.constant 32 : i32
    %add3A_112 = arith.constant 32 : i32
    %add3A_113 = arith.addi %mul3A_2, %add3A_112 : i32
    %dma_start3A_114 = arith.constant 0 : i32
    %dma_start3A_115 = tpu.memref_slice %arg7[%add3A_113, %dma_start3A_114] : memref<2048x768xf32, #tpu.memory_space<hbm>> -> memref<32x768xf32, #tpu.memory_space<hbm>>
    %dma_start3A_116 = arith.constant 0 : i32
    %dma_start3A_117 = tpu.memref_slice %arg7[%add3A_113, %dma_start3A_116] : memref<2048x768xf32, #tpu.memory_space<hbm>> -> memref<32x768xf32, #tpu.memory_space<hbm>>
    tpu.enqueue_dma source(%arg18 : memref<32x768xf32, #tpu.memory_space<vmem>>) target(%dma_start3A_117 : memref<32x768xf32, #tpu.memory_space<hbm>>) target_semaphore(%arg23 : memref<!tpu.dma_semaphore, #tpu.memory_space<semaphore_mem>>)
    %dma_wait3A_118 = arith.constant 0 : i32
    %dma_wait3A_119 = tpu.memref_slice %arg7[%mul3A_2, %dma_wait3A_118] : memref<2048x768xf32, #tpu.memory_space<hbm>> -> memref<32x768xf32, #tpu.memory_space<hbm>>
    %dma_wait3A_120 = arith.constant 0 : i32
    %dma_wait3A_121 = tpu.memref_slice %arg7[%mul3A_2, %dma_wait3A_120] : memref<2048x768xf32, #tpu.memory_space<hbm>> -> memref<32x768xf32, #tpu.memory_space<hbm>>
    tpu.wait_dma2 semaphore(%arg23 : memref<!tpu.dma_semaphore, #tpu.memory_space<semaphore_mem>>) src(%arg16 : memref<32x768xf32, #tpu.memory_space<vmem>>) dst(%dma_wait3A_121 : memref<32x768xf32, #tpu.memory_space<hbm>>)
    %dma_wait3A_122 = arith.constant 0 : i32
    %dma_wait3A_123 = tpu.memref_slice %arg7[%add3A_113, %dma_wait3A_122] : memref<2048x768xf32, #tpu.memory_space<hbm>> -> memref<32x768xf32, #tpu.memory_space<hbm>>
    %dma_wait3A_124 = arith.constant 0 : i32
    %dma_wait3A_125 = tpu.memref_slice %arg7[%add3A_113, %dma_wait3A_124] : memref<2048x768xf32, #tpu.memory_space<hbm>> -> memref<32x768xf32, #tpu.memory_space<hbm>>
    tpu.wait_dma2 semaphore(%arg23 : memref<!tpu.dma_semaphore, #tpu.memory_space<semaphore_mem>>) src(%arg18 : memref<32x768xf32, #tpu.memory_space<vmem>>) dst(%dma_wait3A_125 : memref<32x768xf32, #tpu.memory_space<hbm>>)
    return
  }
}

module attributes {stable_mosaic.version = 14 : i64} {
  func.func @_router_kernel(%arg0: memref<2048x768xf32, #tpu.memory_space<vmem>>, %arg1: memref<768x8xf32, #tpu.memory_space<vmem>>, %arg2: memref<1x8xf32, #tpu.memory_space<vmem>>, %arg3: memref<2048x1xi32, #tpu.memory_space<vmem>>, %arg4: memref<2048x1xi32, #tpu.memory_space<vmem>>, %arg5: memref<2048x1xf32, #tpu.memory_space<vmem>>, %arg6: memref<2048x1xf32, #tpu.memory_space<vmem>>, %arg7: memref<1x24xi32, #tpu.memory_space<vmem>>, %arg8: memref<1x1xf32, #tpu.memory_space<vmem>>) attributes {dimension_semantics = [], scalar_prefetch = 0 : i64, scratch_operands = 0 : i64, tpu.core_type = #tpu.core_type<tc>} {
    %get3A = arith.constant 0 : index
    %get3A_0 = arith.constant 0 : index
    %get3A_1 = vector.load %arg0[%get3A, %get3A_0] : memref<2048x768xf32, #tpu.memory_space<vmem>>, vector<2048x768xf32>
    %get3A_2 = arith.constant 0 : index
    %get3A_3 = arith.constant 0 : index
    %get3A_4 = vector.load %arg1[%get3A_2, %get3A_3] : memref<768x8xf32, #tpu.memory_space<vmem>>, vector<768x8xf32>
    %dot_general3A = arith.constant dense<0.000000e+00> : vector<2048x8xf32>
    %dot_general3A_5 = tpu.matmul %get3A_1, %get3A_4, %dot_general3A {dimension_numbers = #tpu.dot_dimension_numbers<[1], [0], [0], [1], [0, 0, 1, 1], [], []>, transpose_lhs_hint = false} : vector<2048x768xf32>, vector<768x8xf32>, vector<2048x8xf32> -> vector<2048x8xf32>
    %get3A_6 = arith.constant 0 : index
    %get3A_7 = arith.constant 0 : index
    %get3A_8 = vector.load %arg2[%get3A_6, %get3A_7] : memref<1x8xf32, #tpu.memory_space<vmem>>, vector<1x8xf32>
    %add3A = vector.broadcast %get3A_8 : vector<1x8xf32> to vector<2048x8xf32>
    %add3A_9 = arith.addf %dot_general3A_5, %add3A : vector<2048x8xf32>
    %reduce_max3A = arith.constant dense<0xFF800000> : vector<2048xf32>
    %reduce_max3A_10 = vector.multi_reduction <maximumf>, %add3A_9, %reduce_max3A [1] : vector<2048x8xf32> to vector<2048xf32>
    %broadcast_in_dim3A = vector.shape_cast %reduce_max3A_10 : vector<2048xf32> to vector<2048x1xf32>
    %sub3A = vector.broadcast %broadcast_in_dim3A : vector<2048x1xf32> to vector<2048x8xf32>
    %sub3A_11 = arith.subf %add3A_9, %sub3A : vector<2048x8xf32>
    %exp3A = math.exp %sub3A_11 : vector<2048x8xf32>
    %reduce_sum3A = arith.constant dense<0.000000e+00> : vector<2048xf32>
    %reduce_sum3A_12 = vector.multi_reduction <add>, %exp3A, %reduce_sum3A [1] : vector<2048x8xf32> to vector<2048xf32>
    %broadcast_in_dim3A_13 = vector.shape_cast %reduce_sum3A_12 : vector<2048xf32> to vector<2048x1xf32>
    %div3A = vector.broadcast %broadcast_in_dim3A_13 : vector<2048x1xf32> to vector<2048x8xf32>
    %div3A_14 = arith.divf %exp3A, %div3A : vector<2048x8xf32>
    %iota3A = tpu.iota {dimensions = array<i32: 1>} : vector<2048x8xi32>
    %argmax3A = tpu.reduce_index %div3A_14 {axis = 1 : i32, kind = #tpu.reduction_kind<arg_max>} : vector<2048x8xf32> -> vector<2048xi32>
    %broadcast_in_dim3A_15 = vector.shape_cast %argmax3A : vector<2048xi32> to vector<2048x1xi32>
    %eq3A = vector.broadcast %broadcast_in_dim3A_15 : vector<2048x1xi32> to vector<2048x8xi32>
    %eq3A_16 = arith.cmpi eq, %iota3A, %eq3A : vector<2048x8xi32>
    %convert_element_type3A = arith.extui %eq3A_16 : vector<2048x8xi1> to vector<2048x8xi32>
    %convert_element_type3A_17 = arith.sitofp %convert_element_type3A : vector<2048x8xi32> to vector<2048x8xf32>
    %reduce_max3A_18 = arith.constant dense<0xFF800000> : vector<2048xf32>
    %reduce_max3A_19 = vector.multi_reduction <maximumf>, %div3A_14, %reduce_max3A_18 [1] : vector<2048x8xf32> to vector<2048xf32>
    %broadcast_in_dim3A_20 = vector.shape_cast %reduce_max3A_19 : vector<2048xf32> to vector<2048x1xf32>
    %gt3A = arith.constant 0.000000e+00 : f32
    %gt3A_21 = vector.broadcast %gt3A : f32 to vector<2048x8xf32>
    %gt3A_22 = arith.cmpf ogt, %convert_element_type3A_17, %gt3A_21 : vector<2048x8xf32>
    %jit3A = arith.constant 0xFF800000 : f32
    %broadcast_in_dim3A_23 = vector.broadcast %jit3A : f32 to vector<2048x8xf32>
    %select_n3A = arith.select %gt3A_22, %broadcast_in_dim3A_23, %div3A_14 : vector<2048x8xi1>, vector<2048x8xf32>
    %argmax3A_24 = tpu.reduce_index %select_n3A {axis = 1 : i32, kind = #tpu.reduction_kind<arg_max>} : vector<2048x8xf32> -> vector<2048xi32>
    %broadcast_in_dim3A_25 = vector.shape_cast %argmax3A_24 : vector<2048xi32> to vector<2048x1xi32>
    %eq3A_26 = vector.broadcast %broadcast_in_dim3A_25 : vector<2048x1xi32> to vector<2048x8xi32>
    %eq3A_27 = arith.cmpi eq, %iota3A, %eq3A_26 : vector<2048x8xi32>
    %convert_element_type3A_28 = arith.extui %eq3A_27 : vector<2048x8xi1> to vector<2048x8xi32>
    %convert_element_type3A_29 = arith.sitofp %convert_element_type3A_28 : vector<2048x8xi32> to vector<2048x8xf32>
    %reduce_max3A_30 = arith.constant dense<0xFF800000> : vector<2048xf32>
    %reduce_max3A_31 = vector.multi_reduction <maximumf>, %select_n3A, %reduce_max3A_30 [1] : vector<2048x8xf32> to vector<2048xf32>
    %broadcast_in_dim3A_32 = vector.shape_cast %reduce_max3A_31 : vector<2048xf32> to vector<2048x1xf32>
    %add3A_33 = arith.addf %broadcast_in_dim3A_20, %broadcast_in_dim3A_32 : vector<2048x1xf32>
    %div3A_34 = arith.divf %broadcast_in_dim3A_20, %add3A_33 : vector<2048x1xf32>
    %swap3A = arith.constant 0 : index
    %swap3A_35 = arith.constant 0 : index
    %swap3A_36 = vector.load %arg5[%swap3A, %swap3A_35] : memref<2048x1xf32, #tpu.memory_space<vmem>>, vector<2048x1xf32>
    tpu.vector_store %arg5[%swap3A, %swap3A_35], %div3A_34 {strides = array<i32>} : memref<2048x1xf32, #tpu.memory_space<vmem>>, vector<2048x1xf32>,
    %div3A_37 = arith.divf %broadcast_in_dim3A_32, %add3A_33 : vector<2048x1xf32>
    %swap3A_38 = arith.constant 0 : index
    %swap3A_39 = arith.constant 0 : index
    %swap3A_40 = vector.load %arg6[%swap3A_38, %swap3A_39] : memref<2048x1xf32, #tpu.memory_space<vmem>>, vector<2048x1xf32>
    tpu.vector_store %arg6[%swap3A_38, %swap3A_39], %div3A_37 {strides = array<i32>} : memref<2048x1xf32, #tpu.memory_space<vmem>>, vector<2048x1xf32>,
    %add3A_41 = arith.addf %convert_element_type3A_17, %convert_element_type3A_29 : vector<2048x8xf32>
    %iota3A_42 = tpu.iota {dimensions = array<i32: 0>} : vector<256x256xi32>
    %iota3A_43 = tpu.iota {dimensions = array<i32: 1>} : vector<256x256xi32>
    %lt3A = arith.cmpi slt, %iota3A_43, %iota3A_42 : vector<256x256xi32>
    %convert_element_type3A_44 = arith.extui %lt3A : vector<256x256xi1> to vector<256x256xi32>
    %convert_element_type3A_45 = arith.sitofp %convert_element_type3A_44 : vector<256x256xi32> to vector<256x256xf32>
    %broadcast_in_dim3A_46 = arith.constant 0.000000e+00 : f32
    %broadcast_in_dim3A_47 = vector.broadcast %broadcast_in_dim3A_46 : f32 to vector<1x8xf32>
    %slice3A = vector.extract_strided_slice %add3A_41 {offsets = [0, 0], sizes = [256, 8], strides = [1, 1]} : vector<2048x8xf32> to vector<256x8xf32>
    %dot_general3A_48 = arith.constant dense<0.000000e+00> : vector<256x8xf32>
    %dot_general3A_49 = tpu.matmul %convert_element_type3A_45, %slice3A, %dot_general3A_48 {dimension_numbers = #tpu.dot_dimension_numbers<[1], [0], [0], [1], [0, 0, 1, 1], [], []>, transpose_lhs_hint = false} : vector<256x256xf32>, vector<256x8xf32>, vector<256x8xf32> -> vector<256x8xf32>
    %add3A_50 = vector.broadcast %broadcast_in_dim3A_47 : vector<1x8xf32> to vector<256x8xf32>
    %add3A_51 = arith.addf %dot_general3A_49, %add3A_50 : vector<256x8xf32>
    %reduce_sum3A_52 = arith.constant dense<0.000000e+00> : vector<8xf32>
    %reduce_sum3A_53 = vector.multi_reduction <add>, %slice3A, %reduce_sum3A_52 [0] : vector<256x8xf32> to vector<8xf32>
    %broadcast_in_dim3A_54 = vector.shape_cast %reduce_sum3A_53 : vector<8xf32> to vector<1x8xf32>
    %add3A_55 = arith.addf %broadcast_in_dim3A_47, %broadcast_in_dim3A_54 : vector<1x8xf32>
    %slice3A_56 = vector.extract_strided_slice %add3A_41 {offsets = [256, 0], sizes = [256, 8], strides = [1, 1]} : vector<2048x8xf32> to vector<256x8xf32>
    %dot_general3A_57 = arith.constant dense<0.000000e+00> : vector<256x8xf32>
    %dot_general3A_58 = tpu.matmul %convert_element_type3A_45, %slice3A_56, %dot_general3A_57 {dimension_numbers = #tpu.dot_dimension_numbers<[1], [0], [0], [1], [0, 0, 1, 1], [], []>, transpose_lhs_hint = false} : vector<256x256xf32>, vector<256x8xf32>, vector<256x8xf32> -> vector<256x8xf32>
    %add3A_59 = vector.broadcast %add3A_55 : vector<1x8xf32> to vector<256x8xf32>
    %add3A_60 = arith.addf %dot_general3A_58, %add3A_59 : vector<256x8xf32>
    %reduce_sum3A_61 = arith.constant dense<0.000000e+00> : vector<8xf32>
    %reduce_sum3A_62 = vector.multi_reduction <add>, %slice3A_56, %reduce_sum3A_61 [0] : vector<256x8xf32> to vector<8xf32>
    %broadcast_in_dim3A_63 = vector.shape_cast %reduce_sum3A_62 : vector<8xf32> to vector<1x8xf32>
    %add3A_64 = arith.addf %add3A_55, %broadcast_in_dim3A_63 : vector<1x8xf32>
    %slice3A_65 = vector.extract_strided_slice %add3A_41 {offsets = [512, 0], sizes = [256, 8], strides = [1, 1]} : vector<2048x8xf32> to vector<256x8xf32>
    %dot_general3A_66 = arith.constant dense<0.000000e+00> : vector<256x8xf32>
    %dot_general3A_67 = tpu.matmul %convert_element_type3A_45, %slice3A_65, %dot_general3A_66 {dimension_numbers = #tpu.dot_dimension_numbers<[1], [0], [0], [1], [0, 0, 1, 1], [], []>, transpose_lhs_hint = false} : vector<256x256xf32>, vector<256x8xf32>, vector<256x8xf32> -> vector<256x8xf32>
    %add3A_68 = vector.broadcast %add3A_64 : vector<1x8xf32> to vector<256x8xf32>
    %add3A_69 = arith.addf %dot_general3A_67, %add3A_68 : vector<256x8xf32>
    %reduce_sum3A_70 = arith.constant dense<0.000000e+00> : vector<8xf32>
    %reduce_sum3A_71 = vector.multi_reduction <add>, %slice3A_65, %reduce_sum3A_70 [0] : vector<256x8xf32> to vector<8xf32>
    %broadcast_in_dim3A_72 = vector.shape_cast %reduce_sum3A_71 : vector<8xf32> to vector<1x8xf32>
    %add3A_73 = arith.addf %add3A_64, %broadcast_in_dim3A_72 : vector<1x8xf32>
    %slice3A_74 = vector.extract_strided_slice %add3A_41 {offsets = [768, 0], sizes = [256, 8], strides = [1, 1]} : vector<2048x8xf32> to vector<256x8xf32>
    %dot_general3A_75 = arith.constant dense<0.000000e+00> : vector<256x8xf32>
    %dot_general3A_76 = tpu.matmul %convert_element_type3A_45, %slice3A_74, %dot_general3A_75 {dimension_numbers = #tpu.dot_dimension_numbers<[1], [0], [0], [1], [0, 0, 1, 1], [], []>, transpose_lhs_hint = false} : vector<256x256xf32>, vector<256x8xf32>, vector<256x8xf32> -> vector<256x8xf32>
    %add3A_77 = vector.broadcast %add3A_73 : vector<1x8xf32> to vector<256x8xf32>
    %add3A_78 = arith.addf %dot_general3A_76, %add3A_77 : vector<256x8xf32>
    %reduce_sum3A_79 = arith.constant dense<0.000000e+00> : vector<8xf32>
    %reduce_sum3A_80 = vector.multi_reduction <add>, %slice3A_74, %reduce_sum3A_79 [0] : vector<256x8xf32> to vector<8xf32>
    %broadcast_in_dim3A_81 = vector.shape_cast %reduce_sum3A_80 : vector<8xf32> to vector<1x8xf32>
    %add3A_82 = arith.addf %add3A_73, %broadcast_in_dim3A_81 : vector<1x8xf32>
    %slice3A_83 = vector.extract_strided_slice %add3A_41 {offsets = [1024, 0], sizes = [256, 8], strides = [1, 1]} : vector<2048x8xf32> to vector<256x8xf32>
    %dot_general3A_84 = arith.constant dense<0.000000e+00> : vector<256x8xf32>
    %dot_general3A_85 = tpu.matmul %convert_element_type3A_45, %slice3A_83, %dot_general3A_84 {dimension_numbers = #tpu.dot_dimension_numbers<[1], [0], [0], [1], [0, 0, 1, 1], [], []>, transpose_lhs_hint = false} : vector<256x256xf32>, vector<256x8xf32>, vector<256x8xf32> -> vector<256x8xf32>
    %add3A_86 = vector.broadcast %add3A_82 : vector<1x8xf32> to vector<256x8xf32>
    %add3A_87 = arith.addf %dot_general3A_85, %add3A_86 : vector<256x8xf32>
    %reduce_sum3A_88 = arith.constant dense<0.000000e+00> : vector<8xf32>
    %reduce_sum3A_89 = vector.multi_reduction <add>, %slice3A_83, %reduce_sum3A_88 [0] : vector<256x8xf32> to vector<8xf32>
    %broadcast_in_dim3A_90 = vector.shape_cast %reduce_sum3A_89 : vector<8xf32> to vector<1x8xf32>
    %add3A_91 = arith.addf %add3A_82, %broadcast_in_dim3A_90 : vector<1x8xf32>
    %slice3A_92 = vector.extract_strided_slice %add3A_41 {offsets = [1280, 0], sizes = [256, 8], strides = [1, 1]} : vector<2048x8xf32> to vector<256x8xf32>
    %dot_general3A_93 = arith.constant dense<0.000000e+00> : vector<256x8xf32>
    %dot_general3A_94 = tpu.matmul %convert_element_type3A_45, %slice3A_92, %dot_general3A_93 {dimension_numbers = #tpu.dot_dimension_numbers<[1], [0], [0], [1], [0, 0, 1, 1], [], []>, transpose_lhs_hint = false} : vector<256x256xf32>, vector<256x8xf32>, vector<256x8xf32> -> vector<256x8xf32>
    %add3A_95 = vector.broadcast %add3A_91 : vector<1x8xf32> to vector<256x8xf32>
    %add3A_96 = arith.addf %dot_general3A_94, %add3A_95 : vector<256x8xf32>
    %reduce_sum3A_97 = arith.constant dense<0.000000e+00> : vector<8xf32>
    %reduce_sum3A_98 = vector.multi_reduction <add>, %slice3A_92, %reduce_sum3A_97 [0] : vector<256x8xf32> to vector<8xf32>
    %broadcast_in_dim3A_99 = vector.shape_cast %reduce_sum3A_98 : vector<8xf32> to vector<1x8xf32>
    %add3A_100 = arith.addf %add3A_91, %broadcast_in_dim3A_99 : vector<1x8xf32>
    %slice3A_101 = vector.extract_strided_slice %add3A_41 {offsets = [1536, 0], sizes = [256, 8], strides = [1, 1]} : vector<2048x8xf32> to vector<256x8xf32>
    %dot_general3A_102 = arith.constant dense<0.000000e+00> : vector<256x8xf32>
    %dot_general3A_103 = tpu.matmul %convert_element_type3A_45, %slice3A_101, %dot_general3A_102 {dimension_numbers = #tpu.dot_dimension_numbers<[1], [0], [0], [1], [0, 0, 1, 1], [], []>, transpose_lhs_hint = false} : vector<256x256xf32>, vector<256x8xf32>, vector<256x8xf32> -> vector<256x8xf32>
    %add3A_104 = vector.broadcast %add3A_100 : vector<1x8xf32> to vector<256x8xf32>
    %add3A_105 = arith.addf %dot_general3A_103, %add3A_104 : vector<256x8xf32>
    %reduce_sum3A_106 = arith.constant dense<0.000000e+00> : vector<8xf32>
    %reduce_sum3A_107 = vector.multi_reduction <add>, %slice3A_101, %reduce_sum3A_106 [0] : vector<256x8xf32> to vector<8xf32>
    %broadcast_in_dim3A_108 = vector.shape_cast %reduce_sum3A_107 : vector<8xf32> to vector<1x8xf32>
    %add3A_109 = arith.addf %add3A_100, %broadcast_in_dim3A_108 : vector<1x8xf32>
    %slice3A_110 = vector.extract_strided_slice %add3A_41 {offsets = [1792, 0], sizes = [256, 8], strides = [1, 1]} : vector<2048x8xf32> to vector<256x8xf32>
    %dot_general3A_111 = arith.constant dense<0.000000e+00> : vector<256x8xf32>
    %dot_general3A_112 = tpu.matmul %convert_element_type3A_45, %slice3A_110, %dot_general3A_111 {dimension_numbers = #tpu.dot_dimension_numbers<[1], [0], [0], [1], [0, 0, 1, 1], [], []>, transpose_lhs_hint = false} : vector<256x256xf32>, vector<256x8xf32>, vector<256x8xf32> -> vector<256x8xf32>
    %add3A_113 = vector.broadcast %add3A_109 : vector<1x8xf32> to vector<256x8xf32>
    %add3A_114 = arith.addf %dot_general3A_112, %add3A_113 : vector<256x8xf32>
    %reduce_sum3A_115 = arith.constant dense<0.000000e+00> : vector<8xf32>
    %reduce_sum3A_116 = vector.multi_reduction <add>, %slice3A_110, %reduce_sum3A_115 [0] : vector<256x8xf32> to vector<8xf32>
    %broadcast_in_dim3A_117 = vector.shape_cast %reduce_sum3A_116 : vector<8xf32> to vector<1x8xf32>
    %add3A_118 = arith.addf %add3A_109, %broadcast_in_dim3A_117 : vector<1x8xf32>
    %concatenate3A = tpu.concatenate %add3A_51, %add3A_60, %add3A_69, %add3A_78, %add3A_87, %add3A_96, %add3A_105, %add3A_114 in 0 : vector<256x8xf32>, vector<256x8xf32>, vector<256x8xf32>, vector<256x8xf32>, vector<256x8xf32>, vector<256x8xf32>, vector<256x8xf32>, vector<256x8xf32> -> vector<2048x8xf32>
    %add3A_119 = arith.constant 2.550000e+02 : f32
    %add3A_120 = vector.broadcast %add3A_119 : f32 to vector<1x8xf32>
    %add3A_121 = arith.addf %add3A_118, %add3A_120 : vector<1x8xf32>
    %mul3A = arith.constant 3.906250e-03 : f32
    %mul3A_122 = vector.broadcast %mul3A : f32 to vector<1x8xf32>
    %mul3A_123 = arith.mulf %add3A_121, %mul3A_122 : vector<1x8xf32>
    %floor3A = math.floor %mul3A_123 : vector<1x8xf32>
    %iota3A_124 = tpu.iota {dimensions = array<i32: 0>} : vector<8x8xi32>
    %iota3A_125 = tpu.iota {dimensions = array<i32: 1>} : vector<8x8xi32>
    %lt3A_126 = arith.cmpi slt, %iota3A_124, %iota3A_125 : vector<8x8xi32>
    %convert_element_type3A_127 = arith.extui %lt3A_126 : vector<8x8xi1> to vector<8x8xi32>
    %convert_element_type3A_128 = arith.sitofp %convert_element_type3A_127 : vector<8x8xi32> to vector<8x8xf32>
    %dot_general3A_129 = arith.constant dense<0.000000e+00> : vector<1x8xf32>
    %dot_general3A_130 = tpu.matmul %floor3A, %convert_element_type3A_128, %dot_general3A_129 {dimension_numbers = #tpu.dot_dimension_numbers<[1], [0], [0], [1], [0, 0, 1, 1], [], []>, transpose_lhs_hint = false} : vector<1x8xf32>, vector<8x8xf32>, vector<1x8xf32> -> vector<1x8xf32>
    %mul3A_131 = arith.constant 2.560000e+02 : f32
    %mul3A_132 = vector.broadcast %mul3A_131 : f32 to vector<1x8xf32>
    %mul3A_133 = arith.mulf %mul3A_132, %dot_general3A_130 : vector<1x8xf32>
    %add3A_134 = vector.broadcast %mul3A_133 : vector<1x8xf32> to vector<2048x8xf32>
    %add3A_135 = arith.addf %concatenate3A, %add3A_134 : vector<2048x8xf32>
    %mul3A_136 = arith.mulf %convert_element_type3A_17, %add3A_135 : vector<2048x8xf32>
    %reduce_sum3A_137 = arith.constant dense<0.000000e+00> : vector<2048xf32>
    %reduce_sum3A_138 = vector.multi_reduction <add>, %mul3A_136, %reduce_sum3A_137 [1] : vector<2048x8xf32> to vector<2048xf32>
    %broadcast_in_dim3A_139 = vector.shape_cast %reduce_sum3A_138 : vector<2048xf32> to vector<2048x1xf32>
    %mul3A_140 = arith.mulf %convert_element_type3A_29, %add3A_135 : vector<2048x8xf32>
    %reduce_sum3A_141 = arith.constant dense<0.000000e+00> : vector<2048xf32>
    %reduce_sum3A_142 = vector.multi_reduction <add>, %mul3A_140, %reduce_sum3A_141 [1] : vector<2048x8xf32> to vector<2048xf32>
    %broadcast_in_dim3A_143 = vector.shape_cast %reduce_sum3A_142 : vector<2048xf32> to vector<2048x1xf32>
    %convert_element_type3A_144 = arith.fptosi %broadcast_in_dim3A_139 : vector<2048x1xf32> to vector<2048x1xi32>
    %swap3A_145 = arith.constant 0 : index
    %swap3A_146 = arith.constant 0 : index
    %swap3A_147 = vector.load %arg3[%swap3A_145, %swap3A_146] : memref<2048x1xi32, #tpu.memory_space<vmem>>, vector<2048x1xi32>
    tpu.vector_store %arg3[%swap3A_145, %swap3A_146], %convert_element_type3A_144 {strides = array<i32>} : memref<2048x1xi32, #tpu.memory_space<vmem>>, vector<2048x1xi32>,
    %convert_element_type3A_148 = arith.fptosi %broadcast_in_dim3A_143 : vector<2048x1xf32> to vector<2048x1xi32>
    %swap3A_149 = arith.constant 0 : index
    %swap3A_150 = arith.constant 0 : index
    %swap3A_151 = vector.load %arg4[%swap3A_149, %swap3A_150] : memref<2048x1xi32, #tpu.memory_space<vmem>>, vector<2048x1xi32>
    tpu.vector_store %arg4[%swap3A_149, %swap3A_150], %convert_element_type3A_148 {strides = array<i32>} : memref<2048x1xi32, #tpu.memory_space<vmem>>, vector<2048x1xi32>,
    %broadcast_in_dim3A_152 = arith.constant 1.000000e+00 : f32
    %broadcast_in_dim3A_153 = vector.broadcast %broadcast_in_dim3A_152 : f32 to vector<2048x1xf32>
    %dot_general3A_154 = arith.constant dense<0.000000e+00> : vector<8x1xf32>
    %dot_general3A_155 = tpu.matmul %add3A_41, %broadcast_in_dim3A_153, %dot_general3A_154 {dimension_numbers = #tpu.dot_dimension_numbers<[0], [0], [1], [1], [0, 1, 1, 1], [], []>, transpose_lhs_hint = false} : vector<2048x8xf32>, vector<2048x1xf32>, vector<8x1xf32> -> vector<8x1xf32>
    %add3A_156 = arith.constant 2.550000e+02 : f32
    %add3A_157 = vector.broadcast %add3A_156 : f32 to vector<8x1xf32>
    %add3A_158 = arith.addf %dot_general3A_155, %add3A_157 : vector<8x1xf32>
    %mul3A_159 = arith.constant 3.906250e-03 : f32
    %mul3A_160 = vector.broadcast %mul3A_159 : f32 to vector<8x1xf32>
    %mul3A_161 = arith.mulf %add3A_158, %mul3A_160 : vector<8x1xf32>
    %floor3A_162 = math.floor %mul3A_161 : vector<8x1xf32>
    %le3A = arith.cmpi sle, %iota3A_125, %iota3A_124 : vector<8x8xi32>
    %convert_element_type3A_163 = arith.extui %le3A : vector<8x8xi1> to vector<8x8xi32>
    %convert_element_type3A_164 = arith.sitofp %convert_element_type3A_163 : vector<8x8xi32> to vector<8x8xf32>
    %dot_general3A_165 = arith.constant dense<0.000000e+00> : vector<8x1xf32>
    %dot_general3A_166 = tpu.matmul %convert_element_type3A_164, %floor3A_162, %dot_general3A_165 {dimension_numbers = #tpu.dot_dimension_numbers<[1], [0], [0], [1], [0, 0, 1, 1], [], []>, transpose_lhs_hint = false} : vector<8x8xf32>, vector<8x1xf32>, vector<8x1xf32> -> vector<8x1xf32>
    %iota3A_167 = tpu.iota {dimensions = array<i32: 1>} : vector<1x24xi32>
    %convert_element_type3A_168 = arith.sitofp %iota3A_167 : vector<1x24xi32> to vector<1x24xf32>
    %ge3A = vector.broadcast %convert_element_type3A_168 : vector<1x24xf32> to vector<8x24xf32>
    %ge3A_169 = vector.broadcast %dot_general3A_166 : vector<8x1xf32> to vector<8x24xf32>
    %ge3A_170 = arith.cmpf oge, %ge3A, %ge3A_169 : vector<8x24xf32>
    %convert_element_type3A_171 = arith.extui %ge3A_170 : vector<8x24xi1> to vector<8x24xi32>
    %convert_element_type3A_172 = arith.sitofp %convert_element_type3A_171 : vector<8x24xi32> to vector<8x24xf32>
    %reduce_sum3A_173 = arith.constant dense<0.000000e+00> : vector<24xf32>
    %reduce_sum3A_174 = vector.multi_reduction <add>, %convert_element_type3A_172, %reduce_sum3A_173 [0] : vector<8x24xf32> to vector<24xf32>
    %broadcast_in_dim3A_175 = vector.shape_cast %reduce_sum3A_174 : vector<24xf32> to vector<1x24xf32>
    %min3A = arith.constant 7.000000e+00 : f32
    %min3A_176 = vector.broadcast %min3A : f32 to vector<1x24xf32>
    %min3A_177 = arith.minimumf %broadcast_in_dim3A_175, %min3A_176 : vector<1x24xf32>
    %convert_element_type3A_178 = arith.fptosi %min3A_177 : vector<1x24xf32> to vector<1x24xi32>
    %swap3A_179 = arith.constant 0 : index
    %swap3A_180 = arith.constant 0 : index
    %swap3A_181 = vector.load %arg7[%swap3A_179, %swap3A_180] : memref<1x24xi32, #tpu.memory_space<vmem>>, vector<1x24xi32>
    tpu.vector_store %arg7[%swap3A_179, %swap3A_180], %convert_element_type3A_178 {strides = array<i32>} : memref<1x24xi32, #tpu.memory_space<vmem>>, vector<1x24xi32>,
    %reduce_sum3A_182 = arith.constant dense<0.000000e+00> : vector<8xf32>
    %reduce_sum3A_183 = vector.multi_reduction <add>, %div3A_14, %reduce_sum3A_182 [0] : vector<2048x8xf32> to vector<8xf32>
    %broadcast_in_dim3A_184 = vector.shape_cast %reduce_sum3A_183 : vector<8xf32> to vector<1x8xf32>
    %mul3A_185 = arith.mulf %broadcast_in_dim3A_184, %add3A_118 : vector<1x8xf32>
    %reduce_sum3A_186 = vector.shape_cast %mul3A_185 : vector<1x8xf32> to vector<1x1x8xf32>
    %reduce_sum3A_187 = arith.constant dense<0.000000e+00> : vector<1xf32>
    %reduce_sum3A_188 = vector.multi_reduction <add>, %reduce_sum3A_186, %reduce_sum3A_187 [1, 2] : vector<1x1x8xf32> to vector<1xf32>
    %reduce_sum3A_189 = vector.shape_cast %reduce_sum3A_188 : vector<1xf32> to vector<1x1x1xf32>
    %reduce_sum3A_190 = vector.extract %reduce_sum3A_189[0, 0, 0] : f32 from vector<1x1x1xf32>
    %broadcast_in_dim3A_191 = vector.broadcast %reduce_sum3A_190 : f32 to vector<1x1xf32>
    %div3A_192 = arith.constant 0x4A800000 : f32
    %div3A_193 = vector.broadcast %div3A_192 : f32 to vector<1x1xf32>
    %div3A_194 = arith.divf %broadcast_in_dim3A_191, %div3A_193 : vector<1x1xf32>
    %swap3A_195 = arith.constant 0 : index
    %swap3A_196 = arith.constant 0 : index
    %swap3A_197 = vector.load %arg8[%swap3A_195, %swap3A_196] : memref<1x1xf32, #tpu.memory_space<vmem>>, vector<1x1xf32>
    tpu.vector_store %arg8[%swap3A_195, %swap3A_196], %div3A_194 {strides = array<i32>} : memref<1x1xf32, #tpu.memory_space<vmem>>, vector<1x1xf32>,
    return
  }
}

module attributes {stable_mosaic.version = 14 : i64} {
  func.func @_gmm_kernel(%arg0: i32, %arg1: memref<24xi32, #tpu.memory_space<smem>>, %arg2: memref<256x768xf32, #tpu.memory_space<vmem>>, %arg3: memref<1x768x768xf32, #tpu.memory_space<vmem>>, %arg4: memref<1x1x768xf32, #tpu.memory_space<vmem>>, %arg5: memref<256x768xf32, #tpu.memory_space<vmem>>) attributes {dimension_semantics = [#tpu.dimension_semantics<arbitrary>], iteration_bounds = array<i64: 24>, scalar_prefetch = 1 : i64, scratch_operands = 0 : i64, tpu.core_type = #tpu.core_type<tc>, window_params = [{transform_indices = @transform_0, window_bounds = array<i64: 256, 768>}, {transform_indices = @transform_1, window_bounds = array<i64: 1, 768, 768>}, {transform_indices = @transform_2, window_bounds = array<i64: 1, 1, 768>}, {transform_indices = @transform_3, window_bounds = array<i64: 256, 768>}]} {
    %get3A = arith.constant 0 : index
    %get3A_0 = arith.constant 0 : index
    %get3A_1 = vector.load %arg2[%get3A, %get3A_0] : memref<256x768xf32, #tpu.memory_space<vmem>>, vector<256x768xf32>
    %get3A_2 = arith.constant 0 : index
    %get3A_3 = arith.constant 0 : index
    %get3A_4 = arith.constant 0 : index
    %get3A_5 = vector.load %arg3[%get3A_2, %get3A_3, %get3A_4] : memref<1x768x768xf32, #tpu.memory_space<vmem>>, vector<1x768x768xf32>
    %get3A_6 = vector.shape_cast %get3A_5 : vector<1x768x768xf32> to vector<768x768xf32>
    %dot_general3A = arith.constant dense<0.000000e+00> : vector<256x768xf32>
    %dot_general3A_7 = tpu.matmul %get3A_1, %get3A_6, %dot_general3A {dimension_numbers = #tpu.dot_dimension_numbers<[1], [1], [0], [0], [0, 0, 1, 0], [], []>, transpose_lhs_hint = false} : vector<256x768xf32>, vector<768x768xf32>, vector<256x768xf32> -> vector<256x768xf32>
    %get3A_8 = arith.constant 0 : index
    %get3A_9 = arith.constant 0 : index
    %get3A_10 = arith.constant 0 : index
    %get3A_11 = vector.load %arg4[%get3A_8, %get3A_9, %get3A_10] : memref<1x1x768xf32, #tpu.memory_space<vmem>>, vector<1x1x768xf32>
    %get3A_12 = vector.shape_cast %get3A_11 : vector<1x1x768xf32> to vector<1x768xf32>
    %add3A = vector.broadcast %get3A_12 : vector<1x768xf32> to vector<256x768xf32>
    %add3A_13 = arith.addf %dot_general3A_7, %add3A : vector<256x768xf32>
    %swap3A = arith.constant 0 : index
    %swap3A_14 = arith.constant 0 : index
    %swap3A_15 = vector.load %arg5[%swap3A, %swap3A_14] : memref<256x768xf32, #tpu.memory_space<vmem>>, vector<256x768xf32>
    tpu.vector_store %arg5[%swap3A, %swap3A_14], %add3A_13 {strides = array<i32>} : memref<256x768xf32, #tpu.memory_space<vmem>>, vector<256x768xf32>,
    return
  }
  func.func @transform_0(%arg0: i32, %arg1: memref<24xi32, #tpu.memory_space<smem>>) -> (i32, i32) {
    %c0_i32 = arith.constant 0 : i32
    %c0_i32_0 = arith.constant 0 : i32
    return %arg0, %c0_i32 : i32, i32
  }
  func.func @transform_1(%arg0: i32, %arg1: memref<24xi32, #tpu.memory_space<smem>>) -> (i32, i32, i32) {
    %get3A = arith.index_cast %arg0 : i32 to index
    %get3A_0 = memref.load %arg1[%get3A] : memref<24xi32, #tpu.memory_space<smem>>
    %c0_i32 = arith.constant 0 : i32
    %c0_i32_1 = arith.constant 0 : i32
    %c0_i32_2 = arith.constant 0 : i32
    return %get3A_0, %c0_i32, %c0_i32_1 : i32, i32, i32
  }
  func.func @transform_2(%arg0: i32, %arg1: memref<24xi32, #tpu.memory_space<smem>>) -> (i32, i32, i32) {
    %get3A = arith.index_cast %arg0 : i32 to index
    %get3A_0 = memref.load %arg1[%get3A] : memref<24xi32, #tpu.memory_space<smem>>
    %c0_i32 = arith.constant 0 : i32
    %c0_i32_1 = arith.constant 0 : i32
    %c0_i32_2 = arith.constant 0 : i32
    return %get3A_0, %c0_i32, %c0_i32_1 : i32, i32, i32
  }
  func.func @transform_3(%arg0: i32, %arg1: memref<24xi32, #tpu.memory_space<smem>>) -> (i32, i32) {
    %c0_i32 = arith.constant 0 : i32
    %c0_i32_0 = arith.constant 0 : i32
    return %arg0, %c0_i32 : i32, i32
  }
}

</mosaic_0001>

<sc_bundles>
// kernel: kernel.6.cloned.1.call-start
scs
__scs_entry_jumppad:
0x0: {  	(pc) =	sbr.rel $0x88, $3  }
0x1: {  	(tag) =	ssettag $0x0;
	lr =	simm.s32 $0x1  }
0x2: {  	[smem:$0x3F9A] =	sst lr;
	_ =	strace $0xD0000000  }
0x3: {  	_ = 	snop  }
0x4: {  	_ = 	snop  }
0x5: {  	_ = 	snop  }
0x6: {  	_ = 	snop  }
0x7: {  	_ = 	snop  }
__scs_overlays_trampoline_lowered:
0x8: {  	[smem:$0x3FA9] =	sst s0  }
0x9: {  	[smem:$0x3FAA] =	sst s1  }
0xa: {  	[smem:$0x3FAB] =	sst s2  }
0xb: {  	[smem:$0x3FAC] =	sst s3  }
0xc: {  	[smem:$0x3FAD] =	sst s4  }
0xd: {  	[smem:$0x3FAE] =	sst s5  }
0xe: {  	[smem:$0x3FAF] =	sst s6  }
0xf: {  	[smem:$0x3FB0] =	sst s7  }
0x10: {  	[smem:$0x3FB1] =	sst s8  }
0x11: {  	[smem:$0x3FB2] =	sst s9;
	s0 =	simm.s32 @!p0 $0x0  }
0x12: {  	s1 =	sld [smem:$0x3F98];
	s0 =	simm.s32 @p0 $0x1  }
0x13: {  	[smem:$0x3FB3] =	sst s0;
	s0 =	simm.s32 @!p1 $0x0  }
0x14: {  	s2 =	sld [smem:$0x3F97];
	s0 =	simm.s32 @p1 $0x1  }
0x15: {  	[smem:$0x3FB4] =	sst s0;
	s0 =	simm.s32 @!p2 $0x0  }
0x16: {  	s3 =	sld [smem:$0x3FDB];
	s0 =	simm.s32 @p2 $0x1  }
0x17: {  	s4 =	simm.s32 $0x1BF5;
	[smem:$0x3FB6] =	sst s0  }
0x18: {  	s0 =	sld [smem:$0x3F99];
	_ =	swait.ge [sflag:s4], $0x0  }
0x19: {  	s7 =	sld [smem:$0x3F9A]  }
0x1a: {  	s8 =	sadd.s32 $0xFFFFE003, lr  }
0x1b: {  	s9 =	sadd.s32 $0xFFFFFEF7, lr;
	s5 =	simm.s32 $0xFFFFFFFF;
	p2 =	slt.u32 s8, $0xFFFFF086  }
0x1c: {  	p1 =	slt.u32 s9, $0xF7A;
	s5 =	simm.s32 @!p2 $0x0  }
0x1d: {  	s5 =	simm.s32 @p1 $0x1;
	p0 =	seq.s32 s7, s2  }
0x1e: {  	s7 =	smul.u32 @!p0 $0xF7A, s2;
	p2 =	seq.s32 @!p0 s5, $0x0  }
0x1f: {  	s9 =	smul.u32 $0xF7A, s1;
	s8 =	simm.s32 @!p0 $0x1BF5;
	p2 =	por !p2, p0  }
0x20: {  	[sflag:s8] =	ssyncset.s32 @!p0 $0xFFFFF086;
	s6 =	sadd.s32 @!p0 s3, s7;
	s7 =	simm.s32 @!p0 $0x108  }
0x21: {  	s3 =	sadd.s32 s3, s9;
	s6 =	sadd.s32 @!p0 $0x88, s6;
	s7 =	simm.s32 @p2 $0x1082  }
0x22: {  	[simem:s7], [sflag:s8] =	dma.local @!p0 [hbm:s6], $0xF7A  }
0x23: {  	s9 =	sor.u32 $0xD0000000, s2;
	s6 =	simm.s32 $0x108;
	_ =	swait.ge @!p0 [sflag:s8], $0x0  }
0x24: {  	s3 =	sadd.s32 $0x88, s3;
	s6 =	simm.s32 @!p1 $0x1082;
	[sflag:s4] =	ssyncset.s32 $0xFFFFF086  }
0x25: {  	[simem:s6], [sflag:s4] =	dma.local [hbm:s3], $0xF7A  }
0x26: {  	[smem:$0x3F9A] =	sst s1;
	(tag) =	ssettag s2;
	_ =	strace s9  }
0x27: {  	s1 =	sld [smem:$0x3FAA]  }
0x28: {  	s2 =	sld [smem:$0x3FAB]  }
0x29: {  	s4 =	sld [smem:$0x3FAD]  }
0x2a: {  	p0 =	seq.s32 s5, $0x0;
	s5 =	sld [smem:$0x3FAE]  }
0x2b: {  	s6 =	sld [smem:$0x3FAF]  }
0x2c: {  	s7 =	sld [smem:$0x3FB0]  }
0x2d: {  	s3 =	simm.s32 $0x108;
	s8 =	sld [smem:$0x3FB1]  }
0x2e: {  	s3 =	simm.s32 @!p0 $0x1082;
	s9 =	sld [smem:$0x3FB2]  }
0x2f: {  	lr =	sadd.s32 s0, s3;
	s0 =	sld [smem:$0x3FA9]  }
0x30: {  	s3 =	sld [smem:$0x3FAC]  }
0x31: {  	[smem:$0x3FB5] =	sst s10  }
0x32: {  	s10 =	sld [smem:$0x3FB3];
	_ =	sdelay $0x3  }
0x33: {  	p0 =	seq.s32 s10, $0x1;
	s10 =	sld [smem:$0x3FB5];
	_ =	sdelay $0x3  }
0x34: {  	[smem:$0x3FB5] =	sst s10  }
0x35: {  	s10 =	sld [smem:$0x3FB4];
	_ =	sdelay $0x3  }
0x36: {  	p1 =	seq.s32 s10, $0x1;
	s10 =	sld [smem:$0x3FB5];
	_ =	sdelay $0x3  }
0x37: {  	[smem:$0x3FB5] =	sst s10  }
0x38: {  	s10 =	sld [smem:$0x3FB6]  }
0x39: {  	_ = 	snop;
	(pc) =	sbr.ind lr, $3  }
0x3a: {  	_ = 	snop  }
0x3b: {  	_ = 	snop  }
0x3c: {  	p2 =	seq.s32 s10, $0x1;
	s10 =	sld [smem:$0x3FB5]  }
0x3d: {  	_ =	shalt  }
0x3e: {  	_ =	shalt  }
0x3f: {  	_ =	shalt  }
0x40: {  	_ =	shalt  }
0x41: {  	_ =	shalt  }
0x42: {  	_ =	shalt  }
0x43: {  	_ =	shalt  }
0x44: {  	_ =	shalt  }
0x45: {  	_ =	shalt  }
0x46: {  	_ =	shalt  }
0x47: {  	_ =	shalt  }
0x48: {  	_ =	shalt  }
0x49: {  	_ =	shalt  }
0x4a: {  	_ =	shalt  }
0x4b: {  	_ =	shalt  }
0x4c: {  	_ =	shalt  }
0x4d: {  	_ =	shalt  }
0x4e: {  	_ =	shalt  }
0x4f: {  	_ =	shalt  }
0x50: {  	_ =	shalt  }
0x51: {  	_ =	shalt  }
0x52: {  	_ =	shalt  }
0x53: {  	_ =	shalt  }
0x54: {  	_ =	shalt  }
0x55: {  	_ =	shalt  }
0x56: {  	_ =	shalt  }
0x57: {  	_ =	shalt  }
0x58: {  	_ =	shalt  }
0x59: {  	_ =	shalt  }
0x5a: {  	_ =	shalt  }
0x5b: {  	_ =	shalt  }
0x5c: {  	_ =	shalt  }
0x5d: {  	_ =	shalt  }
0x5e: {  	_ =	shalt  }
0x5f: {  	_ =	shalt  }
0x60: {  	_ =	shalt  }
0x61: {  	_ =	shalt  }
0x62: {  	_ =	shalt  }
0x63: {  	_ =	shalt  }
0x64: {  	_ =	shalt  }
0x65: {  	_ =	shalt  }
0x66: {  	_ =	shalt  }
0x67: {  	_ =	shalt  }
0x68: {  	_ =	shalt  }
0x69: {  	_ =	shalt  }
0x6a: {  	_ =	shalt  }
0x6b: {  	_ =	shalt  }
0x6c: {  	_ =	shalt  }
0x6d: {  	_ =	shalt  }
0x6e: {  	_ =	shalt  }
0x6f: {  	_ =	shalt  }
0x70: {  	_ =	shalt  }
0x71: {  	_ =	shalt  }
0x72: {  	_ =	shalt  }
0x73: {  	_ =	shalt  }
0x74: {  	_ =	shalt  }
0x75: {  	_ =	shalt  }
0x76: {  	_ =	shalt  }
0x77: {  	_ =	shalt  }
0x78: {  	_ =	shalt  }
0x79: {  	_ =	shalt  }
0x7a: {  	_ =	shalt  }
0x7b: {  	_ =	shalt  }
0x7c: {  	_ =	shalt  }
0x7d: {  	_ =	shalt  }
0x7e: {  	_ =	shalt  }
0x7f: {  	_ =	shalt  }
0x80: {  	_ =	shalt  }
0x81: {  	_ =	shalt  }
0x82: {  	_ =	shalt  }
0x83: {  	_ =	shalt  }
0x84: {  	_ =	shalt  }
0x85: {  	_ =	shalt  }
0x86: {  	_ =	shalt  }
0x87: {  	_ =	shalt  }
.Lfunc_end0:
.L_simem_size_0:
called_computation_lowered:
.L_overlay_start_0:
0x88: {  	s2 =	sld [smem:$0x3FD9]  }
0x89: {  	s3 =	sld [smem:$0x3FFE];
	_ =	sdelay $0x1  }
0x8a: {  	s1 =	srdreg.scid  }
0x8b: {  	s0 =	sand.u32 $0x1, s1  }
0x8c: {  	s17 =	sshll.u32 s0, $0xA;
	s2 =	sadd.s32 s3, s2  }
0x8d: {  	s2 =	sadd.s32 s2, s17  }
0x8e: {  	[smem:$0x3FC1] =	sst s2  }
0x8f: {  	_ = 	snop  }
0x90: {  	s2 =	sld [smem:$0x3FC9];
	(tm) =	ssettm $0x1  }
0x91: {  	s18 =	sld [smem:$0x3FFB];
	_ =	sdelay $0x3  }
0x92: {  	_ =	strace s18  }
0x93: {  	s3 =	sld [smem:$0x3FFC];
	_ =	sdelay $0x3  }
0x94: {  	_ =	strace s3  }
0x95: {  	s3 =	sld [smem:$0x3FFD];
	_ =	sdelay $0x3  }
0x96: {  	_ =	strace s3  }
0x97: {  	_ =	strace $0x8FFFFFFF  }
0x98: {  	s19 =	sld [smem:$0x3FDB];
	_ =	sdelay $0x1  }
0x99: {  	s4 =	simm.s32 $_scs_section_size  }
0x9a: {  	s5 =	simm.s32 $_size__tile_overlayer_lowered;
	s6 =	simm.s32 $_tile_overlayer_lowered  }
0x9b: {  	s22 =	simm.s32 $0x1BFF;
	s21 =	sshll.u32 s6, $0x1;
	s3 =	sadd.s32 s4, s19  }
0x9c: {  	s7 =	simm.s32 $0x0;
	s20 =	sshll.u32 s5, $0x1;
	s5 =	sadd.s32 s21, s3  }
0x9d: {  	[timem:s7], [sflag:s22] =	dma.local [hbm:s5], s20  }
0x9e: {  	_ =	swait.ge [sflag:s22], s20  }
0x9f: {  	s4 =	ssub.s32 $0x0, s20;
	[sflag:s22] =	ssyncset.done $0x0  }
0xa0: {  	[sflag:s22] =	ssyncadd.s32 s4;
	_ =	sdelay $0x1  }
0xa1: {  	s23 =	simm.s32 $0x1B8B  }
0xa2: {  	_ =	swait.ge [sflag:s23], $0x1  }
0xa3: {  	[sflag:s23] =	ssyncset.done $0x0  }
0xa4: {  	s25 =	simm.s32 $0x1B8E;
	s24 =	sld [smem:$0x3FFE];
	[sflag:s23] =	ssyncadd.s32 $0xFFFFFFFF  }
0xa5: {  	s26 =	simm.s32 $execute0_lowered;
	[smem:$0x3FD2] =	sst s25  }
0xa6: {  	s5 =	sshll.u32 s26, $0x1;
	_ =	strace $0x80000046;
	[dreg:$0x1] =	wrdreg $0xFFFFFFFF  }
0xa7: {  	s28 =	simm.s32 $_size_execute0_lowered;
	s3 =	sadd.s32 s3, s5;
	[dreg:$0x0] =	wrdreg $0x0  }
0xa8: {  	s5 =	sshll.u32 s28, $0x1;
	[dreg:$0x2] =	wrdreg s3  }
0xa9: {  	[dreg:$0x3] =	wrdreg s5  }
0xaa: {  	[dreg:$0x4] =	wrdreg $0xC0  }
0xab: {  	_ =	task [dreg:s7], $0x5FFFF  }
0xac: {  	[dreg:$0x1] =	wrdreg $0xFFFFFFFF  }
0xad: {  	[dreg:$0x0] =	wrdreg $0x60  }
0xae: {  	[dreg:$0x2] =	wrdreg s2  }
0xaf: {  	[dreg:$0x3] =	wrdreg s24  }
0xb0: {  	[dreg:$0x4] =	wrdreg $0x9  }
0xb1: {  	_ =	task.clear_ibuf [dreg:s7], $0x5FFFF;
	_ =	strace $0x90000046  }
0xb2: {  	s29 =	simm.s32 $0x9;
	_ =	strace $0x80000048  }
0xb3: {  	_ =	swait.ge [sflag:s29], $0x1  }
0xb4: {  	[sflag:s29] =	ssyncadd.s32 $0xFFFFFFFF  }
0xb5: {  	_ =	strace $0x90000048  }
0xb6: {  	_ =	sfence  }
0xb7: {  	s30 =	sld [smem:$0x0];
	_ =	sdelay $0x2  }
0xb8: {  	s31 =	sshll.u32 s1, $0xD;
	s1 =	sshrl.u32 s1, $0x2  }
0xb9: {  	s3 =	sand.u32 $0x4000, s31;
	s1 =	sadd.s32 s1, s30  }
0xba: {  	s0 =	sor.u32 s3, s0;
	s1 =	sshll.u32 s1, $0x11  }
0xbb: {  	s0 =	sor.u32 s1, s0  }
0xbc: {  	s0 =	sadd.s32 $0x8F2B, s0  }
0xbd: {  	[sflag:s0] =	ssyncadd.remote.s32 $0x1  }
0xbe: {  	_ =	sfence.sel $0xFFFF  }
0xbf: {  	[dreg:$0x0] =	wrdreg $0xFFFFFFFF;
	(pc) =	sbr.abs _section_cstart, $3  }
0xc0: {  	[dreg:$0x1] =	wrdreg $0xFFFFFFFF  }
0xc1: {  	_ =	task.clear_ibuf [dreg:s7], $0x2FFFF;
	_ =	strace $0x9FFFFFFF  }
0xc2: {  	(tm) =	ssettm $0x7FFFFFFF  }
0xc3: {  	_ =	shalt  }
tec
execute0_lowered:
.L_overlay_start_1:
0x0: {  	(tag) =	ssettag $0x1  }
0x1: {  	s0 =	rddreg [dreg:$0x0]  }
0x2: {  	s1 =	rddreg [dreg:$0x1]  }
0x3: {  	s2 =	srdreg.scid;
	s4 =	stileid.u32;
	s26 =	simm.s32 $0x80  }
0x4: {  	s8 =	simm.s32 $0x100;
	s9 =	simm.s32 $0x1;
	s13 =	simm.s32 $0x2100  }
0x5: {  	s14 =	simm.s32 $0x2900;
	s15 =	simm.s32 $0x3100;
	s16 =	simm.s32 $0x3900  }
0x6: {  	s17 =	simm.s32 $0x4100;
	s18 =	simm.s32 $0x4900;
	s19 =	simm.s32 $0x5100  }
0x7: {  	s20 =	simm.s32 $0x5900;
	s21 =	simm.s32 $0x6100;
	s22 =	simm.s32 $0x6900  }
0x8: {  	s23 =	simm.s32 $0x7100;
	s24 =	simm.s32 $0x7900;
	s25 =	simm.s32 $0x8100  }
0x9: {  	s28 =	simm.s32 $0x9100;
	s29 =	simm.s32 $0x9900;
	s30 =	simm.s32 $0xA100  }
0xa: {  	s31 =	simm.s32 $0xA900;
	s3 =	sand.u32 $0x1, s2;
	s2 =	simm.s32 $0x0  }
0xb: {  	s4 =	sshll.u32 s4, $0x4;
	s5 =	sshll.u32 s3, $0x3;
	[smem:$0x7FF] =	sst s2  }
0xc: {  	s3 =	ssub.s32 $0x2, s3;
	s4 =	sor.u32 s5, s4;
	_ =	strace $0x80000047  }
0xd: {  	s7 =	sshrl.u32 s3, $0x1;
	[dreg:$0x5] =	wrdreg s26;
	s26 =	simm.s32 $0x8900  }
0xe: {  	s6 =	sadd.s32 s1, s4;
	s5 =	smul.u32 $0x300, s4;
	s4 =	sadd.s32 $0x400, s1  }
0xf: {  	s3 =	ssub.s32 s3, s7;
	[dreg:$0x6] =	wrdreg s6;
	s6 =	sadd.s32 $0x200, s6  }
0x10: {  	v2 =	vlaneseq.u32;
	s7 =	smax.u32 s3, $0x1;
	s3 =	simm.s32 $0x2;
	[dreg:$0x3] =	wrdreg s6  }
0x11: {  	vm0 =	vmmov $0xffff;
	v1 =	vshrl.u32 v2, $0x3;
	s0 =	sadd.s32 s0, s5;
	s5 =	sadd.s32 $0x500, s1;
	s6 =	sadd.s32 $0x600, s1  }
0x12: {  	v0 =	vand.u32 $0x7, v2;
	v2 =	vor.u32 $0x8, v2;
	v1 =	vmul.u32 $0x8, v1;
	s1 =	simm.s32 $0xB900;
	[dreg:$0x4] =	wrdreg s0;
	s0 =	simm.s32 $0xB100  }
.LBB2_1:
0x13: {  	s10 =	rddreg [dreg:$0x3]  }
0x14: {  	s12 =	rddreg [dreg:$0x6]  }
0x15: {  	[tilespmem:s2], [sflag:$0x1] =	stream.linear.gather [hbm4b:s12+s2], $0x40, $0x38;
	[tilespmem:$0xC100] =	vst v63  }
0x16: {  	s11 =	rddreg [dreg:$0x5]  }
0x17: {  	[tilespmem:s11], [sflag:$0x1] =	stream.linear.gather [hbm4b:s10+s2], $0x40, $0x38;
	[tilespmem:$0xC100] =	vst v63  }
0x18: {  	s12 =	rddreg [dreg:$0x4]  }
0x19: {  	[tilespmem:s8], [sflag:$0x1] =	stream.linear.gather [hbm4b:s12+s2], $0xC000, $0x38;
	[tilespmem:$0xC100] =	vst v63  }
0x1a: {  	_ =	swait.ge [sflag:s9], $0x40  }
0x1b: {  	[sflag:s9] =	ssyncset.done $0x0  }
0x1c: {  	[sflag:s9] =	ssyncadd.s32 $0xFFFFFFC0  }
0x1d: {  	_ =	swait.ge [sflag:s9], $0x40  }
0x1e: {  	[sflag:s9] =	ssyncset.done $0x0  }
0x1f: {  	[sflag:s9] =	ssyncadd.s32 $0xFFFFFFC0  }
0x20: {  	_ =	swait.ge [sflag:s9], $0xC000  }
0x21: {  	[sflag:s9] =	ssyncset.done $0x0  }
0x22: {  	[sflag:s9] =	ssyncadd.s32 $0xFFFF4000  }
0x23: {  	v3 =	vld [tilespmem:$0x0];
	_ =	sdelay $0x4  }
0x24: {  	v4 =	vshrl.u32 v3, $0x3  }
0x25: {  	v4 =	vmul.u32 $0x30, v4  }
0x26: {  	v3 =	vand.u32 $0x7, v3  }
0x27: {  	v3 =	vor.u32 v3, v4  }
0x28: {  	v4 =	vperm.xlane v3, v0;
	_ =	sdelay $0x1  }
0x29: {  	v4 =	vadd.s32 v1, v4;
	_ =	sdelay $0x3  }
0x2a: {  	v3 =	vperm.xlane v3, v2  }
0x2b: {  	[hbm4b:s4+s2] =	stream.indirect_vreg.scatter [tilespmem:s8], [sflag:$0x2], $0x80, v4, vm0, $0xb8;
	[tilespmem:$0xC100] =	vst v63  }
0x2c: {  	s10 =	simm.s32 $0x900;
	v3 =	vadd.s32 v1, v3  }
0x2d: {  	[hbm4b:s5+s2] =	stream.indirect_vreg.scatter [tilespmem:s10], [sflag:$0x2], $0x80, v4, vm0, $0xb8;
	[tilespmem:$0xC100] =	vst v63  }
0x2e: {  	s11 =	simm.s32 $0x1100  }
0x2f: {  	[hbm4b:s6+s2] =	stream.indirect_vreg.scatter [tilespmem:s11], [sflag:$0x2], $0x80, v4, vm0, $0xb8;
	[tilespmem:$0xC100] =	vst v63  }
0x30: {  	s12 =	simm.s32 $0x1900  }
0x31: {  	[hbm4b:s4+s2] =	stream.indirect_vreg.scatter [tilespmem:s12], [sflag:$0x2], $0x80, v3, vm0, $0xb8;
	[tilespmem:$0xC100] =	vst v63  }
0x32: {  	_ = 	snop  }
0x33: {  	[hbm4b:s5+s2] =	stream.indirect_vreg.scatter [tilespmem:s13], [sflag:$0x2], $0x80, v3, vm0, $0xb8;
	[tilespmem:$0xC100] =	vst v63  }
0x34: {  	_ = 	snop  }
0x35: {  	[hbm4b:s6+s2] =	stream.indirect_vreg.scatter [tilespmem:s14], [sflag:$0x2], $0x80, v3, vm0, $0xb8;
	[tilespmem:$0xC100] =	vst v63  }
0x36: {  	v3 =	vld [tilespmem:$0x10];
	_ =	sdelay $0x4  }
0x37: {  	v57 =	vshrl.u32 v3, $0x3  }
0x38: {  	v4 =	vmul.u32 $0x30, v57  }
0x39: {  	v3 =	vand.u32 $0x7, v3  }
0x3a: {  	v3 =	vor.u32 v3, v4  }
0x3b: {  	v4 =	vperm.xlane v3, v0;
	_ =	sdelay $0x1  }
0x3c: {  	v4 =	vadd.s32 v1, v4;
	_ =	sdelay $0x3  }
0x3d: {  	v3 =	vperm.xlane v3, v2  }
0x3e: {  	[hbm4b:s4+s2] =	stream.indirect_vreg.scatter [tilespmem:s15], [sflag:$0x2], $0x80, v4, vm0, $0xb8;
	[tilespmem:$0xC100] =	vst v63  }
0x3f: {  	v3 =	vadd.s32 v1, v3  }
0x40: {  	[hbm4b:s5+s2] =	stream.indirect_vreg.scatter [tilespmem:s16], [sflag:$0x2], $0x80, v4, vm0, $0xb8;
	[tilespmem:$0xC100] =	vst v63  }
0x41: {  	_ = 	snop  }
0x42: {  	[hbm4b:s6+s2] =	stream.indirect_vreg.scatter [tilespmem:s17], [sflag:$0x2], $0x80, v4, vm0, $0xb8;
	[tilespmem:$0xC100] =	vst v63  }
0x43: {  	_ = 	snop  }
0x44: {  	[hbm4b:s4+s2] =	stream.indirect_vreg.scatter [tilespmem:s18], [sflag:$0x2], $0x80, v3, vm0, $0xb8;
	[tilespmem:$0xC100] =	vst v63  }
0x45: {  	_ = 	snop  }
0x46: {  	[hbm4b:s5+s2] =	stream.indirect_vreg.scatter [tilespmem:s19], [sflag:$0x2], $0x80, v3, vm0, $0xb8;
	[tilespmem:$0xC100] =	vst v63  }
0x47: {  	_ = 	snop  }
0x48: {  	[hbm4b:s6+s2] =	stream.indirect_vreg.scatter [tilespmem:s20], [sflag:$0x2], $0x80, v3, vm0, $0xb8;
	[tilespmem:$0xC100] =	vst v63  }
0x49: {  	v3 =	vld [tilespmem:$0x20];
	_ =	sdelay $0x4  }
0x4a: {  	v58 =	vshrl.u32 v3, $0x3  }
0x4b: {  	v4 =	vmul.u32 $0x30, v58  }
0x4c: {  	v3 =	vand.u32 $0x7, v3  }
0x4d: {  	v3 =	vor.u32 v3, v4  }
0x4e: {  	v4 =	vperm.xlane v3, v0;
	_ =	sdelay $0x1  }
0x4f: {  	v4 =	vadd.s32 v1, v4;
	_ =	sdelay $0x3  }
0x50: {  	v3 =	vperm.xlane v3, v2  }
0x51: {  	[hbm4b:s4+s2] =	stream.indirect_vreg.scatter [tilespmem:s21], [sflag:$0x2], $0x80, v4, vm0, $0xb8;
	[tilespmem:$0xC100] =	vst v63  }
0x52: {  	v3 =	vadd.s32 v1, v3  }
0x53: {  	[hbm4b:s5+s2] =	stream.indirect_vreg.scatter [tilespmem:s22], [sflag:$0x2], $0x80, v4, vm0, $0xb8;
	[tilespmem:$0xC100] =	vst v63  }
0x54: {  	_ = 	snop  }
0x55: {  	[hbm4b:s6+s2] =	stream.indirect_vreg.scatter [tilespmem:s23], [sflag:$0x2], $0x80, v4, vm0, $0xb8;
	[tilespmem:$0xC100] =	vst v63  }
0x56: {  	_ = 	snop  }
0x57: {  	[hbm4b:s4+s2] =	stream.indirect_vreg.scatter [tilespmem:s24], [sflag:$0x2], $0x80, v3, vm0, $0xb8;
	[tilespmem:$0xC100] =	vst v63  }
0x58: {  	_ = 	snop  }
0x59: {  	[hbm4b:s5+s2] =	stream.indirect_vreg.scatter [tilespmem:s25], [sflag:$0x2], $0x80, v3, vm0, $0xb8;
	[tilespmem:$0xC100] =	vst v63  }
0x5a: {  	_ = 	snop  }
0x5b: {  	[hbm4b:s6+s2] =	stream.indirect_vreg.scatter [tilespmem:s26], [sflag:$0x2], $0x80, v3, vm0, $0xb8;
	[tilespmem:$0xC100] =	vst v63  }
0x5c: {  	v3 =	vld [tilespmem:$0x30];
	_ =	sdelay $0x4  }
0x5d: {  	v59 =	vshrl.u32 v3, $0x3  }
0x5e: {  	v4 =	vmul.u32 $0x30, v59  }
0x5f: {  	v3 =	vand.u32 $0x7, v3  }
0x60: {  	v3 =	vor.u32 v3, v4  }
0x61: {  	v4 =	vperm.xlane v3, v0;
	_ =	sdelay $0x1  }
0x62: {  	v4 =	vadd.s32 v1, v4;
	_ =	sdelay $0x3  }
0x63: {  	v3 =	vperm.xlane v3, v2  }
0x64: {  	[hbm4b:s4+s2] =	stream.indirect_vreg.scatter [tilespmem:s28], [sflag:$0x2], $0x80, v4, vm0, $0xb8;
	[tilespmem:$0xC100] =	vst v63  }
0x65: {  	v3 =	vadd.s32 v1, v3  }
0x66: {  	[hbm4b:s5+s2] =	stream.indirect_vreg.scatter [tilespmem:s29], [sflag:$0x2], $0x80, v4, vm0, $0xb8;
	[tilespmem:$0xC100] =	vst v63  }
0x67: {  	_ = 	snop  }
0x68: {  	[hbm4b:s6+s2] =	stream.indirect_vreg.scatter [tilespmem:s30], [sflag:$0x2], $0x80, v4, vm0, $0xb8;
	[tilespmem:$0xC100] =	vst v63  }
0x69: {  	_ = 	snop  }
0x6a: {  	[hbm4b:s4+s2] =	stream.indirect_vreg.scatter [tilespmem:s31], [sflag:$0x2], $0x80, v3, vm0, $0xb8;
	[tilespmem:$0xC100] =	vst v63  }
0x6b: {  	_ = 	snop  }
0x6c: {  	[hbm4b:s5+s2] =	stream.indirect_vreg.scatter [tilespmem:s0], [sflag:$0x2], $0x80, v3, vm0, $0xb8;
	[tilespmem:$0xC100] =	vst v63  }
0x6d: {  	_ = 	snop  }
0x6e: {  	[hbm4b:s6+s2] =	stream.indirect_vreg.scatter [tilespmem:s1], [sflag:$0x2], $0x80, v3, vm0, $0xb8;
	[tilespmem:$0xC100] =	vst v63  }
0x6f: {  	v3 =	vld [tilespmem:$0x80];
	_ =	sdelay $0x4  }
0x70: {  	v60 =	vshrl.u32 v3, $0x3  }
0x71: {  	v4 =	vmul.u32 $0x30, v60  }
0x72: {  	v3 =	vand.u32 $0x7, v3  }
0x73: {  	v3 =	vor.u32 v3, v4  }
0x74: {  	v4 =	vperm.xlane v3, v0;
	_ =	sdelay $0x1  }
0x75: {  	v4 =	vadd.s32 v1, v4;
	_ =	sdelay $0x3  }
0x76: {  	v3 =	vperm.xlane v3, v2  }
0x77: {  	[hbm4b:s4+s2] =	stream.indirect_vreg.scatter [tilespmem:s8], [sflag:$0x2], $0x80, v4, vm0, $0xb8;
	[tilespmem:$0xC100] =	vst v63  }
0x78: {  	v3 =	vadd.s32 v1, v3  }
0x79: {  	[hbm4b:s5+s2] =	stream.indirect_vreg.scatter [tilespmem:s10], [sflag:$0x2], $0x80, v4, vm0, $0xb8;
	[tilespmem:$0xC100] =	vst v63  }
0x7a: {  	_ = 	snop  }
0x7b: {  	[hbm4b:s6+s2] =	stream.indirect_vreg.scatter [tilespmem:s11], [sflag:$0x2], $0x80, v4, vm0, $0xb8;
	[tilespmem:$0xC100] =	vst v63  }
0x7c: {  	_ = 	snop  }
0x7d: {  	[hbm4b:s4+s2] =	stream.indirect_vreg.scatter [tilespmem:s12], [sflag:$0x2], $0x80, v3, vm0, $0xb8;
	[tilespmem:$0xC100] =	vst v63  }
0x7e: {  	_ = 	snop  }
0x7f: {  	[hbm4b:s5+s2] =	stream.indirect_vreg.scatter [tilespmem:s13], [sflag:$0x2], $0x80, v3, vm0, $0xb8;
	[tilespmem:$0xC100] =	vst v63  }
0x80: {  	_ = 	snop  }
0x81: {  	[hbm4b:s6+s2] =	stream.indirect_vreg.scatter [tilespmem:s14], [sflag:$0x2], $0x80, v3, vm0, $0xb8;
	[tilespmem:$0xC100] =	vst v63  }
0x82: {  	v3 =	vld [tilespmem:$0x90];
	_ =	sdelay $0x4  }
0x83: {  	v61 =	vshrl.u32 v3, $0x3  }
0x84: {  	v4 =	vmul.u32 $0x30, v61  }
0x85: {  	v3 =	vand.u32 $0x7, v3  }
0x86: {  	v3 =	vor.u32 v3, v4  }
0x87: {  	v4 =	vperm.xlane v3, v0;
	_ =	sdelay $0x1  }
0x88: {  	v4 =	vadd.s32 v1, v4;
	_ =	sdelay $0x3  }
0x89: {  	v3 =	vperm.xlane v3, v2  }
0x8a: {  	[hbm4b:s4+s2] =	stream.indirect_vreg.scatter [tilespmem:s15], [sflag:$0x2], $0x80, v4, vm0, $0xb8;
	[tilespmem:$0xC100] =	vst v63  }
0x8b: {  	v3 =	vadd.s32 v1, v3  }
0x8c: {  	[hbm4b:s5+s2] =	stream.indirect_vreg.scatter [tilespmem:s16], [sflag:$0x2], $0x80, v4, vm0, $0xb8;
	[tilespmem:$0xC100] =	vst v63  }
0x8d: {  	_ = 	snop  }
0x8e: {  	[hbm4b:s6+s2] =	stream.indirect_vreg.scatter [tilespmem:s17], [sflag:$0x2], $0x80, v4, vm0, $0xb8;
	[tilespmem:$0xC100] =	vst v63  }
0x8f: {  	_ = 	snop  }
0x90: {  	[hbm4b:s4+s2] =	stream.indirect_vreg.scatter [tilespmem:s18], [sflag:$0x2], $0x80, v3, vm0, $0xb8;
	[tilespmem:$0xC100] =	vst v63  }
0x91: {  	_ = 	snop  }
0x92: {  	[hbm4b:s5+s2] =	stream.indirect_vreg.scatter [tilespmem:s19], [sflag:$0x2], $0x80, v3, vm0, $0xb8;
	[tilespmem:$0xC100] =	vst v63  }
0x93: {  	_ = 	snop  }
0x94: {  	[hbm4b:s6+s2] =	stream.indirect_vreg.scatter [tilespmem:s20], [sflag:$0x2], $0x80, v3, vm0, $0xb8;
	[tilespmem:$0xC100] =	vst v63  }
0x95: {  	v3 =	vld [tilespmem:$0xA0];
	_ =	sdelay $0x4  }
0x96: {  	v62 =	vshrl.u32 v3, $0x3  }
0x97: {  	v4 =	vmul.u32 $0x30, v62  }
0x98: {  	v3 =	vand.u32 $0x7, v3  }
0x99: {  	v3 =	vor.u32 v3, v4  }
0x9a: {  	v4 =	vperm.xlane v3, v0;
	_ =	sdelay $0x1  }
0x9b: {  	v4 =	vadd.s32 v1, v4;
	_ =	sdelay $0x3  }
0x9c: {  	v3 =	vperm.xlane v3, v2  }
0x9d: {  	[hbm4b:s4+s2] =	stream.indirect_vreg.scatter [tilespmem:s21], [sflag:$0x2], $0x80, v4, vm0, $0xb8;
	[tilespmem:$0xC100] =	vst v63  }
0x9e: {  	v3 =	vadd.s32 v1, v3  }
0x9f: {  	[hbm4b:s5+s2] =	stream.indirect_vreg.scatter [tilespmem:s22], [sflag:$0x2], $0x80, v4, vm0, $0xb8;
	[tilespmem:$0xC100] =	vst v63  }
0xa0: {  	_ = 	snop  }
0xa1: {  	[hbm4b:s6+s2] =	stream.indirect_vreg.scatter [tilespmem:s23], [sflag:$0x2], $0x80, v4, vm0, $0xb8;
	[tilespmem:$0xC100] =	vst v63  }
0xa2: {  	_ = 	snop  }
0xa3: {  	[hbm4b:s4+s2] =	stream.indirect_vreg.scatter [tilespmem:s24], [sflag:$0x2], $0x80, v3, vm0, $0xb8;
	[tilespmem:$0xC100] =	vst v63  }
0xa4: {  	_ = 	snop  }
0xa5: {  	[hbm4b:s5+s2] =	stream.indirect_vreg.scatter [tilespmem:s25], [sflag:$0x2], $0x80, v3, vm0, $0xb8;
	[tilespmem:$0xC100] =	vst v63  }
0xa6: {  	_ = 	snop  }
0xa7: {  	[hbm4b:s6+s2] =	stream.indirect_vreg.scatter [tilespmem:s26], [sflag:$0x2], $0x80, v3, vm0, $0xb8;
	[tilespmem:$0xC100] =	vst v63  }
0xa8: {  	v3 =	vld [tilespmem:$0xB0];
	_ =	sdelay $0x4  }
0xa9: {  	v63 =	vshrl.u32 v3, $0x3  }
0xaa: {  	v4 =	vmul.u32 $0x30, v63  }
0xab: {  	v3 =	vand.u32 $0x7, v3  }
0xac: {  	v3 =	vor.u32 v3, v4  }
0xad: {  	v4 =	vperm.xlane v3, v0;
	_ =	sdelay $0x1  }
0xae: {  	v4 =	vadd.s32 v1, v4;
	_ =	sdelay $0x3  }
0xaf: {  	v3 =	vperm.xlane v3, v2  }
0xb0: {  	[hbm4b:s4+s2] =	stream.indirect_vreg.scatter [tilespmem:s28], [sflag:$0x2], $0x80, v4, vm0, $0xb8;
	[tilespmem:$0xC100] =	vst v63  }
0xb1: {  	v3 =	vadd.s32 v1, v3  }
0xb2: {  	[hbm4b:s5+s2] =	stream.indirect_vreg.scatter [tilespmem:s29], [sflag:$0x2], $0x80, v4, vm0, $0xb8;
	[tilespmem:$0xC100] =	vst v63  }
0xb3: {  	_ = 	snop  }
0xb4: {  	[hbm4b:s6+s2] =	stream.indirect_vreg.scatter [tilespmem:s30], [sflag:$0x2], $0x80, v4, vm0, $0xb8;
	[tilespmem:$0xC100] =	vst v63  }
0xb5: {  	_ = 	snop  }
0xb6: {  	[hbm4b:s4+s2] =	stream.indirect_vreg.scatter [tilespmem:s31], [sflag:$0x2], $0x80, v3, vm0, $0xb8;
	[tilespmem:$0xC100] =	vst v63  }
0xb7: {  	_ = 	snop  }
0xb8: {  	[hbm4b:s5+s2] =	stream.indirect_vreg.scatter [tilespmem:s0], [sflag:$0x2], $0x80, v3, vm0, $0xb8;
	[tilespmem:$0xC100] =	vst v63  }
0xb9: {  	_ = 	snop  }
0xba: {  	[hbm4b:s6+s2] =	stream.indirect_vreg.scatter [tilespmem:s1], [sflag:$0x2], $0x80, v3, vm0, $0xb8;
	[tilespmem:$0xC100] =	vst v63  }
0xbb: {  	p0 =	sne.s32 s7, $0x1;
	_ =	swait.ge [sflag:s3], $0xC000  }
.Ltmp0:
0xbc: {  	[sflag:s3] =	ssyncset.done $0x0;
	(pc) =	sbr.rel @p0 .LBB2_1-.Ltmp0, $4  }
0xbd: {  	[sflag:s3] =	ssyncadd.s32 $0xFFFF4000  }
0xbe: {  	_ =	swait.ge [sflag:s3], $0xC000  }
0xbf: {  	[sflag:s3] =	ssyncset.done $0x0  }
0xc0: {  	s7 =	sadd.s32 $0xFFFFFFFF, s7;
	[sflag:s3] =	ssyncadd.s32 $0xFFFF4000  }
0xc1: {  	_ =	sfence.sel $0x180000  }
0xc2: {  	[bflag:$0x0] =	sbarrier.arrive $0xFFFF  }
0xc3: {  	_ =	strace $0x90000047  }
0xc4: {  	s0 =	stileid.u32;
	[bflag:$0x2] =	sbarrier.arrive $0xFFFF  }
0xc5: {  	p0 =	sne.s32 s0, $0x0;
	s0 =	rddreg [dreg:$0x2]  }
0xc6: {  	s0 =	sadd.s32 @!p0 $0x100000, s0  }
0xc7: {  	[sflag:s0] =	ssyncadd.tile.s32 @!p0 $0x1;
	_ =	shalt  }
.Lfunc_end2:
_tile_overlayer_lowered:
.L_overlay_start_2:
0xc8: {  	(tag) =	ssettag $0x2  }
0xc9: {  	s0 =	rddreg [dreg:$0x0];
	s2 =	stileid.u32  }
0xca: {  	s1 =	rddreg [dreg:$0x1];
	p0 =	sne.s32 s2, $0x0  }
0xcb: {  	s3 =	rddreg [dreg:$0x2];
	[bflag:$0x3] =	sbarrier.arrive $0xFFFF;
	s2 =	simm.s32 @!p0 $0x1C03  }
0xcc: {  	[timem:s3], [sflag:s2] =	dma.local @!p0 [hbm:s0], s1  }
0xcd: {  	s0 =	simm.s32 @!p0 $0x3  }
0xce: {  	_ =	swait.ge @!p0 [sflag:s0], s1  }
0xcf: {  	s1 =	ssub.s32 @!p0 $0x0, s1;
	[sflag:s0] =	ssyncset.done @!p0 $0x0  }
0xd0: {  	[sflag:s0] =	ssyncadd.s32 @!p0 s1  }
0xd1: {  	[bflag:$0x3] =	sbarrier.arrive $0xFFFF  }
0xd2: {  	_ =	shalt  }

// kernel: kernel.9.cloned.1.call-start
scs
__scs_entry_jumppad:
0x0: {  	(pc) =	sbr.rel $0x88, $3  }
0x1: {  	(tag) =	ssettag $0x0;
	lr =	simm.s32 $0x1  }
0x2: {  	[smem:$0x3F9A] =	sst lr;
	_ =	strace $0xD0000000  }
0x3: {  	_ = 	snop  }
0x4: {  	_ = 	snop  }
0x5: {  	_ = 	snop  }
0x6: {  	_ = 	snop  }
0x7: {  	_ = 	snop  }
__scs_overlays_trampoline_lowered:
0x8: {  	[smem:$0x3FA9] =	sst s0  }
0x9: {  	[smem:$0x3FAA] =	sst s1  }
0xa: {  	[smem:$0x3FAB] =	sst s2  }
0xb: {  	[smem:$0x3FAC] =	sst s3  }
0xc: {  	[smem:$0x3FAD] =	sst s4  }
0xd: {  	[smem:$0x3FAE] =	sst s5  }
0xe: {  	[smem:$0x3FAF] =	sst s6  }
0xf: {  	[smem:$0x3FB0] =	sst s7  }
0x10: {  	[smem:$0x3FB1] =	sst s8  }
0x11: {  	[smem:$0x3FB2] =	sst s9;
	s0 =	simm.s32 @!p0 $0x0  }
0x12: {  	s1 =	sld [smem:$0x3F98];
	s0 =	simm.s32 @p0 $0x1  }
0x13: {  	[smem:$0x3FB3] =	sst s0;
	s0 =	simm.s32 @!p1 $0x0  }
0x14: {  	s2 =	sld [smem:$0x3F97];
	s0 =	simm.s32 @p1 $0x1  }
0x15: {  	[smem:$0x3FB4] =	sst s0;
	s0 =	simm.s32 @!p2 $0x0  }
0x16: {  	s3 =	sld [smem:$0x3FDB];
	s0 =	simm.s32 @p2 $0x1  }
0x17: {  	s4 =	simm.s32 $0x1BF5;
	[smem:$0x3FB6] =	sst s0  }
0x18: {  	s0 =	sld [smem:$0x3F99];
	_ =	swait.ge [sflag:s4], $0x0  }
0x19: {  	s7 =	sld [smem:$0x3F9A]  }
0x1a: {  	s8 =	sadd.s32 $0xFFFFE003, lr  }
0x1b: {  	s9 =	sadd.s32 $0xFFFFFEF7, lr;
	s5 =	simm.s32 $0xFFFFFFFF;
	p2 =	slt.u32 s8, $0xFFFFF086  }
0x1c: {  	p1 =	slt.u32 s9, $0xF7A;
	s5 =	simm.s32 @!p2 $0x0  }
0x1d: {  	s5 =	simm.s32 @p1 $0x1;
	p0 =	seq.s32 s7, s2  }
0x1e: {  	s7 =	smul.u32 @!p0 $0xF7A, s2;
	p2 =	seq.s32 @!p0 s5, $0x0  }
0x1f: {  	s9 =	smul.u32 $0xF7A, s1;
	s8 =	simm.s32 @!p0 $0x1BF5;
	p2 =	por !p2, p0  }
0x20: {  	[sflag:s8] =	ssyncset.s32 @!p0 $0xFFFFF086;
	s6 =	sadd.s32 @!p0 s3, s7;
	s7 =	simm.s32 @!p0 $0x108  }
0x21: {  	s3 =	sadd.s32 s3, s9;
	s6 =	sadd.s32 @!p0 $0x88, s6;
	s7 =	simm.s32 @p2 $0x1082  }
0x22: {  	[simem:s7], [sflag:s8] =	dma.local @!p0 [hbm:s6], $0xF7A  }
0x23: {  	s9 =	sor.u32 $0xD0000000, s2;
	s6 =	simm.s32 $0x108;
	_ =	swait.ge @!p0 [sflag:s8], $0x0  }
0x24: {  	s3 =	sadd.s32 $0x88, s3;
	s6 =	simm.s32 @!p1 $0x1082;
	[sflag:s4] =	ssyncset.s32 $0xFFFFF086  }
0x25: {  	[simem:s6], [sflag:s4] =	dma.local [hbm:s3], $0xF7A  }
0x26: {  	[smem:$0x3F9A] =	sst s1;
	(tag) =	ssettag s2;
	_ =	strace s9  }
0x27: {  	s1 =	sld [smem:$0x3FAA]  }
0x28: {  	s2 =	sld [smem:$0x3FAB]  }
0x29: {  	s4 =	sld [smem:$0x3FAD]  }
0x2a: {  	p0 =	seq.s32 s5, $0x0;
	s5 =	sld [smem:$0x3FAE]  }
0x2b: {  	s6 =	sld [smem:$0x3FAF]  }
0x2c: {  	s7 =	sld [smem:$0x3FB0]  }
0x2d: {  	s3 =	simm.s32 $0x108;
	s8 =	sld [smem:$0x3FB1]  }
0x2e: {  	s3 =	simm.s32 @!p0 $0x1082;
	s9 =	sld [smem:$0x3FB2]  }
0x2f: {  	lr =	sadd.s32 s0, s3;
	s0 =	sld [smem:$0x3FA9]  }
0x30: {  	s3 =	sld [smem:$0x3FAC]  }
0x31: {  	[smem:$0x3FB5] =	sst s10  }
0x32: {  	s10 =	sld [smem:$0x3FB3];
	_ =	sdelay $0x3  }
0x33: {  	p0 =	seq.s32 s10, $0x1;
	s10 =	sld [smem:$0x3FB5];
	_ =	sdelay $0x3  }
0x34: {  	[smem:$0x3FB5] =	sst s10  }
0x35: {  	s10 =	sld [smem:$0x3FB4];
	_ =	sdelay $0x3  }
0x36: {  	p1 =	seq.s32 s10, $0x1;
	s10 =	sld [smem:$0x3FB5];
	_ =	sdelay $0x3  }
0x37: {  	[smem:$0x3FB5] =	sst s10  }
0x38: {  	s10 =	sld [smem:$0x3FB6]  }
0x39: {  	_ = 	snop;
	(pc) =	sbr.ind lr, $3  }
0x3a: {  	_ = 	snop  }
0x3b: {  	_ = 	snop  }
0x3c: {  	p2 =	seq.s32 s10, $0x1;
	s10 =	sld [smem:$0x3FB5]  }
0x3d: {  	_ =	shalt  }
0x3e: {  	_ =	shalt  }
0x3f: {  	_ =	shalt  }
0x40: {  	_ =	shalt  }
0x41: {  	_ =	shalt  }
0x42: {  	_ =	shalt  }
0x43: {  	_ =	shalt  }
0x44: {  	_ =	shalt  }
0x45: {  	_ =	shalt  }
0x46: {  	_ =	shalt  }
0x47: {  	_ =	shalt  }
0x48: {  	_ =	shalt  }
0x49: {  	_ =	shalt  }
0x4a: {  	_ =	shalt  }
0x4b: {  	_ =	shalt  }
0x4c: {  	_ =	shalt  }
0x4d: {  	_ =	shalt  }
0x4e: {  	_ =	shalt  }
0x4f: {  	_ =	shalt  }
0x50: {  	_ =	shalt  }
0x51: {  	_ =	shalt  }
0x52: {  	_ =	shalt  }
0x53: {  	_ =	shalt  }
0x54: {  	_ =	shalt  }
0x55: {  	_ =	shalt  }
0x56: {  	_ =	shalt  }
0x57: {  	_ =	shalt  }
0x58: {  	_ =	shalt  }
0x59: {  	_ =	shalt  }
0x5a: {  	_ =	shalt  }
0x5b: {  	_ =	shalt  }
0x5c: {  	_ =	shalt  }
0x5d: {  	_ =	shalt  }
0x5e: {  	_ =	shalt  }
0x5f: {  	_ =	shalt  }
0x60: {  	_ =	shalt  }
0x61: {  	_ =	shalt  }
0x62: {  	_ =	shalt  }
0x63: {  	_ =	shalt  }
0x64: {  	_ =	shalt  }
0x65: {  	_ =	shalt  }
0x66: {  	_ =	shalt  }
0x67: {  	_ =	shalt  }
0x68: {  	_ =	shalt  }
0x69: {  	_ =	shalt  }
0x6a: {  	_ =	shalt  }
0x6b: {  	_ =	shalt  }
0x6c: {  	_ =	shalt  }
0x6d: {  	_ =	shalt  }
0x6e: {  	_ =	shalt  }
0x6f: {  	_ =	shalt  }
0x70: {  	_ =	shalt  }
0x71: {  	_ =	shalt  }
0x72: {  	_ =	shalt  }
0x73: {  	_ =	shalt  }
0x74: {  	_ =	shalt  }
0x75: {  	_ =	shalt  }
0x76: {  	_ =	shalt  }
0x77: {  	_ =	shalt  }
0x78: {  	_ =	shalt  }
0x79: {  	_ =	shalt  }
0x7a: {  	_ =	shalt  }
0x7b: {  	_ =	shalt  }
0x7c: {  	_ =	shalt  }
0x7d: {  	_ =	shalt  }
0x7e: {  	_ =	shalt  }
0x7f: {  	_ =	shalt  }
0x80: {  	_ =	shalt  }
0x81: {  	_ =	shalt  }
0x82: {  	_ =	shalt  }
0x83: {  	_ =	shalt  }
0x84: {  	_ =	shalt  }
0x85: {  	_ =	shalt  }
0x86: {  	_ =	shalt  }
0x87: {  	_ =	shalt  }
.Lfunc_end0:
.L_simem_size_0:
called_computation.1_lowered:
.L_overlay_start_0:
0x88: {  	s2 =	sld [smem:$0x3FD9]  }
0x89: {  	s3 =	sld [smem:$0x3FFE];
	_ =	sdelay $0x1  }
0x8a: {  	s1 =	srdreg.scid  }
0x8b: {  	s0 =	sand.u32 $0x1, s1  }
0x8c: {  	s14 =	sshll.u32 s0, $0xA;
	s2 =	sadd.s32 s3, s2  }
0x8d: {  	s2 =	sadd.s32 s2, s14  }
0x8e: {  	[smem:$0x3FC1] =	sst s2  }
0x8f: {  	_ = 	snop  }
0x90: {  	s2 =	sld [smem:$0x3FD0];
	_ =	sdelay $0x2  }
0x91: {  	s15 =	simm.s32 $0xA;
	s4 =	simm.s32 $0x10  }
0x92: {  	[smem:s4], [sflag:s15] =	dma.local [hbm:s2], $0x1  }
0x93: {  	_ =	swait.eq [sflag:s15], $0x1  }
0x94: {  	[sflag:s15] =	ssyncset.done $0x0  }
0x95: {  	[sflag:s15] =	ssyncadd.s32 $0xFFFFFFFF  }
0x96: {  	s16 =	sld [smem:$0x10];
	(tm) =	ssettm $0x1  }
0x97: {  	s17 =	sld [smem:$0x3FFB];
	_ =	sdelay $0x3  }
0x98: {  	_ =	strace s17  }
0x99: {  	s3 =	sld [smem:$0x3FFC];
	_ =	sdelay $0x3  }
0x9a: {  	_ =	strace s3  }
0x9b: {  	s3 =	sld [smem:$0x3FFD];
	_ =	sdelay $0x3  }
0x9c: {  	_ =	strace s3  }
0x9d: {  	_ =	strace $0x8FFFFFFF  }
0x9e: {  	s18 =	sld [smem:$0x3FDB];
	_ =	sdelay $0x1  }
0x9f: {  	s19 =	simm.s32 $_scs_section_size  }
0xa0: {  	s5 =	simm.s32 $_size__tile_overlayer_lowered;
	s6 =	simm.s32 $_tile_overlayer_lowered  }
0xa1: {  	s22 =	simm.s32 $0x1BFF;
	s21 =	sshll.u32 s6, $0x1;
	s3 =	sadd.s32 s19, s18  }
0xa2: {  	s7 =	simm.s32 $0x0;
	s20 =	sshll.u32 s5, $0x1;
	s5 =	sadd.s32 s21, s3  }
0xa3: {  	[timem:s7], [sflag:s22] =	dma.local [hbm:s5], s20  }
0xa4: {  	_ =	swait.ge [sflag:s22], s20  }
0xa5: {  	s4 =	ssub.s32 $0x0, s20;
	[sflag:s22] =	ssyncset.done $0x0  }
0xa6: {  	[sflag:s22] =	ssyncadd.s32 s4;
	_ =	sdelay $0x1  }
0xa7: {  	s23 =	simm.s32 $0x1B8B  }
0xa8: {  	_ =	swait.ge [sflag:s23], $0x1  }
0xa9: {  	[sflag:s23] =	ssyncset.done $0x0  }
0xaa: {  	s25 =	simm.s32 $0x1B8E;
	s24 =	sld [smem:$0x3FFE];
	[sflag:s23] =	ssyncadd.s32 $0xFFFFFFFF  }
0xab: {  	s26 =	simm.s32 $execute0_lowered;
	[smem:$0x3FD2] =	sst s25  }
0xac: {  	s5 =	sshll.u32 s26, $0x1;
	_ =	strace $0x80000049;
	[dreg:$0x1] =	wrdreg $0xFFFFFFFF  }
0xad: {  	s28 =	simm.s32 $_size_execute0_lowered;
	s3 =	sadd.s32 s3, s5;
	[dreg:$0x0] =	wrdreg $0x0  }
0xae: {  	s5 =	sshll.u32 s28, $0x1;
	[dreg:$0x2] =	wrdreg s3  }
0xaf: {  	[dreg:$0x3] =	wrdreg s5  }
0xb0: {  	[dreg:$0x4] =	wrdreg $0xC0  }
0xb1: {  	_ =	task [dreg:s7], $0x5FFFF  }
0xb2: {  	[dreg:$0x1] =	wrdreg $0xFFFFFFFF  }
0xb3: {  	[dreg:$0x0] =	wrdreg $0x60  }
0xb4: {  	[dreg:$0x2] =	wrdreg s24  }
0xb5: {  	[dreg:$0x3] =	wrdreg s16  }
0xb6: {  	[dreg:$0x4] =	wrdreg $0x9  }
0xb7: {  	_ =	task.clear_ibuf [dreg:s7], $0x5FFFF;
	_ =	strace $0x90000049  }
0xb8: {  	s29 =	simm.s32 $0x9;
	_ =	strace $0x8000004B  }
0xb9: {  	_ =	swait.ge [sflag:s29], $0x1  }
0xba: {  	[sflag:s29] =	ssyncadd.s32 $0xFFFFFFFF  }
0xbb: {  	_ =	strace $0x9000004B  }
0xbc: {  	_ =	sfence  }
0xbd: {  	s30 =	sld [smem:$0x0];
	_ =	sdelay $0x2  }
0xbe: {  	s31 =	sshll.u32 s1, $0xD;
	s1 =	sshrl.u32 s1, $0x2  }
0xbf: {  	s3 =	sand.u32 $0x4000, s31;
	s1 =	sadd.s32 s1, s30  }
0xc0: {  	s0 =	sor.u32 s3, s0;
	s1 =	sshll.u32 s1, $0x11  }
0xc1: {  	s0 =	sor.u32 s1, s0  }
0xc2: {  	s0 =	sadd.s32 $0x8F2B, s0  }
0xc3: {  	[sflag:s0] =	ssyncadd.remote.s32 $0x1  }
0xc4: {  	_ =	sfence.sel $0xFFFF  }
0xc5: {  	[dreg:$0x0] =	wrdreg $0xFFFFFFFF;
	(pc) =	sbr.abs _section_cstart, $3  }
0xc6: {  	[dreg:$0x1] =	wrdreg $0xFFFFFFFF  }
0xc7: {  	_ =	task.clear_ibuf [dreg:s7], $0x2FFFF;
	_ =	strace $0x9FFFFFFF  }
0xc8: {  	(tm) =	ssettm $0x7FFFFFFF  }
0xc9: {  	_ =	shalt  }
tec
execute0_lowered:
.L_overlay_start_1:
0x0: {  	(tag) =	ssettag $0x1  }
0x1: {  	s0 =	rddreg [dreg:$0x0]  }
0x2: {  	s2 =	rddreg [dreg:$0x1];
	s1 =	simm.s32 $0x0;
	s4 =	srdreg.scid  }
0x3: {  	s6 =	stileid.u32;
	s22 =	simm.s32 $0x1;
	s23 =	simm.s32 $0x400  }
0x4: {  	s17 =	simm.s32 $0xC400;
	s29 =	simm.s32 $0x17400;
	s30 =	simm.s32 $0x17C00  }
0x5: {  	s31 =	simm.s32 $0x2;
	s18 =	simm.s32 $0x0;
	[smem:$0x7FF] =	sst s1  }
0x6: {  	s3 =	sadd.s32 $0x400, s0;
	s7 =	sadd.s32 $0x200, s0;
	s4 =	sand.u32 $0x1, s4  }
0x7: {  	s10 =	sadd.s32 $0x90400, s0;
	s6 =	sshll.u32 s6, $0x4;
	s5 =	ssub.s32 $0x2, s4  }
0x8: {  	s11 =	sadd.s32 $0x90600, s0;
	s4 =	sshll.u32 s4, $0x3;
	s8 =	sshrl.u32 s5, $0x1  }
0x9: {  	_ =	strace $0x8000004A;
	s12 =	sor.u32 s4, s6;
	s16 =	ssub.s32 s5, s8  }
0xa: {  	s4 =	sadd.s32 s0, s12;
	s13 =	sor.u32 $0x4, s12;
	s5 =	sadd.s32 s7, s12  }
0xb: {  	s8 =	sadd.s32 s10, s12;
	s9 =	sadd.s32 s11, s12;
	s14 =	smul.u32 $0x300, s12  }
0xc: {  	s12 =	sadd.s32 $0x500, s0;
	s6 =	sadd.s32 s0, s13;
	s7 =	sadd.s32 s7, s13  }
0xd: {  	v2 =	vlaneseq.u32;
	s10 =	sadd.s32 s10, s13;
	s11 =	sadd.s32 s11, s13;
	s15 =	smul.u32 $0x300, s13  }
0xe: {  	vm0 =	vmmov $0xffff;
	v1 =	vshrl.u32 v2, $0x3;
	s13 =	sadd.s32 $0x600, s0;
	s16 =	smax.u32 s16, $0x1;
	s0 =	simm.s32 $0x3  }
0xf: {  	v0 =	vand.u32 $0x7, v2;
	v2 =	vor.u32 $0x8, v2;
	v1 =	vmul.u32 $0x8, v1;
	s14 =	sadd.s32 s2, s14;
	s15 =	sadd.s32 s2, s15;
	s2 =	simm.s32 $0x4  }
.LBB2_1:
0x10: {  	[tilespmem:s1], [sflag:$0x1] =	stream.linear.gather [hbm4b:s4+s1], $0x20, $0x38;
	[tilespmem:$0x18400] =	vst v63  }
0x11: {  	s19 =	simm.s32 $0x80  }
0x12: {  	[tilespmem:s19], [sflag:$0x1] =	stream.linear.gather [hbm4b:s5+s1], $0x20, $0x38;
	[tilespmem:$0x18400] =	vst v63  }
0x13: {  	s21 =	simm.s32 $0x100  }
0x14: {  	[tilespmem:s21], [sflag:$0x1] =	stream.linear.gather [hbm4b:s6+s1], $0x20, $0x38;
	[tilespmem:$0x18400] =	vst v63  }
0x15: {  	s24 =	simm.s32 $0x180  }
0x16: {  	[tilespmem:s24], [sflag:$0x1] =	stream.linear.gather [hbm4b:s7+s1], $0x20, $0x38;
	[tilespmem:$0x18400] =	vst v63  }
0x17: {  	s19 =	simm.s32 $0x200  }
0x18: {  	[tilespmem:s19], [sflag:$0x1] =	stream.linear.gather [hbm4b:s8+s1], $0x20, $0x38;
	[tilespmem:$0x18400] =	vst v63  }
0x19: {  	s20 =	simm.s32 $0x280  }
0x1a: {  	[tilespmem:s20], [sflag:$0x1] =	stream.linear.gather [hbm4b:s9+s1], $0x20, $0x38;
	[tilespmem:$0x18400] =	vst v63  }
0x1b: {  	s21 =	simm.s32 $0x300  }
0x1c: {  	[tilespmem:s21], [sflag:$0x1] =	stream.linear.gather [hbm4b:s10+s1], $0x20, $0x38;
	[tilespmem:$0x18400] =	vst v63  }
0x1d: {  	s25 =	simm.s32 $0x380  }
0x1e: {  	[tilespmem:s25], [sflag:$0x1] =	stream.linear.gather [hbm4b:s11+s1], $0x20, $0x38;
	[tilespmem:$0x18400] =	vst v63  }
0x1f: {  	_ =	swait.ge [sflag:s22], $0x20  }
0x20: {  	[sflag:s22] =	ssyncset.done $0x0  }
0x21: {  	[sflag:s22] =	ssyncadd.s32 $0xFFFFFFE0  }
0x22: {  	_ =	swait.ge [sflag:s22], $0x20  }
0x23: {  	[sflag:s22] =	ssyncset.done $0x0  }
0x24: {  	[sflag:s22] =	ssyncadd.s32 $0xFFFFFFE0  }
0x25: {  	_ =	swait.ge [sflag:s22], $0x20  }
0x26: {  	[sflag:s22] =	ssyncset.done $0x0  }
0x27: {  	[sflag:s22] =	ssyncadd.s32 $0xFFFFFFE0  }
0x28: {  	_ =	swait.ge [sflag:s22], $0x20  }
0x29: {  	[sflag:s22] =	ssyncset.done $0x0  }
0x2a: {  	[sflag:s22] =	ssyncadd.s32 $0xFFFFFFE0  }
0x2b: {  	_ =	swait.ge [sflag:s22], $0x20  }
0x2c: {  	[sflag:s22] =	ssyncset.done $0x0  }
0x2d: {  	[sflag:s22] =	ssyncadd.s32 $0xFFFFFFE0  }
0x2e: {  	_ =	swait.ge [sflag:s22], $0x20  }
0x2f: {  	[sflag:s22] =	ssyncset.done $0x0  }
0x30: {  	[sflag:s22] =	ssyncadd.s32 $0xFFFFFFE0  }
0x31: {  	_ =	swait.ge [sflag:s22], $0x20  }
0x32: {  	[sflag:s22] =	ssyncset.done $0x0  }
0x33: {  	[sflag:s22] =	ssyncadd.s32 $0xFFFFFFE0  }
0x34: {  	_ =	swait.ge [sflag:s22], $0x20  }
0x35: {  	[sflag:s22] =	ssyncset.done $0x0  }
0x36: {  	[sflag:s22] =	ssyncadd.s32 $0xFFFFFFE0  }
0x37: {  	v3 =	vld [tilespmem:$0x0];
	_ =	sdelay $0x4  }
0x38: {  	v4 =	vshrl.u32 v3, $0x3  }
0x39: {  	v4 =	vmul.u32 $0x30, v4  }
0x3a: {  	v3 =	vand.u32 $0x7, v3  }
0x3b: {  	v3 =	vor.u32 v3, v4  }
0x3c: {  	v4 =	vperm.xlane v3, v0;
	_ =	sdelay $0x1  }
0x3d: {  	v4 =	vadd.s32 v1, v4;
	_ =	sdelay $0x3  }
0x3e: {  	v3 =	vperm.xlane v3, v2  }
0x3f: {  	[tilespmem:s23], [sflag:$0x2] =	stream.indirect_vreg.gather [hbm4b:s3+s1], $0x80, v4, vm0, $0xb8;
	[tilespmem:$0x18400] =	vst v63  }
0x40: {  	s26 =	simm.s32 $0xC00;
	v3 =	vadd.s32 v1, v3  }
0x41: {  	[tilespmem:s26], [sflag:$0x2] =	stream.indirect_vreg.gather [hbm4b:s12+s1], $0x80, v4, vm0, $0xb8;
	[tilespmem:$0x18400] =	vst v63  }
0x42: {  	s28 =	simm.s32 $0x1400  }
0x43: {  	[tilespmem:s28], [sflag:$0x2] =	stream.indirect_vreg.gather [hbm4b:s13+s1], $0x80, v4, vm0, $0xb8;
	[tilespmem:$0x18400] =	vst v63  }
0x44: {  	s24 =	simm.s32 $0x1C00  }
0x45: {  	[tilespmem:s24], [sflag:$0x2] =	stream.indirect_vreg.gather [hbm4b:s3+s1], $0x80, v3, vm0, $0xb8;
	[tilespmem:$0x18400] =	vst v63  }
0x46: {  	s25 =	simm.s32 $0x2400  }
0x47: {  	[tilespmem:s25], [sflag:$0x2] =	stream.indirect_vreg.gather [hbm4b:s12+s1], $0x80, v3, vm0, $0xb8;
	[tilespmem:$0x18400] =	vst v63  }
0x48: {  	s26 =	simm.s32 $0x2C00  }
0x49: {  	[tilespmem:s26], [sflag:$0x2] =	stream.indirect_vreg.gather [hbm4b:s13+s1], $0x80, v3, vm0, $0xb8;
	[tilespmem:$0x18400] =	vst v63  }
0x4a: {  	v3 =	vld [tilespmem:$0x10];
	_ =	sdelay $0x4  }
0x4b: {  	v4 =	vshrl.u32 v3, $0x3  }
0x4c: {  	v4 =	vmul.u32 $0x30, v4  }
0x4d: {  	v3 =	vand.u32 $0x7, v3  }
0x4e: {  	v3 =	vor.u32 v3, v4  }
0x4f: {  	v4 =	vperm.xlane v3, v0;
	_ =	sdelay $0x1  }
0x50: {  	v4 =	vadd.s32 v1, v4;
	_ =	sdelay $0x3  }
0x51: {  	s28 =	simm.s32 $0x3400;
	v3 =	vperm.xlane v3, v2  }
0x52: {  	[tilespmem:s28], [sflag:$0x2] =	stream.indirect_vreg.gather [hbm4b:s3+s1], $0x80, v4, vm0, $0xb8;
	[tilespmem:$0x18400] =	vst v63  }
0x53: {  	s24 =	simm.s32 $0x3C00;
	v3 =	vadd.s32 v1, v3  }
0x54: {  	[tilespmem:s24], [sflag:$0x2] =	stream.indirect_vreg.gather [hbm4b:s12+s1], $0x80, v4, vm0, $0xb8;
	[tilespmem:$0x18400] =	vst v63  }
0x55: {  	s25 =	simm.s32 $0x4400  }
0x56: {  	[tilespmem:s25], [sflag:$0x2] =	stream.indirect_vreg.gather [hbm4b:s13+s1], $0x80, v4, vm0, $0xb8;
	[tilespmem:$0x18400] =	vst v63  }
0x57: {  	s26 =	simm.s32 $0x4C00  }
0x58: {  	[tilespmem:s26], [sflag:$0x2] =	stream.indirect_vreg.gather [hbm4b:s3+s1], $0x80, v3, vm0, $0xb8;
	[tilespmem:$0x18400] =	vst v63  }
0x59: {  	s28 =	simm.s32 $0x5400  }
0x5a: {  	[tilespmem:s28], [sflag:$0x2] =	stream.indirect_vreg.gather [hbm4b:s12+s1], $0x80, v3, vm0, $0xb8;
	[tilespmem:$0x18400] =	vst v63  }
0x5b: {  	s24 =	simm.s32 $0x5C00  }
0x5c: {  	[tilespmem:s24], [sflag:$0x2] =	stream.indirect_vreg.gather [hbm4b:s13+s1], $0x80, v3, vm0, $0xb8;
	[tilespmem:$0x18400] =	vst v63  }
0x5d: {  	v3 =	vld [tilespmem:$0x80];
	_ =	sdelay $0x4  }
0x5e: {  	v4 =	vshrl.u32 v3, $0x3  }
0x5f: {  	v4 =	vmul.u32 $0x30, v4  }
0x60: {  	v3 =	vand.u32 $0x7, v3  }
0x61: {  	v3 =	vor.u32 v3, v4  }
0x62: {  	v4 =	vperm.xlane v3, v0;
	_ =	sdelay $0x1  }
0x63: {  	v4 =	vadd.s32 v1, v4;
	_ =	sdelay $0x3  }
0x64: {  	s25 =	simm.s32 $0x6400;
	v3 =	vperm.xlane v3, v2  }
0x65: {  	[tilespmem:s25], [sflag:$0x2] =	stream.indirect_vreg.gather [hbm4b:s3+s1], $0x80, v4, vm0, $0xb8;
	[tilespmem:$0x18400] =	vst v63  }
0x66: {  	s26 =	simm.s32 $0x6C00;
	v3 =	vadd.s32 v1, v3  }
0x67: {  	[tilespmem:s26], [sflag:$0x2] =	stream.indirect_vreg.gather [hbm4b:s12+s1], $0x80, v4, vm0, $0xb8;
	[tilespmem:$0x18400] =	vst v63  }
0x68: {  	s28 =	simm.s32 $0x7400  }
0x69: {  	[tilespmem:s28], [sflag:$0x2] =	stream.indirect_vreg.gather [hbm4b:s13+s1], $0x80, v4, vm0, $0xb8;
	[tilespmem:$0x18400] =	vst v63  }
0x6a: {  	s24 =	simm.s32 $0x7C00  }
0x6b: {  	[tilespmem:s24], [sflag:$0x2] =	stream.indirect_vreg.gather [hbm4b:s3+s1], $0x80, v3, vm0, $0xb8;
	[tilespmem:$0x18400] =	vst v63  }
0x6c: {  	s25 =	simm.s32 $0x8400  }
0x6d: {  	[tilespmem:s25], [sflag:$0x2] =	stream.indirect_vreg.gather [hbm4b:s12+s1], $0x80, v3, vm0, $0xb8;
	[tilespmem:$0x18400] =	vst v63  }
0x6e: {  	s26 =	simm.s32 $0x8C00  }
0x6f: {  	[tilespmem:s26], [sflag:$0x2] =	stream.indirect_vreg.gather [hbm4b:s13+s1], $0x80, v3, vm0, $0xb8;
	[tilespmem:$0x18400] =	vst v63  }
0x70: {  	v3 =	vld [tilespmem:$0x90];
	_ =	sdelay $0x4  }
0x71: {  	v4 =	vshrl.u32 v3, $0x3  }
0x72: {  	v4 =	vmul.u32 $0x30, v4  }
0x73: {  	v3 =	vand.u32 $0x7, v3  }
0x74: {  	v3 =	vor.u32 v3, v4  }
0x75: {  	v4 =	vperm.xlane v3, v0;
	_ =	sdelay $0x1  }
0x76: {  	v4 =	vadd.s32 v1, v4;
	_ =	sdelay $0x3  }
0x77: {  	s28 =	simm.s32 $0x9400;
	v3 =	vperm.xlane v3, v2  }
0x78: {  	[tilespmem:s28], [sflag:$0x2] =	stream.indirect_vreg.gather [hbm4b:s3+s1], $0x80, v4, vm0, $0xb8;
	[tilespmem:$0x18400] =	vst v63  }
0x79: {  	s24 =	simm.s32 $0x9C00;
	v3 =	vadd.s32 v1, v3  }
0x7a: {  	[tilespmem:s24], [sflag:$0x2] =	stream.indirect_vreg.gather [hbm4b:s12+s1], $0x80, v4, vm0, $0xb8;
	[tilespmem:$0x18400] =	vst v63  }
0x7b: {  	s25 =	simm.s32 $0xA400  }
0x7c: {  	[tilespmem:s25], [sflag:$0x2] =	stream.indirect_vreg.gather [hbm4b:s13+s1], $0x80, v4, vm0, $0xb8;
	[tilespmem:$0x18400] =	vst v63  }
0x7d: {  	s26 =	simm.s32 $0xAC00  }
0x7e: {  	[tilespmem:s26], [sflag:$0x2] =	stream.indirect_vreg.gather [hbm4b:s3+s1], $0x80, v3, vm0, $0xb8;
	[tilespmem:$0x18400] =	vst v63  }
0x7f: {  	s28 =	simm.s32 $0xB400  }
0x80: {  	[tilespmem:s28], [sflag:$0x2] =	stream.indirect_vreg.gather [hbm4b:s12+s1], $0x80, v3, vm0, $0xb8;
	[tilespmem:$0x18400] =	vst v63  }
0x81: {  	s24 =	simm.s32 $0xBC00  }
0x82: {  	[tilespmem:s24], [sflag:$0x2] =	stream.indirect_vreg.gather [hbm4b:s13+s1], $0x80, v3, vm0, $0xb8;
	[tilespmem:$0x18400] =	vst v63  }
0x83: {  	v3 =	vld [tilespmem:$0x100];
	_ =	sdelay $0x4  }
0x84: {  	v4 =	vshrl.u32 v3, $0x3  }
0x85: {  	v4 =	vmul.u32 $0x30, v4  }
0x86: {  	v3 =	vand.u32 $0x7, v3  }
0x87: {  	v3 =	vor.u32 v3, v4  }
0x88: {  	v4 =	vperm.xlane v3, v0;
	_ =	sdelay $0x1  }
0x89: {  	v4 =	vadd.s32 v1, v4;
	_ =	sdelay $0x3  }
0x8a: {  	v3 =	vperm.xlane v3, v2  }
0x8b: {  	[tilespmem:s17], [sflag:$0x3] =	stream.indirect_vreg.gather [hbm4b:s3+s1], $0x80, v4, vm0, $0xb8;
	[tilespmem:$0x18400] =	vst v63  }
0x8c: {  	s25 =	simm.s32 $0xCC00;
	v3 =	vadd.s32 v1, v3  }
0x8d: {  	[tilespmem:s25], [sflag:$0x3] =	stream.indirect_vreg.gather [hbm4b:s12+s1], $0x80, v4, vm0, $0xb8;
	[tilespmem:$0x18400] =	vst v63  }
0x8e: {  	s26 =	simm.s32 $0xD400  }
0x8f: {  	[tilespmem:s26], [sflag:$0x3] =	stream.indirect_vreg.gather [hbm4b:s13+s1], $0x80, v4, vm0, $0xb8;
	[tilespmem:$0x18400] =	vst v63  }
0x90: {  	s28 =	simm.s32 $0xDC00  }
0x91: {  	[tilespmem:s28], [sflag:$0x3] =	stream.indirect_vreg.gather [hbm4b:s3+s1], $0x80, v3, vm0, $0xb8;
	[tilespmem:$0x18400] =	vst v63  }
0x92: {  	s24 =	simm.s32 $0xE400  }
0x93: {  	[tilespmem:s24], [sflag:$0x3] =	stream.indirect_vreg.gather [hbm4b:s12+s1], $0x80, v3, vm0, $0xb8;
	[tilespmem:$0x18400] =	vst v63  }
0x94: {  	s25 =	simm.s32 $0xEC00  }
0x95: {  	[tilespmem:s25], [sflag:$0x3] =	stream.indirect_vreg.gather [hbm4b:s13+s1], $0x80, v3, vm0, $0xb8;
	[tilespmem:$0x18400] =	vst v63  }
0x96: {  	v3 =	vld [tilespmem:$0x110];
	_ =	sdelay $0x4  }
0x97: {  	v4 =	vshrl.u32 v3, $0x3  }
0x98: {  	v4 =	vmul.u32 $0x30, v4  }
0x99: {  	v3 =	vand.u32 $0x7, v3  }
0x9a: {  	v3 =	vor.u32 v3, v4  }
0x9b: {  	v4 =	vperm.xlane v3, v0;
	_ =	sdelay $0x1  }
0x9c: {  	v4 =	vadd.s32 v1, v4;
	_ =	sdelay $0x3  }
0x9d: {  	s26 =	simm.s32 $0xF400;
	v3 =	vperm.xlane v3, v2  }
0x9e: {  	[tilespmem:s26], [sflag:$0x3] =	stream.indirect_vreg.gather [hbm4b:s3+s1], $0x80, v4, vm0, $0xb8;
	[tilespmem:$0x18400] =	vst v63  }
0x9f: {  	s28 =	simm.s32 $0xFC00;
	v3 =	vadd.s32 v1, v3  }
0xa0: {  	[tilespmem:s28], [sflag:$0x3] =	stream.indirect_vreg.gather [hbm4b:s12+s1], $0x80, v4, vm0, $0xb8;
	[tilespmem:$0x18400] =	vst v63  }
0xa1: {  	s24 =	simm.s32 $0x10400  }
0xa2: {  	[tilespmem:s24], [sflag:$0x3] =	stream.indirect_vreg.gather [hbm4b:s13+s1], $0x80, v4, vm0, $0xb8;
	[tilespmem:$0x18400] =	vst v63  }
0xa3: {  	s25 =	simm.s32 $0x10C00  }
0xa4: {  	[tilespmem:s25], [sflag:$0x3] =	stream.indirect_vreg.gather [hbm4b:s3+s1], $0x80, v3, vm0, $0xb8;
	[tilespmem:$0x18400] =	vst v63  }
0xa5: {  	s26 =	simm.s32 $0x11400  }
0xa6: {  	[tilespmem:s26], [sflag:$0x3] =	stream.indirect_vreg.gather [hbm4b:s12+s1], $0x80, v3, vm0, $0xb8;
	[tilespmem:$0x18400] =	vst v63  }
0xa7: {  	s28 =	simm.s32 $0x11C00  }
0xa8: {  	[tilespmem:s28], [sflag:$0x3] =	stream.indirect_vreg.gather [hbm4b:s13+s1], $0x80, v3, vm0, $0xb8;
	[tilespmem:$0x18400] =	vst v63  }
0xa9: {  	v3 =	vld [tilespmem:$0x180];
	_ =	sdelay $0x4  }
0xaa: {  	v4 =	vshrl.u32 v3, $0x3  }
0xab: {  	v4 =	vmul.u32 $0x30, v4  }
0xac: {  	v3 =	vand.u32 $0x7, v3  }
0xad: {  	v3 =	vor.u32 v3, v4  }
0xae: {  	v4 =	vperm.xlane v3, v0;
	_ =	sdelay $0x1  }
0xaf: {  	v4 =	vadd.s32 v1, v4;
	_ =	sdelay $0x3  }
0xb0: {  	s24 =	simm.s32 $0x12400;
	v3 =	vperm.xlane v3, v2  }
0xb1: {  	[tilespmem:s24], [sflag:$0x3] =	stream.indirect_vreg.gather [hbm4b:s3+s1], $0x80, v4, vm0, $0xb8;
	[tilespmem:$0x18400] =	vst v63  }
0xb2: {  	s25 =	simm.s32 $0x12C00;
	v3 =	vadd.s32 v1, v3  }
0xb3: {  	[tilespmem:s25], [sflag:$0x3] =	stream.indirect_vreg.gather [hbm4b:s12+s1], $0x80, v4, vm0, $0xb8;
	[tilespmem:$0x18400] =	vst v63  }
0xb4: {  	s26 =	simm.s32 $0x13400  }
0xb5: {  	[tilespmem:s26], [sflag:$0x3] =	stream.indirect_vreg.gather [hbm4b:s13+s1], $0x80, v4, vm0, $0xb8;
	[tilespmem:$0x18400] =	vst v63  }
0xb6: {  	s28 =	simm.s32 $0x13C00  }
0xb7: {  	[tilespmem:s28], [sflag:$0x3] =	stream.indirect_vreg.gather [hbm4b:s3+s1], $0x80, v3, vm0, $0xb8;
	[tilespmem:$0x18400] =	vst v63  }
0xb8: {  	s24 =	simm.s32 $0x14400  }
0xb9: {  	[tilespmem:s24], [sflag:$0x3] =	stream.indirect_vreg.gather [hbm4b:s12+s1], $0x80, v3, vm0, $0xb8;
	[tilespmem:$0x18400] =	vst v63  }
0xba: {  	s25 =	simm.s32 $0x14C00  }
0xbb: {  	[tilespmem:s25], [sflag:$0x3] =	stream.indirect_vreg.gather [hbm4b:s13+s1], $0x80, v3, vm0, $0xb8;
	[tilespmem:$0x18400] =	vst v63  }
0xbc: {  	v3 =	vld [tilespmem:$0x190];
	_ =	sdelay $0x4  }
0xbd: {  	v4 =	vshrl.u32 v3, $0x3  }
0xbe: {  	v4 =	vmul.u32 $0x30, v4  }
0xbf: {  	v3 =	vand.u32 $0x7, v3  }
0xc0: {  	v3 =	vor.u32 v3, v4  }
0xc1: {  	v4 =	vperm.xlane v3, v0;
	_ =	sdelay $0x1  }
0xc2: {  	v4 =	vadd.s32 v1, v4;
	_ =	sdelay $0x3  }
0xc3: {  	s26 =	simm.s32 $0x15400;
	v3 =	vperm.xlane v3, v2  }
0xc4: {  	[tilespmem:s26], [sflag:$0x3] =	stream.indirect_vreg.gather [hbm4b:s3+s1], $0x80, v4, vm0, $0xb8;
	[tilespmem:$0x18400] =	vst v63  }
0xc5: {  	s28 =	simm.s32 $0x15C00;
	v3 =	vadd.s32 v1, v3  }
0xc6: {  	[tilespmem:s28], [sflag:$0x3] =	stream.indirect_vreg.gather [hbm4b:s12+s1], $0x80, v4, vm0, $0xb8;
	[tilespmem:$0x18400] =	vst v63  }
0xc7: {  	s24 =	simm.s32 $0x16400  }
0xc8: {  	[tilespmem:s24], [sflag:$0x3] =	stream.indirect_vreg.gather [hbm4b:s13+s1], $0x80, v4, vm0, $0xb8;
	[tilespmem:$0x18400] =	vst v63  }
0xc9: {  	s25 =	simm.s32 $0x16C00  }
0xca: {  	[tilespmem:s25], [sflag:$0x3] =	stream.indirect_vreg.gather [hbm4b:s3+s1], $0x80, v3, vm0, $0xb8;
	[tilespmem:$0x18400] =	vst v63  }
0xcb: {  	_ = 	snop  }
0xcc: {  	[tilespmem:s29], [sflag:$0x3] =	stream.indirect_vreg.gather [hbm4b:s12+s1], $0x80, v3, vm0, $0xb8;
	[tilespmem:$0x18400] =	vst v63  }
0xcd: {  	_ = 	snop  }
0xce: {  	[tilespmem:s30], [sflag:$0x3] =	stream.indirect_vreg.gather [hbm4b:s13+s1], $0x80, v3, vm0, $0xb8;
	[tilespmem:$0x18400] =	vst v63  }
0xcf: {  	_ =	swait.ge [sflag:s31], $0x6000  }
0xd0: {  	[sflag:s31] =	ssyncset.done $0x0  }
0xd1: {  	s26 =	simm.s32 $0x0;
	[sflag:s31] =	ssyncadd.s32 $0xFFFFA000  }
0xd2: {  	s21 =	smul.u32 $0x1800, s26;
	_ =	swait.ge [sflag:s31], $0x6000  }
0xd3: {  	s24 =	sand.u32 $0x380, s1;
	[sflag:s31] =	ssyncset.done $0x0  }
0xd4: {  	s25 =	sor.u32 s24, s21;
	[sflag:s31] =	ssyncadd.s32 $0xFFFFA000  }
0xd5: {  	v4 =	vld [tilespmem:s25+$0x410]  }
0xd6: {  	v3 =	vld [tilespmem:s25+$0x6410]  }
0xd7: {  	v6 =	vld [tilespmem:s25+$0x420]  }
0xd8: {  	v5 =	vld [tilespmem:s25+$0x6420]  }
0xd9: {  	v10 =	vld [tilespmem:s25+$0x430]  }
0xda: {  	v9 =	vld [tilespmem:s25+$0x6430]  }
0xdb: {  	v12 =	vld [tilespmem:s25+$0x440]  }
0xdc: {  	v11 =	vld [tilespmem:s25+$0x6440]  }
0xdd: {  	v13 =	vld [tilespmem:s25+$0x460]  }
0xde: {  	v14 =	vld [tilespmem:s25+$0x470]  }
0xdf: {  	v15 =	vld [tilespmem:s25+$0x800]  }
0xe0: {  	v16 =	vld [tilespmem:s25+$0x810]  }
0xe1: {  	v17 =	vld [tilespmem:s25+$0x820]  }
0xe2: {  	v18 =	vld [tilespmem:s25+$0x830]  }
0xe3: {  	v19 =	vld [tilespmem:s25+$0x840]  }
0xe4: {  	v20 =	vld [tilespmem:s25+$0x850]  }
0xe5: {  	v21 =	vld [tilespmem:s25+$0x860]  }
0xe6: {  	v22 =	vld [tilespmem:s25+$0x870]  }
0xe7: {  	v23 =	vld [tilespmem:s25+$0xC00]  }
0xe8: {  	v24 =	vld [tilespmem:s25+$0xC10]  }
0xe9: {  	v25 =	vld [tilespmem:s25+$0xC20]  }
0xea: {  	v26 =	vld [tilespmem:s25+$0xC30]  }
0xeb: {  	v27 =	vld [tilespmem:s25+$0xC40]  }
0xec: {  	v28 =	vld [tilespmem:s25+$0xC50]  }
0xed: {  	v29 =	vld [tilespmem:s25+$0xC60]  }
0xee: {  	v30 =	vld [tilespmem:s25+$0xC70]  }
0xef: {  	v31 =	vld [tilespmem:s25+$0x1000]  }
0xf0: {  	v32 =	vld [tilespmem:s25+$0x1010]  }
0xf1: {  	v33 =	vld [tilespmem:s25+$0x1020]  }
0xf2: {  	v34 =	vld [tilespmem:s25+$0x1030]  }
0xf3: {  	v35 =	vld [tilespmem:s25+$0x1040]  }
0xf4: {  	v36 =	vld [tilespmem:s25+$0x1050]  }
0xf5: {  	v37 =	vld [tilespmem:s25+$0x1060]  }
0xf6: {  	v38 =	vld [tilespmem:s25+$0x1070]  }
0xf7: {  	v39 =	vld [tilespmem:s25+$0x1400]  }
0xf8: {  	v40 =	vld [tilespmem:s25+$0x1410]  }
0xf9: {  	v41 =	vld [tilespmem:s25+$0x1420]  }
0xfa: {  	v42 =	vld [tilespmem:s25+$0x1430]  }
0xfb: {  	v43 =	vld [tilespmem:s25+$0x1440]  }
0xfc: {  	v45 =	vld [tilespmem:s25+$0x1460]  }
0xfd: {  	v46 =	vld [tilespmem:s25+$0x1800]  }
0xfe: {  	v47 =	vld [tilespmem:s25+$0x1810]  }
0xff: {  	v48 =	vld [tilespmem:s25+$0x7810]  }
0x100: {  	v49 =	vld [tilespmem:s25+$0x7830]  }
0x101: {  	v50 =	vld [tilespmem:s25+$0x1820]  }
0x102: {  	v7 =	vld.msk [tilespmem:s19+$0x0 ss:$0x0], $0xffff  }
0x103: {  	v8 =	vld.msk [tilespmem:s20+$0x0 ss:$0x0], $0xffff  }
0x104: {  	v51 =	vld [tilespmem:s25+$0x1830]  }
0x105: {  	v52 =	vld [tilespmem:s25+$0x7820]  }
0x106: {  	v53 =	vld [tilespmem:s25+$0x7800]  }
0x107: {  	v54 =	vld [tilespmem:s25+$0x1470]  }
0x108: {  	v55 =	vld [tilespmem:s25+$0x7470]  }
0x109: {  	v57 =	vld [tilespmem:s25+$0x7450];
	v51 =	vmul.f32 v51, v7  }
0x10a: {  	v56 =	vld [tilespmem:s25+$0x7460];
	v49 =	vmul.f32 v49, v8;
	v50 =	vmul.f32 v50, v7  }
0x10b: {  	v44 =	vld [tilespmem:s25+$0x1450];
	v52 =	vmul.f32 v52, v8;
	v47 =	vmul.f32 v47, v7  }
0x10c: {  	v58 =	vld [tilespmem:s25+$0x7440];
	v48 =	vmul.f32 v48, v8;
	v46 =	vmul.f32 v46, v7  }
0x10d: {  	v63 =	vmul.f32 v53, v8;
	v53 =	vld [tilespmem:s25+$0x7430];
	v59 =	vmul.f32 v54, v7;
	v49 =	vadd.f32 v49, v51  }
0x10e: {  	v60 =	vmul.f32 v55, v8;
	v62 =	vmul.f32 v57, v8;
	v57 =	vld [tilespmem:s25+$0x7060];
	v50 =	vadd.f32 v52, v50  }
0x10f: {  	v45 =	vmul.f32 v45, v7;
	v61 =	vmul.f32 v56, v8;
	v55 =	vld [tilespmem:s25+$0x6C70];
	v47 =	vadd.f32 v48, v47;
	[tilespmem:s25+$0x1830] =	vst v49  }
0x110: {  	v44 =	vmul.f32 v44, v7;
	v43 =	vmul.f32 v43, v7;
	v56 =	vld [tilespmem:s25+$0x6C60];
	v46 =	vadd.f32 v63, v46;
	[tilespmem:s25+$0x1820] =	vst v50  }
0x111: {  	v42 =	vmul.f32 v42, v7;
	v41 =	vmul.f32 v41, v7;
	v48 =	vld [tilespmem:s25+$0x7420];
	v52 =	vadd.f32 v60, v59;
	[tilespmem:s25+$0x1810] =	vst v47  }
0x112: {  	v12 =	vmul.f32 v12, v7;
	v11 =	vmul.f32 v11, v8;
	v45 =	vadd.f32 v61, v45;
	v59 =	vld [tilespmem:s25+$0x7050];
	[tilespmem:s25+$0x1800] =	vst v46  }
0x113: {  	v40 =	vmul.f32 v40, v7;
	v63 =	vmul.f32 v58, v8;
	v44 =	vadd.f32 v62, v44;
	v60 =	vld [tilespmem:s25+$0x7040];
	[tilespmem:s25+$0x1470] =	vst v52  }
0x114: {  	v39 =	vmul.f32 v39, v7;
	v61 =	vld [tilespmem:s25+$0x7030];
	v11 =	vadd.f32 v11, v12;
	[tilespmem:s25+$0x1460] =	vst v45;
	v58 =	vmul.f32 v53, v8  }
0x115: {  	v37 =	vmul.f32 v37, v7;
	v62 =	vld [tilespmem:s25+$0x7020];
	v43 =	vadd.f32 v63, v43;
	[tilespmem:s25+$0x1450] =	vst v44;
	v46 =	vmul.f32 v57, v8  }
0x116: {  	v38 =	vmul.f32 v38, v7;
	v49 =	vld [tilespmem:s25+$0x7410];
	[tilespmem:s25+$0x440] =	vst v11;
	v48 =	vmul.f32 v48, v8;
	v42 =	vadd.f32 v58, v42  }
0x117: {  	v36 =	vmul.f32 v36, v7;
	v50 =	vld [tilespmem:s25+$0x7400];
	[tilespmem:s25+$0x1440] =	vst v43;
	v54 =	vmul.f32 v59, v8;
	v37 =	vadd.f32 v46, v37  }
0x118: {  	v35 =	vmul.f32 v35, v7;
	v47 =	vld [tilespmem:s25+$0x7070];
	v45 =	vmul.f32 v60, v8;
	v41 =	vadd.f32 v48, v41;
	[tilespmem:s25+$0x1430] =	vst v42  }
0x119: {  	v34 =	vmul.f32 v34, v7;
	v63 =	vld [tilespmem:s25+$0x7010];
	v44 =	vmul.f32 v61, v8;
	v36 =	vadd.f32 v54, v36;
	[tilespmem:s25+$0x1060] =	vst v37  }
0x11a: {  	v33 =	vmul.f32 v33, v7;
	v53 =	vld [tilespmem:s25+$0x7000];
	v43 =	vmul.f32 v62, v8;
	v35 =	vadd.f32 v45, v35;
	[tilespmem:s25+$0x1420] =	vst v41  }
0x11b: {  	v32 =	vmul.f32 v32, v7;
	v58 =	vld [tilespmem:s25+$0x6C40];
	v49 =	vmul.f32 v49, v8;
	v34 =	vadd.f32 v44, v34;
	[tilespmem:s25+$0x1050] =	vst v36  }
0x11c: {  	v31 =	vmul.f32 v31, v7;
	v59 =	vld [tilespmem:s25+$0x6C30];
	v50 =	vmul.f32 v50, v8;
	v33 =	vadd.f32 v43, v33;
	[tilespmem:s25+$0x1040] =	vst v35  }
0x11d: {  	v6 =	vmul.f32 v6, v7;
	v60 =	vld [tilespmem:s25+$0x6C20];
	v47 =	vmul.f32 v47, v8;
	v40 =	vadd.f32 v49, v40;
	[tilespmem:s25+$0x1030] =	vst v34  }
0x11e: {  	v5 =	vmul.f32 v5, v8;
	v61 =	vld [tilespmem:s25+$0x6C10];
	v42 =	vmul.f32 v63, v8;
	v39 =	vadd.f32 v50, v39;
	[tilespmem:s25+$0x1020] =	vst v33  }
0x11f: {  	v27 =	vmul.f32 v27, v7;
	v12 =	vld [tilespmem:s25+$0x1860];
	v38 =	vadd.f32 v47, v38;
	v41 =	vmul.f32 v53, v8;
	[tilespmem:s25+$0x1410] =	vst v40  }
0x120: {  	v5 =	vadd.f32 v5, v6;
	v6 =	vld [tilespmem:s25+$0x400];
	v32 =	vadd.f32 v42, v32;
	v37 =	vmul.f32 v58, v8;
	[tilespmem:s25+$0x1400] =	vst v39  }
0x121: {  	v26 =	vmul.f32 v26, v7;
	v57 =	vld [tilespmem:s25+$0x6C50];
	v36 =	vmul.f32 v59, v8;
	[tilespmem:s25+$0x1070] =	vst v38;
	v31 =	vadd.f32 v41, v31  }
0x122: {  	v25 =	vmul.f32 v25, v7;
	v62 =	vld [tilespmem:s25+$0x6C00];
	v35 =	vmul.f32 v60, v8;
	[tilespmem:s25+$0x1010] =	vst v32;
	v27 =	vadd.f32 v37, v27  }
0x123: {  	v24 =	vmul.f32 v24, v7;
	v63 =	vld [tilespmem:s25+$0x6870];
	v34 =	vmul.f32 v61, v8;
	v26 =	vadd.f32 v36, v26;
	[tilespmem:s25+$0x1000] =	vst v31  }
0x124: {  	v30 =	vmul.f32 v30, v7;
	v40 =	vmul.f32 v55, v8;
	v25 =	vadd.f32 v35, v25;
	v31 =	vld [tilespmem:s25+$0x6860];
	[tilespmem:s25+$0xC40] =	vst v27  }
0x125: {  	v29 =	vmul.f32 v29, v7;
	v39 =	vmul.f32 v56, v8;
	v24 =	vadd.f32 v34, v24;
	v27 =	vld [tilespmem:s25+$0x6820];
	[tilespmem:s25+$0xC30] =	vst v26  }
0x126: {  	v28 =	vmul.f32 v28, v7;
	v38 =	vmul.f32 v57, v8;
	v30 =	vadd.f32 v40, v30;
	v26 =	vld [tilespmem:s25+$0x6810];
	[tilespmem:s25+$0xC20] =	vst v25  }
0x127: {  	v23 =	vmul.f32 v23, v7;
	v33 =	vmul.f32 v62, v8;
	v29 =	vadd.f32 v39, v29;
	v25 =	vld [tilespmem:s25+$0x6800];
	[tilespmem:s25+$0xC10] =	vst v24  }
0x128: {  	v22 =	vmul.f32 v22, v7;
	v32 =	vmul.f32 v63, v8;
	v28 =	vadd.f32 v38, v28;
	[tilespmem:s25+$0xC70] =	vst v30;
	v30 =	vld [tilespmem:s25+$0x6850]  }
0x129: {  	v21 =	vmul.f32 v21, v7;
	v23 =	vadd.f32 v33, v23;
	[tilespmem:s25+$0xC60] =	vst v29;
	v29 =	vld [tilespmem:s25+$0x6840];
	v31 =	vmul.f32 v31, v8  }
0x12a: {  	v17 =	vmul.f32 v17, v7;
	v22 =	vadd.f32 v32, v22;
	[tilespmem:s25+$0xC50] =	vst v28;
	v28 =	vld [tilespmem:s25+$0x6830];
	v27 =	vmul.f32 v27, v8  }
0x12b: {  	v16 =	vmul.f32 v16, v7;
	[tilespmem:s25+$0xC00] =	vst v23;
	v23 =	vld [tilespmem:s25+$0x6460];
	v26 =	vmul.f32 v26, v8;
	v21 =	vadd.f32 v31, v21  }
0x12c: {  	v15 =	vmul.f32 v15, v7;
	v24 =	vld [tilespmem:s25+$0x6470];
	[tilespmem:s25+$0x870] =	vst v22;
	v25 =	vmul.f32 v25, v8;
	v17 =	vadd.f32 v27, v17  }
0x12d: {  	v20 =	vmul.f32 v20, v7;
	v22 =	vld [tilespmem:s25+$0x450];
	v30 =	vmul.f32 v30, v8;
	v16 =	vadd.f32 v26, v16;
	[tilespmem:s25+$0x860] =	vst v21  }
0x12e: {  	v19 =	vmul.f32 v19, v7;
	v29 =	vmul.f32 v29, v8;
	v15 =	vadd.f32 v25, v15;
	v21 =	vld [tilespmem:s25+$0x6450];
	[tilespmem:s25+$0x820] =	vst v17  }
0x12f: {  	v18 =	vmul.f32 v18, v7;
	v28 =	vmul.f32 v28, v8;
	v20 =	vadd.f32 v30, v20;
	v17 =	vld [tilespmem:s25+$0x1840];
	[tilespmem:s25+$0x810] =	vst v16  }
0x130: {  	v13 =	vmul.f32 v13, v7;
	v23 =	vmul.f32 v23, v8;
	v19 =	vadd.f32 v29, v19;
	[tilespmem:s25+$0x800] =	vst v15;
	v15 =	vld [tilespmem:s25+$0x1850]  }
0x131: {  	v14 =	vmul.f32 v14, v7;
	v24 =	vmul.f32 v24, v8;
	v18 =	vadd.f32 v28, v18;
	[tilespmem:s25+$0x850] =	vst v20;
	v20 =	vld [tilespmem:s25+$0x7840]  }
0x132: {  	v10 =	vmul.f32 v10, v7;
	v9 =	vmul.f32 v9, v8;
	v13 =	vadd.f32 v23, v13;
	[tilespmem:s25+$0x840] =	vst v19;
	v19 =	vld [tilespmem:s25+$0x7850]  }
0x133: {  	v4 =	vmul.f32 v4, v7;
	v3 =	vmul.f32 v3, v8;
	v14 =	vadd.f32 v24, v14;
	[tilespmem:s25+$0x830] =	vst v18;
	v18 =	vld [tilespmem:s25+$0x7860]  }
0x134: {  	v9 =	vadd.f32 v9, v10;
	v10 =	vmul.f32 v22, v7;
	v16 =	vld [tilespmem:s25+$0x7870];
	[tilespmem:s25+$0x460] =	vst v13;
	v13 =	vmul.f32 v21, v8  }
0x135: {  	v3 =	vadd.f32 v3, v4;
	[tilespmem:s25+$0x470] =	vst v14;
	v14 =	vld [tilespmem:s25+$0x1870]  }
0x136: {  	s28 =	simm.s32 $0x0;
	[tilespmem:s25+$0x430] =	vst v9;
	v9 =	vld [tilespmem:s25+$0x6400];
	v11 =	vmul.f32 v17, v7;
	v17 =	vmul.f32 v20, v8;
	v4 =	vadd.f32 v13, v10  }
0x137: {  	s21 =	smul.u32 $0x1800, s28;
	s24 =	simm.s32 $0x80;
	[tilespmem:s25+$0x420] =	vst v5;
	v5 =	vmul.f32 v15, v7;
	v10 =	vmul.f32 v19, v8  }
0x138: {  	s26 =	sand.u32 $0x380, s24;
	v11 =	vadd.f32 v17, v11;
	[tilespmem:s25+$0x450] =	vst v4;
	v4 =	vmul.f32 v12, v7;
	v12 =	vmul.f32 v18, v8  }
0x139: {  	s21 =	sor.u32 s26, s21;
	[tilespmem:s25+$0x410] =	vst v3;
	v5 =	vadd.f32 v10, v5  }
0x13a: {  	v3 =	vld [tilespmem:s21+$0x410];
	v10 =	vmul.f32 v14, v7;
	[tilespmem:s25+$0x1840] =	vst v11;
	v11 =	vmul.f32 v16, v8;
	v12 =	vadd.f32 v12, v4  }
0x13b: {  	v7 =	vmul.f32 v6, v7;
	v8 =	vmul.f32 v9, v8;
	v4 =	vld [tilespmem:s21+$0x6410];
	[tilespmem:s25+$0x1850] =	vst v5  }
0x13c: {  	v9 =	vadd.f32 v11, v10;
	v6 =	vld [tilespmem:s21+$0x420];
	[tilespmem:s25+$0x1860] =	vst v12  }
0x13d: {  	v7 =	vadd.f32 v8, v7;
	v5 =	vld [tilespmem:s21+$0x6420]  }
0x13e: {  	v8 =	vld [tilespmem:s21+$0x430];
	[tilespmem:s25+$0x1870] =	vst v9  }
0x13f: {  	v18 =	vld [tilespmem:s21+$0x830];
	[tilespmem:s25+$0x400] =	vst v7  }
0x140: {  	v7 =	vld [tilespmem:s21+$0x6430]  }
0x141: {  	v10 =	vld [tilespmem:s21+$0x440]  }
0x142: {  	v9 =	vld [tilespmem:s21+$0x6440]  }
0x143: {  	v12 =	vld [tilespmem:s21+$0x450]  }
0x144: {  	v11 =	vld [tilespmem:s21+$0x6450]  }
0x145: {  	v13 =	vld [tilespmem:s21+$0x460]  }
0x146: {  	v14 =	vld [tilespmem:s21+$0x470]  }
0x147: {  	v15 =	vld [tilespmem:s21+$0x800]  }
0x148: {  	v16 =	vld [tilespmem:s21+$0x810]  }
0x149: {  	v17 =	vld [tilespmem:s21+$0x820]  }
0x14a: {  	v19 =	vld [tilespmem:s21+$0x840]  }
0x14b: {  	v20 =	vld [tilespmem:s21+$0x850]  }
0x14c: {  	v21 =	vld [tilespmem:s21+$0x860]  }
0x14d: {  	v22 =	vld [tilespmem:s21+$0x870]  }
0x14e: {  	v23 =	vld [tilespmem:s21+$0xC00]  }
0x14f: {  	v24 =	vld [tilespmem:s21+$0xC10]  }
0x150: {  	v25 =	vld [tilespmem:s21+$0xC20]  }
0x151: {  	v26 =	vld [tilespmem:s21+$0xC30]  }
0x152: {  	v27 =	vld [tilespmem:s21+$0xC40]  }
0x153: {  	v28 =	vld [tilespmem:s21+$0xC50]  }
0x154: {  	v29 =	vld [tilespmem:s21+$0xC60]  }
0x155: {  	v30 =	vld [tilespmem:s21+$0xC70]  }
0x156: {  	v32 =	vld [tilespmem:s21+$0x1000]  }
0x157: {  	v34 =	vld [tilespmem:s21+$0x1010]  }
0x158: {  	v35 =	vld [tilespmem:s21+$0x1020]  }
0x159: {  	v36 =	vld [tilespmem:s21+$0x1030]  }
0x15a: {  	v37 =	vld [tilespmem:s21+$0x1040]  }
0x15b: {  	v38 =	vld [tilespmem:s21+$0x1050]  }
0x15c: {  	v39 =	vld [tilespmem:s21+$0x1060]  }
0x15d: {  	v40 =	vld [tilespmem:s21+$0x1070]  }
0x15e: {  	v41 =	vld [tilespmem:s21+$0x1400]  }
0x15f: {  	v42 =	vld [tilespmem:s21+$0x1410]  }
0x160: {  	v43 =	vld [tilespmem:s21+$0x1420]  }
0x161: {  	v44 =	vld [tilespmem:s21+$0x1430]  }
0x162: {  	v45 =	vld [tilespmem:s21+$0x1440]  }
0x163: {  	v46 =	vld [tilespmem:s21+$0x1450]  }
0x164: {  	v47 =	vld [tilespmem:s21+$0x1460]  }
0x165: {  	v48 =	vld [tilespmem:s21+$0x1800]  }
0x166: {  	v50 =	vld [tilespmem:s21+$0x1810]  }
0x167: {  	v49 =	vld [tilespmem:s21+$0x7810]  }
0x168: {  	s25 =	simm.s32 $0x2;
	v51 =	vld [tilespmem:s21+$0x7830]  }
.LBB2_2:
0x169: {  	p0 =	sne.s32 s25, $0x1F;
	v52 =	vld [tilespmem:s21+$0x1820];
	s19 =	sadd.s32 $0x1, s19  }
0x16a: {  	s20 =	sadd.s32 $0x1, s20;
	v33 =	vld.msk [tilespmem:s19+$0x0 ss:$0x0], $0xffff  }
0x16b: {  	v31 =	vld.msk [tilespmem:s20+$0x0 ss:$0x0], $0xffff  }
0x16c: {  	v53 =	vld [tilespmem:s21+$0x1830]  }
0x16d: {  	v54 =	vld [tilespmem:s21+$0x7820]  }
0x16e: {  	v55 =	vld [tilespmem:s21+$0x7800]  }
0x16f: {  	v56 =	vld [tilespmem:s21+$0x1470]  }
0x170: {  	v50 =	vmul.f32 v50, v33;
	v52 =	vmul.f32 v52, v33;
	v57 =	vld [tilespmem:s21+$0x7470]  }
0x171: {  	v51 =	vmul.f32 v51, v31;
	v58 =	vld [tilespmem:s21+$0x7460];
	v53 =	vmul.f32 v53, v33  }
0x172: {  	v49 =	vmul.f32 v49, v31;
	v59 =	vld [tilespmem:s21+$0x7450];
	v54 =	vmul.f32 v54, v31  }
0x173: {  	v48 =	vmul.f32 v48, v33;
	v60 =	vld [tilespmem:s21+$0x7440];
	v55 =	vmul.f32 v55, v31;
	v51 =	vadd.f32 v51, v53  }
0x174: {  	v49 =	vadd.f32 v49, v50;
	v53 =	vld [tilespmem:s21+$0x7430];
	v56 =	vmul.f32 v56, v33;
	v50 =	vadd.f32 v54, v52  }
0x175: {  	v47 =	vmul.f32 v47, v33;
	v52 =	vld [tilespmem:s21+$0x7420];
	v54 =	vmul.f32 v57, v31;
	v48 =	vadd.f32 v55, v48;
	[tilespmem:s21+$0x1830] =	vst v51  }
0x176: {  	v46 =	vmul.f32 v46, v33;
	v51 =	vld [tilespmem:s21+$0x7410];
	v55 =	vmul.f32 v58, v31;
	[tilespmem:s21+$0x1820] =	vst v50  }
0x177: {  	v45 =	vmul.f32 v45, v33;
	v50 =	vld [tilespmem:s21+$0x7400];
	v57 =	vmul.f32 v59, v31;
	v54 =	vadd.f32 v54, v56;
	[tilespmem:s21+$0x1810] =	vst v49  }
0x178: {  	v44 =	vmul.f32 v44, v33;
	v49 =	vld [tilespmem:s21+$0x7070];
	v56 =	vmul.f32 v60, v31;
	v47 =	vadd.f32 v55, v47;
	[tilespmem:s21+$0x1800] =	vst v48  }
0x179: {  	v43 =	vmul.f32 v43, v33;
	v48 =	vld [tilespmem:s21+$0x7060];
	v53 =	vmul.f32 v53, v31;
	v46 =	vadd.f32 v57, v46;
	[tilespmem:s21+$0x1470] =	vst v54  }
0x17a: {  	v42 =	vmul.f32 v42, v33;
	v54 =	vld [tilespmem:s21+$0x7050];
	v52 =	vmul.f32 v52, v31;
	v45 =	vadd.f32 v56, v45;
	[tilespmem:s21+$0x1460] =	vst v47  }
0x17b: {  	v41 =	vmul.f32 v41, v33;
	v47 =	vld [tilespmem:s21+$0x7040];
	v51 =	vmul.f32 v51, v31;
	v44 =	vadd.f32 v53, v44;
	[tilespmem:s21+$0x1450] =	vst v46  }
0x17c: {  	v40 =	vmul.f32 v40, v33;
	v46 =	vld [tilespmem:s21+$0x7030];
	v50 =	vmul.f32 v50, v31;
	v43 =	vadd.f32 v52, v43;
	[tilespmem:s21+$0x1440] =	vst v45  }
0x17d: {  	v39 =	vmul.f32 v39, v33;
	v45 =	vld [tilespmem:s21+$0x7020];
	v49 =	vmul.f32 v49, v31;
	v42 =	vadd.f32 v51, v42;
	[tilespmem:s21+$0x1430] =	vst v44  }
0x17e: {  	v38 =	vmul.f32 v38, v33;
	v44 =	vld [tilespmem:s21+$0x7010];
	v48 =	vmul.f32 v48, v31;
	v41 =	vadd.f32 v50, v41;
	[tilespmem:s21+$0x1420] =	vst v43  }
0x17f: {  	v37 =	vmul.f32 v37, v33;
	v43 =	vld [tilespmem:s21+$0x7000];
	v50 =	vmul.f32 v54, v31;
	v40 =	vadd.f32 v49, v40;
	[tilespmem:s21+$0x1410] =	vst v42  }
0x180: {  	v36 =	vmul.f32 v36, v33;
	v42 =	vld [tilespmem:s21+$0x6C70];
	v47 =	vmul.f32 v47, v31;
	v39 =	vadd.f32 v48, v39;
	[tilespmem:s21+$0x1400] =	vst v41  }
0x181: {  	v35 =	vmul.f32 v35, v33;
	v41 =	vld [tilespmem:s21+$0x6C60];
	v46 =	vmul.f32 v46, v31;
	v38 =	vadd.f32 v50, v38;
	[tilespmem:s21+$0x1070] =	vst v40  }
0x182: {  	v34 =	vmul.f32 v34, v33;
	v40 =	vld [tilespmem:s21+$0x6C50];
	v45 =	vmul.f32 v45, v31;
	v37 =	vadd.f32 v47, v37;
	[tilespmem:s21+$0x1060] =	vst v39  }
0x183: {  	v32 =	vmul.f32 v32, v33;
	v39 =	vld [tilespmem:s21+$0x6C40];
	v44 =	vmul.f32 v44, v31;
	v36 =	vadd.f32 v46, v36;
	[tilespmem:s21+$0x1050] =	vst v38  }
0x184: {  	v30 =	vmul.f32 v30, v33;
	v38 =	vld [tilespmem:s21+$0x6C30];
	v43 =	vmul.f32 v43, v31;
	v35 =	vadd.f32 v45, v35;
	[tilespmem:s21+$0x1040] =	vst v37  }
0x185: {  	v29 =	vmul.f32 v29, v33;
	v37 =	vld [tilespmem:s21+$0x6C20];
	v42 =	vmul.f32 v42, v31;
	v34 =	vadd.f32 v44, v34;
	[tilespmem:s21+$0x1030] =	vst v36  }
0x186: {  	v28 =	vmul.f32 v28, v33;
	v36 =	vld [tilespmem:s21+$0x6C10];
	v41 =	vmul.f32 v41, v31;
	v32 =	vadd.f32 v43, v32;
	[tilespmem:s21+$0x1020] =	vst v35  }
0x187: {  	v27 =	vmul.f32 v27, v33;
	v35 =	vld [tilespmem:s21+$0x6C00];
	v40 =	vmul.f32 v40, v31;
	v30 =	vadd.f32 v42, v30;
	[tilespmem:s21+$0x1010] =	vst v34  }
0x188: {  	v26 =	vmul.f32 v26, v33;
	v34 =	vld [tilespmem:s21+$0x6870];
	v39 =	vmul.f32 v39, v31;
	v29 =	vadd.f32 v41, v29;
	[tilespmem:s21+$0x1000] =	vst v32  }
0x189: {  	v25 =	vmul.f32 v25, v33;
	v32 =	vld [tilespmem:s21+$0x6860];
	v38 =	vmul.f32 v38, v31;
	v28 =	vadd.f32 v40, v28;
	[tilespmem:s21+$0xC70] =	vst v30  }
0x18a: {  	v24 =	vmul.f32 v24, v33;
	v30 =	vld [tilespmem:s21+$0x6850];
	v37 =	vmul.f32 v37, v31;
	v27 =	vadd.f32 v39, v27;
	[tilespmem:s21+$0xC60] =	vst v29  }
0x18b: {  	v23 =	vmul.f32 v23, v33;
	v29 =	vld [tilespmem:s21+$0x6840];
	v36 =	vmul.f32 v36, v31;
	v26 =	vadd.f32 v38, v26;
	[tilespmem:s21+$0xC50] =	vst v28  }
0x18c: {  	v22 =	vmul.f32 v22, v33;
	v28 =	vld [tilespmem:s21+$0x6830];
	v35 =	vmul.f32 v35, v31;
	v25 =	vadd.f32 v37, v25;
	[tilespmem:s21+$0xC40] =	vst v27  }
0x18d: {  	v21 =	vmul.f32 v21, v33;
	v27 =	vld [tilespmem:s21+$0x6820];
	v34 =	vmul.f32 v34, v31;
	v24 =	vadd.f32 v36, v24;
	[tilespmem:s21+$0xC30] =	vst v26  }
0x18e: {  	v20 =	vmul.f32 v20, v33;
	v26 =	vld [tilespmem:s21+$0x6810];
	v32 =	vmul.f32 v32, v31;
	v23 =	vadd.f32 v35, v23;
	[tilespmem:s21+$0xC20] =	vst v25  }
0x18f: {  	v19 =	vmul.f32 v19, v33;
	v25 =	vld [tilespmem:s21+$0x6800];
	v30 =	vmul.f32 v30, v31;
	v22 =	vadd.f32 v34, v22;
	[tilespmem:s21+$0xC10] =	vst v24  }
0x190: {  	v18 =	vmul.f32 v18, v33;
	v24 =	vld [tilespmem:s21+$0x6470];
	v29 =	vmul.f32 v29, v31;
	v21 =	vadd.f32 v32, v21;
	[tilespmem:s21+$0xC00] =	vst v23  }
0x191: {  	v17 =	vmul.f32 v17, v33;
	v23 =	vld [tilespmem:s21+$0x6460];
	v28 =	vmul.f32 v28, v31;
	v20 =	vadd.f32 v30, v20;
	[tilespmem:s21+$0x870] =	vst v22  }
0x192: {  	v16 =	vmul.f32 v16, v33;
	v22 =	vmul.f32 v27, v31;
	v19 =	vadd.f32 v29, v19;
	[tilespmem:s21+$0x860] =	vst v21;
	v21 =	vld [tilespmem:s21+$0x7840]  }
0x193: {  	v15 =	vmul.f32 v15, v33;
	v26 =	vmul.f32 v26, v31;
	v18 =	vadd.f32 v28, v18;
	[tilespmem:s21+$0x850] =	vst v20;
	v20 =	vld [tilespmem:s21+$0x7850]  }
0x194: {  	v14 =	vmul.f32 v14, v33;
	v25 =	vmul.f32 v25, v31;
	v17 =	vadd.f32 v22, v17;
	[tilespmem:s21+$0x840] =	vst v19;
	v19 =	vld [tilespmem:s21+$0x7860]  }
0x195: {  	v13 =	vmul.f32 v13, v33;
	v22 =	vmul.f32 v24, v31;
	v16 =	vadd.f32 v26, v16;
	[tilespmem:s21+$0x830] =	vst v18;
	v18 =	vld [tilespmem:s21+$0x7870]  }
0x196: {  	v12 =	vmul.f32 v12, v33;
	v23 =	vmul.f32 v23, v31;
	v15 =	vadd.f32 v25, v15;
	[tilespmem:s21+$0x820] =	vst v17;
	v17 =	vld [tilespmem:s21+$0x1840]  }
0x197: {  	v10 =	vmul.f32 v10, v33;
	v11 =	vmul.f32 v11, v31;
	v14 =	vadd.f32 v22, v14;
	[tilespmem:s21+$0x810] =	vst v16;
	v16 =	vld [tilespmem:s21+$0x1850]  }
0x198: {  	v8 =	vmul.f32 v8, v33;
	v9 =	vmul.f32 v9, v31;
	v13 =	vadd.f32 v23, v13;
	[tilespmem:s21+$0x800] =	vst v15;
	v15 =	vld [tilespmem:s21+$0x1860]  }
0x199: {  	v6 =	vmul.f32 v6, v33;
	v7 =	vmul.f32 v7, v31;
	v11 =	vadd.f32 v11, v12;
	[tilespmem:s21+$0x470] =	vst v14;
	v12 =	vld [tilespmem:s21+$0x1870]  }
0x19a: {  	v3 =	vmul.f32 v3, v33;
	v5 =	vmul.f32 v5, v31;
	v9 =	vadd.f32 v9, v10;
	v14 =	vld [tilespmem:s21+$0x400];
	[tilespmem:s21+$0x460] =	vst v13  }
0x19b: {  	v4 =	vmul.f32 v4, v31;
	v7 =	vadd.f32 v7, v8;
	v10 =	vld [tilespmem:s21+$0x6400];
	[tilespmem:s21+$0x450] =	vst v11;
	v8 =	vmul.f32 v17, v33  }
0x19c: {  	s26 =	sshrl.u32 s25, $0x3;
	v5 =	vadd.f32 v5, v6;
	v6 =	vmul.f32 v21, v31;
	[tilespmem:s21+$0x440] =	vst v9;
	v9 =	vmul.f32 v16, v33  }
0x19d: {  	s24 =	sadd.s32 $0x80, s24;
	s26 =	smul.u32 $0x1800, s26;
	v3 =	vadd.f32 v4, v3;
	v4 =	vmul.f32 v20, v31;
	[tilespmem:s21+$0x430] =	vst v7;
	v7 =	vmul.f32 v15, v33  }
0x19e: {  	s28 =	sand.u32 $0x380, s24;
	[tilespmem:s21+$0x420] =	vst v5;
	v5 =	vadd.f32 v6, v8;
	v6 =	vmul.f32 v19, v31;
	v8 =	vmul.f32 v12, v33  }
0x19f: {  	s26 =	sor.u32 s28, s26;
	v9 =	vadd.f32 v4, v9;
	v12 =	vmul.f32 v18, v31;
	v11 =	vmul.f32 v14, v33;
	[tilespmem:s21+$0x410] =	vst v3  }
0x1a0: {  	v3 =	vld [tilespmem:s26+$0x410];
	v10 =	vmul.f32 v10, v31;
	[tilespmem:s21+$0x1840] =	vst v5;
	v5 =	vadd.f32 v6, v7  }
0x1a1: {  	v7 =	vadd.f32 v12, v8;
	v4 =	vld [tilespmem:s26+$0x6410];
	[tilespmem:s21+$0x1850] =	vst v9  }
0x1a2: {  	v6 =	vld [tilespmem:s26+$0x420];
	v9 =	vadd.f32 v10, v11;
	[tilespmem:s21+$0x1860] =	vst v5  }
0x1a3: {  	v5 =	vld [tilespmem:s26+$0x6420];
	[tilespmem:s21+$0x1870] =	vst v7  }
0x1a4: {  	v8 =	vld [tilespmem:s26+$0x430];
	[tilespmem:s21+$0x400] =	vst v9;
	s21 =	smov.u32 s26  }
0x1a5: {  	v7 =	vld [tilespmem:s21+$0x6430]  }
0x1a6: {  	v10 =	vld [tilespmem:s21+$0x440]  }
0x1a7: {  	v9 =	vld [tilespmem:s21+$0x6440]  }
0x1a8: {  	v12 =	vld [tilespmem:s21+$0x450]  }
0x1a9: {  	v11 =	vld [tilespmem:s21+$0x6450]  }
0x1aa: {  	v13 =	vld [tilespmem:s21+$0x460]  }
0x1ab: {  	v14 =	vld [tilespmem:s21+$0x470]  }
0x1ac: {  	v15 =	vld [tilespmem:s21+$0x800]  }
0x1ad: {  	v16 =	vld [tilespmem:s21+$0x810]  }
0x1ae: {  	v17 =	vld [tilespmem:s21+$0x820]  }
0x1af: {  	v18 =	vld [tilespmem:s21+$0x830]  }
0x1b0: {  	v19 =	vld [tilespmem:s21+$0x840]  }
0x1b1: {  	v20 =	vld [tilespmem:s21+$0x850]  }
0x1b2: {  	v21 =	vld [tilespmem:s21+$0x860]  }
0x1b3: {  	v22 =	vld [tilespmem:s21+$0x870]  }
0x1b4: {  	v23 =	vld [tilespmem:s21+$0xC00]  }
0x1b5: {  	v24 =	vld [tilespmem:s21+$0xC10]  }
0x1b6: {  	v25 =	vld [tilespmem:s21+$0xC20]  }
0x1b7: {  	v26 =	vld [tilespmem:s21+$0xC30]  }
0x1b8: {  	v27 =	vld [tilespmem:s21+$0xC40]  }
0x1b9: {  	v28 =	vld [tilespmem:s21+$0xC50]  }
0x1ba: {  	v29 =	vld [tilespmem:s21+$0xC60]  }
0x1bb: {  	v30 =	vld [tilespmem:s21+$0xC70]  }
0x1bc: {  	v32 =	vld [tilespmem:s21+$0x1000]  }
0x1bd: {  	v34 =	vld [tilespmem:s21+$0x1010]  }
0x1be: {  	v35 =	vld [tilespmem:s21+$0x1020]  }
0x1bf: {  	v36 =	vld [tilespmem:s21+$0x1030]  }
0x1c0: {  	v37 =	vld [tilespmem:s21+$0x1040]  }
0x1c1: {  	v38 =	vld [tilespmem:s21+$0x1050]  }
0x1c2: {  	v39 =	vld [tilespmem:s21+$0x1060]  }
0x1c3: {  	v40 =	vld [tilespmem:s21+$0x1070]  }
0x1c4: {  	v41 =	vld [tilespmem:s21+$0x1400]  }
0x1c5: {  	v42 =	vld [tilespmem:s21+$0x1410]  }
0x1c6: {  	v43 =	vld [tilespmem:s21+$0x1420]  }
0x1c7: {  	v44 =	vld [tilespmem:s21+$0x1430]  }
0x1c8: {  	v45 =	vld [tilespmem:s21+$0x1440]  }
0x1c9: {  	v46 =	vld [tilespmem:s21+$0x1450]  }
.Ltmp0:
0x1ca: {  	v47 =	vld [tilespmem:s21+$0x1460];
	(pc) =	sbr.rel @p0 .LBB2_2-.Ltmp0, $4  }
0x1cb: {  	v48 =	vld [tilespmem:s21+$0x1800]  }
0x1cc: {  	v50 =	vld [tilespmem:s21+$0x1810]  }
0x1cd: {  	v49 =	vld [tilespmem:s21+$0x7810]  }
0x1ce: {  	s25 =	sadd.s32 $0x1, s25;
	v51 =	vld [tilespmem:s21+$0x7830]  }
0x1cf: {  	v52 =	vld [tilespmem:s21+$0x1820]  }
0x1d0: {  	s19 =	sadd.s32 $0x1, s19;
	v53 =	vld [tilespmem:s21+$0x1830]  }
0x1d1: {  	s24 =	sadd.s32 $0x1, s20;
	v31 =	vld.msk [tilespmem:s19+$0x0 ss:$0x0], $0xffff  }
0x1d2: {  	v33 =	vld.msk [tilespmem:s24+$0x0 ss:$0x0], $0xffff  }
0x1d3: {  	v54 =	vld [tilespmem:s21+$0x7820]  }
0x1d4: {  	v55 =	vld [tilespmem:s21+$0x7800]  }
0x1d5: {  	v56 =	vld [tilespmem:s21+$0x1470]  }
0x1d6: {  	v57 =	vld [tilespmem:s21+$0x7470];
	v53 =	vmul.f32 v53, v31  }
0x1d7: {  	v58 =	vld [tilespmem:s21+$0x7460];
	v51 =	vmul.f32 v51, v33;
	v52 =	vmul.f32 v52, v31  }
0x1d8: {  	v54 =	vmul.f32 v54, v33;
	v50 =	vmul.f32 v50, v31  }
0x1d9: {  	v49 =	vmul.f32 v49, v33;
	v48 =	vmul.f32 v48, v31  }
0x1da: {  	v59 =	vld [tilespmem:s21+$0x7450];
	v62 =	vmul.f32 v55, v33;
	v63 =	vmul.f32 v56, v31  }
0x1db: {  	v60 =	vld [tilespmem:s21+$0x7440];
	v57 =	vmul.f32 v57, v33;
	v47 =	vmul.f32 v47, v31;
	v51 =	vadd.f32 v51, v53  }
0x1dc: {  	v61 =	vld [tilespmem:s21+$0x7420];
	v58 =	vmul.f32 v58, v33;
	v46 =	vmul.f32 v46, v31;
	v52 =	vadd.f32 v54, v52  }
0x1dd: {  	v45 =	vmul.f32 v45, v31;
	v44 =	vmul.f32 v44, v31;
	v53 =	vld [tilespmem:s21+$0x7430];
	v49 =	vadd.f32 v49, v50;
	[tilespmem:s21+$0x1830] =	vst v51  }
0x1de: {  	v43 =	vmul.f32 v43, v31;
	v42 =	vmul.f32 v42, v31;
	v50 =	vld [tilespmem:s21+$0x7400];
	v48 =	vadd.f32 v62, v48;
	[tilespmem:s21+$0x1820] =	vst v52  }
0x1df: {  	v41 =	vmul.f32 v41, v31;
	v62 =	vmul.f32 v59, v33;
	v47 =	vadd.f32 v58, v47;
	v59 =	vld [tilespmem:s21+$0x7020];
	[tilespmem:s21+$0x1810] =	vst v49  }
0x1e0: {  	v40 =	vmul.f32 v40, v31;
	v51 =	vld [tilespmem:s21+$0x7410];
	v52 =	vadd.f32 v57, v63;
	[tilespmem:s21+$0x1800] =	vst v48;
	v63 =	vmul.f32 v60, v33  }
0x1e1: {  	v39 =	vmul.f32 v39, v31;
	v58 =	vmul.f32 v61, v33;
	v49 =	vld [tilespmem:s21+$0x7070];
	v46 =	vadd.f32 v62, v46;
	[tilespmem:s21+$0x1460] =	vst v47  }
0x1e2: {  	v38 =	vmul.f32 v38, v31;
	v48 =	vld [tilespmem:s21+$0x7060];
	[tilespmem:s21+$0x1470] =	vst v52;
	v45 =	vadd.f32 v63, v45;
	v53 =	vmul.f32 v53, v33  }
0x1e3: {  	v37 =	vmul.f32 v37, v31;
	v47 =	vld [tilespmem:s21+$0x7040];
	v43 =	vadd.f32 v58, v43;
	[tilespmem:s21+$0x1450] =	vst v46;
	v50 =	vmul.f32 v50, v33  }
0x1e4: {  	v35 =	vmul.f32 v35, v31;
	v57 =	vld [tilespmem:s21+$0x7030];
	[tilespmem:s21+$0x1440] =	vst v45;
	v45 =	vmul.f32 v59, v33;
	v44 =	vadd.f32 v53, v44  }
0x1e5: {  	v36 =	vmul.f32 v36, v31;
	v52 =	vld [tilespmem:s21+$0x7050];
	[tilespmem:s21+$0x1420] =	vst v43;
	v51 =	vmul.f32 v51, v33;
	v41 =	vadd.f32 v50, v41  }
0x1e6: {  	v34 =	vmul.f32 v34, v31;
	v60 =	vld [tilespmem:s21+$0x7010];
	v49 =	vmul.f32 v49, v33;
	v35 =	vadd.f32 v45, v35;
	[tilespmem:s21+$0x1430] =	vst v44  }
0x1e7: {  	v30 =	vmul.f32 v30, v31;
	v63 =	vld [tilespmem:s21+$0x6C60];
	v48 =	vmul.f32 v48, v33;
	v42 =	vadd.f32 v51, v42;
	[tilespmem:s21+$0x1400] =	vst v41  }
0x1e8: {  	v29 =	vmul.f32 v29, v31;
	v58 =	vld [tilespmem:s21+$0x6C00];
	v47 =	vmul.f32 v47, v33;
	v40 =	vadd.f32 v49, v40;
	[tilespmem:s21+$0x1020] =	vst v35  }
0x1e9: {  	v28 =	vmul.f32 v28, v31;
	v62 =	vld [tilespmem:s21+$0x6C70];
	v46 =	vmul.f32 v57, v33;
	v39 =	vadd.f32 v48, v39;
	[tilespmem:s21+$0x1410] =	vst v42  }
0x1ea: {  	v27 =	vmul.f32 v27, v31;
	v54 =	vld [tilespmem:s21+$0x6C40];
	v52 =	vmul.f32 v52, v33;
	v37 =	vadd.f32 v47, v37;
	[tilespmem:s21+$0x1070] =	vst v40  }
0x1eb: {  	v26 =	vmul.f32 v26, v31;
	v53 =	vld [tilespmem:s21+$0x6C50];
	v36 =	vadd.f32 v46, v36;
	v44 =	vmul.f32 v60, v33;
	[tilespmem:s21+$0x1060] =	vst v39  }
0x1ec: {  	v25 =	vmul.f32 v25, v31;
	v57 =	vld [tilespmem:s21+$0x6C10];
	v41 =	vmul.f32 v63, v33;
	v38 =	vadd.f32 v52, v38;
	[tilespmem:s21+$0x1040] =	vst v37  }
0x1ed: {  	v55 =	vld [tilespmem:s21+$0x6C30];
	v23 =	vmul.f32 v23, v31;
	v35 =	vmul.f32 v58, v33;
	[tilespmem:s21+$0x1030] =	vst v36;
	v34 =	vadd.f32 v44, v34  }
0x1ee: {  	v24 =	vmul.f32 v24, v31;
	v59 =	vld [tilespmem:s21+$0x6870];
	v42 =	vmul.f32 v62, v33;
	v29 =	vadd.f32 v41, v29;
	[tilespmem:s21+$0x1050] =	vst v38  }
0x1ef: {  	v56 =	vld [tilespmem:s21+$0x6C20];
	v22 =	vmul.f32 v22, v31;
	v39 =	vmul.f32 v54, v33;
	v23 =	vadd.f32 v35, v23;
	[tilespmem:s21+$0x1010] =	vst v34  }
0x1f0: {  	v21 =	vmul.f32 v21, v31;
	v60 =	vld [tilespmem:s21+$0x6860];
	v40 =	vmul.f32 v53, v33;
	v30 =	vadd.f32 v42, v30;
	[tilespmem:s21+$0xC60] =	vst v29  }
0x1f1: {  	v20 =	vmul.f32 v20, v31;
	v36 =	vmul.f32 v57, v33;
	v29 =	vld [tilespmem:s21+$0x6840];
	v27 =	vadd.f32 v39, v27;
	[tilespmem:s21+$0xC00] =	vst v23  }
0x1f2: {  	v19 =	vmul.f32 v19, v31;
	v38 =	vmul.f32 v55, v33;
	v28 =	vadd.f32 v40, v28;
	[tilespmem:s21+$0xC70] =	vst v30;
	v30 =	vld [tilespmem:s21+$0x6850]  }
0x1f3: {  	v10 =	vmul.f32 v10, v31;
	v61 =	vld [tilespmem:s21+$0x7000];
	v34 =	vmul.f32 v59, v33;
	v24 =	vadd.f32 v36, v24;
	[tilespmem:s21+$0xC40] =	vst v27  }
0x1f4: {  	v9 =	vmul.f32 v9, v33;
	v37 =	vmul.f32 v56, v33;
	v26 =	vadd.f32 v38, v26;
	[tilespmem:s21+$0xC50] =	vst v28;
	v28 =	vld [tilespmem:s21+$0x6830]  }
0x1f5: {  	v12 =	vmul.f32 v12, v31;
	v11 =	vmul.f32 v11, v33;
	v27 =	vld [tilespmem:s21+$0x6820];
	v22 =	vadd.f32 v34, v22;
	[tilespmem:s21+$0xC10] =	vst v24  }
0x1f6: {  	v9 =	vadd.f32 v9, v10;
	v10 =	vld [tilespmem:s21+$0x6400];
	v25 =	vadd.f32 v37, v25;
	v24 =	vmul.f32 v60, v33;
	[tilespmem:s21+$0xC30] =	vst v26  }
0x1f7: {  	v11 =	vadd.f32 v11, v12;
	v26 =	vld [tilespmem:s21+$0x6810];
	[tilespmem:s21+$0x870] =	vst v22;
	v22 =	vmul.f32 v29, v33;
	v23 =	vmul.f32 v30, v33  }
0x1f8: {  	v18 =	vmul.f32 v18, v31;
	v43 =	vmul.f32 v61, v33;
	[tilespmem:s21+$0xC20] =	vst v25;
	v25 =	vld [tilespmem:s21+$0x6800];
	v21 =	vadd.f32 v24, v21  }
0x1f9: {  	[tilespmem:s21+$0x450] =	vst v11;
	v61 =	vld [tilespmem:s21+$0x6470];
	v19 =	vadd.f32 v22, v19;
	v20 =	vadd.f32 v23, v20;
	v23 =	vmul.f32 v28, v33  }
0x1fa: {  	v17 =	vmul.f32 v17, v31;
	v24 =	vld [tilespmem:s21+$0x6460];
	[tilespmem:s21+$0x860] =	vst v21;
	v22 =	vmul.f32 v27, v33  }
0x1fb: {  	v21 =	vld [tilespmem:s21+$0x7840];
	[tilespmem:s21+$0x840] =	vst v19;
	v18 =	vadd.f32 v23, v18  }
0x1fc: {  	v16 =	vmul.f32 v16, v31;
	v19 =	vld [tilespmem:s21+$0x7860];
	v17 =	vadd.f32 v22, v17;
	[tilespmem:s21+$0x850] =	vst v20;
	v23 =	vmul.f32 v26, v33  }
0x1fd: {  	v15 =	vmul.f32 v15, v31;
	v22 =	vld [tilespmem:s21+$0x7870];
	[tilespmem:s21+$0x830] =	vst v18;
	v18 =	vmul.f32 v25, v33  }
0x1fe: {  	v14 =	vmul.f32 v14, v31;
	v20 =	vld [tilespmem:s21+$0x7850];
	[tilespmem:s21+$0x820] =	vst v17;
	v17 =	vmul.f32 v61, v33;
	v16 =	vadd.f32 v23, v16  }
0x1ff: {  	v8 =	vmul.f32 v8, v31;
	v7 =	vmul.f32 v7, v33;
	[tilespmem:s21+$0x440] =	vst v9;
	v15 =	vadd.f32 v18, v15;
	v18 =	vld [tilespmem:s21+$0x1840]  }
0x200: {  	v6 =	vmul.f32 v6, v31;
	v5 =	vmul.f32 v5, v33;
	v14 =	vadd.f32 v17, v14;
	[tilespmem:s21+$0x810] =	vst v16;
	v16 =	vld [tilespmem:s21+$0x1850]  }
0x201: {  	v3 =	vmul.f32 v3, v31;
	v4 =	vmul.f32 v4, v33;
	v7 =	vadd.f32 v7, v8;
	[tilespmem:s21+$0x800] =	vst v15;
	v15 =	vld [tilespmem:s21+$0x1860]  }
0x202: {  	v32 =	vmul.f32 v32, v31;
	v5 =	vadd.f32 v5, v6;
	[tilespmem:s21+$0x470] =	vst v14;
	v14 =	vld [tilespmem:s21+$0x1870]  }
0x203: {  	v13 =	vmul.f32 v13, v31;
	v12 =	vld [tilespmem:s21+$0x400];
	v3 =	vadd.f32 v4, v3;
	[tilespmem:s21+$0x430] =	vst v7;
	v23 =	vmul.f32 v24, v33  }
0x204: {  	[tilespmem:s21+$0x420] =	vst v5;
	v32 =	vadd.f32 v43, v32;
	v6 =	vmul.f32 v21, v33;
	v8 =	vmul.f32 v18, v31  }
0x205: {  	[tilespmem:s21+$0x410] =	vst v3;
	v13 =	vadd.f32 v23, v13;
	v4 =	vmul.f32 v20, v33;
	v9 =	vmul.f32 v16, v31  }
0x206: {  	[tilespmem:s21+$0x1000] =	vst v32;
	v7 =	vmul.f32 v15, v31;
	v5 =	vadd.f32 v6, v8;
	v6 =	vmul.f32 v19, v33  }
0x207: {  	[tilespmem:s21+$0x460] =	vst v13;
	v8 =	vmul.f32 v14, v31;
	v3 =	vadd.f32 v4, v9;
	v4 =	vmul.f32 v22, v33  }
0x208: {  	v10 =	vmul.f32 v10, v33;
	v9 =	vmul.f32 v12, v31;
	[tilespmem:s21+$0x1840] =	vst v5;
	v5 =	vadd.f32 v6, v7  }
0x209: {  	[tilespmem:s21+$0x1850] =	vst v3;
	v3 =	vadd.f32 v4, v8  }
0x20a: {  	v4 =	vadd.f32 v10, v9;
	[tilespmem:s21+$0x1860] =	vst v5  }
0x20b: {  	[tilespmem:s21+$0x1870] =	vst v3  }
0x20c: {  	s25 =	simm.s32 $0x0;
	[tilespmem:s21+$0x400] =	vst v4  }
0x20d: {  	[hbm4b:s14+s25] =	stream.linear.scatter [tilespmem:s23], [sflag:$0x4], $0x6000, $0x38;
	[tilespmem:$0x18400] =	vst v63  }
0x20e: {  	_ =	swait.ge [sflag:s0], $0x6000  }
0x20f: {  	[sflag:s0] =	ssyncset.done $0x0  }
0x210: {  	s26 =	simm.s32 $0x0;
	[sflag:s0] =	ssyncadd.s32 $0xFFFFA000  }
0x211: {  	s20 =	smul.u32 $0x1800, s26;
	_ =	swait.ge [sflag:s0], $0x6000  }
0x212: {  	s19 =	sand.u32 $0x380, s25;
	[sflag:s0] =	ssyncset.done $0x0  }
0x213: {  	s25 =	sor.u32 s19, s20;
	[sflag:s0] =	ssyncadd.s32 $0xFFFFA000  }
0x214: {  	v4 =	vld [tilespmem:s25+$0xC410]  }
0x215: {  	v3 =	vld [tilespmem:s25+$0x12410]  }
0x216: {  	v6 =	vld [tilespmem:s25+$0xC420]  }
0x217: {  	v5 =	vld [tilespmem:s25+$0x12420]  }
0x218: {  	v10 =	vld [tilespmem:s25+$0xC430]  }
0x219: {  	v7 =	vld [tilespmem:s25+$0x12430]  }
0x21a: {  	v12 =	vld [tilespmem:s25+$0xC440]  }
0x21b: {  	v11 =	vld [tilespmem:s25+$0x12440]  }
0x21c: {  	v13 =	vld [tilespmem:s25+$0xC460]  }
0x21d: {  	v14 =	vld [tilespmem:s25+$0xC470]  }
0x21e: {  	v15 =	vld [tilespmem:s25+$0xC800]  }
0x21f: {  	v16 =	vld [tilespmem:s25+$0xC810]  }
0x220: {  	v17 =	vld [tilespmem:s25+$0xC820]  }
0x221: {  	v18 =	vld [tilespmem:s25+$0xC830]  }
0x222: {  	v19 =	vld [tilespmem:s25+$0xC840]  }
0x223: {  	v20 =	vld [tilespmem:s25+$0xC850]  }
0x224: {  	v21 =	vld [tilespmem:s25+$0xC860]  }
0x225: {  	v22 =	vld [tilespmem:s25+$0xC870]  }
0x226: {  	v23 =	vld [tilespmem:s25+$0xCC00]  }
0x227: {  	v24 =	vld [tilespmem:s25+$0xCC10]  }
0x228: {  	v25 =	vld [tilespmem:s25+$0xCC20]  }
0x229: {  	v26 =	vld [tilespmem:s25+$0xCC30]  }
0x22a: {  	v27 =	vld [tilespmem:s25+$0xCC40]  }
0x22b: {  	v28 =	vld [tilespmem:s25+$0xCC50]  }
0x22c: {  	v29 =	vld [tilespmem:s25+$0xCC60]  }
0x22d: {  	v30 =	vld [tilespmem:s25+$0xCC70]  }
0x22e: {  	v31 =	vld [tilespmem:s25+$0xD000]  }
0x22f: {  	v32 =	vld [tilespmem:s25+$0xD010]  }
0x230: {  	v33 =	vld [tilespmem:s25+$0xD020]  }
0x231: {  	v34 =	vld [tilespmem:s25+$0xD030]  }
0x232: {  	v35 =	vld [tilespmem:s25+$0xD040]  }
0x233: {  	v36 =	vld [tilespmem:s25+$0xD050]  }
0x234: {  	v37 =	vld [tilespmem:s25+$0xD060]  }
0x235: {  	v38 =	vld [tilespmem:s25+$0xD070]  }
0x236: {  	v39 =	vld [tilespmem:s25+$0xD400]  }
0x237: {  	v40 =	vld [tilespmem:s25+$0xD410]  }
0x238: {  	v41 =	vld [tilespmem:s25+$0xD420]  }
0x239: {  	v42 =	vld [tilespmem:s25+$0xD430]  }
0x23a: {  	v43 =	vld [tilespmem:s25+$0xD440]  }
0x23b: {  	v44 =	vld [tilespmem:s25+$0xD450]  }
0x23c: {  	v45 =	vld [tilespmem:s25+$0xD460]  }
0x23d: {  	v46 =	vld [tilespmem:s25+$0xD800]  }
0x23e: {  	v47 =	vld [tilespmem:s25+$0xD810]  }
0x23f: {  	v48 =	vld [tilespmem:s25+$0x13810]  }
0x240: {  	v49 =	vld [tilespmem:s25+$0x13830]  }
0x241: {  	s20 =	simm.s32 $0x300;
	v50 =	vld [tilespmem:s25+$0xD820]  }
0x242: {  	v8 =	vld.msk [tilespmem:s20+$0x0 ss:$0x0], $0xffff  }
0x243: {  	s21 =	simm.s32 $0x380;
	v62 =	vld [tilespmem:s25+$0xD830]  }
0x244: {  	v9 =	vld.msk [tilespmem:s21+$0x0 ss:$0x0], $0xffff  }
0x245: {  	v52 =	vld [tilespmem:s25+$0x13820]  }
0x246: {  	v63 =	vld [tilespmem:s25+$0x13800]  }
0x247: {  	v54 =	vld [tilespmem:s25+$0xD470]  }
0x248: {  	v60 =	vld [tilespmem:s25+$0x13470];
	v51 =	vmul.f32 v62, v8  }
0x249: {  	v61 =	vld [tilespmem:s25+$0x13460];
	v49 =	vmul.f32 v49, v9;
	v50 =	vmul.f32 v50, v8  }
0x24a: {  	v58 =	vld [tilespmem:s25+$0x13440];
	v52 =	vmul.f32 v52, v9;
	v47 =	vmul.f32 v47, v8  }
0x24b: {  	v53 =	vld [tilespmem:s25+$0x13430];
	v48 =	vmul.f32 v48, v9;
	v46 =	vmul.f32 v46, v8  }
0x24c: {  	v57 =	vld [tilespmem:s25+$0x13060];
	v63 =	vmul.f32 v63, v9;
	v59 =	vmul.f32 v54, v8;
	v49 =	vadd.f32 v49, v51  }
0x24d: {  	v55 =	vld [tilespmem:s25+$0x12C70];
	v60 =	vmul.f32 v60, v9;
	v45 =	vmul.f32 v45, v8;
	v50 =	vadd.f32 v52, v50  }
0x24e: {  	v56 =	vld [tilespmem:s25+$0x12C60];
	v61 =	vmul.f32 v61, v9;
	v44 =	vmul.f32 v44, v8;
	v47 =	vadd.f32 v48, v47;
	[tilespmem:s25+$0xD830] =	vst v49  }
0x24f: {  	v62 =	vld [tilespmem:s25+$0x13450];
	v43 =	vmul.f32 v43, v8;
	v42 =	vmul.f32 v42, v8;
	v46 =	vadd.f32 v63, v46;
	[tilespmem:s25+$0xD820] =	vst v50  }
0x250: {  	v12 =	vmul.f32 v12, v8;
	v11 =	vmul.f32 v11, v9;
	v48 =	vld [tilespmem:s25+$0x13420];
	v52 =	vadd.f32 v60, v59;
	[tilespmem:s25+$0xD810] =	vst v47  }
0x251: {  	v41 =	vmul.f32 v41, v8;
	v63 =	vmul.f32 v58, v9;
	v45 =	vadd.f32 v61, v45;
	v59 =	vld [tilespmem:s25+$0x13050];
	[tilespmem:s25+$0xD800] =	vst v46  }
0x252: {  	v40 =	vmul.f32 v40, v8;
	v58 =	vmul.f32 v53, v9;
	v60 =	vld [tilespmem:s25+$0x13040];
	v11 =	vadd.f32 v11, v12;
	[tilespmem:s25+$0xD470] =	vst v52  }
0x253: {  	v37 =	vmul.f32 v37, v8;
	v49 =	vld [tilespmem:s25+$0x13410];
	v43 =	vadd.f32 v63, v43;
	[tilespmem:s25+$0xD460] =	vst v45;
	v46 =	vmul.f32 v57, v9  }
0x254: {  	v39 =	vmul.f32 v39, v8;
	v50 =	vld [tilespmem:s25+$0x13400];
	v42 =	vadd.f32 v58, v42;
	[tilespmem:s25+$0xC440] =	vst v11;
	v62 =	vmul.f32 v62, v9  }
0x255: {  	v38 =	vmul.f32 v38, v8;
	v47 =	vld [tilespmem:s25+$0x13070];
	[tilespmem:s25+$0xD440] =	vst v43;
	v37 =	vadd.f32 v46, v37;
	v48 =	vmul.f32 v48, v9  }
0x256: {  	v36 =	vmul.f32 v36, v8;
	v61 =	vld [tilespmem:s25+$0x13030];
	[tilespmem:s25+$0xD430] =	vst v42;
	v44 =	vadd.f32 v62, v44;
	v54 =	vmul.f32 v59, v9  }
0x257: {  	v35 =	vmul.f32 v35, v8;
	v63 =	vld [tilespmem:s25+$0x13010];
	v45 =	vmul.f32 v60, v9;
	[tilespmem:s25+$0xD060] =	vst v37;
	v41 =	vadd.f32 v48, v41  }
0x258: {  	v34 =	vmul.f32 v34, v8;
	v58 =	vld [tilespmem:s25+$0x12C40];
	v49 =	vmul.f32 v49, v9;
	[tilespmem:s25+$0xD450] =	vst v44;
	v36 =	vadd.f32 v54, v36  }
0x259: {  	v32 =	vmul.f32 v32, v8;
	v53 =	vld [tilespmem:s25+$0x13000];
	v50 =	vmul.f32 v50, v9;
	v35 =	vadd.f32 v45, v35;
	[tilespmem:s25+$0xD420] =	vst v41  }
0x25a: {  	v31 =	vmul.f32 v31, v8;
	v62 =	vld [tilespmem:s25+$0x13020];
	v47 =	vmul.f32 v47, v9;
	v40 =	vadd.f32 v49, v40;
	[tilespmem:s25+$0xD050] =	vst v36  }
0x25b: {  	v6 =	vmul.f32 v6, v8;
	v59 =	vld [tilespmem:s25+$0x12C30];
	v44 =	vmul.f32 v61, v9;
	v39 =	vadd.f32 v50, v39;
	[tilespmem:s25+$0xD040] =	vst v35  }
0x25c: {  	v5 =	vmul.f32 v5, v9;
	v60 =	vld [tilespmem:s25+$0x12C20];
	v42 =	vmul.f32 v63, v9;
	v38 =	vadd.f32 v47, v38;
	[tilespmem:s25+$0xD410] =	vst v40  }
0x25d: {  	v27 =	vmul.f32 v27, v8;
	v12 =	vld [tilespmem:s25+$0xD860];
	v37 =	vmul.f32 v58, v9;
	v34 =	vadd.f32 v44, v34;
	[tilespmem:s25+$0xD400] =	vst v39  }
0x25e: {  	v5 =	vadd.f32 v5, v6;
	v6 =	vld [tilespmem:s25+$0xC400];
	v41 =	vmul.f32 v53, v9;
	v32 =	vadd.f32 v42, v32;
	[tilespmem:s25+$0xD070] =	vst v38  }
0x25f: {  	v33 =	vmul.f32 v33, v8;
	v57 =	vld [tilespmem:s25+$0x12C50];
	v27 =	vadd.f32 v37, v27;
	v43 =	vmul.f32 v62, v9;
	[tilespmem:s25+$0xD030] =	vst v34  }
0x260: {  	v26 =	vmul.f32 v26, v8;
	v61 =	vld [tilespmem:s25+$0x12C10];
	v36 =	vmul.f32 v59, v9;
	v31 =	vadd.f32 v41, v31;
	[tilespmem:s25+$0xD010] =	vst v32  }
0x261: {  	v25 =	vmul.f32 v25, v8;
	v62 =	vld [tilespmem:s25+$0x12C00];
	v35 =	vmul.f32 v60, v9;
	[tilespmem:s25+$0xCC40] =	vst v27;
	v33 =	vadd.f32 v43, v33  }
0x262: {  	v30 =	vmul.f32 v30, v8;
	v63 =	vld [tilespmem:s25+$0x12870];
	v40 =	vmul.f32 v55, v9;
	v26 =	vadd.f32 v36, v26;
	[tilespmem:s25+$0xD000] =	vst v31  }
0x263: {  	v29 =	vmul.f32 v29, v8;
	v39 =	vmul.f32 v56, v9;
	v27 =	vld [tilespmem:s25+$0x12820];
	v25 =	vadd.f32 v35, v25;
	[tilespmem:s25+$0xD020] =	vst v33  }
0x264: {  	v28 =	vmul.f32 v28, v8;
	v38 =	vmul.f32 v57, v9;
	v30 =	vadd.f32 v40, v30;
	v31 =	vld [tilespmem:s25+$0x12860];
	[tilespmem:s25+$0xCC30] =	vst v26  }
0x265: {  	v24 =	vmul.f32 v24, v8;
	v34 =	vmul.f32 v61, v9;
	v29 =	vadd.f32 v39, v29;
	v26 =	vld [tilespmem:s25+$0x12810];
	[tilespmem:s25+$0xCC20] =	vst v25  }
0x266: {  	v23 =	vmul.f32 v23, v8;
	v28 =	vadd.f32 v38, v28;
	v25 =	vld [tilespmem:s25+$0x12800];
	[tilespmem:s25+$0xCC70] =	vst v30;
	v33 =	vmul.f32 v62, v9  }
0x267: {  	v22 =	vmul.f32 v22, v8;
	v32 =	vmul.f32 v63, v9;
	v24 =	vadd.f32 v34, v24;
	v30 =	vld [tilespmem:s25+$0x12850];
	[tilespmem:s25+$0xCC60] =	vst v29  }
0x268: {  	v17 =	vmul.f32 v17, v8;
	v29 =	vld [tilespmem:s25+$0x12840];
	[tilespmem:s25+$0xCC50] =	vst v28;
	v27 =	vmul.f32 v27, v9;
	v23 =	vadd.f32 v33, v23  }
0x269: {  	v21 =	vmul.f32 v21, v8;
	v22 =	vadd.f32 v32, v22;
	v28 =	vld [tilespmem:s25+$0x12830];
	[tilespmem:s25+$0xCC10] =	vst v24;
	v31 =	vmul.f32 v31, v9  }
0x26a: {  	v16 =	vmul.f32 v16, v8;
	v17 =	vadd.f32 v27, v17;
	[tilespmem:s25+$0xCC00] =	vst v23;
	v23 =	vld [tilespmem:s25+$0x12460];
	v26 =	vmul.f32 v26, v9  }
0x26b: {  	v15 =	vmul.f32 v15, v8;
	v24 =	vld [tilespmem:s25+$0x12470];
	[tilespmem:s25+$0xC870] =	vst v22;
	v25 =	vmul.f32 v25, v9;
	v21 =	vadd.f32 v31, v21  }
0x26c: {  	v20 =	vmul.f32 v20, v8;
	v22 =	vld [tilespmem:s25+$0xC450];
	v30 =	vmul.f32 v30, v9;
	[tilespmem:s25+$0xC820] =	vst v17;
	v16 =	vadd.f32 v26, v16  }
0x26d: {  	v19 =	vmul.f32 v19, v8;
	v29 =	vmul.f32 v29, v9;
	v17 =	vld [tilespmem:s25+$0xD840];
	v15 =	vadd.f32 v25, v15;
	[tilespmem:s25+$0xC860] =	vst v21  }
0x26e: {  	v18 =	vmul.f32 v18, v8;
	v28 =	vmul.f32 v28, v9;
	v20 =	vadd.f32 v30, v20;
	v21 =	vld [tilespmem:s25+$0x12450];
	[tilespmem:s25+$0xC810] =	vst v16  }
0x26f: {  	v13 =	vmul.f32 v13, v8;
	v19 =	vadd.f32 v29, v19;
	[tilespmem:s25+$0xC800] =	vst v15;
	v15 =	vld [tilespmem:s25+$0xD850];
	v23 =	vmul.f32 v23, v9  }
0x270: {  	v14 =	vmul.f32 v14, v8;
	v24 =	vmul.f32 v24, v9;
	v18 =	vadd.f32 v28, v18;
	[tilespmem:s25+$0xC850] =	vst v20;
	v20 =	vld [tilespmem:s25+$0x13840]  }
0x271: {  	v10 =	vmul.f32 v10, v8;
	v7 =	vmul.f32 v7, v9;
	[tilespmem:s25+$0xC840] =	vst v19;
	v19 =	vld [tilespmem:s25+$0x13850];
	v13 =	vadd.f32 v23, v13  }
0x272: {  	v4 =	vmul.f32 v4, v8;
	v3 =	vmul.f32 v3, v9;
	v14 =	vadd.f32 v24, v14;
	[tilespmem:s25+$0xC830] =	vst v18;
	v18 =	vld [tilespmem:s25+$0x13860]  }
0x273: {  	v7 =	vadd.f32 v7, v10;
	v10 =	vmul.f32 v22, v8;
	v16 =	vld [tilespmem:s25+$0x13870];
	[tilespmem:s25+$0xC460] =	vst v13;
	v13 =	vmul.f32 v21, v9  }
0x274: {  	v3 =	vadd.f32 v3, v4;
	[tilespmem:s25+$0xC470] =	vst v14;
	v14 =	vld [tilespmem:s25+$0xD870]  }
0x275: {  	s28 =	simm.s32 $0x0;
	[tilespmem:s25+$0xC430] =	vst v7;
	v7 =	vld [tilespmem:s25+$0x12400];
	v11 =	vmul.f32 v17, v8;
	v17 =	vmul.f32 v20, v9;
	v4 =	vadd.f32 v13, v10  }
0x276: {  	s24 =	simm.s32 $0x80;
	s19 =	smul.u32 $0x1800, s28;
	[tilespmem:s25+$0xC420] =	vst v5;
	v5 =	vmul.f32 v15, v8;
	v10 =	vmul.f32 v19, v9  }
0x277: {  	s26 =	sand.u32 $0x380, s24;
	v11 =	vadd.f32 v17, v11;
	[tilespmem:s25+$0xC450] =	vst v4;
	v4 =	vmul.f32 v12, v8;
	v12 =	vmul.f32 v18, v9  }
0x278: {  	s19 =	sor.u32 s26, s19;
	[tilespmem:s25+$0xC410] =	vst v3;
	v5 =	vadd.f32 v10, v5  }
0x279: {  	v3 =	vld [tilespmem:s19+$0xC410];
	v10 =	vmul.f32 v14, v8;
	[tilespmem:s25+$0xD840] =	vst v11;
	v11 =	vmul.f32 v16, v9;
	v12 =	vadd.f32 v12, v4  }
0x27a: {  	v7 =	vmul.f32 v7, v9;
	v8 =	vmul.f32 v6, v8;
	v4 =	vld [tilespmem:s19+$0x12410];
	[tilespmem:s25+$0xD850] =	vst v5  }
0x27b: {  	v9 =	vadd.f32 v11, v10;
	v6 =	vld [tilespmem:s19+$0xC420];
	[tilespmem:s25+$0xD860] =	vst v12  }
0x27c: {  	v7 =	vadd.f32 v7, v8;
	v5 =	vld [tilespmem:s19+$0x12420]  }
0x27d: {  	[tilespmem:s25+$0xD870] =	vst v9;
	v8 =	vld [tilespmem:s19+$0xC430]  }
0x27e: {  	[tilespmem:s25+$0xC400] =	vst v7;
	v18 =	vld [tilespmem:s19+$0xC830]  }
0x27f: {  	v7 =	vld [tilespmem:s19+$0x12430]  }
0x280: {  	v10 =	vld [tilespmem:s19+$0xC440]  }
0x281: {  	v9 =	vld [tilespmem:s19+$0x12440]  }
0x282: {  	v12 =	vld [tilespmem:s19+$0xC450]  }
0x283: {  	v11 =	vld [tilespmem:s19+$0x12450]  }
0x284: {  	v13 =	vld [tilespmem:s19+$0xC460]  }
0x285: {  	v14 =	vld [tilespmem:s19+$0xC470]  }
0x286: {  	v15 =	vld [tilespmem:s19+$0xC800]  }
0x287: {  	v16 =	vld [tilespmem:s19+$0xC810]  }
0x288: {  	v17 =	vld [tilespmem:s19+$0xC820]  }
0x289: {  	v19 =	vld [tilespmem:s19+$0xC840]  }
0x28a: {  	v20 =	vld [tilespmem:s19+$0xC850]  }
0x28b: {  	v21 =	vld [tilespmem:s19+$0xC860]  }
0x28c: {  	v22 =	vld [tilespmem:s19+$0xC870]  }
0x28d: {  	v23 =	vld [tilespmem:s19+$0xCC00]  }
0x28e: {  	v24 =	vld [tilespmem:s19+$0xCC10]  }
0x28f: {  	v25 =	vld [tilespmem:s19+$0xCC20]  }
0x290: {  	v26 =	vld [tilespmem:s19+$0xCC30]  }
0x291: {  	v27 =	vld [tilespmem:s19+$0xCC40]  }
0x292: {  	v28 =	vld [tilespmem:s19+$0xCC50]  }
0x293: {  	v29 =	vld [tilespmem:s19+$0xCC60]  }
0x294: {  	v30 =	vld [tilespmem:s19+$0xCC70]  }
0x295: {  	v32 =	vld [tilespmem:s19+$0xD000]  }
0x296: {  	v34 =	vld [tilespmem:s19+$0xD010]  }
0x297: {  	v35 =	vld [tilespmem:s19+$0xD020]  }
0x298: {  	v36 =	vld [tilespmem:s19+$0xD030]  }
0x299: {  	v37 =	vld [tilespmem:s19+$0xD040]  }
0x29a: {  	v38 =	vld [tilespmem:s19+$0xD050]  }
0x29b: {  	v39 =	vld [tilespmem:s19+$0xD060]  }
0x29c: {  	v40 =	vld [tilespmem:s19+$0xD070]  }
0x29d: {  	v41 =	vld [tilespmem:s19+$0xD400]  }
0x29e: {  	v42 =	vld [tilespmem:s19+$0xD410]  }
0x29f: {  	v43 =	vld [tilespmem:s19+$0xD420]  }
0x2a0: {  	v44 =	vld [tilespmem:s19+$0xD430]  }
0x2a1: {  	v45 =	vld [tilespmem:s19+$0xD440]  }
0x2a2: {  	v46 =	vld [tilespmem:s19+$0xD450]  }
0x2a3: {  	v47 =	vld [tilespmem:s19+$0xD460]  }
0x2a4: {  	v48 =	vld [tilespmem:s19+$0xD800]  }
0x2a5: {  	v50 =	vld [tilespmem:s19+$0xD810]  }
0x2a6: {  	v49 =	vld [tilespmem:s19+$0x13810]  }
0x2a7: {  	s25 =	simm.s32 $0x2;
	v51 =	vld [tilespmem:s19+$0x13830]  }
.LBB2_4:
0x2a8: {  	p0 =	sne.s32 s25, $0x1F;
	v52 =	vld [tilespmem:s19+$0xD820];
	s20 =	sadd.s32 $0x1, s20  }
0x2a9: {  	s21 =	sadd.s32 $0x1, s21;
	v33 =	vld.msk [tilespmem:s20+$0x0 ss:$0x0], $0xffff  }
0x2aa: {  	v31 =	vld.msk [tilespmem:s21+$0x0 ss:$0x0], $0xffff  }
0x2ab: {  	v53 =	vld [tilespmem:s19+$0xD830]  }
0x2ac: {  	v54 =	vld [tilespmem:s19+$0x13820]  }
0x2ad: {  	v55 =	vld [tilespmem:s19+$0x13800]  }
0x2ae: {  	v56 =	vld [tilespmem:s19+$0xD470]  }
0x2af: {  	v50 =	vmul.f32 v50, v33;
	v52 =	vmul.f32 v52, v33;
	v57 =	vld [tilespmem:s19+$0x13470]  }
0x2b0: {  	v51 =	vmul.f32 v51, v31;
	v58 =	vld [tilespmem:s19+$0x13460];
	v53 =	vmul.f32 v53, v33  }
0x2b1: {  	v49 =	vmul.f32 v49, v31;
	v59 =	vld [tilespmem:s19+$0x13450];
	v54 =	vmul.f32 v54, v31  }
0x2b2: {  	v48 =	vmul.f32 v48, v33;
	v60 =	vld [tilespmem:s19+$0x13440];
	v55 =	vmul.f32 v55, v31;
	v51 =	vadd.f32 v51, v53  }
0x2b3: {  	v49 =	vadd.f32 v49, v50;
	v53 =	vld [tilespmem:s19+$0x13430];
	v56 =	vmul.f32 v56, v33;
	v50 =	vadd.f32 v54, v52  }
0x2b4: {  	v47 =	vmul.f32 v47, v33;
	v52 =	vld [tilespmem:s19+$0x13420];
	v54 =	vmul.f32 v57, v31;
	v48 =	vadd.f32 v55, v48;
	[tilespmem:s19+$0xD830] =	vst v51  }
0x2b5: {  	v46 =	vmul.f32 v46, v33;
	v51 =	vld [tilespmem:s19+$0x13410];
	v55 =	vmul.f32 v58, v31;
	[tilespmem:s19+$0xD820] =	vst v50  }
0x2b6: {  	v45 =	vmul.f32 v45, v33;
	v50 =	vld [tilespmem:s19+$0x13400];
	v57 =	vmul.f32 v59, v31;
	v54 =	vadd.f32 v54, v56;
	[tilespmem:s19+$0xD810] =	vst v49  }
0x2b7: {  	v44 =	vmul.f32 v44, v33;
	v49 =	vld [tilespmem:s19+$0x13070];
	v56 =	vmul.f32 v60, v31;
	v47 =	vadd.f32 v55, v47;
	[tilespmem:s19+$0xD800] =	vst v48  }
0x2b8: {  	v43 =	vmul.f32 v43, v33;
	v48 =	vld [tilespmem:s19+$0x13060];
	v53 =	vmul.f32 v53, v31;
	v46 =	vadd.f32 v57, v46;
	[tilespmem:s19+$0xD470] =	vst v54  }
0x2b9: {  	v42 =	vmul.f32 v42, v33;
	v54 =	vld [tilespmem:s19+$0x13050];
	v52 =	vmul.f32 v52, v31;
	v45 =	vadd.f32 v56, v45;
	[tilespmem:s19+$0xD460] =	vst v47  }
0x2ba: {  	v41 =	vmul.f32 v41, v33;
	v47 =	vld [tilespmem:s19+$0x13040];
	v51 =	vmul.f32 v51, v31;
	v44 =	vadd.f32 v53, v44;
	[tilespmem:s19+$0xD450] =	vst v46  }
0x2bb: {  	v40 =	vmul.f32 v40, v33;
	v46 =	vld [tilespmem:s19+$0x13030];
	v50 =	vmul.f32 v50, v31;
	v43 =	vadd.f32 v52, v43;
	[tilespmem:s19+$0xD440] =	vst v45  }
0x2bc: {  	v39 =	vmul.f32 v39, v33;
	v45 =	vld [tilespmem:s19+$0x13020];
	v49 =	vmul.f32 v49, v31;
	v42 =	vadd.f32 v51, v42;
	[tilespmem:s19+$0xD430] =	vst v44  }
0x2bd: {  	v38 =	vmul.f32 v38, v33;
	v44 =	vld [tilespmem:s19+$0x13010];
	v48 =	vmul.f32 v48, v31;
	v41 =	vadd.f32 v50, v41;
	[tilespmem:s19+$0xD420] =	vst v43  }
0x2be: {  	v37 =	vmul.f32 v37, v33;
	v43 =	vld [tilespmem:s19+$0x13000];
	v50 =	vmul.f32 v54, v31;
	v40 =	vadd.f32 v49, v40;
	[tilespmem:s19+$0xD410] =	vst v42  }
0x2bf: {  	v36 =	vmul.f32 v36, v33;
	v42 =	vld [tilespmem:s19+$0x12C70];
	v47 =	vmul.f32 v47, v31;
	v39 =	vadd.f32 v48, v39;
	[tilespmem:s19+$0xD400] =	vst v41  }
0x2c0: {  	v35 =	vmul.f32 v35, v33;
	v41 =	vld [tilespmem:s19+$0x12C60];
	v46 =	vmul.f32 v46, v31;
	v38 =	vadd.f32 v50, v38;
	[tilespmem:s19+$0xD070] =	vst v40  }
0x2c1: {  	v34 =	vmul.f32 v34, v33;
	v40 =	vld [tilespmem:s19+$0x12C50];
	v45 =	vmul.f32 v45, v31;
	v37 =	vadd.f32 v47, v37;
	[tilespmem:s19+$0xD060] =	vst v39  }
0x2c2: {  	v32 =	vmul.f32 v32, v33;
	v39 =	vld [tilespmem:s19+$0x12C40];
	v44 =	vmul.f32 v44, v31;
	v36 =	vadd.f32 v46, v36;
	[tilespmem:s19+$0xD050] =	vst v38  }
0x2c3: {  	v30 =	vmul.f32 v30, v33;
	v38 =	vld [tilespmem:s19+$0x12C30];
	v43 =	vmul.f32 v43, v31;
	v35 =	vadd.f32 v45, v35;
	[tilespmem:s19+$0xD040] =	vst v37  }
0x2c4: {  	v29 =	vmul.f32 v29, v33;
	v37 =	vld [tilespmem:s19+$0x12C20];
	v42 =	vmul.f32 v42, v31;
	v34 =	vadd.f32 v44, v34;
	[tilespmem:s19+$0xD030] =	vst v36  }
0x2c5: {  	v28 =	vmul.f32 v28, v33;
	v36 =	vld [tilespmem:s19+$0x12C10];
	v41 =	vmul.f32 v41, v31;
	v32 =	vadd.f32 v43, v32;
	[tilespmem:s19+$0xD020] =	vst v35  }
0x2c6: {  	v27 =	vmul.f32 v27, v33;
	v35 =	vld [tilespmem:s19+$0x12C00];
	v40 =	vmul.f32 v40, v31;
	v30 =	vadd.f32 v42, v30;
	[tilespmem:s19+$0xD010] =	vst v34  }
0x2c7: {  	v26 =	vmul.f32 v26, v33;
	v34 =	vld [tilespmem:s19+$0x12870];
	v39 =	vmul.f32 v39, v31;
	v29 =	vadd.f32 v41, v29;
	[tilespmem:s19+$0xD000] =	vst v32  }
0x2c8: {  	v25 =	vmul.f32 v25, v33;
	v32 =	vld [tilespmem:s19+$0x12860];
	v38 =	vmul.f32 v38, v31;
	v28 =	vadd.f32 v40, v28;
	[tilespmem:s19+$0xCC70] =	vst v30  }
0x2c9: {  	v24 =	vmul.f32 v24, v33;
	v30 =	vld [tilespmem:s19+$0x12850];
	v37 =	vmul.f32 v37, v31;
	v27 =	vadd.f32 v39, v27;
	[tilespmem:s19+$0xCC60] =	vst v29  }
0x2ca: {  	v23 =	vmul.f32 v23, v33;
	v29 =	vld [tilespmem:s19+$0x12840];
	v36 =	vmul.f32 v36, v31;
	v26 =	vadd.f32 v38, v26;
	[tilespmem:s19+$0xCC50] =	vst v28  }
0x2cb: {  	v22 =	vmul.f32 v22, v33;
	v28 =	vld [tilespmem:s19+$0x12830];
	v35 =	vmul.f32 v35, v31;
	v25 =	vadd.f32 v37, v25;
	[tilespmem:s19+$0xCC40] =	vst v27  }
0x2cc: {  	v21 =	vmul.f32 v21, v33;
	v27 =	vld [tilespmem:s19+$0x12820];
	v34 =	vmul.f32 v34, v31;
	v24 =	vadd.f32 v36, v24;
	[tilespmem:s19+$0xCC30] =	vst v26  }
0x2cd: {  	v20 =	vmul.f32 v20, v33;
	v26 =	vld [tilespmem:s19+$0x12810];
	v32 =	vmul.f32 v32, v31;
	v23 =	vadd.f32 v35, v23;
	[tilespmem:s19+$0xCC20] =	vst v25  }
0x2ce: {  	v19 =	vmul.f32 v19, v33;
	v25 =	vld [tilespmem:s19+$0x12800];
	v30 =	vmul.f32 v30, v31;
	v22 =	vadd.f32 v34, v22;
	[tilespmem:s19+$0xCC10] =	vst v24  }
0x2cf: {  	v18 =	vmul.f32 v18, v33;
	v24 =	vld [tilespmem:s19+$0x12470];
	v29 =	vmul.f32 v29, v31;
	v21 =	vadd.f32 v32, v21;
	[tilespmem:s19+$0xCC00] =	vst v23  }
0x2d0: {  	v17 =	vmul.f32 v17, v33;
	v23 =	vld [tilespmem:s19+$0x12460];
	v28 =	vmul.f32 v28, v31;
	v20 =	vadd.f32 v30, v20;
	[tilespmem:s19+$0xC870] =	vst v22  }
0x2d1: {  	v16 =	vmul.f32 v16, v33;
	v22 =	vmul.f32 v27, v31;
	v19 =	vadd.f32 v29, v19;
	[tilespmem:s19+$0xC860] =	vst v21;
	v21 =	vld [tilespmem:s19+$0x13840]  }
0x2d2: {  	v15 =	vmul.f32 v15, v33;
	v26 =	vmul.f32 v26, v31;
	v18 =	vadd.f32 v28, v18;
	[tilespmem:s19+$0xC850] =	vst v20;
	v20 =	vld [tilespmem:s19+$0x13850]  }
0x2d3: {  	v14 =	vmul.f32 v14, v33;
	v25 =	vmul.f32 v25, v31;
	v17 =	vadd.f32 v22, v17;
	[tilespmem:s19+$0xC840] =	vst v19;
	v19 =	vld [tilespmem:s19+$0x13860]  }
0x2d4: {  	v13 =	vmul.f32 v13, v33;
	v22 =	vmul.f32 v24, v31;
	v16 =	vadd.f32 v26, v16;
	[tilespmem:s19+$0xC830] =	vst v18;
	v18 =	vld [tilespmem:s19+$0x13870]  }
0x2d5: {  	v12 =	vmul.f32 v12, v33;
	v23 =	vmul.f32 v23, v31;
	v15 =	vadd.f32 v25, v15;
	[tilespmem:s19+$0xC820] =	vst v17;
	v17 =	vld [tilespmem:s19+$0xD840]  }
0x2d6: {  	v10 =	vmul.f32 v10, v33;
	v11 =	vmul.f32 v11, v31;
	v14 =	vadd.f32 v22, v14;
	[tilespmem:s19+$0xC810] =	vst v16;
	v16 =	vld [tilespmem:s19+$0xD850]  }
0x2d7: {  	v8 =	vmul.f32 v8, v33;
	v9 =	vmul.f32 v9, v31;
	v13 =	vadd.f32 v23, v13;
	[tilespmem:s19+$0xC800] =	vst v15;
	v15 =	vld [tilespmem:s19+$0xD860]  }
0x2d8: {  	v6 =	vmul.f32 v6, v33;
	v7 =	vmul.f32 v7, v31;
	v11 =	vadd.f32 v11, v12;
	[tilespmem:s19+$0xC470] =	vst v14;
	v12 =	vld [tilespmem:s19+$0xD870]  }
0x2d9: {  	v3 =	vmul.f32 v3, v33;
	v5 =	vmul.f32 v5, v31;
	v9 =	vadd.f32 v9, v10;
	v14 =	vld [tilespmem:s19+$0xC400];
	[tilespmem:s19+$0xC460] =	vst v13  }
0x2da: {  	v4 =	vmul.f32 v4, v31;
	v7 =	vadd.f32 v7, v8;
	v10 =	vld [tilespmem:s19+$0x12400];
	[tilespmem:s19+$0xC450] =	vst v11;
	v8 =	vmul.f32 v17, v33  }
0x2db: {  	s26 =	sshrl.u32 s25, $0x3;
	v5 =	vadd.f32 v5, v6;
	v6 =	vmul.f32 v21, v31;
	[tilespmem:s19+$0xC440] =	vst v9;
	v9 =	vmul.f32 v16, v33  }
0x2dc: {  	s24 =	sadd.s32 $0x80, s24;
	s26 =	smul.u32 $0x1800, s26;
	v3 =	vadd.f32 v4, v3;
	v4 =	vmul.f32 v20, v31;
	[tilespmem:s19+$0xC430] =	vst v7;
	v7 =	vmul.f32 v15, v33  }
0x2dd: {  	s28 =	sand.u32 $0x380, s24;
	[tilespmem:s19+$0xC420] =	vst v5;
	v5 =	vadd.f32 v6, v8;
	v6 =	vmul.f32 v19, v31;
	v8 =	vmul.f32 v12, v33  }
0x2de: {  	s26 =	sor.u32 s28, s26;
	v9 =	vadd.f32 v4, v9;
	v12 =	vmul.f32 v18, v31;
	v11 =	vmul.f32 v14, v33;
	[tilespmem:s19+$0xC410] =	vst v3  }
0x2df: {  	v3 =	vld [tilespmem:s26+$0xC410];
	v10 =	vmul.f32 v10, v31;
	[tilespmem:s19+$0xD840] =	vst v5;
	v5 =	vadd.f32 v6, v7  }
0x2e0: {  	v7 =	vadd.f32 v12, v8;
	v4 =	vld [tilespmem:s26+$0x12410];
	[tilespmem:s19+$0xD850] =	vst v9  }
0x2e1: {  	v6 =	vld [tilespmem:s26+$0xC420];
	v9 =	vadd.f32 v10, v11;
	[tilespmem:s19+$0xD860] =	vst v5  }
0x2e2: {  	v5 =	vld [tilespmem:s26+$0x12420];
	[tilespmem:s19+$0xD870] =	vst v7  }
0x2e3: {  	v8 =	vld [tilespmem:s26+$0xC430];
	[tilespmem:s19+$0xC400] =	vst v9;
	s19 =	smov.u32 s26  }
0x2e4: {  	v7 =	vld [tilespmem:s19+$0x12430]  }
0x2e5: {  	v10 =	vld [tilespmem:s19+$0xC440]  }
0x2e6: {  	v9 =	vld [tilespmem:s19+$0x12440]  }
0x2e7: {  	v12 =	vld [tilespmem:s19+$0xC450]  }
0x2e8: {  	v11 =	vld [tilespmem:s19+$0x12450]  }
0x2e9: {  	v13 =	vld [tilespmem:s19+$0xC460]  }
0x2ea: {  	v14 =	vld [tilespmem:s19+$0xC470]  }
0x2eb: {  	v15 =	vld [tilespmem:s19+$0xC800]  }
0x2ec: {  	v16 =	vld [tilespmem:s19+$0xC810]  }
0x2ed: {  	v17 =	vld [tilespmem:s19+$0xC820]  }
0x2ee: {  	v18 =	vld [tilespmem:s19+$0xC830]  }
0x2ef: {  	v19 =	vld [tilespmem:s19+$0xC840]  }
0x2f0: {  	v20 =	vld [tilespmem:s19+$0xC850]  }
0x2f1: {  	v21 =	vld [tilespmem:s19+$0xC860]  }
0x2f2: {  	v22 =	vld [tilespmem:s19+$0xC870]  }
0x2f3: {  	v23 =	vld [tilespmem:s19+$0xCC00]  }
0x2f4: {  	v24 =	vld [tilespmem:s19+$0xCC10]  }
0x2f5: {  	v25 =	vld [tilespmem:s19+$0xCC20]  }
0x2f6: {  	v26 =	vld [tilespmem:s19+$0xCC30]  }
0x2f7: {  	v27 =	vld [tilespmem:s19+$0xCC40]  }
0x2f8: {  	v28 =	vld [tilespmem:s19+$0xCC50]  }
0x2f9: {  	v29 =	vld [tilespmem:s19+$0xCC60]  }
0x2fa: {  	v30 =	vld [tilespmem:s19+$0xCC70]  }
0x2fb: {  	v32 =	vld [tilespmem:s19+$0xD000]  }
0x2fc: {  	v34 =	vld [tilespmem:s19+$0xD010]  }
0x2fd: {  	v35 =	vld [tilespmem:s19+$0xD020]  }
0x2fe: {  	v36 =	vld [tilespmem:s19+$0xD030]  }
0x2ff: {  	v37 =	vld [tilespmem:s19+$0xD040]  }
0x300: {  	v38 =	vld [tilespmem:s19+$0xD050]  }
0x301: {  	v39 =	vld [tilespmem:s19+$0xD060]  }
0x302: {  	v40 =	vld [tilespmem:s19+$0xD070]  }
0x303: {  	v41 =	vld [tilespmem:s19+$0xD400]  }
0x304: {  	v42 =	vld [tilespmem:s19+$0xD410]  }
0x305: {  	v43 =	vld [tilespmem:s19+$0xD420]  }
0x306: {  	v44 =	vld [tilespmem:s19+$0xD430]  }
0x307: {  	v45 =	vld [tilespmem:s19+$0xD440]  }
0x308: {  	v46 =	vld [tilespmem:s19+$0xD450]  }
.Ltmp1:
0x309: {  	v47 =	vld [tilespmem:s19+$0xD460];
	(pc) =	sbr.rel @p0 .LBB2_4-.Ltmp1, $4  }
0x30a: {  	v48 =	vld [tilespmem:s19+$0xD800]  }
0x30b: {  	v50 =	vld [tilespmem:s19+$0xD810]  }
0x30c: {  	v49 =	vld [tilespmem:s19+$0x13810]  }
0x30d: {  	s25 =	sadd.s32 $0x1, s25;
	v51 =	vld [tilespmem:s19+$0x13830]  }
0x30e: {  	v52 =	vld [tilespmem:s19+$0xD820]  }
0x30f: {  	s20 =	sadd.s32 $0x1, s20;
	v53 =	vld [tilespmem:s19+$0xD830]  }
0x310: {  	s28 =	sadd.s32 $0x1, s21;
	v31 =	vld.msk [tilespmem:s20+$0x0 ss:$0x0], $0xffff  }
0x311: {  	v33 =	vld.msk [tilespmem:s28+$0x0 ss:$0x0], $0xffff  }
0x312: {  	v54 =	vld [tilespmem:s19+$0x13820];
	_ =	sdelay $0x1  }
0x313: {  	v55 =	vld [tilespmem:s19+$0x13800]  }
0x314: {  	v56 =	vld [tilespmem:s19+$0xD470]  }
0x315: {  	v58 =	vld [tilespmem:s19+$0x13460];
	v53 =	vmul.f32 v53, v31;
	v51 =	vmul.f32 v51, v33  }
0x316: {  	v57 =	vld [tilespmem:s19+$0x13470];
	v52 =	vmul.f32 v52, v31;
	v54 =	vmul.f32 v54, v33  }
0x317: {  	v59 =	vld [tilespmem:s19+$0x13450];
	v50 =	vmul.f32 v50, v31;
	v49 =	vmul.f32 v49, v33  }
0x318: {  	v60 =	vld [tilespmem:s19+$0x13440];
	v48 =	vmul.f32 v48, v31;
	v62 =	vmul.f32 v55, v33;
	v51 =	vadd.f32 v51, v53  }
0x319: {  	v61 =	vld [tilespmem:s19+$0x13420];
	v63 =	vmul.f32 v56, v31;
	v47 =	vmul.f32 v47, v31;
	v52 =	vadd.f32 v54, v52  }
0x31a: {  	v58 =	vmul.f32 v58, v33;
	v55 =	vld [tilespmem:s19+$0x12860];
	v12 =	vmul.f32 v12, v31;
	v49 =	vadd.f32 v49, v50;
	[tilespmem:s19+$0xD830] =	vst v51  }
0x31b: {  	v56 =	vld [tilespmem:s19+$0x12850];
	v11 =	vmul.f32 v11, v33;
	v10 =	vmul.f32 v10, v31;
	v48 =	vadd.f32 v62, v48;
	[tilespmem:s19+$0xD820] =	vst v52  }
0x31c: {  	v9 =	vmul.f32 v9, v33;
	v8 =	vmul.f32 v8, v31;
	v53 =	vld [tilespmem:s19+$0x13430];
	v47 =	vadd.f32 v58, v47;
	[tilespmem:s19+$0xD810] =	vst v49  }
0x31d: {  	v7 =	vmul.f32 v7, v33;
	v6 =	vmul.f32 v6, v31;
	v50 =	vld [tilespmem:s19+$0x13400];
	v11 =	vadd.f32 v11, v12;
	[tilespmem:s19+$0xD800] =	vst v48  }
0x31e: {  	v5 =	vmul.f32 v5, v33;
	v3 =	vmul.f32 v3, v31;
	v58 =	vld [tilespmem:s19+$0x13020];
	v9 =	vadd.f32 v9, v10;
	[tilespmem:s19+$0xD460] =	vst v47  }
0x31f: {  	v4 =	vmul.f32 v4, v33;
	v62 =	vmul.f32 v59, v33;
	v59 =	vld [tilespmem:s19+$0x13010];
	v7 =	vadd.f32 v7, v8;
	[tilespmem:s19+$0xC450] =	vst v11  }
0x320: {  	v57 =	vmul.f32 v57, v33;
	v54 =	vld [tilespmem:s19+$0x12870];
	v5 =	vadd.f32 v5, v6;
	[tilespmem:s19+$0xC440] =	vst v9  }
0x321: {  	v46 =	vmul.f32 v46, v31;
	v3 =	vadd.f32 v4, v3;
	v51 =	vld [tilespmem:s19+$0x13410];
	[tilespmem:s19+$0xC430] =	vst v7  }
0x322: {  	v45 =	vmul.f32 v45, v31;
	v49 =	vld [tilespmem:s19+$0x13070];
	v52 =	vadd.f32 v57, v63;
	v63 =	vmul.f32 v60, v33;
	[tilespmem:s19+$0xC420] =	vst v5  }
0x323: {  	v43 =	vmul.f32 v43, v31;
	v48 =	vld [tilespmem:s19+$0x13060];
	v46 =	vadd.f32 v62, v46;
	v57 =	vmul.f32 v61, v33;
	[tilespmem:s19+$0xC410] =	vst v3  }
0x324: {  	v44 =	vmul.f32 v44, v31;
	v47 =	vld [tilespmem:s19+$0x13040];
	[tilespmem:s19+$0xD470] =	vst v52;
	v45 =	vadd.f32 v63, v45;
	v53 =	vmul.f32 v53, v33  }
0x325: {  	v41 =	vmul.f32 v41, v31;
	v60 =	vld [tilespmem:s19+$0x13000];
	[tilespmem:s19+$0xD450] =	vst v46;
	v43 =	vadd.f32 v57, v43;
	v50 =	vmul.f32 v50, v33  }
0x326: {  	v35 =	vmul.f32 v35, v31;
	v61 =	vld [tilespmem:s19+$0x12C70];
	[tilespmem:s19+$0xD440] =	vst v45;
	v45 =	vmul.f32 v58, v33;
	v44 =	vadd.f32 v53, v44  }
0x327: {  	v42 =	vmul.f32 v42, v31;
	v52 =	vld [tilespmem:s19+$0x13050];
	[tilespmem:s19+$0xD420] =	vst v43;
	v51 =	vmul.f32 v51, v33;
	v41 =	vadd.f32 v50, v41  }
0x328: {  	v40 =	vmul.f32 v40, v31;
	v46 =	vld [tilespmem:s19+$0x13030];
	v49 =	vmul.f32 v49, v33;
	v35 =	vadd.f32 v45, v35;
	[tilespmem:s19+$0xD430] =	vst v44  }
0x329: {  	v39 =	vmul.f32 v39, v31;
	v62 =	vld [tilespmem:s19+$0x12C60];
	v48 =	vmul.f32 v48, v33;
	v42 =	vadd.f32 v51, v42;
	[tilespmem:s19+$0xD400] =	vst v41  }
0x32a: {  	v37 =	vmul.f32 v37, v31;
	v57 =	vld [tilespmem:s19+$0x12840];
	v47 =	vmul.f32 v47, v33;
	v40 =	vadd.f32 v49, v40;
	[tilespmem:s19+$0xD020] =	vst v35  }
0x32b: {  	v32 =	vmul.f32 v32, v31;
	v58 =	vld [tilespmem:s19+$0x12830];
	v43 =	vmul.f32 v60, v33;
	v39 =	vadd.f32 v48, v39;
	[tilespmem:s19+$0xD410] =	vst v42  }
0x32c: {  	v38 =	vmul.f32 v38, v31;
	v50 =	vld [tilespmem:s19+$0x12C30];
	v63 =	vmul.f32 v52, v33;
	v37 =	vadd.f32 v47, v37;
	[tilespmem:s19+$0xD070] =	vst v40  }
0x32d: {  	v36 =	vmul.f32 v36, v31;
	v53 =	vld [tilespmem:s19+$0x12C00];
	v46 =	vmul.f32 v46, v33;
	v32 =	vadd.f32 v43, v32;
	[tilespmem:s19+$0xD060] =	vst v39  }
0x32e: {  	v34 =	vmul.f32 v34, v31;
	v60 =	vld [tilespmem:s19+$0x12810];
	v44 =	vmul.f32 v59, v33;
	v38 =	vadd.f32 v63, v38;
	[tilespmem:s19+$0xD040] =	vst v37  }
0x32f: {  	v29 =	vmul.f32 v29, v31;
	v45 =	vld [tilespmem:s19+$0xD840];
	v41 =	vmul.f32 v62, v33;
	v36 =	vadd.f32 v46, v36;
	[tilespmem:s19+$0xD000] =	vst v32  }
0x330: {  	v21 =	vmul.f32 v21, v31;
	v48 =	vld [tilespmem:s19+$0x12C50];
	v62 =	vmul.f32 v55, v33;
	v34 =	vadd.f32 v44, v34;
	[tilespmem:s19+$0xD050] =	vst v38  }
0x331: {  	v30 =	vmul.f32 v30, v31;
	v49 =	vld [tilespmem:s19+$0x12C40];
	v42 =	vmul.f32 v61, v33;
	v29 =	vadd.f32 v41, v29;
	[tilespmem:s19+$0xD030] =	vst v36  }
0x332: {  	v23 =	vmul.f32 v23, v31;
	v51 =	vld [tilespmem:s19+$0x12C20];
	v21 =	vadd.f32 v62, v21;
	v35 =	vmul.f32 v53, v33;
	[tilespmem:s19+$0xD010] =	vst v34  }
0x333: {  	v16 =	vmul.f32 v16, v31;
	v52 =	vld [tilespmem:s19+$0x12C10];
	v41 =	vmul.f32 v60, v33;
	v30 =	vadd.f32 v42, v30;
	[tilespmem:s19+$0xCC60] =	vst v29  }
0x334: {  	v26 =	vmul.f32 v26, v31;
	v59 =	vld [tilespmem:s19+$0x12820];
	v38 =	vmul.f32 v50, v33;
	[tilespmem:s19+$0xC860] =	vst v21;
	v23 =	vadd.f32 v35, v23  }
0x335: {  	v22 =	vmul.f32 v22, v31;
	v43 =	vld [tilespmem:s19+$0x13870];
	v34 =	vmul.f32 v54, v33;
	v16 =	vadd.f32 v41, v16;
	[tilespmem:s19+$0xCC70] =	vst v30  }
0x336: {  	v28 =	vmul.f32 v28, v31;
	v61 =	vld [tilespmem:s19+$0x12800];
	v40 =	vmul.f32 v48, v33;
	v26 =	vadd.f32 v38, v26;
	[tilespmem:s19+$0xCC00] =	vst v23  }
0x337: {  	v27 =	vmul.f32 v27, v31;
	v63 =	vld [tilespmem:s19+$0x12470];
	v39 =	vmul.f32 v49, v33;
	v22 =	vadd.f32 v34, v22;
	[tilespmem:s19+$0xC810] =	vst v16  }
0x338: {  	v25 =	vmul.f32 v25, v31;
	v46 =	vld [tilespmem:s19+$0xD850];
	v37 =	vmul.f32 v51, v33;
	v28 =	vadd.f32 v40, v28;
	[tilespmem:s19+$0xCC30] =	vst v26  }
0x339: {  	v24 =	vmul.f32 v24, v31;
	v50 =	vld [tilespmem:s19+$0x12400];
	v36 =	vmul.f32 v52, v33;
	v27 =	vadd.f32 v39, v27;
	[tilespmem:s19+$0xC870] =	vst v22  }
0x33a: {  	v19 =	vmul.f32 v19, v31;
	v35 =	vmul.f32 v57, v33;
	v48 =	vld [tilespmem:s19+$0xD860];
	v25 =	vadd.f32 v37, v25;
	[tilespmem:s19+$0xCC50] =	vst v28  }
0x33b: {  	v20 =	vmul.f32 v20, v31;
	v51 =	vld [tilespmem:s19+$0xC400];
	v30 =	vmul.f32 v56, v33;
	v24 =	vadd.f32 v36, v24;
	[tilespmem:s19+$0xCC40] =	vst v27  }
0x33c: {  	v18 =	vmul.f32 v18, v31;
	v34 =	vld [tilespmem:s19+$0x12460];
	v37 =	vmul.f32 v58, v33;
	v19 =	vadd.f32 v35, v19;
	[tilespmem:s19+$0xCC20] =	vst v25  }
0x33d: {  	v17 =	vmul.f32 v17, v31;
	v38 =	vld [tilespmem:s19+$0x13850];
	v39 =	vmul.f32 v59, v33;
	v20 =	vadd.f32 v30, v20;
	[tilespmem:s19+$0xCC10] =	vst v24  }
0x33e: {  	v15 =	vmul.f32 v15, v31;
	v36 =	vld [tilespmem:s19+$0x13840];
	v42 =	vmul.f32 v61, v33;
	v18 =	vadd.f32 v37, v18;
	[tilespmem:s19+$0xC840] =	vst v19  }
0x33f: {  	v14 =	vmul.f32 v14, v31;
	v40 =	vld [tilespmem:s19+$0x13860];
	v44 =	vmul.f32 v63, v33;
	v17 =	vadd.f32 v39, v17;
	[tilespmem:s19+$0xC850] =	vst v20  }
0x340: {  	v49 =	vld [tilespmem:s19+$0xD870];
	v15 =	vadd.f32 v42, v15;
	v10 =	vmul.f32 v50, v33;
	v61 =	vmul.f32 v51, v31;
	[tilespmem:s19+$0xC830] =	vst v18  }
0x341: {  	v13 =	vmul.f32 v13, v31;
	v14 =	vadd.f32 v44, v14;
	[tilespmem:s19+$0xC820] =	vst v17;
	v47 =	vmul.f32 v34, v33  }
0x342: {  	v54 =	vmul.f32 v46, v31;
	[tilespmem:s19+$0xC800] =	vst v15;
	v55 =	vmul.f32 v38, v33;
	v63 =	vadd.f32 v10, v61  }
0x343: {  	v52 =	vmul.f32 v45, v31;
	[tilespmem:s19+$0xC470] =	vst v14;
	v53 =	vmul.f32 v36, v33;
	v13 =	vadd.f32 v47, v13  }
0x344: {  	v56 =	vmul.f32 v48, v31;
	v58 =	vmul.f32 v40, v33;
	v3 =	vadd.f32 v55, v54;
	[tilespmem:s19+$0xC400] =	vst v63  }
0x345: {  	v60 =	vmul.f32 v43, v33;
	v59 =	vmul.f32 v49, v31;
	v57 =	vadd.f32 v53, v52;
	[tilespmem:s19+$0xC460] =	vst v13  }
0x346: {  	v62 =	vadd.f32 v58, v56;
	[tilespmem:s19+$0xD850] =	vst v3  }
0x347: {  	v3 =	vadd.f32 v60, v59;
	[tilespmem:s19+$0xD840] =	vst v57  }
0x348: {  	[tilespmem:s19+$0xD860] =	vst v62  }
0x349: {  	s18 =	sadd.s32 $0x1, s18;
	[tilespmem:s19+$0xD870] =	vst v3  }
0x34a: {  	[hbm4b:s15+s1] =	stream.linear.scatter [tilespmem:s17], [sflag:$0x4], $0x6000, $0x38;
	[tilespmem:$0x18400] =	vst v63  }
0x34b: {  	p0 =	sne.s32 s18, s16;
	_ =	swait.ge [sflag:s2], $0x6000  }
.Ltmp2:
0x34c: {  	[sflag:s2] =	ssyncset.done $0x0;
	(pc) =	sbr.rel @p0 .LBB2_1-.Ltmp2, $4  }
0x34d: {  	[sflag:s2] =	ssyncadd.s32 $0xFFFFA000  }
0x34e: {  	_ =	swait.ge [sflag:s2], $0x6000  }
0x34f: {  	[sflag:s2] =	ssyncset.done $0x0  }
0x350: {  	[sflag:s2] =	ssyncadd.s32 $0xFFFFA000  }
0x351: {  	_ =	sfence.sel $0x180000  }
0x352: {  	[bflag:$0x0] =	sbarrier.arrive $0xFFFF  }
0x353: {  	_ =	strace $0x9000004A  }
0x354: {  	s0 =	stileid.u32;
	[bflag:$0x2] =	sbarrier.arrive $0xFFFF  }
0x355: {  	p0 =	sne.s32 s0, $0x0;
	s0 =	rddreg [dreg:$0x2]  }
0x356: {  	s0 =	sadd.s32 @!p0 $0x100000, s0  }
0x357: {  	[sflag:s0] =	ssyncadd.tile.s32 @!p0 $0x1;
	_ =	shalt  }
.Lfunc_end2:
_tile_overlayer_lowered:
.L_overlay_start_2:
0x358: {  	(tag) =	ssettag $0x2  }
0x359: {  	s0 =	rddreg [dreg:$0x0];
	s2 =	stileid.u32  }
0x35a: {  	s1 =	rddreg [dreg:$0x1];
	p0 =	sne.s32 s2, $0x0  }
0x35b: {  	s3 =	rddreg [dreg:$0x2];
	[bflag:$0x3] =	sbarrier.arrive $0xFFFF;
	s2 =	simm.s32 @!p0 $0x1C05  }
0x35c: {  	[timem:s3], [sflag:s2] =	dma.local @!p0 [hbm:s0], s1  }
0x35d: {  	s0 =	simm.s32 @!p0 $0x5  }
0x35e: {  	_ =	swait.ge @!p0 [sflag:s0], s1  }
0x35f: {  	s1 =	ssub.s32 @!p0 $0x0, s1;
	[sflag:s0] =	ssyncset.done @!p0 $0x0  }
0x360: {  	[sflag:s0] =	ssyncadd.s32 @!p0 s1  }
0x361: {  	[bflag:$0x3] =	sbarrier.arrive $0xFFFF  }
0x362: {  	_ =	shalt  }

</sc_bundles>
